<compile_context>
chip_gen: v7x
topology: tpu7x:2x2x1
jax: 0.10.2.dev20260603
libtpu: 0.0.44.dev20260713+nightly
codegen_flags: <defaults>
</compile_context>

<pallas_src>
import jax
import jax.numpy as jnp
from jax import lax
from jax.experimental import pallas as pl
from jax.experimental.pallas import tpu as pltpu
from jax.experimental.pallas import tpu_sc as plsc

N_DIMS = 64
SEQ_LEN = 200
BATCH = 4096

_INFO = plsc.get_sparse_core_info()
_NC = _INFO.num_cores
_NS = _INFO.num_subcores
_NW = _NC * _NS

_BB = 128
_ST = SEQ_LEN // 8
_NBUF = 4
_NWB = 2


def _body(ex_hbm, cat_hbm, etab_hbm, ctab_hbm, ptab_hbm, out_hbm,
          p_v, ie0, ie1, ie2, ie3, ic0, ic1, ic2, ic3,
          be0, be1, be2, be3, bc0, bc1, bc2, bc3,
          wt0, wt1,
          si0, si1, si2, si3, sg0, sg1, sg2, sg3, so0, so1):
    ie = (ie0, ie1, ie2, ie3)
    ic = (ic0, ic1, ic2, ic3)
    be = (be0, be1, be2, be3)
    bc = (bc0, bc1, bc2, bc3)
    wt = (wt0, wt1)
    si = (si0, si1, si2, si3)
    sg = (sg0, sg1, sg2, sg3)
    so = (so0, so1)

    wid = lax.axis_index("s") * _NC + lax.axis_index("c")

    pltpu.sync_copy(ptab_hbm, p_v)

    lane = lax.iota(jnp.int32, 16)

    def issue_idx(ci, b):
        st = ci // 8
        sr = ci % 8
        pltpu.async_copy(ex_hbm.at[st, wid, sr], ie[b], si[b])
        pltpu.async_copy(cat_hbm.at[st, wid, sr], ic[b], si[b])

    def wait_idx(ci, b):
        st = ci // 8
        sr = ci % 8
        pltpu.make_async_copy(ex_hbm.at[st, wid, sr], ie[b], si[b]).wait()
        pltpu.make_async_copy(cat_hbm.at[st, wid, sr], ic[b], si[b]).wait()

    def issue_gathers(b):
        pltpu.async_copy(etab_hbm.at[ie[b]], be[b], sg[b])
        pltpu.async_copy(ctab_hbm.at[ic[b]], bc[b], sg[b])

    def wait_gathers(b):
        pltpu.make_async_copy(etab_hbm.at[ie[b]], be[b], sg[b]).wait()
        pltpu.make_async_copy(ctab_hbm.at[ic[b]], bc[b], sg[b]).wait()

    def issue_writeback(ci, w):
        for dt in range(8):
            pltpu.async_copy(wt[w].at[pl.ds(dt * 8, 8), pl.ds(0, _BB)],
                             out_hbm.at[ci, dt, wid], so[w])

    def wait_writeback(ci, w):
        for dt in range(8):
            pltpu.make_async_copy(wt[w].at[pl.ds(dt * 8, 8), pl.ds(0, _BB)],
                                  out_hbm.at[ci, dt, wid], so[w]).wait()

    for b in range(_NBUF):
        issue_idx(b, b)
    for b in range(_NBUF - 1):
        wait_idx(b, b)
        issue_gathers(b)

    def chunk(ci, b, w):
        wait_gathers(b)

        @pl.when(ci + _NBUF < SEQ_LEN)
        def _():
            issue_idx(ci + _NBUF, b)

        fi = ci + _NBUF - 1
        fb = (b + _NBUF - 1) % _NBUF

        @pl.when(fi < SEQ_LEN)
        def _():
            wait_idx(fi, fb)
            issue_gathers(fb)

        @pl.when(ci >= _NWB)
        def _():
            wait_writeback(ci - _NWB, w)

        pvec = [p_v[ci, pl.ds(k * 16, 16)] for k in range(N_DIMS // 16)]
        dvec = [lane + k * 16 for k in range(N_DIMS // 16)]

        @plsc.parallel_loop(0, _BB, unroll=4)
        def row_body(j):
            jv = jnp.full((16,), j, dtype=jnp.int32)
            for k in range(N_DIMS // 16):
                sl = pl.ds(k * 16, 16)
                v = be[b][j, sl] + bc[b][j, sl] + pvec[k]
                plsc.store_scatter(wt[w], [dvec[k], jv], v)
        issue_writeback(ci, w)

    def outer(g, carry):
        for b in range(_NBUF):
            ci = g * _NBUF + b
            chunk(ci, b, b % _NWB)
        return carry

    lax.fori_loop(0, SEQ_LEN // _NBUF, outer, 0)

    wait_writeback(SEQ_LEN - 2, 0)
    wait_writeback(SEQ_LEN - 1, 1)


@jax.jit
def _run(ex4, cat4, etab, ctab, ptab):
    mesh = plsc.VectorSubcoreMesh(core_axis_name="c", subcore_axis_name="s")
    f = pl.kernel(
        _body,
        out_type=jax.ShapeDtypeStruct((SEQ_LEN, 8, _NW, 8, _BB), jnp.float32),
        mesh=mesh,
        scratch_types=(
            [pltpu.VMEM((SEQ_LEN, N_DIMS), jnp.float32)]
            + [pltpu.VMEM((_BB,), jnp.int32)] * (2 * _NBUF)
            + [pltpu.VMEM((_BB, N_DIMS), jnp.float32)] * (2 * _NBUF)
            + [pltpu.VMEM((N_DIMS, _BB + 1), jnp.float32)] * _NWB
            + [pltpu.SemaphoreType.DMA] * (2 * _NBUF + _NWB)
        ),
        compiler_params=pltpu.CompilerParams(use_tc_tiling_on_sc=False,
                                             needs_layout_passes=False),
    )
    return f(ex4, cat4, etab, ctab, ptab)


def _to_native4d(idx2d):
    return (idx2d.astype(jnp.int32).T
            .reshape(_ST, 8, _NW, _BB)
            .transpose(0, 2, 1, 3))


def kernel(exercises, categories, exercise_table, category_table, position_table):
    out5 = _run(_to_native4d(exercises), _to_native4d(categories),
                exercise_table, category_table, position_table)
    return (out5.transpose(2, 4, 0, 1, 3)
            .reshape(BATCH, SEQ_LEN, N_DIMS))

# --- scband reference (transcript-rebuilt; emitter-appended) ---
"""Pipeline reference for scband-encoder-embedding-80668075753724 (READ-ONLY COPY).

The authoritative reference and input builder live on the scoring server;
editing this copy changes nothing except your own understanding.
"""

import jax, jax.numpy as jnp
import numpy as np

N_EXERCISES = 100000
N_CATEGORIES = 100000
N_DIMS = 64
SEQ_LEN = 200
BATCH = 4096


def setup_inputs(seed: int = 0) -> dict:
    key = jax.random.key(seed)
    k1, k2, k3, k4, k5 = jax.random.split(key, 5)
    exercises = jax.random.randint(k1, (BATCH, SEQ_LEN), 0, N_EXERCISES, dtype=jnp.int64 if jax.config.jax_enable_x64 else jnp.int32)
    categories = jax.random.randint(k2, (BATCH, SEQ_LEN), 0, N_CATEGORIES, dtype=jnp.int64 if jax.config.jax_enable_x64 else jnp.int32)
    exercise_table = jax.random.normal(k3, (N_EXERCISES, N_DIMS), dtype=jnp.float32)
    category_table = jax.random.normal(k4, (N_CATEGORIES, N_DIMS), dtype=jnp.float32)
    position_table = jax.random.normal(k5, (SEQ_LEN, N_DIMS), dtype=jnp.float32)
    return {
        "exercises": exercises,
        "categories": categories,
        "exercise_table": exercise_table,
        "category_table": category_table,
        "position_table": position_table,
    }


def reference(exercises, categories, exercise_table, category_table, position_table):
    # e = self.exercise_embed(exercises)
    e = jnp.take(exercise_table, exercises, axis=0)
    # c = self.category_embed(categories)
    c = jnp.take(category_table, categories, axis=0)
    # p = self.position_embed(arange(seq_len).unsqueeze(0))
    seq = jnp.arange(SEQ_LEN)[None, :]
    p = jnp.take(position_table, seq, axis=0)
    return p + c + e

if __name__ == "__main__":
    import jax
    _d = setup_inputs()
    print(jax.jit(kernel)(*tuple(_d.values())))

</pallas_src>

<mosaic_0001>
#map = affine_map<(d0, d1) -> (0, 0, 0, 0)>
#map1 = affine_map<(d0, d1) -> (0, 0)>
#map2 = affine_map<(d0, d1) -> (0, 0, 0, 0, 0)>
module attributes {stable_mosaic.version = 14 : i64} {
  func.func @_body(%arg0: i32, %arg1: i32, %arg2: memref<25x32x8x128xi32, #tpu.memory_space<hbm>>, %arg3: memref<25x32x8x128xi32, #tpu.memory_space<hbm>>, %arg4: memref<100000x64xf32, #tpu.memory_space<hbm>>, %arg5: memref<100000x64xf32, #tpu.memory_space<hbm>>, %arg6: memref<200x64xf32, #tpu.memory_space<hbm>>, %arg7: memref<200x8x32x8x128xf32, #tpu.memory_space<hbm>>, %arg8: memref<200x64xf32, #tpu.memory_space<vmem>>, %arg9: memref<128xi32, #tpu.memory_space<vmem>>, %arg10: memref<128xi32, #tpu.memory_space<vmem>>, %arg11: memref<128xi32, #tpu.memory_space<vmem>>, %arg12: memref<128xi32, #tpu.memory_space<vmem>>, %arg13: memref<128xi32, #tpu.memory_space<vmem>>, %arg14: memref<128xi32, #tpu.memory_space<vmem>>, %arg15: memref<128xi32, #tpu.memory_space<vmem>>, %arg16: memref<128xi32, #tpu.memory_space<vmem>>, %arg17: memref<128x64xf32, #tpu.memory_space<vmem>>, %arg18: memref<128x64xf32, #tpu.memory_space<vmem>>, %arg19: memref<128x64xf32, #tpu.memory_space<vmem>>, %arg20: memref<128x64xf32, #tpu.memory_space<vmem>>, %arg21: memref<128x64xf32, #tpu.memory_space<vmem>>, %arg22: memref<128x64xf32, #tpu.memory_space<vmem>>, %arg23: memref<128x64xf32, #tpu.memory_space<vmem>>, %arg24: memref<128x64xf32, #tpu.memory_space<vmem>>, %arg25: memref<64x129xf32, #tpu.memory_space<vmem>>, %arg26: memref<64x129xf32, #tpu.memory_space<vmem>>, %arg27: memref<!tpu.dma_semaphore, #tpu.memory_space<semaphore_mem>>, %arg28: memref<!tpu.dma_semaphore, #tpu.memory_space<semaphore_mem>>, %arg29: memref<!tpu.dma_semaphore, #tpu.memory_space<semaphore_mem>>, %arg30: memref<!tpu.dma_semaphore, #tpu.memory_space<semaphore_mem>>, %arg31: memref<!tpu.dma_semaphore, #tpu.memory_space<semaphore_mem>>, %arg32: memref<!tpu.dma_semaphore, #tpu.memory_space<semaphore_mem>>, %arg33: memref<!tpu.dma_semaphore, #tpu.memory_space<semaphore_mem>>, %arg34: memref<!tpu.dma_semaphore, #tpu.memory_space<semaphore_mem>>, %arg35: memref<!tpu.dma_semaphore, #tpu.memory_space<semaphore_mem>>, %arg36: memref<!tpu.dma_semaphore, #tpu.memory_space<semaphore_mem>>) attributes {dimension_semantics = [#tpu.dimension_semantics<core_parallel>, #tpu.dimension_semantics<subcore_parallel>], iteration_bounds = array<i64: 2, 16>, scalar_prefetch = 0 : i64, scratch_operands = 29 : i64, tpu.core_type = #tpu.core_type<sc_vector_subcore>, window_params = [{transform_indices = #map}, {transform_indices = #map}, {transform_indices = #map1}, {transform_indices = #map1}, {transform_indices = #map1}, {transform_indices = #map2}]} {
    %mul3A = arith.constant 2 : i32
    %mul3A_0 = arith.muli %arg1, %mul3A : i32
    %add3A = arith.addi %mul3A_0, %arg0 : i32
    "tpu.region"() ({
      %run_scoped3A = tpu.sem_alloc : memref<!tpu.dma_semaphore, #tpu.memory_space<semaphore_mem>>
      tpu.enqueue_dma source(%arg6 : memref<200x64xf32, #tpu.memory_space<hbm>>) target(%arg8 : memref<200x64xf32, #tpu.memory_space<vmem>>) target_semaphore(%run_scoped3A : memref<!tpu.dma_semaphore, #tpu.memory_space<semaphore_mem>>)
      tpu.wait_dma2 semaphore(%run_scoped3A : memref<!tpu.dma_semaphore, #tpu.memory_space<semaphore_mem>>) src(%arg6 : memref<200x64xf32, #tpu.memory_space<hbm>>) dst(%arg8 : memref<200x64xf32, #tpu.memory_space<vmem>>)
      tpu.yield
    }) : () -> ()
    %iota3A = tpu.iota {dimensions = array<i32: 0>} : vector<16xi32>
    %dma_start3A = arith.constant 0 : i32
    %dma_start3A_1 = arith.constant 0 : i32
    %dma_start3A_2 = arith.constant 0 : i32
    %dma_start3A_3 = tpu.memref_slice %arg2[%dma_start3A, %add3A, %dma_start3A_1, %dma_start3A_2] : memref<25x32x8x128xi32, #tpu.memory_space<hbm>> -> memref<1x1x1x128xi32, #tpu.memory_space<hbm>>
    %dma_start3A_4 = tpu.memref_squeeze %dma_start3A_3 : memref<1x1x1x128xi32, #tpu.memory_space<hbm>> -> memref<128xi32, #tpu.memory_space<hbm>>
    %dma_start3A_5 = arith.constant 0 : i32
    %dma_start3A_6 = tpu.memref_slice %arg2[%dma_start3A, %add3A, %dma_start3A_1, %dma_start3A_5] : memref<25x32x8x128xi32, #tpu.memory_space<hbm>> -> memref<1x1x1x128xi32, #tpu.memory_space<hbm>>
    %dma_start3A_7 = tpu.memref_squeeze %dma_start3A_6 : memref<1x1x1x128xi32, #tpu.memory_space<hbm>> -> memref<128xi32, #tpu.memory_space<hbm>>
    tpu.enqueue_dma source(%dma_start3A_7 : memref<128xi32, #tpu.memory_space<hbm>>) target(%arg9 : memref<128xi32, #tpu.memory_space<vmem>>) target_semaphore(%arg27 : memref<!tpu.dma_semaphore, #tpu.memory_space<semaphore_mem>>)
    %dma_start3A_8 = arith.constant 0 : i32
    %dma_start3A_9 = arith.constant 0 : i32
    %dma_start3A_10 = arith.constant 0 : i32
    %dma_start3A_11 = tpu.memref_slice %arg3[%dma_start3A_8, %add3A, %dma_start3A_9, %dma_start3A_10] : memref<25x32x8x128xi32, #tpu.memory_space<hbm>> -> memref<1x1x1x128xi32, #tpu.memory_space<hbm>>
    %dma_start3A_12 = tpu.memref_squeeze %dma_start3A_11 : memref<1x1x1x128xi32, #tpu.memory_space<hbm>> -> memref<128xi32, #tpu.memory_space<hbm>>
    %dma_start3A_13 = arith.constant 0 : i32
    %dma_start3A_14 = tpu.memref_slice %arg3[%dma_start3A_8, %add3A, %dma_start3A_9, %dma_start3A_13] : memref<25x32x8x128xi32, #tpu.memory_space<hbm>> -> memref<1x1x1x128xi32, #tpu.memory_space<hbm>>
    %dma_start3A_15 = tpu.memref_squeeze %dma_start3A_14 : memref<1x1x1x128xi32, #tpu.memory_space<hbm>> -> memref<128xi32, #tpu.memory_space<hbm>>
    tpu.enqueue_dma source(%dma_start3A_15 : memref<128xi32, #tpu.memory_space<hbm>>) target(%arg13 : memref<128xi32, #tpu.memory_space<vmem>>) target_semaphore(%arg27 : memref<!tpu.dma_semaphore, #tpu.memory_space<semaphore_mem>>)
    %dma_start3A_16 = arith.constant 0 : i32
    %dma_start3A_17 = arith.constant 1 : i32
    %dma_start3A_18 = arith.constant 0 : i32
    %dma_start3A_19 = tpu.memref_slice %arg2[%dma_start3A_16, %add3A, %dma_start3A_17, %dma_start3A_18] : memref<25x32x8x128xi32, #tpu.memory_space<hbm>> -> memref<1x1x1x128xi32, #tpu.memory_space<hbm>>
    %dma_start3A_20 = tpu.memref_squeeze %dma_start3A_19 : memref<1x1x1x128xi32, #tpu.memory_space<hbm>> -> memref<128xi32, #tpu.memory_space<hbm>>
    %dma_start3A_21 = arith.constant 0 : i32
    %dma_start3A_22 = tpu.memref_slice %arg2[%dma_start3A_16, %add3A, %dma_start3A_17, %dma_start3A_21] : memref<25x32x8x128xi32, #tpu.memory_space<hbm>> -> memref<1x1x1x128xi32, #tpu.memory_space<hbm>>
    %dma_start3A_23 = tpu.memref_squeeze %dma_start3A_22 : memref<1x1x1x128xi32, #tpu.memory_space<hbm>> -> memref<128xi32, #tpu.memory_space<hbm>>
    tpu.enqueue_dma source(%dma_start3A_23 : memref<128xi32, #tpu.memory_space<hbm>>) target(%arg10 : memref<128xi32, #tpu.memory_space<vmem>>) target_semaphore(%arg28 : memref<!tpu.dma_semaphore, #tpu.memory_space<semaphore_mem>>)
    %dma_start3A_24 = arith.constant 0 : i32
    %dma_start3A_25 = arith.constant 1 : i32
    %dma_start3A_26 = arith.constant 0 : i32
    %dma_start3A_27 = tpu.memref_slice %arg3[%dma_start3A_24, %add3A, %dma_start3A_25, %dma_start3A_26] : memref<25x32x8x128xi32, #tpu.memory_space<hbm>> -> memref<1x1x1x128xi32, #tpu.memory_space<hbm>>
    %dma_start3A_28 = tpu.memref_squeeze %dma_start3A_27 : memref<1x1x1x128xi32, #tpu.memory_space<hbm>> -> memref<128xi32, #tpu.memory_space<hbm>>
    %dma_start3A_29 = arith.constant 0 : i32
    %dma_start3A_30 = tpu.memref_slice %arg3[%dma_start3A_24, %add3A, %dma_start3A_25, %dma_start3A_29] : memref<25x32x8x128xi32, #tpu.memory_space<hbm>> -> memref<1x1x1x128xi32, #tpu.memory_space<hbm>>
    %dma_start3A_31 = tpu.memref_squeeze %dma_start3A_30 : memref<1x1x1x128xi32, #tpu.memory_space<hbm>> -> memref<128xi32, #tpu.memory_space<hbm>>
    tpu.enqueue_dma source(%dma_start3A_31 : memref<128xi32, #tpu.memory_space<hbm>>) target(%arg14 : memref<128xi32, #tpu.memory_space<vmem>>) target_semaphore(%arg28 : memref<!tpu.dma_semaphore, #tpu.memory_space<semaphore_mem>>)
    %dma_start3A_32 = arith.constant 0 : i32
    %dma_start3A_33 = arith.constant 2 : i32
    %dma_start3A_34 = arith.constant 0 : i32
    %dma_start3A_35 = tpu.memref_slice %arg2[%dma_start3A_32, %add3A, %dma_start3A_33, %dma_start3A_34] : memref<25x32x8x128xi32, #tpu.memory_space<hbm>> -> memref<1x1x1x128xi32, #tpu.memory_space<hbm>>
    %dma_start3A_36 = tpu.memref_squeeze %dma_start3A_35 : memref<1x1x1x128xi32, #tpu.memory_space<hbm>> -> memref<128xi32, #tpu.memory_space<hbm>>
    %dma_start3A_37 = arith.constant 0 : i32
    %dma_start3A_38 = tpu.memref_slice %arg2[%dma_start3A_32, %add3A, %dma_start3A_33, %dma_start3A_37] : memref<25x32x8x128xi32, #tpu.memory_space<hbm>> -> memref<1x1x1x128xi32, #tpu.memory_space<hbm>>
    %dma_start3A_39 = tpu.memref_squeeze %dma_start3A_38 : memref<1x1x1x128xi32, #tpu.memory_space<hbm>> -> memref<128xi32, #tpu.memory_space<hbm>>
    tpu.enqueue_dma source(%dma_start3A_39 : memref<128xi32, #tpu.memory_space<hbm>>) target(%arg11 : memref<128xi32, #tpu.memory_space<vmem>>) target_semaphore(%arg29 : memref<!tpu.dma_semaphore, #tpu.memory_space<semaphore_mem>>)
    %dma_start3A_40 = arith.constant 0 : i32
    %dma_start3A_41 = arith.constant 2 : i32
    %dma_start3A_42 = arith.constant 0 : i32
    %dma_start3A_43 = tpu.memref_slice %arg3[%dma_start3A_40, %add3A, %dma_start3A_41, %dma_start3A_42] : memref<25x32x8x128xi32, #tpu.memory_space<hbm>> -> memref<1x1x1x128xi32, #tpu.memory_space<hbm>>
    %dma_start3A_44 = tpu.memref_squeeze %dma_start3A_43 : memref<1x1x1x128xi32, #tpu.memory_space<hbm>> -> memref<128xi32, #tpu.memory_space<hbm>>
    %dma_start3A_45 = arith.constant 0 : i32
    %dma_start3A_46 = tpu.memref_slice %arg3[%dma_start3A_40, %add3A, %dma_start3A_41, %dma_start3A_45] : memref<25x32x8x128xi32, #tpu.memory_space<hbm>> -> memref<1x1x1x128xi32, #tpu.memory_space<hbm>>
    %dma_start3A_47 = tpu.memref_squeeze %dma_start3A_46 : memref<1x1x1x128xi32, #tpu.memory_space<hbm>> -> memref<128xi32, #tpu.memory_space<hbm>>
    tpu.enqueue_dma source(%dma_start3A_47 : memref<128xi32, #tpu.memory_space<hbm>>) target(%arg15 : memref<128xi32, #tpu.memory_space<vmem>>) target_semaphore(%arg29 : memref<!tpu.dma_semaphore, #tpu.memory_space<semaphore_mem>>)
    %dma_start3A_48 = arith.constant 0 : i32
    %dma_start3A_49 = arith.constant 3 : i32
    %dma_start3A_50 = arith.constant 0 : i32
    %dma_start3A_51 = tpu.memref_slice %arg2[%dma_start3A_48, %add3A, %dma_start3A_49, %dma_start3A_50] : memref<25x32x8x128xi32, #tpu.memory_space<hbm>> -> memref<1x1x1x128xi32, #tpu.memory_space<hbm>>
    %dma_start3A_52 = tpu.memref_squeeze %dma_start3A_51 : memref<1x1x1x128xi32, #tpu.memory_space<hbm>> -> memref<128xi32, #tpu.memory_space<hbm>>
    %dma_start3A_53 = arith.constant 0 : i32
    %dma_start3A_54 = tpu.memref_slice %arg2[%dma_start3A_48, %add3A, %dma_start3A_49, %dma_start3A_53] : memref<25x32x8x128xi32, #tpu.memory_space<hbm>> -> memref<1x1x1x128xi32, #tpu.memory_space<hbm>>
    %dma_start3A_55 = tpu.memref_squeeze %dma_start3A_54 : memref<1x1x1x128xi32, #tpu.memory_space<hbm>> -> memref<128xi32, #tpu.memory_space<hbm>>
    tpu.enqueue_dma source(%dma_start3A_55 : memref<128xi32, #tpu.memory_space<hbm>>) target(%arg12 : memref<128xi32, #tpu.memory_space<vmem>>) target_semaphore(%arg30 : memref<!tpu.dma_semaphore, #tpu.memory_space<semaphore_mem>>)
    %dma_start3A_56 = arith.constant 0 : i32
    %dma_start3A_57 = arith.constant 3 : i32
    %dma_start3A_58 = arith.constant 0 : i32
    %dma_start3A_59 = tpu.memref_slice %arg3[%dma_start3A_56, %add3A, %dma_start3A_57, %dma_start3A_58] : memref<25x32x8x128xi32, #tpu.memory_space<hbm>> -> memref<1x1x1x128xi32, #tpu.memory_space<hbm>>
    %dma_start3A_60 = tpu.memref_squeeze %dma_start3A_59 : memref<1x1x1x128xi32, #tpu.memory_space<hbm>> -> memref<128xi32, #tpu.memory_space<hbm>>
    %dma_start3A_61 = arith.constant 0 : i32
    %dma_start3A_62 = tpu.memref_slice %arg3[%dma_start3A_56, %add3A, %dma_start3A_57, %dma_start3A_61] : memref<25x32x8x128xi32, #tpu.memory_space<hbm>> -> memref<1x1x1x128xi32, #tpu.memory_space<hbm>>
    %dma_start3A_63 = tpu.memref_squeeze %dma_start3A_62 : memref<1x1x1x128xi32, #tpu.memory_space<hbm>> -> memref<128xi32, #tpu.memory_space<hbm>>
    tpu.enqueue_dma source(%dma_start3A_63 : memref<128xi32, #tpu.memory_space<hbm>>) target(%arg16 : memref<128xi32, #tpu.memory_space<vmem>>) target_semaphore(%arg30 : memref<!tpu.dma_semaphore, #tpu.memory_space<semaphore_mem>>)
    %dma_wait3A = arith.constant 0 : i32
    %dma_wait3A_64 = arith.constant 0 : i32
    %dma_wait3A_65 = arith.constant 0 : i32
    %dma_wait3A_66 = tpu.memref_slice %arg2[%dma_wait3A, %add3A, %dma_wait3A_64, %dma_wait3A_65] : memref<25x32x8x128xi32, #tpu.memory_space<hbm>> -> memref<1x1x1x128xi32, #tpu.memory_space<hbm>>
    %dma_wait3A_67 = tpu.memref_squeeze %dma_wait3A_66 : memref<1x1x1x128xi32, #tpu.memory_space<hbm>> -> memref<128xi32, #tpu.memory_space<hbm>>
    %dma_wait3A_68 = arith.constant 0 : i32
    %dma_wait3A_69 = tpu.memref_slice %arg2[%dma_wait3A, %add3A, %dma_wait3A_64, %dma_wait3A_68] : memref<25x32x8x128xi32, #tpu.memory_space<hbm>> -> memref<1x1x1x128xi32, #tpu.memory_space<hbm>>
    %dma_wait3A_70 = tpu.memref_squeeze %dma_wait3A_69 : memref<1x1x1x128xi32, #tpu.memory_space<hbm>> -> memref<128xi32, #tpu.memory_space<hbm>>
    tpu.wait_dma2 semaphore(%arg27 : memref<!tpu.dma_semaphore, #tpu.memory_space<semaphore_mem>>) src(%dma_wait3A_70 : memref<128xi32, #tpu.memory_space<hbm>>) dst(%arg9 : memref<128xi32, #tpu.memory_space<vmem>>)
    %dma_wait3A_71 = arith.constant 0 : i32
    %dma_wait3A_72 = arith.constant 0 : i32
    %dma_wait3A_73 = arith.constant 0 : i32
    %dma_wait3A_74 = tpu.memref_slice %arg3[%dma_wait3A_71, %add3A, %dma_wait3A_72, %dma_wait3A_73] : memref<25x32x8x128xi32, #tpu.memory_space<hbm>> -> memref<1x1x1x128xi32, #tpu.memory_space<hbm>>
    %dma_wait3A_75 = tpu.memref_squeeze %dma_wait3A_74 : memref<1x1x1x128xi32, #tpu.memory_space<hbm>> -> memref<128xi32, #tpu.memory_space<hbm>>
    %dma_wait3A_76 = arith.constant 0 : i32
    %dma_wait3A_77 = tpu.memref_slice %arg3[%dma_wait3A_71, %add3A, %dma_wait3A_72, %dma_wait3A_76] : memref<25x32x8x128xi32, #tpu.memory_space<hbm>> -> memref<1x1x1x128xi32, #tpu.memory_space<hbm>>
    %dma_wait3A_78 = tpu.memref_squeeze %dma_wait3A_77 : memref<1x1x1x128xi32, #tpu.memory_space<hbm>> -> memref<128xi32, #tpu.memory_space<hbm>>
    tpu.wait_dma2 semaphore(%arg27 : memref<!tpu.dma_semaphore, #tpu.memory_space<semaphore_mem>>) src(%dma_wait3A_78 : memref<128xi32, #tpu.memory_space<hbm>>) dst(%arg13 : memref<128xi32, #tpu.memory_space<vmem>>)
    %dma_start3A_79 = arith.constant 0 : i32
    %dma_start3A_80 = arith.constant 0 : i32
    %dma_start3A_81 = tpu.memref_slice %arg4[%dma_start3A_79, %dma_start3A_80] : memref<100000x64xf32, #tpu.memory_space<hbm>> -> memref<100000x64xf32, #tpu.memory_space<hbm>>
    tpu.enqueue_indirect_dma source(%dma_start3A_81 : memref<100000x64xf32, #tpu.memory_space<hbm>>) target(%arg17 : memref<128x64xf32, #tpu.memory_space<vmem>>) offsets(%arg9 : memref<128xi32, #tpu.memory_space<vmem>>) semaphore(%arg31 : memref<!tpu.dma_semaphore, #tpu.memory_space<semaphore_mem>>)
    %dma_start3A_82 = arith.constant 0 : i32
    %dma_start3A_83 = arith.constant 0 : i32
    %dma_start3A_84 = tpu.memref_slice %arg5[%dma_start3A_82, %dma_start3A_83] : memref<100000x64xf32, #tpu.memory_space<hbm>> -> memref<100000x64xf32, #tpu.memory_space<hbm>>
    tpu.enqueue_indirect_dma source(%dma_start3A_84 : memref<100000x64xf32, #tpu.memory_space<hbm>>) target(%arg21 : memref<128x64xf32, #tpu.memory_space<vmem>>) offsets(%arg13 : memref<128xi32, #tpu.memory_space<vmem>>) semaphore(%arg31 : memref<!tpu.dma_semaphore, #tpu.memory_space<semaphore_mem>>)
    %dma_wait3A_85 = arith.constant 0 : i32
    %dma_wait3A_86 = arith.constant 1 : i32
    %dma_wait3A_87 = arith.constant 0 : i32
    %dma_wait3A_88 = tpu.memref_slice %arg2[%dma_wait3A_85, %add3A, %dma_wait3A_86, %dma_wait3A_87] : memref<25x32x8x128xi32, #tpu.memory_space<hbm>> -> memref<1x1x1x128xi32, #tpu.memory_space<hbm>>
    %dma_wait3A_89 = tpu.memref_squeeze %dma_wait3A_88 : memref<1x1x1x128xi32, #tpu.memory_space<hbm>> -> memref<128xi32, #tpu.memory_space<hbm>>
    %dma_wait3A_90 = arith.constant 0 : i32
    %dma_wait3A_91 = tpu.memref_slice %arg2[%dma_wait3A_85, %add3A, %dma_wait3A_86, %dma_wait3A_90] : memref<25x32x8x128xi32, #tpu.memory_space<hbm>> -> memref<1x1x1x128xi32, #tpu.memory_space<hbm>>
    %dma_wait3A_92 = tpu.memref_squeeze %dma_wait3A_91 : memref<1x1x1x128xi32, #tpu.memory_space<hbm>> -> memref<128xi32, #tpu.memory_space<hbm>>
    tpu.wait_dma2 semaphore(%arg28 : memref<!tpu.dma_semaphore, #tpu.memory_space<semaphore_mem>>) src(%dma_wait3A_92 : memref<128xi32, #tpu.memory_space<hbm>>) dst(%arg10 : memref<128xi32, #tpu.memory_space<vmem>>)
    %dma_wait3A_93 = arith.constant 0 : i32
    %dma_wait3A_94 = arith.constant 1 : i32
    %dma_wait3A_95 = arith.constant 0 : i32
    %dma_wait3A_96 = tpu.memref_slice %arg3[%dma_wait3A_93, %add3A, %dma_wait3A_94, %dma_wait3A_95] : memref<25x32x8x128xi32, #tpu.memory_space<hbm>> -> memref<1x1x1x128xi32, #tpu.memory_space<hbm>>
    %dma_wait3A_97 = tpu.memref_squeeze %dma_wait3A_96 : memref<1x1x1x128xi32, #tpu.memory_space<hbm>> -> memref<128xi32, #tpu.memory_space<hbm>>
    %dma_wait3A_98 = arith.constant 0 : i32
    %dma_wait3A_99 = tpu.memref_slice %arg3[%dma_wait3A_93, %add3A, %dma_wait3A_94, %dma_wait3A_98] : memref<25x32x8x128xi32, #tpu.memory_space<hbm>> -> memref<1x1x1x128xi32, #tpu.memory_space<hbm>>
    %dma_wait3A_100 = tpu.memref_squeeze %dma_wait3A_99 : memref<1x1x1x128xi32, #tpu.memory_space<hbm>> -> memref<128xi32, #tpu.memory_space<hbm>>
    tpu.wait_dma2 semaphore(%arg28 : memref<!tpu.dma_semaphore, #tpu.memory_space<semaphore_mem>>) src(%dma_wait3A_100 : memref<128xi32, #tpu.memory_space<hbm>>) dst(%arg14 : memref<128xi32, #tpu.memory_space<vmem>>)
    %dma_start3A_101 = arith.constant 0 : i32
    %dma_start3A_102 = arith.constant 0 : i32
    %dma_start3A_103 = tpu.memref_slice %arg4[%dma_start3A_101, %dma_start3A_102] : memref<100000x64xf32, #tpu.memory_space<hbm>> -> memref<100000x64xf32, #tpu.memory_space<hbm>>
    tpu.enqueue_indirect_dma source(%dma_start3A_103 : memref<100000x64xf32, #tpu.memory_space<hbm>>) target(%arg18 : memref<128x64xf32, #tpu.memory_space<vmem>>) offsets(%arg10 : memref<128xi32, #tpu.memory_space<vmem>>) semaphore(%arg32 : memref<!tpu.dma_semaphore, #tpu.memory_space<semaphore_mem>>)
    %dma_start3A_104 = arith.constant 0 : i32
    %dma_start3A_105 = arith.constant 0 : i32
    %dma_start3A_106 = tpu.memref_slice %arg5[%dma_start3A_104, %dma_start3A_105] : memref<100000x64xf32, #tpu.memory_space<hbm>> -> memref<100000x64xf32, #tpu.memory_space<hbm>>
    tpu.enqueue_indirect_dma source(%dma_start3A_106 : memref<100000x64xf32, #tpu.memory_space<hbm>>) target(%arg22 : memref<128x64xf32, #tpu.memory_space<vmem>>) offsets(%arg14 : memref<128xi32, #tpu.memory_space<vmem>>) semaphore(%arg32 : memref<!tpu.dma_semaphore, #tpu.memory_space<semaphore_mem>>)
    %dma_wait3A_107 = arith.constant 0 : i32
    %dma_wait3A_108 = arith.constant 2 : i32
    %dma_wait3A_109 = arith.constant 0 : i32
    %dma_wait3A_110 = tpu.memref_slice %arg2[%dma_wait3A_107, %add3A, %dma_wait3A_108, %dma_wait3A_109] : memref<25x32x8x128xi32, #tpu.memory_space<hbm>> -> memref<1x1x1x128xi32, #tpu.memory_space<hbm>>
    %dma_wait3A_111 = tpu.memref_squeeze %dma_wait3A_110 : memref<1x1x1x128xi32, #tpu.memory_space<hbm>> -> memref<128xi32, #tpu.memory_space<hbm>>
    %dma_wait3A_112 = arith.constant 0 : i32
    %dma_wait3A_113 = tpu.memref_slice %arg2[%dma_wait3A_107, %add3A, %dma_wait3A_108, %dma_wait3A_112] : memref<25x32x8x128xi32, #tpu.memory_space<hbm>> -> memref<1x1x1x128xi32, #tpu.memory_space<hbm>>
    %dma_wait3A_114 = tpu.memref_squeeze %dma_wait3A_113 : memref<1x1x1x128xi32, #tpu.memory_space<hbm>> -> memref<128xi32, #tpu.memory_space<hbm>>
    tpu.wait_dma2 semaphore(%arg29 : memref<!tpu.dma_semaphore, #tpu.memory_space<semaphore_mem>>) src(%dma_wait3A_114 : memref<128xi32, #tpu.memory_space<hbm>>) dst(%arg11 : memref<128xi32, #tpu.memory_space<vmem>>)
    %dma_wait3A_115 = arith.constant 0 : i32
    %dma_wait3A_116 = arith.constant 2 : i32
    %dma_wait3A_117 = arith.constant 0 : i32
    %dma_wait3A_118 = tpu.memref_slice %arg3[%dma_wait3A_115, %add3A, %dma_wait3A_116, %dma_wait3A_117] : memref<25x32x8x128xi32, #tpu.memory_space<hbm>> -> memref<1x1x1x128xi32, #tpu.memory_space<hbm>>
    %dma_wait3A_119 = tpu.memref_squeeze %dma_wait3A_118 : memref<1x1x1x128xi32, #tpu.memory_space<hbm>> -> memref<128xi32, #tpu.memory_space<hbm>>
    %dma_wait3A_120 = arith.constant 0 : i32
    %dma_wait3A_121 = tpu.memref_slice %arg3[%dma_wait3A_115, %add3A, %dma_wait3A_116, %dma_wait3A_120] : memref<25x32x8x128xi32, #tpu.memory_space<hbm>> -> memref<1x1x1x128xi32, #tpu.memory_space<hbm>>
    %dma_wait3A_122 = tpu.memref_squeeze %dma_wait3A_121 : memref<1x1x1x128xi32, #tpu.memory_space<hbm>> -> memref<128xi32, #tpu.memory_space<hbm>>
    tpu.wait_dma2 semaphore(%arg29 : memref<!tpu.dma_semaphore, #tpu.memory_space<semaphore_mem>>) src(%dma_wait3A_122 : memref<128xi32, #tpu.memory_space<hbm>>) dst(%arg15 : memref<128xi32, #tpu.memory_space<vmem>>)
    %dma_start3A_123 = arith.constant 0 : i32
    %dma_start3A_124 = arith.constant 0 : i32
    %dma_start3A_125 = tpu.memref_slice %arg4[%dma_start3A_123, %dma_start3A_124] : memref<100000x64xf32, #tpu.memory_space<hbm>> -> memref<100000x64xf32, #tpu.memory_space<hbm>>
    tpu.enqueue_indirect_dma source(%dma_start3A_125 : memref<100000x64xf32, #tpu.memory_space<hbm>>) target(%arg19 : memref<128x64xf32, #tpu.memory_space<vmem>>) offsets(%arg11 : memref<128xi32, #tpu.memory_space<vmem>>) semaphore(%arg33 : memref<!tpu.dma_semaphore, #tpu.memory_space<semaphore_mem>>)
    %dma_start3A_126 = arith.constant 0 : i32
    %dma_start3A_127 = arith.constant 0 : i32
    %dma_start3A_128 = tpu.memref_slice %arg5[%dma_start3A_126, %dma_start3A_127] : memref<100000x64xf32, #tpu.memory_space<hbm>> -> memref<100000x64xf32, #tpu.memory_space<hbm>>
    tpu.enqueue_indirect_dma source(%dma_start3A_128 : memref<100000x64xf32, #tpu.memory_space<hbm>>) target(%arg23 : memref<128x64xf32, #tpu.memory_space<vmem>>) offsets(%arg15 : memref<128xi32, #tpu.memory_space<vmem>>) semaphore(%arg33 : memref<!tpu.dma_semaphore, #tpu.memory_space<semaphore_mem>>)
    %scan3A = arith.constant 0 : i32
    %scan3A_129 = arith.constant 0 : i32
    %scan3A_130 = arith.constant 50 : i32
    %scan3A_131 = arith.addi %scan3A_129, %scan3A_130 : i32
    %scan3A_132 = arith.constant 1 : i32
    scf.for %scan3A_390 = %scan3A_129 to %scan3A_131 step %scan3A_132  : i32 {
      %mul3A_391 = arith.constant 4 : i32
      %mul3A_392 = arith.muli %scan3A_390, %mul3A_391 : i32
      %add3A_393 = arith.constant 0 : i32
      %add3A_394 = arith.addi %mul3A_392, %add3A_393 : i32
      %dma_wait3A_395 = arith.constant 0 : i32
      %dma_wait3A_396 = arith.constant 0 : i32
      %dma_wait3A_397 = tpu.memref_slice %arg4[%dma_wait3A_395, %dma_wait3A_396] : memref<100000x64xf32, #tpu.memory_space<hbm>> -> memref<100000x64xf32, #tpu.memory_space<hbm>>
      tpu.wait_indirect_dma semaphore(%arg31 : memref<!tpu.dma_semaphore, #tpu.memory_space<semaphore_mem>>) src(%dma_wait3A_397 : memref<100000x64xf32, #tpu.memory_space<hbm>>) dst(%arg17 : memref<128x64xf32, #tpu.memory_space<vmem>>)
      %dma_wait3A_398 = arith.constant 0 : i32
      %dma_wait3A_399 = arith.constant 0 : i32
      %dma_wait3A_400 = tpu.memref_slice %arg5[%dma_wait3A_398, %dma_wait3A_399] : memref<100000x64xf32, #tpu.memory_space<hbm>> -> memref<100000x64xf32, #tpu.memory_space<hbm>>
      tpu.wait_indirect_dma semaphore(%arg31 : memref<!tpu.dma_semaphore, #tpu.memory_space<semaphore_mem>>) src(%dma_wait3A_400 : memref<100000x64xf32, #tpu.memory_space<hbm>>) dst(%arg21 : memref<128x64xf32, #tpu.memory_space<vmem>>)
      %add3A_401 = arith.constant 4 : i32
      %add3A_402 = arith.addi %add3A_394, %add3A_401 : i32
      %lt3A = arith.constant 200 : i32
      %lt3A_403 = arith.cmpi slt, %add3A_402, %lt3A : i32
      %convert_element_type3A = arith.extui %lt3A_403 : i1 to i32
      %cond3A = arith.constant 0 : i32
      %cond3A_404 = arith.cmpi ne, %convert_element_type3A, %cond3A : i32
      scf.if %cond3A_404 {
        %add3A_1096 = arith.constant 4 : i32
        %add3A_1097 = arith.addi %add3A_394, %add3A_1096 : i32
        %jit3A = arith.constant 8 : i32
        %div3A = arith.divsi %add3A_1097, %jit3A : i32
        %sign3A = arith.constant 0 : i32
        %sign3A_1098 = arith.cmpi sgt, %add3A_1097, %sign3A : i32
        %sign3A_1099 = arith.extui %sign3A_1098 : i1 to i32
        %sign3A_1100 = arith.constant 0 : i32
        %sign3A_1101 = arith.cmpi slt, %add3A_1097, %sign3A_1100 : i32
        %sign3A_1102 = arith.extui %sign3A_1101 : i1 to i32
        %sign3A_1103 = arith.subi %sign3A_1099, %sign3A_1102 : i32
        %sign3A_1104 = arith.constant 0 : i32
        %sign3A_1105 = arith.cmpi sgt, %jit3A, %sign3A_1104 : i32
        %sign3A_1106 = arith.extui %sign3A_1105 : i1 to i32
        %sign3A_1107 = arith.constant 0 : i32
        %sign3A_1108 = arith.cmpi slt, %jit3A, %sign3A_1107 : i32
        %sign3A_1109 = arith.extui %sign3A_1108 : i1 to i32
        %sign3A_1110 = arith.subi %sign3A_1106, %sign3A_1109 : i32
        %ne3A = arith.cmpi ne, %sign3A_1103, %sign3A_1110 : i32
        %rem3A = arith.remsi %add3A_1097, %jit3A : i32
        %ne3A_1111 = arith.constant 0 : i32
        %ne3A_1112 = arith.cmpi ne, %rem3A, %ne3A_1111 : i32
        %and3A = arith.andi %ne3A, %ne3A_1112 : i1
        %sub3A_1113 = arith.constant 1 : i32
        %sub3A_1114 = arith.subi %div3A, %sub3A_1113 : i32
        %select_n3A = arith.select %and3A, %sub3A_1114, %div3A : i32
        %jit3A_1115 = arith.constant 8 : i32
        %eq3A = arith.constant 0 : i32
        %eq3A_1116 = arith.cmpi eq, %jit3A_1115, %eq3A : i32
        %jit3A_1117 = arith.constant 1 : i32
        %select_n3A_1118 = arith.select %eq3A_1116, %jit3A_1117, %jit3A_1115 : i32
        %rem3A_1119 = arith.remsi %add3A_1097, %select_n3A_1118 : i32
        %ne3A_1120 = arith.constant 0 : i32
        %ne3A_1121 = arith.cmpi ne, %rem3A_1119, %ne3A_1120 : i32
        %lt3A_1122 = arith.constant 0 : i32
        %lt3A_1123 = arith.cmpi slt, %rem3A_1119, %lt3A_1122 : i32
        %lt3A_1124 = arith.constant 0 : i32
        %lt3A_1125 = arith.cmpi slt, %select_n3A_1118, %lt3A_1124 : i32
        %ne3A_1126 = arith.xori %lt3A_1123, %lt3A_1125 : i1
        %and3A_1127 = arith.andi %ne3A_1126, %ne3A_1121 : i1
        %add3A_1128 = arith.addi %rem3A_1119, %select_n3A_1118 : i32
        %select_n3A_1129 = arith.select %and3A_1127, %add3A_1128, %rem3A_1119 : i32
        %dma_start3A_1130 = arith.constant 0 : i32
        %dma_start3A_1131 = tpu.memref_slice %arg2[%select_n3A, %add3A, %select_n3A_1129, %dma_start3A_1130] : memref<25x32x8x128xi32, #tpu.memory_space<hbm>> -> memref<1x1x1x128xi32, #tpu.memory_space<hbm>>
        %dma_start3A_1132 = tpu.memref_squeeze %dma_start3A_1131 : memref<1x1x1x128xi32, #tpu.memory_space<hbm>> -> memref<128xi32, #tpu.memory_space<hbm>>
        %dma_start3A_1133 = arith.constant 0 : i32
        %dma_start3A_1134 = tpu.memref_slice %arg2[%select_n3A, %add3A, %select_n3A_1129, %dma_start3A_1133] : memref<25x32x8x128xi32, #tpu.memory_space<hbm>> -> memref<1x1x1x128xi32, #tpu.memory_space<hbm>>
        %dma_start3A_1135 = tpu.memref_squeeze %dma_start3A_1134 : memref<1x1x1x128xi32, #tpu.memory_space<hbm>> -> memref<128xi32, #tpu.memory_space<hbm>>
        tpu.enqueue_dma source(%dma_start3A_1135 : memref<128xi32, #tpu.memory_space<hbm>>) target(%arg9 : memref<128xi32, #tpu.memory_space<vmem>>) target_semaphore(%arg27 : memref<!tpu.dma_semaphore, #tpu.memory_space<semaphore_mem>>)
        %dma_start3A_1136 = arith.constant 0 : i32
        %dma_start3A_1137 = tpu.memref_slice %arg3[%select_n3A, %add3A, %select_n3A_1129, %dma_start3A_1136] : memref<25x32x8x128xi32, #tpu.memory_space<hbm>> -> memref<1x1x1x128xi32, #tpu.memory_space<hbm>>
        %dma_start3A_1138 = tpu.memref_squeeze %dma_start3A_1137 : memref<1x1x1x128xi32, #tpu.memory_space<hbm>> -> memref<128xi32, #tpu.memory_space<hbm>>
        %dma_start3A_1139 = arith.constant 0 : i32
        %dma_start3A_1140 = tpu.memref_slice %arg3[%select_n3A, %add3A, %select_n3A_1129, %dma_start3A_1139] : memref<25x32x8x128xi32, #tpu.memory_space<hbm>> -> memref<1x1x1x128xi32, #tpu.memory_space<hbm>>
        %dma_start3A_1141 = tpu.memref_squeeze %dma_start3A_1140 : memref<1x1x1x128xi32, #tpu.memory_space<hbm>> -> memref<128xi32, #tpu.memory_space<hbm>>
        tpu.enqueue_dma source(%dma_start3A_1141 : memref<128xi32, #tpu.memory_space<hbm>>) target(%arg13 : memref<128xi32, #tpu.memory_space<vmem>>) target_semaphore(%arg27 : memref<!tpu.dma_semaphore, #tpu.memory_space<semaphore_mem>>)
      } else {
      }
      %add3A_405 = arith.constant 4 : i32
      %add3A_406 = arith.addi %add3A_394, %add3A_405 : i32
      %sub3A = arith.constant 1 : i32
      %sub3A_407 = arith.subi %add3A_406, %sub3A : i32
      %lt3A_408 = arith.constant 200 : i32
      %lt3A_409 = arith.cmpi slt, %sub3A_407, %lt3A_408 : i32
      %convert_element_type3A_410 = arith.extui %lt3A_409 : i1 to i32
      %cond3A_411 = arith.constant 0 : i32
      %cond3A_412 = arith.cmpi ne, %convert_element_type3A_410, %cond3A_411 : i32
      scf.if %cond3A_412 {
        %jit3A = arith.constant 8 : i32
        %div3A = arith.divsi %sub3A_407, %jit3A : i32
        %sign3A = arith.constant 0 : i32
        %sign3A_1096 = arith.cmpi sgt, %sub3A_407, %sign3A : i32
        %sign3A_1097 = arith.extui %sign3A_1096 : i1 to i32
        %sign3A_1098 = arith.constant 0 : i32
        %sign3A_1099 = arith.cmpi slt, %sub3A_407, %sign3A_1098 : i32
        %sign3A_1100 = arith.extui %sign3A_1099 : i1 to i32
        %sign3A_1101 = arith.subi %sign3A_1097, %sign3A_1100 : i32
        %sign3A_1102 = arith.constant 0 : i32
        %sign3A_1103 = arith.cmpi sgt, %jit3A, %sign3A_1102 : i32
        %sign3A_1104 = arith.extui %sign3A_1103 : i1 to i32
        %sign3A_1105 = arith.constant 0 : i32
        %sign3A_1106 = arith.cmpi slt, %jit3A, %sign3A_1105 : i32
        %sign3A_1107 = arith.extui %sign3A_1106 : i1 to i32
        %sign3A_1108 = arith.subi %sign3A_1104, %sign3A_1107 : i32
        %ne3A = arith.cmpi ne, %sign3A_1101, %sign3A_1108 : i32
        %rem3A = arith.remsi %sub3A_407, %jit3A : i32
        %ne3A_1109 = arith.constant 0 : i32
        %ne3A_1110 = arith.cmpi ne, %rem3A, %ne3A_1109 : i32
        %and3A = arith.andi %ne3A, %ne3A_1110 : i1
        %sub3A_1111 = arith.constant 1 : i32
        %sub3A_1112 = arith.subi %div3A, %sub3A_1111 : i32
        %select_n3A = arith.select %and3A, %sub3A_1112, %div3A : i32
        %jit3A_1113 = arith.constant 8 : i32
        %eq3A = arith.constant 0 : i32
        %eq3A_1114 = arith.cmpi eq, %jit3A_1113, %eq3A : i32
        %jit3A_1115 = arith.constant 1 : i32
        %select_n3A_1116 = arith.select %eq3A_1114, %jit3A_1115, %jit3A_1113 : i32
        %rem3A_1117 = arith.remsi %sub3A_407, %select_n3A_1116 : i32
        %ne3A_1118 = arith.constant 0 : i32
        %ne3A_1119 = arith.cmpi ne, %rem3A_1117, %ne3A_1118 : i32
        %lt3A_1120 = arith.constant 0 : i32
        %lt3A_1121 = arith.cmpi slt, %rem3A_1117, %lt3A_1120 : i32
        %lt3A_1122 = arith.constant 0 : i32
        %lt3A_1123 = arith.cmpi slt, %select_n3A_1116, %lt3A_1122 : i32
        %ne3A_1124 = arith.xori %lt3A_1121, %lt3A_1123 : i1
        %and3A_1125 = arith.andi %ne3A_1124, %ne3A_1119 : i1
        %add3A_1126 = arith.addi %rem3A_1117, %select_n3A_1116 : i32
        %select_n3A_1127 = arith.select %and3A_1125, %add3A_1126, %rem3A_1117 : i32
        %dma_wait3A_1128 = arith.constant 0 : i32
        %dma_wait3A_1129 = tpu.memref_slice %arg2[%select_n3A, %add3A, %select_n3A_1127, %dma_wait3A_1128] : memref<25x32x8x128xi32, #tpu.memory_space<hbm>> -> memref<1x1x1x128xi32, #tpu.memory_space<hbm>>
        %dma_wait3A_1130 = tpu.memref_squeeze %dma_wait3A_1129 : memref<1x1x1x128xi32, #tpu.memory_space<hbm>> -> memref<128xi32, #tpu.memory_space<hbm>>
        %dma_wait3A_1131 = arith.constant 0 : i32
        %dma_wait3A_1132 = tpu.memref_slice %arg2[%select_n3A, %add3A, %select_n3A_1127, %dma_wait3A_1131] : memref<25x32x8x128xi32, #tpu.memory_space<hbm>> -> memref<1x1x1x128xi32, #tpu.memory_space<hbm>>
        %dma_wait3A_1133 = tpu.memref_squeeze %dma_wait3A_1132 : memref<1x1x1x128xi32, #tpu.memory_space<hbm>> -> memref<128xi32, #tpu.memory_space<hbm>>
        tpu.wait_dma2 semaphore(%arg30 : memref<!tpu.dma_semaphore, #tpu.memory_space<semaphore_mem>>) src(%dma_wait3A_1133 : memref<128xi32, #tpu.memory_space<hbm>>) dst(%arg12 : memref<128xi32, #tpu.memory_space<vmem>>)
        %dma_wait3A_1134 = arith.constant 0 : i32
        %dma_wait3A_1135 = tpu.memref_slice %arg3[%select_n3A, %add3A, %select_n3A_1127, %dma_wait3A_1134] : memref<25x32x8x128xi32, #tpu.memory_space<hbm>> -> memref<1x1x1x128xi32, #tpu.memory_space<hbm>>
        %dma_wait3A_1136 = tpu.memref_squeeze %dma_wait3A_1135 : memref<1x1x1x128xi32, #tpu.memory_space<hbm>> -> memref<128xi32, #tpu.memory_space<hbm>>
        %dma_wait3A_1137 = arith.constant 0 : i32
        %dma_wait3A_1138 = tpu.memref_slice %arg3[%select_n3A, %add3A, %select_n3A_1127, %dma_wait3A_1137] : memref<25x32x8x128xi32, #tpu.memory_space<hbm>> -> memref<1x1x1x128xi32, #tpu.memory_space<hbm>>
        %dma_wait3A_1139 = tpu.memref_squeeze %dma_wait3A_1138 : memref<1x1x1x128xi32, #tpu.memory_space<hbm>> -> memref<128xi32, #tpu.memory_space<hbm>>
        tpu.wait_dma2 semaphore(%arg30 : memref<!tpu.dma_semaphore, #tpu.memory_space<semaphore_mem>>) src(%dma_wait3A_1139 : memref<128xi32, #tpu.memory_space<hbm>>) dst(%arg16 : memref<128xi32, #tpu.memory_space<vmem>>)
        %dma_start3A_1140 = arith.constant 0 : i32
        %dma_start3A_1141 = arith.constant 0 : i32
        %dma_start3A_1142 = tpu.memref_slice %arg4[%dma_start3A_1140, %dma_start3A_1141] : memref<100000x64xf32, #tpu.memory_space<hbm>> -> memref<100000x64xf32, #tpu.memory_space<hbm>>
        tpu.enqueue_indirect_dma source(%dma_start3A_1142 : memref<100000x64xf32, #tpu.memory_space<hbm>>) target(%arg20 : memref<128x64xf32, #tpu.memory_space<vmem>>) offsets(%arg12 : memref<128xi32, #tpu.memory_space<vmem>>) semaphore(%arg34 : memref<!tpu.dma_semaphore, #tpu.memory_space<semaphore_mem>>)
        %dma_start3A_1143 = arith.constant 0 : i32
        %dma_start3A_1144 = arith.constant 0 : i32
        %dma_start3A_1145 = tpu.memref_slice %arg5[%dma_start3A_1143, %dma_start3A_1144] : memref<100000x64xf32, #tpu.memory_space<hbm>> -> memref<100000x64xf32, #tpu.memory_space<hbm>>
        tpu.enqueue_indirect_dma source(%dma_start3A_1145 : memref<100000x64xf32, #tpu.memory_space<hbm>>) target(%arg24 : memref<128x64xf32, #tpu.memory_space<vmem>>) offsets(%arg16 : memref<128xi32, #tpu.memory_space<vmem>>) semaphore(%arg34 : memref<!tpu.dma_semaphore, #tpu.memory_space<semaphore_mem>>)
      } else {
      }
      %ge3A = arith.constant 2 : i32
      %ge3A_413 = arith.cmpi sge, %add3A_394, %ge3A : i32
      %convert_element_type3A_414 = arith.extui %ge3A_413 : i1 to i32
      %cond3A_415 = arith.constant 0 : i32
      %cond3A_416 = arith.cmpi ne, %convert_element_type3A_414, %cond3A_415 : i32
      scf.if %cond3A_416 {
        %sub3A_1096 = arith.constant 2 : i32
        %sub3A_1097 = arith.subi %add3A_394, %sub3A_1096 : i32
        %dma_wait3A_1098 = arith.constant 0 : i32
        %dma_wait3A_1099 = arith.constant 0 : i32
        %dma_wait3A_1100 = arith.constant 0 : i32
        %dma_wait3A_1101 = tpu.memref_slice %arg25[%dma_wait3A_1099, %dma_wait3A_1100] : memref<64x129xf32, #tpu.memory_space<vmem>> -> memref<8x128xf32, #tpu.memory_space<vmem>>
        %dma_wait3A_1102 = arith.constant 0 : i32
        %dma_wait3A_1103 = arith.constant 0 : i32
        %dma_wait3A_1104 = tpu.memref_slice %arg7[%sub3A_1097, %dma_wait3A_1098, %add3A, %dma_wait3A_1102, %dma_wait3A_1103] : memref<200x8x32x8x128xf32, #tpu.memory_space<hbm>> -> memref<1x1x1x8x128xf32, #tpu.memory_space<hbm>>
        %dma_wait3A_1105 = tpu.memref_squeeze %dma_wait3A_1104 : memref<1x1x1x8x128xf32, #tpu.memory_space<hbm>> -> memref<8x128xf32, #tpu.memory_space<hbm>>
        %dma_wait3A_1106 = arith.constant 0 : i32
        %dma_wait3A_1107 = arith.constant 0 : i32
        %dma_wait3A_1108 = tpu.memref_slice %arg7[%sub3A_1097, %dma_wait3A_1098, %add3A, %dma_wait3A_1106, %dma_wait3A_1107] : memref<200x8x32x8x128xf32, #tpu.memory_space<hbm>> -> memref<1x1x1x8x128xf32, #tpu.memory_space<hbm>>
        %dma_wait3A_1109 = tpu.memref_squeeze %dma_wait3A_1108 : memref<1x1x1x8x128xf32, #tpu.memory_space<hbm>> -> memref<8x128xf32, #tpu.memory_space<hbm>>
        %dma_wait3A_1110 = arith.constant 0 : i32
        %dma_wait3A_1111 = arith.constant 0 : i32
        %dma_wait3A_1112 = tpu.memref_slice %arg25[%dma_wait3A_1110, %dma_wait3A_1111] : memref<64x129xf32, #tpu.memory_space<vmem>> -> memref<8x128xf32, #tpu.memory_space<vmem>>
        tpu.wait_dma2 semaphore(%arg35 : memref<!tpu.dma_semaphore, #tpu.memory_space<semaphore_mem>>) src(%dma_wait3A_1112 : memref<8x128xf32, #tpu.memory_space<vmem>>) dst(%dma_wait3A_1109 : memref<8x128xf32, #tpu.memory_space<hbm>>)
        %dma_wait3A_1113 = arith.constant 1 : i32
        %dma_wait3A_1114 = arith.constant 8 : i32
        %dma_wait3A_1115 = arith.constant 0 : i32
        %dma_wait3A_1116 = tpu.memref_slice %arg25[%dma_wait3A_1114, %dma_wait3A_1115] : memref<64x129xf32, #tpu.memory_space<vmem>> -> memref<8x128xf32, #tpu.memory_space<vmem>>
        %dma_wait3A_1117 = arith.constant 0 : i32
        %dma_wait3A_1118 = arith.constant 0 : i32
        %dma_wait3A_1119 = tpu.memref_slice %arg7[%sub3A_1097, %dma_wait3A_1113, %add3A, %dma_wait3A_1117, %dma_wait3A_1118] : memref<200x8x32x8x128xf32, #tpu.memory_space<hbm>> -> memref<1x1x1x8x128xf32, #tpu.memory_space<hbm>>
        %dma_wait3A_1120 = tpu.memref_squeeze %dma_wait3A_1119 : memref<1x1x1x8x128xf32, #tpu.memory_space<hbm>> -> memref<8x128xf32, #tpu.memory_space<hbm>>
        %dma_wait3A_1121 = arith.constant 0 : i32
        %dma_wait3A_1122 = arith.constant 0 : i32
        %dma_wait3A_1123 = tpu.memref_slice %arg7[%sub3A_1097, %dma_wait3A_1113, %add3A, %dma_wait3A_1121, %dma_wait3A_1122] : memref<200x8x32x8x128xf32, #tpu.memory_space<hbm>> -> memref<1x1x1x8x128xf32, #tpu.memory_space<hbm>>
        %dma_wait3A_1124 = tpu.memref_squeeze %dma_wait3A_1123 : memref<1x1x1x8x128xf32, #tpu.memory_space<hbm>> -> memref<8x128xf32, #tpu.memory_space<hbm>>
        %dma_wait3A_1125 = arith.constant 8 : i32
        %dma_wait3A_1126 = arith.constant 0 : i32
        %dma_wait3A_1127 = tpu.memref_slice %arg25[%dma_wait3A_1125, %dma_wait3A_1126] : memref<64x129xf32, #tpu.memory_space<vmem>> -> memref<8x128xf32, #tpu.memory_space<vmem>>
        tpu.wait_dma2 semaphore(%arg35 : memref<!tpu.dma_semaphore, #tpu.memory_space<semaphore_mem>>) src(%dma_wait3A_1127 : memref<8x128xf32, #tpu.memory_space<vmem>>) dst(%dma_wait3A_1124 : memref<8x128xf32, #tpu.memory_space<hbm>>)
        %dma_wait3A_1128 = arith.constant 2 : i32
        %dma_wait3A_1129 = arith.constant 16 : i32
        %dma_wait3A_1130 = arith.constant 0 : i32
        %dma_wait3A_1131 = tpu.memref_slice %arg25[%dma_wait3A_1129, %dma_wait3A_1130] : memref<64x129xf32, #tpu.memory_space<vmem>> -> memref<8x128xf32, #tpu.memory_space<vmem>>
        %dma_wait3A_1132 = arith.constant 0 : i32
        %dma_wait3A_1133 = arith.constant 0 : i32
        %dma_wait3A_1134 = tpu.memref_slice %arg7[%sub3A_1097, %dma_wait3A_1128, %add3A, %dma_wait3A_1132, %dma_wait3A_1133] : memref<200x8x32x8x128xf32, #tpu.memory_space<hbm>> -> memref<1x1x1x8x128xf32, #tpu.memory_space<hbm>>
        %dma_wait3A_1135 = tpu.memref_squeeze %dma_wait3A_1134 : memref<1x1x1x8x128xf32, #tpu.memory_space<hbm>> -> memref<8x128xf32, #tpu.memory_space<hbm>>
        %dma_wait3A_1136 = arith.constant 0 : i32
        %dma_wait3A_1137 = arith.constant 0 : i32
        %dma_wait3A_1138 = tpu.memref_slice %arg7[%sub3A_1097, %dma_wait3A_1128, %add3A, %dma_wait3A_1136, %dma_wait3A_1137] : memref<200x8x32x8x128xf32, #tpu.memory_space<hbm>> -> memref<1x1x1x8x128xf32, #tpu.memory_space<hbm>>
        %dma_wait3A_1139 = tpu.memref_squeeze %dma_wait3A_1138 : memref<1x1x1x8x128xf32, #tpu.memory_space<hbm>> -> memref<8x128xf32, #tpu.memory_space<hbm>>
        %dma_wait3A_1140 = arith.constant 16 : i32
        %dma_wait3A_1141 = arith.constant 0 : i32
        %dma_wait3A_1142 = tpu.memref_slice %arg25[%dma_wait3A_1140, %dma_wait3A_1141] : memref<64x129xf32, #tpu.memory_space<vmem>> -> memref<8x128xf32, #tpu.memory_space<vmem>>
        tpu.wait_dma2 semaphore(%arg35 : memref<!tpu.dma_semaphore, #tpu.memory_space<semaphore_mem>>) src(%dma_wait3A_1142 : memref<8x128xf32, #tpu.memory_space<vmem>>) dst(%dma_wait3A_1139 : memref<8x128xf32, #tpu.memory_space<hbm>>)
        %dma_wait3A_1143 = arith.constant 3 : i32
        %dma_wait3A_1144 = arith.constant 24 : i32
        %dma_wait3A_1145 = arith.constant 0 : i32
        %dma_wait3A_1146 = tpu.memref_slice %arg25[%dma_wait3A_1144, %dma_wait3A_1145] : memref<64x129xf32, #tpu.memory_space<vmem>> -> memref<8x128xf32, #tpu.memory_space<vmem>>
        %dma_wait3A_1147 = arith.constant 0 : i32
        %dma_wait3A_1148 = arith.constant 0 : i32
        %dma_wait3A_1149 = tpu.memref_slice %arg7[%sub3A_1097, %dma_wait3A_1143, %add3A, %dma_wait3A_1147, %dma_wait3A_1148] : memref<200x8x32x8x128xf32, #tpu.memory_space<hbm>> -> memref<1x1x1x8x128xf32, #tpu.memory_space<hbm>>
        %dma_wait3A_1150 = tpu.memref_squeeze %dma_wait3A_1149 : memref<1x1x1x8x128xf32, #tpu.memory_space<hbm>> -> memref<8x128xf32, #tpu.memory_space<hbm>>
        %dma_wait3A_1151 = arith.constant 0 : i32
        %dma_wait3A_1152 = arith.constant 0 : i32
        %dma_wait3A_1153 = tpu.memref_slice %arg7[%sub3A_1097, %dma_wait3A_1143, %add3A, %dma_wait3A_1151, %dma_wait3A_1152] : memref<200x8x32x8x128xf32, #tpu.memory_space<hbm>> -> memref<1x1x1x8x128xf32, #tpu.memory_space<hbm>>
        %dma_wait3A_1154 = tpu.memref_squeeze %dma_wait3A_1153 : memref<1x1x1x8x128xf32, #tpu.memory_space<hbm>> -> memref<8x128xf32, #tpu.memory_space<hbm>>
        %dma_wait3A_1155 = arith.constant 24 : i32
        %dma_wait3A_1156 = arith.constant 0 : i32
        %dma_wait3A_1157 = tpu.memref_slice %arg25[%dma_wait3A_1155, %dma_wait3A_1156] : memref<64x129xf32, #tpu.memory_space<vmem>> -> memref<8x128xf32, #tpu.memory_space<vmem>>
        tpu.wait_dma2 semaphore(%arg35 : memref<!tpu.dma_semaphore, #tpu.memory_space<semaphore_mem>>) src(%dma_wait3A_1157 : memref<8x128xf32, #tpu.memory_space<vmem>>) dst(%dma_wait3A_1154 : memref<8x128xf32, #tpu.memory_space<hbm>>)
        %dma_wait3A_1158 = arith.constant 4 : i32
        %dma_wait3A_1159 = arith.constant 32 : i32
        %dma_wait3A_1160 = arith.constant 0 : i32
        %dma_wait3A_1161 = tpu.memref_slice %arg25[%dma_wait3A_1159, %dma_wait3A_1160] : memref<64x129xf32, #tpu.memory_space<vmem>> -> memref<8x128xf32, #tpu.memory_space<vmem>>
        %dma_wait3A_1162 = arith.constant 0 : i32
        %dma_wait3A_1163 = arith.constant 0 : i32
        %dma_wait3A_1164 = tpu.memref_slice %arg7[%sub3A_1097, %dma_wait3A_1158, %add3A, %dma_wait3A_1162, %dma_wait3A_1163] : memref<200x8x32x8x128xf32, #tpu.memory_space<hbm>> -> memref<1x1x1x8x128xf32, #tpu.memory_space<hbm>>
        %dma_wait3A_1165 = tpu.memref_squeeze %dma_wait3A_1164 : memref<1x1x1x8x128xf32, #tpu.memory_space<hbm>> -> memref<8x128xf32, #tpu.memory_space<hbm>>
        %dma_wait3A_1166 = arith.constant 0 : i32
        %dma_wait3A_1167 = arith.constant 0 : i32
        %dma_wait3A_1168 = tpu.memref_slice %arg7[%sub3A_1097, %dma_wait3A_1158, %add3A, %dma_wait3A_1166, %dma_wait3A_1167] : memref<200x8x32x8x128xf32, #tpu.memory_space<hbm>> -> memref<1x1x1x8x128xf32, #tpu.memory_space<hbm>>
        %dma_wait3A_1169 = tpu.memref_squeeze %dma_wait3A_1168 : memref<1x1x1x8x128xf32, #tpu.memory_space<hbm>> -> memref<8x128xf32, #tpu.memory_space<hbm>>
        %dma_wait3A_1170 = arith.constant 32 : i32
        %dma_wait3A_1171 = arith.constant 0 : i32
        %dma_wait3A_1172 = tpu.memref_slice %arg25[%dma_wait3A_1170, %dma_wait3A_1171] : memref<64x129xf32, #tpu.memory_space<vmem>> -> memref<8x128xf32, #tpu.memory_space<vmem>>
        tpu.wait_dma2 semaphore(%arg35 : memref<!tpu.dma_semaphore, #tpu.memory_space<semaphore_mem>>) src(%dma_wait3A_1172 : memref<8x128xf32, #tpu.memory_space<vmem>>) dst(%dma_wait3A_1169 : memref<8x128xf32, #tpu.memory_space<hbm>>)
        %dma_wait3A_1173 = arith.constant 5 : i32
        %dma_wait3A_1174 = arith.constant 40 : i32
        %dma_wait3A_1175 = arith.constant 0 : i32
        %dma_wait3A_1176 = tpu.memref_slice %arg25[%dma_wait3A_1174, %dma_wait3A_1175] : memref<64x129xf32, #tpu.memory_space<vmem>> -> memref<8x128xf32, #tpu.memory_space<vmem>>
        %dma_wait3A_1177 = arith.constant 0 : i32
        %dma_wait3A_1178 = arith.constant 0 : i32
        %dma_wait3A_1179 = tpu.memref_slice %arg7[%sub3A_1097, %dma_wait3A_1173, %add3A, %dma_wait3A_1177, %dma_wait3A_1178] : memref<200x8x32x8x128xf32, #tpu.memory_space<hbm>> -> memref<1x1x1x8x128xf32, #tpu.memory_space<hbm>>
        %dma_wait3A_1180 = tpu.memref_squeeze %dma_wait3A_1179 : memref<1x1x1x8x128xf32, #tpu.memory_space<hbm>> -> memref<8x128xf32, #tpu.memory_space<hbm>>
        %dma_wait3A_1181 = arith.constant 0 : i32
        %dma_wait3A_1182 = arith.constant 0 : i32
        %dma_wait3A_1183 = tpu.memref_slice %arg7[%sub3A_1097, %dma_wait3A_1173, %add3A, %dma_wait3A_1181, %dma_wait3A_1182] : memref<200x8x32x8x128xf32, #tpu.memory_space<hbm>> -> memref<1x1x1x8x128xf32, #tpu.memory_space<hbm>>
        %dma_wait3A_1184 = tpu.memref_squeeze %dma_wait3A_1183 : memref<1x1x1x8x128xf32, #tpu.memory_space<hbm>> -> memref<8x128xf32, #tpu.memory_space<hbm>>
        %dma_wait3A_1185 = arith.constant 40 : i32
        %dma_wait3A_1186 = arith.constant 0 : i32
        %dma_wait3A_1187 = tpu.memref_slice %arg25[%dma_wait3A_1185, %dma_wait3A_1186] : memref<64x129xf32, #tpu.memory_space<vmem>> -> memref<8x128xf32, #tpu.memory_space<vmem>>
        tpu.wait_dma2 semaphore(%arg35 : memref<!tpu.dma_semaphore, #tpu.memory_space<semaphore_mem>>) src(%dma_wait3A_1187 : memref<8x128xf32, #tpu.memory_space<vmem>>) dst(%dma_wait3A_1184 : memref<8x128xf32, #tpu.memory_space<hbm>>)
        %dma_wait3A_1188 = arith.constant 6 : i32
        %dma_wait3A_1189 = arith.constant 48 : i32
        %dma_wait3A_1190 = arith.constant 0 : i32
        %dma_wait3A_1191 = tpu.memref_slice %arg25[%dma_wait3A_1189, %dma_wait3A_1190] : memref<64x129xf32, #tpu.memory_space<vmem>> -> memref<8x128xf32, #tpu.memory_space<vmem>>
        %dma_wait3A_1192 = arith.constant 0 : i32
        %dma_wait3A_1193 = arith.constant 0 : i32
        %dma_wait3A_1194 = tpu.memref_slice %arg7[%sub3A_1097, %dma_wait3A_1188, %add3A, %dma_wait3A_1192, %dma_wait3A_1193] : memref<200x8x32x8x128xf32, #tpu.memory_space<hbm>> -> memref<1x1x1x8x128xf32, #tpu.memory_space<hbm>>
        %dma_wait3A_1195 = tpu.memref_squeeze %dma_wait3A_1194 : memref<1x1x1x8x128xf32, #tpu.memory_space<hbm>> -> memref<8x128xf32, #tpu.memory_space<hbm>>
        %dma_wait3A_1196 = arith.constant 0 : i32
        %dma_wait3A_1197 = arith.constant 0 : i32
        %dma_wait3A_1198 = tpu.memref_slice %arg7[%sub3A_1097, %dma_wait3A_1188, %add3A, %dma_wait3A_1196, %dma_wait3A_1197] : memref<200x8x32x8x128xf32, #tpu.memory_space<hbm>> -> memref<1x1x1x8x128xf32, #tpu.memory_space<hbm>>
        %dma_wait3A_1199 = tpu.memref_squeeze %dma_wait3A_1198 : memref<1x1x1x8x128xf32, #tpu.memory_space<hbm>> -> memref<8x128xf32, #tpu.memory_space<hbm>>
        %dma_wait3A_1200 = arith.constant 48 : i32
        %dma_wait3A_1201 = arith.constant 0 : i32
        %dma_wait3A_1202 = tpu.memref_slice %arg25[%dma_wait3A_1200, %dma_wait3A_1201] : memref<64x129xf32, #tpu.memory_space<vmem>> -> memref<8x128xf32, #tpu.memory_space<vmem>>
        tpu.wait_dma2 semaphore(%arg35 : memref<!tpu.dma_semaphore, #tpu.memory_space<semaphore_mem>>) src(%dma_wait3A_1202 : memref<8x128xf32, #tpu.memory_space<vmem>>) dst(%dma_wait3A_1199 : memref<8x128xf32, #tpu.memory_space<hbm>>)
        %dma_wait3A_1203 = arith.constant 7 : i32
        %dma_wait3A_1204 = arith.constant 56 : i32
        %dma_wait3A_1205 = arith.constant 0 : i32
        %dma_wait3A_1206 = tpu.memref_slice %arg25[%dma_wait3A_1204, %dma_wait3A_1205] : memref<64x129xf32, #tpu.memory_space<vmem>> -> memref<8x128xf32, #tpu.memory_space<vmem>>
        %dma_wait3A_1207 = arith.constant 0 : i32
        %dma_wait3A_1208 = arith.constant 0 : i32
        %dma_wait3A_1209 = tpu.memref_slice %arg7[%sub3A_1097, %dma_wait3A_1203, %add3A, %dma_wait3A_1207, %dma_wait3A_1208] : memref<200x8x32x8x128xf32, #tpu.memory_space<hbm>> -> memref<1x1x1x8x128xf32, #tpu.memory_space<hbm>>
        %dma_wait3A_1210 = tpu.memref_squeeze %dma_wait3A_1209 : memref<1x1x1x8x128xf32, #tpu.memory_space<hbm>> -> memref<8x128xf32, #tpu.memory_space<hbm>>
        %dma_wait3A_1211 = arith.constant 0 : i32
        %dma_wait3A_1212 = arith.constant 0 : i32
        %dma_wait3A_1213 = tpu.memref_slice %arg7[%sub3A_1097, %dma_wait3A_1203, %add3A, %dma_wait3A_1211, %dma_wait3A_1212] : memref<200x8x32x8x128xf32, #tpu.memory_space<hbm>> -> memref<1x1x1x8x128xf32, #tpu.memory_space<hbm>>
        %dma_wait3A_1214 = tpu.memref_squeeze %dma_wait3A_1213 : memref<1x1x1x8x128xf32, #tpu.memory_space<hbm>> -> memref<8x128xf32, #tpu.memory_space<hbm>>
        %dma_wait3A_1215 = arith.constant 56 : i32
        %dma_wait3A_1216 = arith.constant 0 : i32
        %dma_wait3A_1217 = tpu.memref_slice %arg25[%dma_wait3A_1215, %dma_wait3A_1216] : memref<64x129xf32, #tpu.memory_space<vmem>> -> memref<8x128xf32, #tpu.memory_space<vmem>>
        tpu.wait_dma2 semaphore(%arg35 : memref<!tpu.dma_semaphore, #tpu.memory_space<semaphore_mem>>) src(%dma_wait3A_1217 : memref<8x128xf32, #tpu.memory_space<vmem>>) dst(%dma_wait3A_1214 : memref<8x128xf32, #tpu.memory_space<hbm>>)
      } else {
      }
      %get3A = arith.index_cast %add3A_394 : i32 to index
      %get3A_417 = arith.constant 0 : index
      %get3A_418 = tpu.vector_load %arg8[%get3A, %get3A_417] {strides = array<i32>} : memref<200x64xf32, #tpu.memory_space<vmem>>, vector<16xf32>,
      %get3A_419 = arith.index_cast %add3A_394 : i32 to index
      %get3A_420 = arith.constant 16 : index
      %get3A_421 = tpu.vector_load %arg8[%get3A_419, %get3A_420] {strides = array<i32>} : memref<200x64xf32, #tpu.memory_space<vmem>>, vector<16xf32>,
      %get3A_422 = arith.index_cast %add3A_394 : i32 to index
      %get3A_423 = arith.constant 32 : index
      %get3A_424 = tpu.vector_load %arg8[%get3A_422, %get3A_423] {strides = array<i32>} : memref<200x64xf32, #tpu.memory_space<vmem>>, vector<16xf32>,
      %get3A_425 = arith.index_cast %add3A_394 : i32 to index
      %get3A_426 = arith.constant 48 : index
      %get3A_427 = tpu.vector_load %arg8[%get3A_425, %get3A_426] {strides = array<i32>} : memref<200x64xf32, #tpu.memory_space<vmem>>, vector<16xf32>,
      %add3A_428 = arith.constant 0 : i32
      %add3A_429 = vector.broadcast %add3A_428 : i32 to vector<16xi32>
      %add3A_430 = arith.addi %iota3A, %add3A_429 : vector<16xi32>
      %add3A_431 = arith.constant 16 : i32
      %add3A_432 = vector.broadcast %add3A_431 : i32 to vector<16xi32>
      %add3A_433 = arith.addi %iota3A, %add3A_432 : vector<16xi32>
      %add3A_434 = arith.constant 32 : i32
      %add3A_435 = vector.broadcast %add3A_434 : i32 to vector<16xi32>
      %add3A_436 = arith.addi %iota3A, %add3A_435 : vector<16xi32>
      %add3A_437 = arith.constant 48 : i32
      %add3A_438 = vector.broadcast %add3A_437 : i32 to vector<16xi32>
      %add3A_439 = arith.addi %iota3A, %add3A_438 : vector<16xi32>
      %parallel_loop3A = arith.constant 0 : i32
      %parallel_loop3A_440 = arith.constant 128 : i32
      %parallel_loop3A_441 = arith.constant 1 : i32
      scf.for %parallel_loop3A_1096 = %parallel_loop3A to %parallel_loop3A_440 step %parallel_loop3A_441  : i32 {
        %parallel_loop3A_1097 = vector.broadcast %parallel_loop3A_1096 : i32 to vector<16xi32>
        %parallel_loop3A_1098 = arith.index_cast %parallel_loop3A_1096 : i32 to index
        %parallel_loop3A_1099 = arith.constant 0 : index
        %parallel_loop3A_1100 = tpu.vector_load %arg17[%parallel_loop3A_1098, %parallel_loop3A_1099] {strides = array<i32>} : memref<128x64xf32, #tpu.memory_space<vmem>>, vector<16xf32>,
        %parallel_loop3A_1101 = arith.index_cast %parallel_loop3A_1096 : i32 to index
        %parallel_loop3A_1102 = arith.constant 0 : index
        %parallel_loop3A_1103 = tpu.vector_load %arg21[%parallel_loop3A_1101, %parallel_loop3A_1102] {strides = array<i32>} : memref<128x64xf32, #tpu.memory_space<vmem>>, vector<16xf32>,
        %parallel_loop3A_1104 = arith.addf %parallel_loop3A_1100, %parallel_loop3A_1103 : vector<16xf32>
        %parallel_loop3A_1105 = arith.addf %parallel_loop3A_1104, %get3A_418 : vector<16xf32>
        tpu.vector_store_idx %arg25[%add3A_430, %parallel_loop3A_1097], %parallel_loop3A_1105 : memref<64x129xf32, #tpu.memory_space<vmem>>[vector<16xi32>, vector<16xi32>], vector<16xf32>,
        %parallel_loop3A_1106 = arith.index_cast %parallel_loop3A_1096 : i32 to index
        %parallel_loop3A_1107 = arith.constant 16 : index
        %parallel_loop3A_1108 = tpu.vector_load %arg17[%parallel_loop3A_1106, %parallel_loop3A_1107] {strides = array<i32>} : memref<128x64xf32, #tpu.memory_space<vmem>>, vector<16xf32>,
        %parallel_loop3A_1109 = arith.index_cast %parallel_loop3A_1096 : i32 to index
        %parallel_loop3A_1110 = arith.constant 16 : index
        %parallel_loop3A_1111 = tpu.vector_load %arg21[%parallel_loop3A_1109, %parallel_loop3A_1110] {strides = array<i32>} : memref<128x64xf32, #tpu.memory_space<vmem>>, vector<16xf32>,
        %parallel_loop3A_1112 = arith.addf %parallel_loop3A_1108, %parallel_loop3A_1111 : vector<16xf32>
        %parallel_loop3A_1113 = arith.addf %parallel_loop3A_1112, %get3A_421 : vector<16xf32>
        tpu.vector_store_idx %arg25[%add3A_433, %parallel_loop3A_1097], %parallel_loop3A_1113 : memref<64x129xf32, #tpu.memory_space<vmem>>[vector<16xi32>, vector<16xi32>], vector<16xf32>,
        %parallel_loop3A_1114 = arith.index_cast %parallel_loop3A_1096 : i32 to index
        %parallel_loop3A_1115 = arith.constant 32 : index
        %parallel_loop3A_1116 = tpu.vector_load %arg17[%parallel_loop3A_1114, %parallel_loop3A_1115] {strides = array<i32>} : memref<128x64xf32, #tpu.memory_space<vmem>>, vector<16xf32>,
        %parallel_loop3A_1117 = arith.index_cast %parallel_loop3A_1096 : i32 to index
        %parallel_loop3A_1118 = arith.constant 32 : index
        %parallel_loop3A_1119 = tpu.vector_load %arg21[%parallel_loop3A_1117, %parallel_loop3A_1118] {strides = array<i32>} : memref<128x64xf32, #tpu.memory_space<vmem>>, vector<16xf32>,
        %parallel_loop3A_1120 = arith.addf %parallel_loop3A_1116, %parallel_loop3A_1119 : vector<16xf32>
        %parallel_loop3A_1121 = arith.addf %parallel_loop3A_1120, %get3A_424 : vector<16xf32>
        tpu.vector_store_idx %arg25[%add3A_436, %parallel_loop3A_1097], %parallel_loop3A_1121 : memref<64x129xf32, #tpu.memory_space<vmem>>[vector<16xi32>, vector<16xi32>], vector<16xf32>,
        %parallel_loop3A_1122 = arith.index_cast %parallel_loop3A_1096 : i32 to index
        %parallel_loop3A_1123 = arith.constant 48 : index
        %parallel_loop3A_1124 = tpu.vector_load %arg17[%parallel_loop3A_1122, %parallel_loop3A_1123] {strides = array<i32>} : memref<128x64xf32, #tpu.memory_space<vmem>>, vector<16xf32>,
        %parallel_loop3A_1125 = arith.index_cast %parallel_loop3A_1096 : i32 to index
        %parallel_loop3A_1126 = arith.constant 48 : index
        %parallel_loop3A_1127 = tpu.vector_load %arg21[%parallel_loop3A_1125, %parallel_loop3A_1126] {strides = array<i32>} : memref<128x64xf32, #tpu.memory_space<vmem>>, vector<16xf32>,
        %parallel_loop3A_1128 = arith.addf %parallel_loop3A_1124, %parallel_loop3A_1127 : vector<16xf32>
        %parallel_loop3A_1129 = arith.addf %parallel_loop3A_1128, %get3A_427 : vector<16xf32>
        tpu.vector_store_idx %arg25[%add3A_439, %parallel_loop3A_1097], %parallel_loop3A_1129 : memref<64x129xf32, #tpu.memory_space<vmem>>[vector<16xi32>, vector<16xi32>], vector<16xf32>,
      } {sc.loop_unroll_factor = 4 : i64, sc.parallel_access}
      %dma_start3A_442 = arith.constant 0 : i32
      %dma_start3A_443 = arith.constant 0 : i32
      %dma_start3A_444 = arith.constant 0 : i32
      %dma_start3A_445 = tpu.memref_slice %arg25[%dma_start3A_443, %dma_start3A_444] : memref<64x129xf32, #tpu.memory_space<vmem>> -> memref<8x128xf32, #tpu.memory_space<vmem>>
      %dma_start3A_446 = arith.constant 0 : i32
      %dma_start3A_447 = arith.constant 0 : i32
      %dma_start3A_448 = tpu.memref_slice %arg7[%add3A_394, %dma_start3A_442, %add3A, %dma_start3A_446, %dma_start3A_447] : memref<200x8x32x8x128xf32, #tpu.memory_space<hbm>> -> memref<1x1x1x8x128xf32, #tpu.memory_space<hbm>>
      %dma_start3A_449 = tpu.memref_squeeze %dma_start3A_448 : memref<1x1x1x8x128xf32, #tpu.memory_space<hbm>> -> memref<8x128xf32, #tpu.memory_space<hbm>>
      %dma_start3A_450 = arith.constant 0 : i32
      %dma_start3A_451 = arith.constant 0 : i32
      %dma_start3A_452 = tpu.memref_slice %arg7[%add3A_394, %dma_start3A_442, %add3A, %dma_start3A_450, %dma_start3A_451] : memref<200x8x32x8x128xf32, #tpu.memory_space<hbm>> -> memref<1x1x1x8x128xf32, #tpu.memory_space<hbm>>
      %dma_start3A_453 = tpu.memref_squeeze %dma_start3A_452 : memref<1x1x1x8x128xf32, #tpu.memory_space<hbm>> -> memref<8x128xf32, #tpu.memory_space<hbm>>
      %dma_start3A_454 = arith.constant 0 : i32
      %dma_start3A_455 = arith.constant 0 : i32
      %dma_start3A_456 = tpu.memref_slice %arg25[%dma_start3A_454, %dma_start3A_455] : memref<64x129xf32, #tpu.memory_space<vmem>> -> memref<8x128xf32, #tpu.memory_space<vmem>>
      tpu.enqueue_dma source(%dma_start3A_456 : memref<8x128xf32, #tpu.memory_space<vmem>>) target(%dma_start3A_453 : memref<8x128xf32, #tpu.memory_space<hbm>>) target_semaphore(%arg35 : memref<!tpu.dma_semaphore, #tpu.memory_space<semaphore_mem>>)
      %dma_start3A_457 = arith.constant 1 : i32
      %dma_start3A_458 = arith.constant 8 : i32
      %dma_start3A_459 = arith.constant 0 : i32
      %dma_start3A_460 = tpu.memref_slice %arg25[%dma_start3A_458, %dma_start3A_459] : memref<64x129xf32, #tpu.memory_space<vmem>> -> memref<8x128xf32, #tpu.memory_space<vmem>>
      %dma_start3A_461 = arith.constant 0 : i32
      %dma_start3A_462 = arith.constant 0 : i32
      %dma_start3A_463 = tpu.memref_slice %arg7[%add3A_394, %dma_start3A_457, %add3A, %dma_start3A_461, %dma_start3A_462] : memref<200x8x32x8x128xf32, #tpu.memory_space<hbm>> -> memref<1x1x1x8x128xf32, #tpu.memory_space<hbm>>
      %dma_start3A_464 = tpu.memref_squeeze %dma_start3A_463 : memref<1x1x1x8x128xf32, #tpu.memory_space<hbm>> -> memref<8x128xf32, #tpu.memory_space<hbm>>
      %dma_start3A_465 = arith.constant 0 : i32
      %dma_start3A_466 = arith.constant 0 : i32
      %dma_start3A_467 = tpu.memref_slice %arg7[%add3A_394, %dma_start3A_457, %add3A, %dma_start3A_465, %dma_start3A_466] : memref<200x8x32x8x128xf32, #tpu.memory_space<hbm>> -> memref<1x1x1x8x128xf32, #tpu.memory_space<hbm>>
      %dma_start3A_468 = tpu.memref_squeeze %dma_start3A_467 : memref<1x1x1x8x128xf32, #tpu.memory_space<hbm>> -> memref<8x128xf32, #tpu.memory_space<hbm>>
      %dma_start3A_469 = arith.constant 8 : i32
      %dma_start3A_470 = arith.constant 0 : i32
      %dma_start3A_471 = tpu.memref_slice %arg25[%dma_start3A_469, %dma_start3A_470] : memref<64x129xf32, #tpu.memory_space<vmem>> -> memref<8x128xf32, #tpu.memory_space<vmem>>
      tpu.enqueue_dma source(%dma_start3A_471 : memref<8x128xf32, #tpu.memory_space<vmem>>) target(%dma_start3A_468 : memref<8x128xf32, #tpu.memory_space<hbm>>) target_semaphore(%arg35 : memref<!tpu.dma_semaphore, #tpu.memory_space<semaphore_mem>>)
      %dma_start3A_472 = arith.constant 2 : i32
      %dma_start3A_473 = arith.constant 16 : i32
      %dma_start3A_474 = arith.constant 0 : i32
      %dma_start3A_475 = tpu.memref_slice %arg25[%dma_start3A_473, %dma_start3A_474] : memref<64x129xf32, #tpu.memory_space<vmem>> -> memref<8x128xf32, #tpu.memory_space<vmem>>
      %dma_start3A_476 = arith.constant 0 : i32
      %dma_start3A_477 = arith.constant 0 : i32
      %dma_start3A_478 = tpu.memref_slice %arg7[%add3A_394, %dma_start3A_472, %add3A, %dma_start3A_476, %dma_start3A_477] : memref<200x8x32x8x128xf32, #tpu.memory_space<hbm>> -> memref<1x1x1x8x128xf32, #tpu.memory_space<hbm>>
      %dma_start3A_479 = tpu.memref_squeeze %dma_start3A_478 : memref<1x1x1x8x128xf32, #tpu.memory_space<hbm>> -> memref<8x128xf32, #tpu.memory_space<hbm>>
      %dma_start3A_480 = arith.constant 0 : i32
      %dma_start3A_481 = arith.constant 0 : i32
      %dma_start3A_482 = tpu.memref_slice %arg7[%add3A_394, %dma_start3A_472, %add3A, %dma_start3A_480, %dma_start3A_481] : memref<200x8x32x8x128xf32, #tpu.memory_space<hbm>> -> memref<1x1x1x8x128xf32, #tpu.memory_space<hbm>>
      %dma_start3A_483 = tpu.memref_squeeze %dma_start3A_482 : memref<1x1x1x8x128xf32, #tpu.memory_space<hbm>> -> memref<8x128xf32, #tpu.memory_space<hbm>>
      %dma_start3A_484 = arith.constant 16 : i32
      %dma_start3A_485 = arith.constant 0 : i32
      %dma_start3A_486 = tpu.memref_slice %arg25[%dma_start3A_484, %dma_start3A_485] : memref<64x129xf32, #tpu.memory_space<vmem>> -> memref<8x128xf32, #tpu.memory_space<vmem>>
      tpu.enqueue_dma source(%dma_start3A_486 : memref<8x128xf32, #tpu.memory_space<vmem>>) target(%dma_start3A_483 : memref<8x128xf32, #tpu.memory_space<hbm>>) target_semaphore(%arg35 : memref<!tpu.dma_semaphore, #tpu.memory_space<semaphore_mem>>)
      %dma_start3A_487 = arith.constant 3 : i32
      %dma_start3A_488 = arith.constant 24 : i32
      %dma_start3A_489 = arith.constant 0 : i32
      %dma_start3A_490 = tpu.memref_slice %arg25[%dma_start3A_488, %dma_start3A_489] : memref<64x129xf32, #tpu.memory_space<vmem>> -> memref<8x128xf32, #tpu.memory_space<vmem>>
      %dma_start3A_491 = arith.constant 0 : i32
      %dma_start3A_492 = arith.constant 0 : i32
      %dma_start3A_493 = tpu.memref_slice %arg7[%add3A_394, %dma_start3A_487, %add3A, %dma_start3A_491, %dma_start3A_492] : memref<200x8x32x8x128xf32, #tpu.memory_space<hbm>> -> memref<1x1x1x8x128xf32, #tpu.memory_space<hbm>>
      %dma_start3A_494 = tpu.memref_squeeze %dma_start3A_493 : memref<1x1x1x8x128xf32, #tpu.memory_space<hbm>> -> memref<8x128xf32, #tpu.memory_space<hbm>>
      %dma_start3A_495 = arith.constant 0 : i32
      %dma_start3A_496 = arith.constant 0 : i32
      %dma_start3A_497 = tpu.memref_slice %arg7[%add3A_394, %dma_start3A_487, %add3A, %dma_start3A_495, %dma_start3A_496] : memref<200x8x32x8x128xf32, #tpu.memory_space<hbm>> -> memref<1x1x1x8x128xf32, #tpu.memory_space<hbm>>
      %dma_start3A_498 = tpu.memref_squeeze %dma_start3A_497 : memref<1x1x1x8x128xf32, #tpu.memory_space<hbm>> -> memref<8x128xf32, #tpu.memory_space<hbm>>
      %dma_start3A_499 = arith.constant 24 : i32
      %dma_start3A_500 = arith.constant 0 : i32
      %dma_start3A_501 = tpu.memref_slice %arg25[%dma_start3A_499, %dma_start3A_500] : memref<64x129xf32, #tpu.memory_space<vmem>> -> memref<8x128xf32, #tpu.memory_space<vmem>>
      tpu.enqueue_dma source(%dma_start3A_501 : memref<8x128xf32, #tpu.memory_space<vmem>>) target(%dma_start3A_498 : memref<8x128xf32, #tpu.memory_space<hbm>>) target_semaphore(%arg35 : memref<!tpu.dma_semaphore, #tpu.memory_space<semaphore_mem>>)
      %dma_start3A_502 = arith.constant 4 : i32
      %dma_start3A_503 = arith.constant 32 : i32
      %dma_start3A_504 = arith.constant 0 : i32
      %dma_start3A_505 = tpu.memref_slice %arg25[%dma_start3A_503, %dma_start3A_504] : memref<64x129xf32, #tpu.memory_space<vmem>> -> memref<8x128xf32, #tpu.memory_space<vmem>>
      %dma_start3A_506 = arith.constant 0 : i32
      %dma_start3A_507 = arith.constant 0 : i32
      %dma_start3A_508 = tpu.memref_slice %arg7[%add3A_394, %dma_start3A_502, %add3A, %dma_start3A_506, %dma_start3A_507] : memref<200x8x32x8x128xf32, #tpu.memory_space<hbm>> -> memref<1x1x1x8x128xf32, #tpu.memory_space<hbm>>
      %dma_start3A_509 = tpu.memref_squeeze %dma_start3A_508 : memref<1x1x1x8x128xf32, #tpu.memory_space<hbm>> -> memref<8x128xf32, #tpu.memory_space<hbm>>
      %dma_start3A_510 = arith.constant 0 : i32
      %dma_start3A_511 = arith.constant 0 : i32
      %dma_start3A_512 = tpu.memref_slice %arg7[%add3A_394, %dma_start3A_502, %add3A, %dma_start3A_510, %dma_start3A_511] : memref<200x8x32x8x128xf32, #tpu.memory_space<hbm>> -> memref<1x1x1x8x128xf32, #tpu.memory_space<hbm>>
      %dma_start3A_513 = tpu.memref_squeeze %dma_start3A_512 : memref<1x1x1x8x128xf32, #tpu.memory_space<hbm>> -> memref<8x128xf32, #tpu.memory_space<hbm>>
      %dma_start3A_514 = arith.constant 32 : i32
      %dma_start3A_515 = arith.constant 0 : i32
      %dma_start3A_516 = tpu.memref_slice %arg25[%dma_start3A_514, %dma_start3A_515] : memref<64x129xf32, #tpu.memory_space<vmem>> -> memref<8x128xf32, #tpu.memory_space<vmem>>
      tpu.enqueue_dma source(%dma_start3A_516 : memref<8x128xf32, #tpu.memory_space<vmem>>) target(%dma_start3A_513 : memref<8x128xf32, #tpu.memory_space<hbm>>) target_semaphore(%arg35 : memref<!tpu.dma_semaphore, #tpu.memory_space<semaphore_mem>>)
      %dma_start3A_517 = arith.constant 5 : i32
      %dma_start3A_518 = arith.constant 40 : i32
      %dma_start3A_519 = arith.constant 0 : i32
      %dma_start3A_520 = tpu.memref_slice %arg25[%dma_start3A_518, %dma_start3A_519] : memref<64x129xf32, #tpu.memory_space<vmem>> -> memref<8x128xf32, #tpu.memory_space<vmem>>
      %dma_start3A_521 = arith.constant 0 : i32
      %dma_start3A_522 = arith.constant 0 : i32
      %dma_start3A_523 = tpu.memref_slice %arg7[%add3A_394, %dma_start3A_517, %add3A, %dma_start3A_521, %dma_start3A_522] : memref<200x8x32x8x128xf32, #tpu.memory_space<hbm>> -> memref<1x1x1x8x128xf32, #tpu.memory_space<hbm>>
      %dma_start3A_524 = tpu.memref_squeeze %dma_start3A_523 : memref<1x1x1x8x128xf32, #tpu.memory_space<hbm>> -> memref<8x128xf32, #tpu.memory_space<hbm>>
      %dma_start3A_525 = arith.constant 0 : i32
      %dma_start3A_526 = arith.constant 0 : i32
      %dma_start3A_527 = tpu.memref_slice %arg7[%add3A_394, %dma_start3A_517, %add3A, %dma_start3A_525, %dma_start3A_526] : memref<200x8x32x8x128xf32, #tpu.memory_space<hbm>> -> memref<1x1x1x8x128xf32, #tpu.memory_space<hbm>>
      %dma_start3A_528 = tpu.memref_squeeze %dma_start3A_527 : memref<1x1x1x8x128xf32, #tpu.memory_space<hbm>> -> memref<8x128xf32, #tpu.memory_space<hbm>>
      %dma_start3A_529 = arith.constant 40 : i32
      %dma_start3A_530 = arith.constant 0 : i32
      %dma_start3A_531 = tpu.memref_slice %arg25[%dma_start3A_529, %dma_start3A_530] : memref<64x129xf32, #tpu.memory_space<vmem>> -> memref<8x128xf32, #tpu.memory_space<vmem>>
      tpu.enqueue_dma source(%dma_start3A_531 : memref<8x128xf32, #tpu.memory_space<vmem>>) target(%dma_start3A_528 : memref<8x128xf32, #tpu.memory_space<hbm>>) target_semaphore(%arg35 : memref<!tpu.dma_semaphore, #tpu.memory_space<semaphore_mem>>)
      %dma_start3A_532 = arith.constant 6 : i32
      %dma_start3A_533 = arith.constant 48 : i32
      %dma_start3A_534 = arith.constant 0 : i32
      %dma_start3A_535 = tpu.memref_slice %arg25[%dma_start3A_533, %dma_start3A_534] : memref<64x129xf32, #tpu.memory_space<vmem>> -> memref<8x128xf32, #tpu.memory_space<vmem>>
      %dma_start3A_536 = arith.constant 0 : i32
      %dma_start3A_537 = arith.constant 0 : i32
      %dma_start3A_538 = tpu.memref_slice %arg7[%add3A_394, %dma_start3A_532, %add3A, %dma_start3A_536, %dma_start3A_537] : memref<200x8x32x8x128xf32, #tpu.memory_space<hbm>> -> memref<1x1x1x8x128xf32, #tpu.memory_space<hbm>>
      %dma_start3A_539 = tpu.memref_squeeze %dma_start3A_538 : memref<1x1x1x8x128xf32, #tpu.memory_space<hbm>> -> memref<8x128xf32, #tpu.memory_space<hbm>>
      %dma_start3A_540 = arith.constant 0 : i32
      %dma_start3A_541 = arith.constant 0 : i32
      %dma_start3A_542 = tpu.memref_slice %arg7[%add3A_394, %dma_start3A_532, %add3A, %dma_start3A_540, %dma_start3A_541] : memref<200x8x32x8x128xf32, #tpu.memory_space<hbm>> -> memref<1x1x1x8x128xf32, #tpu.memory_space<hbm>>
      %dma_start3A_543 = tpu.memref_squeeze %dma_start3A_542 : memref<1x1x1x8x128xf32, #tpu.memory_space<hbm>> -> memref<8x128xf32, #tpu.memory_space<hbm>>
      %dma_start3A_544 = arith.constant 48 : i32
      %dma_start3A_545 = arith.constant 0 : i32
      %dma_start3A_546 = tpu.memref_slice %arg25[%dma_start3A_544, %dma_start3A_545] : memref<64x129xf32, #tpu.memory_space<vmem>> -> memref<8x128xf32, #tpu.memory_space<vmem>>
      tpu.enqueue_dma source(%dma_start3A_546 : memref<8x128xf32, #tpu.memory_space<vmem>>) target(%dma_start3A_543 : memref<8x128xf32, #tpu.memory_space<hbm>>) target_semaphore(%arg35 : memref<!tpu.dma_semaphore, #tpu.memory_space<semaphore_mem>>)
      %dma_start3A_547 = arith.constant 7 : i32
      %dma_start3A_548 = arith.constant 56 : i32
      %dma_start3A_549 = arith.constant 0 : i32
      %dma_start3A_550 = tpu.memref_slice %arg25[%dma_start3A_548, %dma_start3A_549] : memref<64x129xf32, #tpu.memory_space<vmem>> -> memref<8x128xf32, #tpu.memory_space<vmem>>
      %dma_start3A_551 = arith.constant 0 : i32
      %dma_start3A_552 = arith.constant 0 : i32
      %dma_start3A_553 = tpu.memref_slice %arg7[%add3A_394, %dma_start3A_547, %add3A, %dma_start3A_551, %dma_start3A_552] : memref<200x8x32x8x128xf32, #tpu.memory_space<hbm>> -> memref<1x1x1x8x128xf32, #tpu.memory_space<hbm>>
      %dma_start3A_554 = tpu.memref_squeeze %dma_start3A_553 : memref<1x1x1x8x128xf32, #tpu.memory_space<hbm>> -> memref<8x128xf32, #tpu.memory_space<hbm>>
      %dma_start3A_555 = arith.constant 0 : i32
      %dma_start3A_556 = arith.constant 0 : i32
      %dma_start3A_557 = tpu.memref_slice %arg7[%add3A_394, %dma_start3A_547, %add3A, %dma_start3A_555, %dma_start3A_556] : memref<200x8x32x8x128xf32, #tpu.memory_space<hbm>> -> memref<1x1x1x8x128xf32, #tpu.memory_space<hbm>>
      %dma_start3A_558 = tpu.memref_squeeze %dma_start3A_557 : memref<1x1x1x8x128xf32, #tpu.memory_space<hbm>> -> memref<8x128xf32, #tpu.memory_space<hbm>>
      %dma_start3A_559 = arith.constant 56 : i32
      %dma_start3A_560 = arith.constant 0 : i32
      %dma_start3A_561 = tpu.memref_slice %arg25[%dma_start3A_559, %dma_start3A_560] : memref<64x129xf32, #tpu.memory_space<vmem>> -> memref<8x128xf32, #tpu.memory_space<vmem>>
      tpu.enqueue_dma source(%dma_start3A_561 : memref<8x128xf32, #tpu.memory_space<vmem>>) target(%dma_start3A_558 : memref<8x128xf32, #tpu.memory_space<hbm>>) target_semaphore(%arg35 : memref<!tpu.dma_semaphore, #tpu.memory_space<semaphore_mem>>)
      %mul3A_562 = arith.constant 4 : i32
      %mul3A_563 = arith.muli %scan3A_390, %mul3A_562 : i32
      %add3A_564 = arith.constant 1 : i32
      %add3A_565 = arith.addi %mul3A_563, %add3A_564 : i32
      %dma_wait3A_566 = arith.constant 0 : i32
      %dma_wait3A_567 = arith.constant 0 : i32
      %dma_wait3A_568 = tpu.memref_slice %arg4[%dma_wait3A_566, %dma_wait3A_567] : memref<100000x64xf32, #tpu.memory_space<hbm>> -> memref<100000x64xf32, #tpu.memory_space<hbm>>
      tpu.wait_indirect_dma semaphore(%arg32 : memref<!tpu.dma_semaphore, #tpu.memory_space<semaphore_mem>>) src(%dma_wait3A_568 : memref<100000x64xf32, #tpu.memory_space<hbm>>) dst(%arg18 : memref<128x64xf32, #tpu.memory_space<vmem>>)
      %dma_wait3A_569 = arith.constant 0 : i32
      %dma_wait3A_570 = arith.constant 0 : i32
      %dma_wait3A_571 = tpu.memref_slice %arg5[%dma_wait3A_569, %dma_wait3A_570] : memref<100000x64xf32, #tpu.memory_space<hbm>> -> memref<100000x64xf32, #tpu.memory_space<hbm>>
      tpu.wait_indirect_dma semaphore(%arg32 : memref<!tpu.dma_semaphore, #tpu.memory_space<semaphore_mem>>) src(%dma_wait3A_571 : memref<100000x64xf32, #tpu.memory_space<hbm>>) dst(%arg22 : memref<128x64xf32, #tpu.memory_space<vmem>>)
      %add3A_572 = arith.constant 4 : i32
      %add3A_573 = arith.addi %add3A_565, %add3A_572 : i32
      %lt3A_574 = arith.constant 200 : i32
      %lt3A_575 = arith.cmpi slt, %add3A_573, %lt3A_574 : i32
      %convert_element_type3A_576 = arith.extui %lt3A_575 : i1 to i32
      %cond3A_577 = arith.constant 0 : i32
      %cond3A_578 = arith.cmpi ne, %convert_element_type3A_576, %cond3A_577 : i32
      scf.if %cond3A_578 {
        %add3A_1096 = arith.constant 4 : i32
        %add3A_1097 = arith.addi %add3A_565, %add3A_1096 : i32
        %jit3A = arith.constant 8 : i32
        %div3A = arith.divsi %add3A_1097, %jit3A : i32
        %sign3A = arith.constant 0 : i32
        %sign3A_1098 = arith.cmpi sgt, %add3A_1097, %sign3A : i32
        %sign3A_1099 = arith.extui %sign3A_1098 : i1 to i32
        %sign3A_1100 = arith.constant 0 : i32
        %sign3A_1101 = arith.cmpi slt, %add3A_1097, %sign3A_1100 : i32
        %sign3A_1102 = arith.extui %sign3A_1101 : i1 to i32
        %sign3A_1103 = arith.subi %sign3A_1099, %sign3A_1102 : i32
        %sign3A_1104 = arith.constant 0 : i32
        %sign3A_1105 = arith.cmpi sgt, %jit3A, %sign3A_1104 : i32
        %sign3A_1106 = arith.extui %sign3A_1105 : i1 to i32
        %sign3A_1107 = arith.constant 0 : i32
        %sign3A_1108 = arith.cmpi slt, %jit3A, %sign3A_1107 : i32
        %sign3A_1109 = arith.extui %sign3A_1108 : i1 to i32
        %sign3A_1110 = arith.subi %sign3A_1106, %sign3A_1109 : i32
        %ne3A = arith.cmpi ne, %sign3A_1103, %sign3A_1110 : i32
        %rem3A = arith.remsi %add3A_1097, %jit3A : i32
        %ne3A_1111 = arith.constant 0 : i32
        %ne3A_1112 = arith.cmpi ne, %rem3A, %ne3A_1111 : i32
        %and3A = arith.andi %ne3A, %ne3A_1112 : i1
        %sub3A_1113 = arith.constant 1 : i32
        %sub3A_1114 = arith.subi %div3A, %sub3A_1113 : i32
        %select_n3A = arith.select %and3A, %sub3A_1114, %div3A : i32
        %jit3A_1115 = arith.constant 8 : i32
        %eq3A = arith.constant 0 : i32
        %eq3A_1116 = arith.cmpi eq, %jit3A_1115, %eq3A : i32
        %jit3A_1117 = arith.constant 1 : i32
        %select_n3A_1118 = arith.select %eq3A_1116, %jit3A_1117, %jit3A_1115 : i32
        %rem3A_1119 = arith.remsi %add3A_1097, %select_n3A_1118 : i32
        %ne3A_1120 = arith.constant 0 : i32
        %ne3A_1121 = arith.cmpi ne, %rem3A_1119, %ne3A_1120 : i32
        %lt3A_1122 = arith.constant 0 : i32
        %lt3A_1123 = arith.cmpi slt, %rem3A_1119, %lt3A_1122 : i32
        %lt3A_1124 = arith.constant 0 : i32
        %lt3A_1125 = arith.cmpi slt, %select_n3A_1118, %lt3A_1124 : i32
        %ne3A_1126 = arith.xori %lt3A_1123, %lt3A_1125 : i1
        %and3A_1127 = arith.andi %ne3A_1126, %ne3A_1121 : i1
        %add3A_1128 = arith.addi %rem3A_1119, %select_n3A_1118 : i32
        %select_n3A_1129 = arith.select %and3A_1127, %add3A_1128, %rem3A_1119 : i32
        %dma_start3A_1130 = arith.constant 0 : i32
        %dma_start3A_1131 = tpu.memref_slice %arg2[%select_n3A, %add3A, %select_n3A_1129, %dma_start3A_1130] : memref<25x32x8x128xi32, #tpu.memory_space<hbm>> -> memref<1x1x1x128xi32, #tpu.memory_space<hbm>>
        %dma_start3A_1132 = tpu.memref_squeeze %dma_start3A_1131 : memref<1x1x1x128xi32, #tpu.memory_space<hbm>> -> memref<128xi32, #tpu.memory_space<hbm>>
        %dma_start3A_1133 = arith.constant 0 : i32
        %dma_start3A_1134 = tpu.memref_slice %arg2[%select_n3A, %add3A, %select_n3A_1129, %dma_start3A_1133] : memref<25x32x8x128xi32, #tpu.memory_space<hbm>> -> memref<1x1x1x128xi32, #tpu.memory_space<hbm>>
        %dma_start3A_1135 = tpu.memref_squeeze %dma_start3A_1134 : memref<1x1x1x128xi32, #tpu.memory_space<hbm>> -> memref<128xi32, #tpu.memory_space<hbm>>
        tpu.enqueue_dma source(%dma_start3A_1135 : memref<128xi32, #tpu.memory_space<hbm>>) target(%arg10 : memref<128xi32, #tpu.memory_space<vmem>>) target_semaphore(%arg28 : memref<!tpu.dma_semaphore, #tpu.memory_space<semaphore_mem>>)
        %dma_start3A_1136 = arith.constant 0 : i32
        %dma_start3A_1137 = tpu.memref_slice %arg3[%select_n3A, %add3A, %select_n3A_1129, %dma_start3A_1136] : memref<25x32x8x128xi32, #tpu.memory_space<hbm>> -> memref<1x1x1x128xi32, #tpu.memory_space<hbm>>
        %dma_start3A_1138 = tpu.memref_squeeze %dma_start3A_1137 : memref<1x1x1x128xi32, #tpu.memory_space<hbm>> -> memref<128xi32, #tpu.memory_space<hbm>>
        %dma_start3A_1139 = arith.constant 0 : i32
        %dma_start3A_1140 = tpu.memref_slice %arg3[%select_n3A, %add3A, %select_n3A_1129, %dma_start3A_1139] : memref<25x32x8x128xi32, #tpu.memory_space<hbm>> -> memref<1x1x1x128xi32, #tpu.memory_space<hbm>>
        %dma_start3A_1141 = tpu.memref_squeeze %dma_start3A_1140 : memref<1x1x1x128xi32, #tpu.memory_space<hbm>> -> memref<128xi32, #tpu.memory_space<hbm>>
        tpu.enqueue_dma source(%dma_start3A_1141 : memref<128xi32, #tpu.memory_space<hbm>>) target(%arg14 : memref<128xi32, #tpu.memory_space<vmem>>) target_semaphore(%arg28 : memref<!tpu.dma_semaphore, #tpu.memory_space<semaphore_mem>>)
      } else {
      }
      %add3A_579 = arith.constant 4 : i32
      %add3A_580 = arith.addi %add3A_565, %add3A_579 : i32
      %sub3A_581 = arith.constant 1 : i32
      %sub3A_582 = arith.subi %add3A_580, %sub3A_581 : i32
      %lt3A_583 = arith.constant 200 : i32
      %lt3A_584 = arith.cmpi slt, %sub3A_582, %lt3A_583 : i32
      %convert_element_type3A_585 = arith.extui %lt3A_584 : i1 to i32
      %cond3A_586 = arith.constant 0 : i32
      %cond3A_587 = arith.cmpi ne, %convert_element_type3A_585, %cond3A_586 : i32
      scf.if %cond3A_587 {
        %jit3A = arith.constant 8 : i32
        %div3A = arith.divsi %sub3A_582, %jit3A : i32
        %sign3A = arith.constant 0 : i32
        %sign3A_1096 = arith.cmpi sgt, %sub3A_582, %sign3A : i32
        %sign3A_1097 = arith.extui %sign3A_1096 : i1 to i32
        %sign3A_1098 = arith.constant 0 : i32
        %sign3A_1099 = arith.cmpi slt, %sub3A_582, %sign3A_1098 : i32
        %sign3A_1100 = arith.extui %sign3A_1099 : i1 to i32
        %sign3A_1101 = arith.subi %sign3A_1097, %sign3A_1100 : i32
        %sign3A_1102 = arith.constant 0 : i32
        %sign3A_1103 = arith.cmpi sgt, %jit3A, %sign3A_1102 : i32
        %sign3A_1104 = arith.extui %sign3A_1103 : i1 to i32
        %sign3A_1105 = arith.constant 0 : i32
        %sign3A_1106 = arith.cmpi slt, %jit3A, %sign3A_1105 : i32
        %sign3A_1107 = arith.extui %sign3A_1106 : i1 to i32
        %sign3A_1108 = arith.subi %sign3A_1104, %sign3A_1107 : i32
        %ne3A = arith.cmpi ne, %sign3A_1101, %sign3A_1108 : i32
        %rem3A = arith.remsi %sub3A_582, %jit3A : i32
        %ne3A_1109 = arith.constant 0 : i32
        %ne3A_1110 = arith.cmpi ne, %rem3A, %ne3A_1109 : i32
        %and3A = arith.andi %ne3A, %ne3A_1110 : i1
        %sub3A_1111 = arith.constant 1 : i32
        %sub3A_1112 = arith.subi %div3A, %sub3A_1111 : i32
        %select_n3A = arith.select %and3A, %sub3A_1112, %div3A : i32
        %jit3A_1113 = arith.constant 8 : i32
        %eq3A = arith.constant 0 : i32
        %eq3A_1114 = arith.cmpi eq, %jit3A_1113, %eq3A : i32
        %jit3A_1115 = arith.constant 1 : i32
        %select_n3A_1116 = arith.select %eq3A_1114, %jit3A_1115, %jit3A_1113 : i32
        %rem3A_1117 = arith.remsi %sub3A_582, %select_n3A_1116 : i32
        %ne3A_1118 = arith.constant 0 : i32
        %ne3A_1119 = arith.cmpi ne, %rem3A_1117, %ne3A_1118 : i32
        %lt3A_1120 = arith.constant 0 : i32
        %lt3A_1121 = arith.cmpi slt, %rem3A_1117, %lt3A_1120 : i32
        %lt3A_1122 = arith.constant 0 : i32
        %lt3A_1123 = arith.cmpi slt, %select_n3A_1116, %lt3A_1122 : i32
        %ne3A_1124 = arith.xori %lt3A_1121, %lt3A_1123 : i1
        %and3A_1125 = arith.andi %ne3A_1124, %ne3A_1119 : i1
        %add3A_1126 = arith.addi %rem3A_1117, %select_n3A_1116 : i32
        %select_n3A_1127 = arith.select %and3A_1125, %add3A_1126, %rem3A_1117 : i32
        %dma_wait3A_1128 = arith.constant 0 : i32
        %dma_wait3A_1129 = tpu.memref_slice %arg2[%select_n3A, %add3A, %select_n3A_1127, %dma_wait3A_1128] : memref<25x32x8x128xi32, #tpu.memory_space<hbm>> -> memref<1x1x1x128xi32, #tpu.memory_space<hbm>>
        %dma_wait3A_1130 = tpu.memref_squeeze %dma_wait3A_1129 : memref<1x1x1x128xi32, #tpu.memory_space<hbm>> -> memref<128xi32, #tpu.memory_space<hbm>>
        %dma_wait3A_1131 = arith.constant 0 : i32
        %dma_wait3A_1132 = tpu.memref_slice %arg2[%select_n3A, %add3A, %select_n3A_1127, %dma_wait3A_1131] : memref<25x32x8x128xi32, #tpu.memory_space<hbm>> -> memref<1x1x1x128xi32, #tpu.memory_space<hbm>>
        %dma_wait3A_1133 = tpu.memref_squeeze %dma_wait3A_1132 : memref<1x1x1x128xi32, #tpu.memory_space<hbm>> -> memref<128xi32, #tpu.memory_space<hbm>>
        tpu.wait_dma2 semaphore(%arg27 : memref<!tpu.dma_semaphore, #tpu.memory_space<semaphore_mem>>) src(%dma_wait3A_1133 : memref<128xi32, #tpu.memory_space<hbm>>) dst(%arg9 : memref<128xi32, #tpu.memory_space<vmem>>)
        %dma_wait3A_1134 = arith.constant 0 : i32
        %dma_wait3A_1135 = tpu.memref_slice %arg3[%select_n3A, %add3A, %select_n3A_1127, %dma_wait3A_1134] : memref<25x32x8x128xi32, #tpu.memory_space<hbm>> -> memref<1x1x1x128xi32, #tpu.memory_space<hbm>>
        %dma_wait3A_1136 = tpu.memref_squeeze %dma_wait3A_1135 : memref<1x1x1x128xi32, #tpu.memory_space<hbm>> -> memref<128xi32, #tpu.memory_space<hbm>>
        %dma_wait3A_1137 = arith.constant 0 : i32
        %dma_wait3A_1138 = tpu.memref_slice %arg3[%select_n3A, %add3A, %select_n3A_1127, %dma_wait3A_1137] : memref<25x32x8x128xi32, #tpu.memory_space<hbm>> -> memref<1x1x1x128xi32, #tpu.memory_space<hbm>>
        %dma_wait3A_1139 = tpu.memref_squeeze %dma_wait3A_1138 : memref<1x1x1x128xi32, #tpu.memory_space<hbm>> -> memref<128xi32, #tpu.memory_space<hbm>>
        tpu.wait_dma2 semaphore(%arg27 : memref<!tpu.dma_semaphore, #tpu.memory_space<semaphore_mem>>) src(%dma_wait3A_1139 : memref<128xi32, #tpu.memory_space<hbm>>) dst(%arg13 : memref<128xi32, #tpu.memory_space<vmem>>)
        %dma_start3A_1140 = arith.constant 0 : i32
        %dma_start3A_1141 = arith.constant 0 : i32
        %dma_start3A_1142 = tpu.memref_slice %arg4[%dma_start3A_1140, %dma_start3A_1141] : memref<100000x64xf32, #tpu.memory_space<hbm>> -> memref<100000x64xf32, #tpu.memory_space<hbm>>
        tpu.enqueue_indirect_dma source(%dma_start3A_1142 : memref<100000x64xf32, #tpu.memory_space<hbm>>) target(%arg17 : memref<128x64xf32, #tpu.memory_space<vmem>>) offsets(%arg9 : memref<128xi32, #tpu.memory_space<vmem>>) semaphore(%arg31 : memref<!tpu.dma_semaphore, #tpu.memory_space<semaphore_mem>>)
        %dma_start3A_1143 = arith.constant 0 : i32
        %dma_start3A_1144 = arith.constant 0 : i32
        %dma_start3A_1145 = tpu.memref_slice %arg5[%dma_start3A_1143, %dma_start3A_1144] : memref<100000x64xf32, #tpu.memory_space<hbm>> -> memref<100000x64xf32, #tpu.memory_space<hbm>>
        tpu.enqueue_indirect_dma source(%dma_start3A_1145 : memref<100000x64xf32, #tpu.memory_space<hbm>>) target(%arg21 : memref<128x64xf32, #tpu.memory_space<vmem>>) offsets(%arg13 : memref<128xi32, #tpu.memory_space<vmem>>) semaphore(%arg31 : memref<!tpu.dma_semaphore, #tpu.memory_space<semaphore_mem>>)
      } else {
      }
      %ge3A_588 = arith.constant 2 : i32
      %ge3A_589 = arith.cmpi sge, %add3A_565, %ge3A_588 : i32
      %convert_element_type3A_590 = arith.extui %ge3A_589 : i1 to i32
      %cond3A_591 = arith.constant 0 : i32
      %cond3A_592 = arith.cmpi ne, %convert_element_type3A_590, %cond3A_591 : i32
      scf.if %cond3A_592 {
        %sub3A_1096 = arith.constant 2 : i32
        %sub3A_1097 = arith.subi %add3A_565, %sub3A_1096 : i32
        %dma_wait3A_1098 = arith.constant 0 : i32
        %dma_wait3A_1099 = arith.constant 0 : i32
        %dma_wait3A_1100 = arith.constant 0 : i32
        %dma_wait3A_1101 = tpu.memref_slice %arg26[%dma_wait3A_1099, %dma_wait3A_1100] : memref<64x129xf32, #tpu.memory_space<vmem>> -> memref<8x128xf32, #tpu.memory_space<vmem>>
        %dma_wait3A_1102 = arith.constant 0 : i32
        %dma_wait3A_1103 = arith.constant 0 : i32
        %dma_wait3A_1104 = tpu.memref_slice %arg7[%sub3A_1097, %dma_wait3A_1098, %add3A, %dma_wait3A_1102, %dma_wait3A_1103] : memref<200x8x32x8x128xf32, #tpu.memory_space<hbm>> -> memref<1x1x1x8x128xf32, #tpu.memory_space<hbm>>
        %dma_wait3A_1105 = tpu.memref_squeeze %dma_wait3A_1104 : memref<1x1x1x8x128xf32, #tpu.memory_space<hbm>> -> memref<8x128xf32, #tpu.memory_space<hbm>>
        %dma_wait3A_1106 = arith.constant 0 : i32
        %dma_wait3A_1107 = arith.constant 0 : i32
        %dma_wait3A_1108 = tpu.memref_slice %arg7[%sub3A_1097, %dma_wait3A_1098, %add3A, %dma_wait3A_1106, %dma_wait3A_1107] : memref<200x8x32x8x128xf32, #tpu.memory_space<hbm>> -> memref<1x1x1x8x128xf32, #tpu.memory_space<hbm>>
        %dma_wait3A_1109 = tpu.memref_squeeze %dma_wait3A_1108 : memref<1x1x1x8x128xf32, #tpu.memory_space<hbm>> -> memref<8x128xf32, #tpu.memory_space<hbm>>
        %dma_wait3A_1110 = arith.constant 0 : i32
        %dma_wait3A_1111 = arith.constant 0 : i32
        %dma_wait3A_1112 = tpu.memref_slice %arg26[%dma_wait3A_1110, %dma_wait3A_1111] : memref<64x129xf32, #tpu.memory_space<vmem>> -> memref<8x128xf32, #tpu.memory_space<vmem>>
        tpu.wait_dma2 semaphore(%arg36 : memref<!tpu.dma_semaphore, #tpu.memory_space<semaphore_mem>>) src(%dma_wait3A_1112 : memref<8x128xf32, #tpu.memory_space<vmem>>) dst(%dma_wait3A_1109 : memref<8x128xf32, #tpu.memory_space<hbm>>)
        %dma_wait3A_1113 = arith.constant 1 : i32
        %dma_wait3A_1114 = arith.constant 8 : i32
        %dma_wait3A_1115 = arith.constant 0 : i32
        %dma_wait3A_1116 = tpu.memref_slice %arg26[%dma_wait3A_1114, %dma_wait3A_1115] : memref<64x129xf32, #tpu.memory_space<vmem>> -> memref<8x128xf32, #tpu.memory_space<vmem>>
        %dma_wait3A_1117 = arith.constant 0 : i32
        %dma_wait3A_1118 = arith.constant 0 : i32
        %dma_wait3A_1119 = tpu.memref_slice %arg7[%sub3A_1097, %dma_wait3A_1113, %add3A, %dma_wait3A_1117, %dma_wait3A_1118] : memref<200x8x32x8x128xf32, #tpu.memory_space<hbm>> -> memref<1x1x1x8x128xf32, #tpu.memory_space<hbm>>
        %dma_wait3A_1120 = tpu.memref_squeeze %dma_wait3A_1119 : memref<1x1x1x8x128xf32, #tpu.memory_space<hbm>> -> memref<8x128xf32, #tpu.memory_space<hbm>>
        %dma_wait3A_1121 = arith.constant 0 : i32
        %dma_wait3A_1122 = arith.constant 0 : i32
        %dma_wait3A_1123 = tpu.memref_slice %arg7[%sub3A_1097, %dma_wait3A_1113, %add3A, %dma_wait3A_1121, %dma_wait3A_1122] : memref<200x8x32x8x128xf32, #tpu.memory_space<hbm>> -> memref<1x1x1x8x128xf32, #tpu.memory_space<hbm>>
        %dma_wait3A_1124 = tpu.memref_squeeze %dma_wait3A_1123 : memref<1x1x1x8x128xf32, #tpu.memory_space<hbm>> -> memref<8x128xf32, #tpu.memory_space<hbm>>
        %dma_wait3A_1125 = arith.constant 8 : i32
        %dma_wait3A_1126 = arith.constant 0 : i32
        %dma_wait3A_1127 = tpu.memref_slice %arg26[%dma_wait3A_1125, %dma_wait3A_1126] : memref<64x129xf32, #tpu.memory_space<vmem>> -> memref<8x128xf32, #tpu.memory_space<vmem>>
        tpu.wait_dma2 semaphore(%arg36 : memref<!tpu.dma_semaphore, #tpu.memory_space<semaphore_mem>>) src(%dma_wait3A_1127 : memref<8x128xf32, #tpu.memory_space<vmem>>) dst(%dma_wait3A_1124 : memref<8x128xf32, #tpu.memory_space<hbm>>)
        %dma_wait3A_1128 = arith.constant 2 : i32
        %dma_wait3A_1129 = arith.constant 16 : i32
        %dma_wait3A_1130 = arith.constant 0 : i32
        %dma_wait3A_1131 = tpu.memref_slice %arg26[%dma_wait3A_1129, %dma_wait3A_1130] : memref<64x129xf32, #tpu.memory_space<vmem>> -> memref<8x128xf32, #tpu.memory_space<vmem>>
        %dma_wait3A_1132 = arith.constant 0 : i32
        %dma_wait3A_1133 = arith.constant 0 : i32
        %dma_wait3A_1134 = tpu.memref_slice %arg7[%sub3A_1097, %dma_wait3A_1128, %add3A, %dma_wait3A_1132, %dma_wait3A_1133] : memref<200x8x32x8x128xf32, #tpu.memory_space<hbm>> -> memref<1x1x1x8x128xf32, #tpu.memory_space<hbm>>
        %dma_wait3A_1135 = tpu.memref_squeeze %dma_wait3A_1134 : memref<1x1x1x8x128xf32, #tpu.memory_space<hbm>> -> memref<8x128xf32, #tpu.memory_space<hbm>>
        %dma_wait3A_1136 = arith.constant 0 : i32
        %dma_wait3A_1137 = arith.constant 0 : i32
        %dma_wait3A_1138 = tpu.memref_slice %arg7[%sub3A_1097, %dma_wait3A_1128, %add3A, %dma_wait3A_1136, %dma_wait3A_1137] : memref<200x8x32x8x128xf32, #tpu.memory_space<hbm>> -> memref<1x1x1x8x128xf32, #tpu.memory_space<hbm>>
        %dma_wait3A_1139 = tpu.memref_squeeze %dma_wait3A_1138 : memref<1x1x1x8x128xf32, #tpu.memory_space<hbm>> -> memref<8x128xf32, #tpu.memory_space<hbm>>
        %dma_wait3A_1140 = arith.constant 16 : i32
        %dma_wait3A_1141 = arith.constant 0 : i32
        %dma_wait3A_1142 = tpu.memref_slice %arg26[%dma_wait3A_1140, %dma_wait3A_1141] : memref<64x129xf32, #tpu.memory_space<vmem>> -> memref<8x128xf32, #tpu.memory_space<vmem>>
        tpu.wait_dma2 semaphore(%arg36 : memref<!tpu.dma_semaphore, #tpu.memory_space<semaphore_mem>>) src(%dma_wait3A_1142 : memref<8x128xf32, #tpu.memory_space<vmem>>) dst(%dma_wait3A_1139 : memref<8x128xf32, #tpu.memory_space<hbm>>)
        %dma_wait3A_1143 = arith.constant 3 : i32
        %dma_wait3A_1144 = arith.constant 24 : i32
        %dma_wait3A_1145 = arith.constant 0 : i32
        %dma_wait3A_1146 = tpu.memref_slice %arg26[%dma_wait3A_1144, %dma_wait3A_1145] : memref<64x129xf32, #tpu.memory_space<vmem>> -> memref<8x128xf32, #tpu.memory_space<vmem>>
        %dma_wait3A_1147 = arith.constant 0 : i32
        %dma_wait3A_1148 = arith.constant 0 : i32
        %dma_wait3A_1149 = tpu.memref_slice %arg7[%sub3A_1097, %dma_wait3A_1143, %add3A, %dma_wait3A_1147, %dma_wait3A_1148] : memref<200x8x32x8x128xf32, #tpu.memory_space<hbm>> -> memref<1x1x1x8x128xf32, #tpu.memory_space<hbm>>
        %dma_wait3A_1150 = tpu.memref_squeeze %dma_wait3A_1149 : memref<1x1x1x8x128xf32, #tpu.memory_space<hbm>> -> memref<8x128xf32, #tpu.memory_space<hbm>>
        %dma_wait3A_1151 = arith.constant 0 : i32
        %dma_wait3A_1152 = arith.constant 0 : i32
        %dma_wait3A_1153 = tpu.memref_slice %arg7[%sub3A_1097, %dma_wait3A_1143, %add3A, %dma_wait3A_1151, %dma_wait3A_1152] : memref<200x8x32x8x128xf32, #tpu.memory_space<hbm>> -> memref<1x1x1x8x128xf32, #tpu.memory_space<hbm>>
        %dma_wait3A_1154 = tpu.memref_squeeze %dma_wait3A_1153 : memref<1x1x1x8x128xf32, #tpu.memory_space<hbm>> -> memref<8x128xf32, #tpu.memory_space<hbm>>
        %dma_wait3A_1155 = arith.constant 24 : i32
        %dma_wait3A_1156 = arith.constant 0 : i32
        %dma_wait3A_1157 = tpu.memref_slice %arg26[%dma_wait3A_1155, %dma_wait3A_1156] : memref<64x129xf32, #tpu.memory_space<vmem>> -> memref<8x128xf32, #tpu.memory_space<vmem>>
        tpu.wait_dma2 semaphore(%arg36 : memref<!tpu.dma_semaphore, #tpu.memory_space<semaphore_mem>>) src(%dma_wait3A_1157 : memref<8x128xf32, #tpu.memory_space<vmem>>) dst(%dma_wait3A_1154 : memref<8x128xf32, #tpu.memory_space<hbm>>)
        %dma_wait3A_1158 = arith.constant 4 : i32
        %dma_wait3A_1159 = arith.constant 32 : i32
        %dma_wait3A_1160 = arith.constant 0 : i32
        %dma_wait3A_1161 = tpu.memref_slice %arg26[%dma_wait3A_1159, %dma_wait3A_1160] : memref<64x129xf32, #tpu.memory_space<vmem>> -> memref<8x128xf32, #tpu.memory_space<vmem>>
        %dma_wait3A_1162 = arith.constant 0 : i32
        %dma_wait3A_1163 = arith.constant 0 : i32
        %dma_wait3A_1164 = tpu.memref_slice %arg7[%sub3A_1097, %dma_wait3A_1158, %add3A, %dma_wait3A_1162, %dma_wait3A_1163] : memref<200x8x32x8x128xf32, #tpu.memory_space<hbm>> -> memref<1x1x1x8x128xf32, #tpu.memory_space<hbm>>
        %dma_wait3A_1165 = tpu.memref_squeeze %dma_wait3A_1164 : memref<1x1x1x8x128xf32, #tpu.memory_space<hbm>> -> memref<8x128xf32, #tpu.memory_space<hbm>>
        %dma_wait3A_1166 = arith.constant 0 : i32
        %dma_wait3A_1167 = arith.constant 0 : i32
        %dma_wait3A_1168 = tpu.memref_slice %arg7[%sub3A_1097, %dma_wait3A_1158, %add3A, %dma_wait3A_1166, %dma_wait3A_1167] : memref<200x8x32x8x128xf32, #tpu.memory_space<hbm>> -> memref<1x1x1x8x128xf32, #tpu.memory_space<hbm>>
        %dma_wait3A_1169 = tpu.memref_squeeze %dma_wait3A_1168 : memref<1x1x1x8x128xf32, #tpu.memory_space<hbm>> -> memref<8x128xf32, #tpu.memory_space<hbm>>
        %dma_wait3A_1170 = arith.constant 32 : i32
        %dma_wait3A_1171 = arith.constant 0 : i32
        %dma_wait3A_1172 = tpu.memref_slice %arg26[%dma_wait3A_1170, %dma_wait3A_1171] : memref<64x129xf32, #tpu.memory_space<vmem>> -> memref<8x128xf32, #tpu.memory_space<vmem>>
        tpu.wait_dma2 semaphore(%arg36 : memref<!tpu.dma_semaphore, #tpu.memory_space<semaphore_mem>>) src(%dma_wait3A_1172 : memref<8x128xf32, #tpu.memory_space<vmem>>) dst(%dma_wait3A_1169 : memref<8x128xf32, #tpu.memory_space<hbm>>)
        %dma_wait3A_1173 = arith.constant 5 : i32
        %dma_wait3A_1174 = arith.constant 40 : i32
        %dma_wait3A_1175 = arith.constant 0 : i32
        %dma_wait3A_1176 = tpu.memref_slice %arg26[%dma_wait3A_1174, %dma_wait3A_1175] : memref<64x129xf32, #tpu.memory_space<vmem>> -> memref<8x128xf32, #tpu.memory_space<vmem>>
        %dma_wait3A_1177 = arith.constant 0 : i32
        %dma_wait3A_1178 = arith.constant 0 : i32
        %dma_wait3A_1179 = tpu.memref_slice %arg7[%sub3A_1097, %dma_wait3A_1173, %add3A, %dma_wait3A_1177, %dma_wait3A_1178] : memref<200x8x32x8x128xf32, #tpu.memory_space<hbm>> -> memref<1x1x1x8x128xf32, #tpu.memory_space<hbm>>
        %dma_wait3A_1180 = tpu.memref_squeeze %dma_wait3A_1179 : memref<1x1x1x8x128xf32, #tpu.memory_space<hbm>> -> memref<8x128xf32, #tpu.memory_space<hbm>>
        %dma_wait3A_1181 = arith.constant 0 : i32
        %dma_wait3A_1182 = arith.constant 0 : i32
        %dma_wait3A_1183 = tpu.memref_slice %arg7[%sub3A_1097, %dma_wait3A_1173, %add3A, %dma_wait3A_1181, %dma_wait3A_1182] : memref<200x8x32x8x128xf32, #tpu.memory_space<hbm>> -> memref<1x1x1x8x128xf32, #tpu.memory_space<hbm>>
        %dma_wait3A_1184 = tpu.memref_squeeze %dma_wait3A_1183 : memref<1x1x1x8x128xf32, #tpu.memory_space<hbm>> -> memref<8x128xf32, #tpu.memory_space<hbm>>
        %dma_wait3A_1185 = arith.constant 40 : i32
        %dma_wait3A_1186 = arith.constant 0 : i32
        %dma_wait3A_1187 = tpu.memref_slice %arg26[%dma_wait3A_1185, %dma_wait3A_1186] : memref<64x129xf32, #tpu.memory_space<vmem>> -> memref<8x128xf32, #tpu.memory_space<vmem>>
        tpu.wait_dma2 semaphore(%arg36 : memref<!tpu.dma_semaphore, #tpu.memory_space<semaphore_mem>>) src(%dma_wait3A_1187 : memref<8x128xf32, #tpu.memory_space<vmem>>) dst(%dma_wait3A_1184 : memref<8x128xf32, #tpu.memory_space<hbm>>)
        %dma_wait3A_1188 = arith.constant 6 : i32
        %dma_wait3A_1189 = arith.constant 48 : i32
        %dma_wait3A_1190 = arith.constant 0 : i32
        %dma_wait3A_1191 = tpu.memref_slice %arg26[%dma_wait3A_1189, %dma_wait3A_1190] : memref<64x129xf32, #tpu.memory_space<vmem>> -> memref<8x128xf32, #tpu.memory_space<vmem>>
        %dma_wait3A_1192 = arith.constant 0 : i32
        %dma_wait3A_1193 = arith.constant 0 : i32
        %dma_wait3A_1194 = tpu.memref_slice %arg7[%sub3A_1097, %dma_wait3A_1188, %add3A, %dma_wait3A_1192, %dma_wait3A_1193] : memref<200x8x32x8x128xf32, #tpu.memory_space<hbm>> -> memref<1x1x1x8x128xf32, #tpu.memory_space<hbm>>
        %dma_wait3A_1195 = tpu.memref_squeeze %dma_wait3A_1194 : memref<1x1x1x8x128xf32, #tpu.memory_space<hbm>> -> memref<8x128xf32, #tpu.memory_space<hbm>>
        %dma_wait3A_1196 = arith.constant 0 : i32
        %dma_wait3A_1197 = arith.constant 0 : i32
        %dma_wait3A_1198 = tpu.memref_slice %arg7[%sub3A_1097, %dma_wait3A_1188, %add3A, %dma_wait3A_1196, %dma_wait3A_1197] : memref<200x8x32x8x128xf32, #tpu.memory_space<hbm>> -> memref<1x1x1x8x128xf32, #tpu.memory_space<hbm>>
        %dma_wait3A_1199 = tpu.memref_squeeze %dma_wait3A_1198 : memref<1x1x1x8x128xf32, #tpu.memory_space<hbm>> -> memref<8x128xf32, #tpu.memory_space<hbm>>
        %dma_wait3A_1200 = arith.constant 48 : i32
        %dma_wait3A_1201 = arith.constant 0 : i32
        %dma_wait3A_1202 = tpu.memref_slice %arg26[%dma_wait3A_1200, %dma_wait3A_1201] : memref<64x129xf32, #tpu.memory_space<vmem>> -> memref<8x128xf32, #tpu.memory_space<vmem>>
        tpu.wait_dma2 semaphore(%arg36 : memref<!tpu.dma_semaphore, #tpu.memory_space<semaphore_mem>>) src(%dma_wait3A_1202 : memref<8x128xf32, #tpu.memory_space<vmem>>) dst(%dma_wait3A_1199 : memref<8x128xf32, #tpu.memory_space<hbm>>)
        %dma_wait3A_1203 = arith.constant 7 : i32
        %dma_wait3A_1204 = arith.constant 56 : i32
        %dma_wait3A_1205 = arith.constant 0 : i32
        %dma_wait3A_1206 = tpu.memref_slice %arg26[%dma_wait3A_1204, %dma_wait3A_1205] : memref<64x129xf32, #tpu.memory_space<vmem>> -> memref<8x128xf32, #tpu.memory_space<vmem>>
        %dma_wait3A_1207 = arith.constant 0 : i32
        %dma_wait3A_1208 = arith.constant 0 : i32
        %dma_wait3A_1209 = tpu.memref_slice %arg7[%sub3A_1097, %dma_wait3A_1203, %add3A, %dma_wait3A_1207, %dma_wait3A_1208] : memref<200x8x32x8x128xf32, #tpu.memory_space<hbm>> -> memref<1x1x1x8x128xf32, #tpu.memory_space<hbm>>
        %dma_wait3A_1210 = tpu.memref_squeeze %dma_wait3A_1209 : memref<1x1x1x8x128xf32, #tpu.memory_space<hbm>> -> memref<8x128xf32, #tpu.memory_space<hbm>>
        %dma_wait3A_1211 = arith.constant 0 : i32
        %dma_wait3A_1212 = arith.constant 0 : i32
        %dma_wait3A_1213 = tpu.memref_slice %arg7[%sub3A_1097, %dma_wait3A_1203, %add3A, %dma_wait3A_1211, %dma_wait3A_1212] : memref<200x8x32x8x128xf32, #tpu.memory_space<hbm>> -> memref<1x1x1x8x128xf32, #tpu.memory_space<hbm>>
        %dma_wait3A_1214 = tpu.memref_squeeze %dma_wait3A_1213 : memref<1x1x1x8x128xf32, #tpu.memory_space<hbm>> -> memref<8x128xf32, #tpu.memory_space<hbm>>
        %dma_wait3A_1215 = arith.constant 56 : i32
        %dma_wait3A_1216 = arith.constant 0 : i32
        %dma_wait3A_1217 = tpu.memref_slice %arg26[%dma_wait3A_1215, %dma_wait3A_1216] : memref<64x129xf32, #tpu.memory_space<vmem>> -> memref<8x128xf32, #tpu.memory_space<vmem>>
        tpu.wait_dma2 semaphore(%arg36 : memref<!tpu.dma_semaphore, #tpu.memory_space<semaphore_mem>>) src(%dma_wait3A_1217 : memref<8x128xf32, #tpu.memory_space<vmem>>) dst(%dma_wait3A_1214 : memref<8x128xf32, #tpu.memory_space<hbm>>)
      } else {
      }
      %get3A_593 = arith.index_cast %add3A_565 : i32 to index
      %get3A_594 = arith.constant 0 : index
      %get3A_595 = tpu.vector_load %arg8[%get3A_593, %get3A_594] {strides = array<i32>} : memref<200x64xf32, #tpu.memory_space<vmem>>, vector<16xf32>,
      %get3A_596 = arith.index_cast %add3A_565 : i32 to index
      %get3A_597 = arith.constant 16 : index
      %get3A_598 = tpu.vector_load %arg8[%get3A_596, %get3A_597] {strides = array<i32>} : memref<200x64xf32, #tpu.memory_space<vmem>>, vector<16xf32>,
      %get3A_599 = arith.index_cast %add3A_565 : i32 to index
      %get3A_600 = arith.constant 32 : index
      %get3A_601 = tpu.vector_load %arg8[%get3A_599, %get3A_600] {strides = array<i32>} : memref<200x64xf32, #tpu.memory_space<vmem>>, vector<16xf32>,
      %get3A_602 = arith.index_cast %add3A_565 : i32 to index
      %get3A_603 = arith.constant 48 : index
      %get3A_604 = tpu.vector_load %arg8[%get3A_602, %get3A_603] {strides = array<i32>} : memref<200x64xf32, #tpu.memory_space<vmem>>, vector<16xf32>,
      %add3A_605 = arith.constant 0 : i32
      %add3A_606 = vector.broadcast %add3A_605 : i32 to vector<16xi32>
      %add3A_607 = arith.addi %iota3A, %add3A_606 : vector<16xi32>
      %add3A_608 = arith.constant 16 : i32
      %add3A_609 = vector.broadcast %add3A_608 : i32 to vector<16xi32>
      %add3A_610 = arith.addi %iota3A, %add3A_609 : vector<16xi32>
      %add3A_611 = arith.constant 32 : i32
      %add3A_612 = vector.broadcast %add3A_611 : i32 to vector<16xi32>
      %add3A_613 = arith.addi %iota3A, %add3A_612 : vector<16xi32>
      %add3A_614 = arith.constant 48 : i32
      %add3A_615 = vector.broadcast %add3A_614 : i32 to vector<16xi32>
      %add3A_616 = arith.addi %iota3A, %add3A_615 : vector<16xi32>
      %parallel_loop3A_617 = arith.constant 0 : i32
      %parallel_loop3A_618 = arith.constant 128 : i32
      %parallel_loop3A_619 = arith.constant 1 : i32
      scf.for %parallel_loop3A_1096 = %parallel_loop3A_617 to %parallel_loop3A_618 step %parallel_loop3A_619  : i32 {
        %parallel_loop3A_1097 = vector.broadcast %parallel_loop3A_1096 : i32 to vector<16xi32>
        %parallel_loop3A_1098 = arith.index_cast %parallel_loop3A_1096 : i32 to index
        %parallel_loop3A_1099 = arith.constant 0 : index
        %parallel_loop3A_1100 = tpu.vector_load %arg18[%parallel_loop3A_1098, %parallel_loop3A_1099] {strides = array<i32>} : memref<128x64xf32, #tpu.memory_space<vmem>>, vector<16xf32>,
        %parallel_loop3A_1101 = arith.index_cast %parallel_loop3A_1096 : i32 to index
        %parallel_loop3A_1102 = arith.constant 0 : index
        %parallel_loop3A_1103 = tpu.vector_load %arg22[%parallel_loop3A_1101, %parallel_loop3A_1102] {strides = array<i32>} : memref<128x64xf32, #tpu.memory_space<vmem>>, vector<16xf32>,
        %parallel_loop3A_1104 = arith.addf %parallel_loop3A_1100, %parallel_loop3A_1103 : vector<16xf32>
        %parallel_loop3A_1105 = arith.addf %parallel_loop3A_1104, %get3A_595 : vector<16xf32>
        tpu.vector_store_idx %arg26[%add3A_607, %parallel_loop3A_1097], %parallel_loop3A_1105 : memref<64x129xf32, #tpu.memory_space<vmem>>[vector<16xi32>, vector<16xi32>], vector<16xf32>,
        %parallel_loop3A_1106 = arith.index_cast %parallel_loop3A_1096 : i32 to index
        %parallel_loop3A_1107 = arith.constant 16 : index
        %parallel_loop3A_1108 = tpu.vector_load %arg18[%parallel_loop3A_1106, %parallel_loop3A_1107] {strides = array<i32>} : memref<128x64xf32, #tpu.memory_space<vmem>>, vector<16xf32>,
        %parallel_loop3A_1109 = arith.index_cast %parallel_loop3A_1096 : i32 to index
        %parallel_loop3A_1110 = arith.constant 16 : index
        %parallel_loop3A_1111 = tpu.vector_load %arg22[%parallel_loop3A_1109, %parallel_loop3A_1110] {strides = array<i32>} : memref<128x64xf32, #tpu.memory_space<vmem>>, vector<16xf32>,
        %parallel_loop3A_1112 = arith.addf %parallel_loop3A_1108, %parallel_loop3A_1111 : vector<16xf32>
        %parallel_loop3A_1113 = arith.addf %parallel_loop3A_1112, %get3A_598 : vector<16xf32>
        tpu.vector_store_idx %arg26[%add3A_610, %parallel_loop3A_1097], %parallel_loop3A_1113 : memref<64x129xf32, #tpu.memory_space<vmem>>[vector<16xi32>, vector<16xi32>], vector<16xf32>,
        %parallel_loop3A_1114 = arith.index_cast %parallel_loop3A_1096 : i32 to index
        %parallel_loop3A_1115 = arith.constant 32 : index
        %parallel_loop3A_1116 = tpu.vector_load %arg18[%parallel_loop3A_1114, %parallel_loop3A_1115] {strides = array<i32>} : memref<128x64xf32, #tpu.memory_space<vmem>>, vector<16xf32>,
        %parallel_loop3A_1117 = arith.index_cast %parallel_loop3A_1096 : i32 to index
        %parallel_loop3A_1118 = arith.constant 32 : index
        %parallel_loop3A_1119 = tpu.vector_load %arg22[%parallel_loop3A_1117, %parallel_loop3A_1118] {strides = array<i32>} : memref<128x64xf32, #tpu.memory_space<vmem>>, vector<16xf32>,
        %parallel_loop3A_1120 = arith.addf %parallel_loop3A_1116, %parallel_loop3A_1119 : vector<16xf32>
        %parallel_loop3A_1121 = arith.addf %parallel_loop3A_1120, %get3A_601 : vector<16xf32>
        tpu.vector_store_idx %arg26[%add3A_613, %parallel_loop3A_1097], %parallel_loop3A_1121 : memref<64x129xf32, #tpu.memory_space<vmem>>[vector<16xi32>, vector<16xi32>], vector<16xf32>,
        %parallel_loop3A_1122 = arith.index_cast %parallel_loop3A_1096 : i32 to index
        %parallel_loop3A_1123 = arith.constant 48 : index
        %parallel_loop3A_1124 = tpu.vector_load %arg18[%parallel_loop3A_1122, %parallel_loop3A_1123] {strides = array<i32>} : memref<128x64xf32, #tpu.memory_space<vmem>>, vector<16xf32>,
        %parallel_loop3A_1125 = arith.index_cast %parallel_loop3A_1096 : i32 to index
        %parallel_loop3A_1126 = arith.constant 48 : index
        %parallel_loop3A_1127 = tpu.vector_load %arg22[%parallel_loop3A_1125, %parallel_loop3A_1126] {strides = array<i32>} : memref<128x64xf32, #tpu.memory_space<vmem>>, vector<16xf32>,
        %parallel_loop3A_1128 = arith.addf %parallel_loop3A_1124, %parallel_loop3A_1127 : vector<16xf32>
        %parallel_loop3A_1129 = arith.addf %parallel_loop3A_1128, %get3A_604 : vector<16xf32>
        tpu.vector_store_idx %arg26[%add3A_616, %parallel_loop3A_1097], %parallel_loop3A_1129 : memref<64x129xf32, #tpu.memory_space<vmem>>[vector<16xi32>, vector<16xi32>], vector<16xf32>,
      } {sc.loop_unroll_factor = 4 : i64, sc.parallel_access}
      %dma_start3A_620 = arith.constant 0 : i32
      %dma_start3A_621 = arith.constant 0 : i32
      %dma_start3A_622 = arith.constant 0 : i32
      %dma_start3A_623 = tpu.memref_slice %arg26[%dma_start3A_621, %dma_start3A_622] : memref<64x129xf32, #tpu.memory_space<vmem>> -> memref<8x128xf32, #tpu.memory_space<vmem>>
      %dma_start3A_624 = arith.constant 0 : i32
      %dma_start3A_625 = arith.constant 0 : i32
      %dma_start3A_626 = tpu.memref_slice %arg7[%add3A_565, %dma_start3A_620, %add3A, %dma_start3A_624, %dma_start3A_625] : memref<200x8x32x8x128xf32, #tpu.memory_space<hbm>> -> memref<1x1x1x8x128xf32, #tpu.memory_space<hbm>>
      %dma_start3A_627 = tpu.memref_squeeze %dma_start3A_626 : memref<1x1x1x8x128xf32, #tpu.memory_space<hbm>> -> memref<8x128xf32, #tpu.memory_space<hbm>>
      %dma_start3A_628 = arith.constant 0 : i32
      %dma_start3A_629 = arith.constant 0 : i32
      %dma_start3A_630 = tpu.memref_slice %arg7[%add3A_565, %dma_start3A_620, %add3A, %dma_start3A_628, %dma_start3A_629] : memref<200x8x32x8x128xf32, #tpu.memory_space<hbm>> -> memref<1x1x1x8x128xf32, #tpu.memory_space<hbm>>
      %dma_start3A_631 = tpu.memref_squeeze %dma_start3A_630 : memref<1x1x1x8x128xf32, #tpu.memory_space<hbm>> -> memref<8x128xf32, #tpu.memory_space<hbm>>
      %dma_start3A_632 = arith.constant 0 : i32
      %dma_start3A_633 = arith.constant 0 : i32
      %dma_start3A_634 = tpu.memref_slice %arg26[%dma_start3A_632, %dma_start3A_633] : memref<64x129xf32, #tpu.memory_space<vmem>> -> memref<8x128xf32, #tpu.memory_space<vmem>>
      tpu.enqueue_dma source(%dma_start3A_634 : memref<8x128xf32, #tpu.memory_space<vmem>>) target(%dma_start3A_631 : memref<8x128xf32, #tpu.memory_space<hbm>>) target_semaphore(%arg36 : memref<!tpu.dma_semaphore, #tpu.memory_space<semaphore_mem>>)
      %dma_start3A_635 = arith.constant 1 : i32
      %dma_start3A_636 = arith.constant 8 : i32
      %dma_start3A_637 = arith.constant 0 : i32
      %dma_start3A_638 = tpu.memref_slice %arg26[%dma_start3A_636, %dma_start3A_637] : memref<64x129xf32, #tpu.memory_space<vmem>> -> memref<8x128xf32, #tpu.memory_space<vmem>>
      %dma_start3A_639 = arith.constant 0 : i32
      %dma_start3A_640 = arith.constant 0 : i32
      %dma_start3A_641 = tpu.memref_slice %arg7[%add3A_565, %dma_start3A_635, %add3A, %dma_start3A_639, %dma_start3A_640] : memref<200x8x32x8x128xf32, #tpu.memory_space<hbm>> -> memref<1x1x1x8x128xf32, #tpu.memory_space<hbm>>
      %dma_start3A_642 = tpu.memref_squeeze %dma_start3A_641 : memref<1x1x1x8x128xf32, #tpu.memory_space<hbm>> -> memref<8x128xf32, #tpu.memory_space<hbm>>
      %dma_start3A_643 = arith.constant 0 : i32
      %dma_start3A_644 = arith.constant 0 : i32
      %dma_start3A_645 = tpu.memref_slice %arg7[%add3A_565, %dma_start3A_635, %add3A, %dma_start3A_643, %dma_start3A_644] : memref<200x8x32x8x128xf32, #tpu.memory_space<hbm>> -> memref<1x1x1x8x128xf32, #tpu.memory_space<hbm>>
      %dma_start3A_646 = tpu.memref_squeeze %dma_start3A_645 : memref<1x1x1x8x128xf32, #tpu.memory_space<hbm>> -> memref<8x128xf32, #tpu.memory_space<hbm>>
      %dma_start3A_647 = arith.constant 8 : i32
      %dma_start3A_648 = arith.constant 0 : i32
      %dma_start3A_649 = tpu.memref_slice %arg26[%dma_start3A_647, %dma_start3A_648] : memref<64x129xf32, #tpu.memory_space<vmem>> -> memref<8x128xf32, #tpu.memory_space<vmem>>
      tpu.enqueue_dma source(%dma_start3A_649 : memref<8x128xf32, #tpu.memory_space<vmem>>) target(%dma_start3A_646 : memref<8x128xf32, #tpu.memory_space<hbm>>) target_semaphore(%arg36 : memref<!tpu.dma_semaphore, #tpu.memory_space<semaphore_mem>>)
      %dma_start3A_650 = arith.constant 2 : i32
      %dma_start3A_651 = arith.constant 16 : i32
      %dma_start3A_652 = arith.constant 0 : i32
      %dma_start3A_653 = tpu.memref_slice %arg26[%dma_start3A_651, %dma_start3A_652] : memref<64x129xf32, #tpu.memory_space<vmem>> -> memref<8x128xf32, #tpu.memory_space<vmem>>
      %dma_start3A_654 = arith.constant 0 : i32
      %dma_start3A_655 = arith.constant 0 : i32
      %dma_start3A_656 = tpu.memref_slice %arg7[%add3A_565, %dma_start3A_650, %add3A, %dma_start3A_654, %dma_start3A_655] : memref<200x8x32x8x128xf32, #tpu.memory_space<hbm>> -> memref<1x1x1x8x128xf32, #tpu.memory_space<hbm>>
      %dma_start3A_657 = tpu.memref_squeeze %dma_start3A_656 : memref<1x1x1x8x128xf32, #tpu.memory_space<hbm>> -> memref<8x128xf32, #tpu.memory_space<hbm>>
      %dma_start3A_658 = arith.constant 0 : i32
      %dma_start3A_659 = arith.constant 0 : i32
      %dma_start3A_660 = tpu.memref_slice %arg7[%add3A_565, %dma_start3A_650, %add3A, %dma_start3A_658, %dma_start3A_659] : memref<200x8x32x8x128xf32, #tpu.memory_space<hbm>> -> memref<1x1x1x8x128xf32, #tpu.memory_space<hbm>>
      %dma_start3A_661 = tpu.memref_squeeze %dma_start3A_660 : memref<1x1x1x8x128xf32, #tpu.memory_space<hbm>> -> memref<8x128xf32, #tpu.memory_space<hbm>>
      %dma_start3A_662 = arith.constant 16 : i32
      %dma_start3A_663 = arith.constant 0 : i32
      %dma_start3A_664 = tpu.memref_slice %arg26[%dma_start3A_662, %dma_start3A_663] : memref<64x129xf32, #tpu.memory_space<vmem>> -> memref<8x128xf32, #tpu.memory_space<vmem>>
      tpu.enqueue_dma source(%dma_start3A_664 : memref<8x128xf32, #tpu.memory_space<vmem>>) target(%dma_start3A_661 : memref<8x128xf32, #tpu.memory_space<hbm>>) target_semaphore(%arg36 : memref<!tpu.dma_semaphore, #tpu.memory_space<semaphore_mem>>)
      %dma_start3A_665 = arith.constant 3 : i32
      %dma_start3A_666 = arith.constant 24 : i32
      %dma_start3A_667 = arith.constant 0 : i32
      %dma_start3A_668 = tpu.memref_slice %arg26[%dma_start3A_666, %dma_start3A_667] : memref<64x129xf32, #tpu.memory_space<vmem>> -> memref<8x128xf32, #tpu.memory_space<vmem>>
      %dma_start3A_669 = arith.constant 0 : i32
      %dma_start3A_670 = arith.constant 0 : i32
      %dma_start3A_671 = tpu.memref_slice %arg7[%add3A_565, %dma_start3A_665, %add3A, %dma_start3A_669, %dma_start3A_670] : memref<200x8x32x8x128xf32, #tpu.memory_space<hbm>> -> memref<1x1x1x8x128xf32, #tpu.memory_space<hbm>>
      %dma_start3A_672 = tpu.memref_squeeze %dma_start3A_671 : memref<1x1x1x8x128xf32, #tpu.memory_space<hbm>> -> memref<8x128xf32, #tpu.memory_space<hbm>>
      %dma_start3A_673 = arith.constant 0 : i32
      %dma_start3A_674 = arith.constant 0 : i32
      %dma_start3A_675 = tpu.memref_slice %arg7[%add3A_565, %dma_start3A_665, %add3A, %dma_start3A_673, %dma_start3A_674] : memref<200x8x32x8x128xf32, #tpu.memory_space<hbm>> -> memref<1x1x1x8x128xf32, #tpu.memory_space<hbm>>
      %dma_start3A_676 = tpu.memref_squeeze %dma_start3A_675 : memref<1x1x1x8x128xf32, #tpu.memory_space<hbm>> -> memref<8x128xf32, #tpu.memory_space<hbm>>
      %dma_start3A_677 = arith.constant 24 : i32
      %dma_start3A_678 = arith.constant 0 : i32
      %dma_start3A_679 = tpu.memref_slice %arg26[%dma_start3A_677, %dma_start3A_678] : memref<64x129xf32, #tpu.memory_space<vmem>> -> memref<8x128xf32, #tpu.memory_space<vmem>>
      tpu.enqueue_dma source(%dma_start3A_679 : memref<8x128xf32, #tpu.memory_space<vmem>>) target(%dma_start3A_676 : memref<8x128xf32, #tpu.memory_space<hbm>>) target_semaphore(%arg36 : memref<!tpu.dma_semaphore, #tpu.memory_space<semaphore_mem>>)
      %dma_start3A_680 = arith.constant 4 : i32
      %dma_start3A_681 = arith.constant 32 : i32
      %dma_start3A_682 = arith.constant 0 : i32
      %dma_start3A_683 = tpu.memref_slice %arg26[%dma_start3A_681, %dma_start3A_682] : memref<64x129xf32, #tpu.memory_space<vmem>> -> memref<8x128xf32, #tpu.memory_space<vmem>>
      %dma_start3A_684 = arith.constant 0 : i32
      %dma_start3A_685 = arith.constant 0 : i32
      %dma_start3A_686 = tpu.memref_slice %arg7[%add3A_565, %dma_start3A_680, %add3A, %dma_start3A_684, %dma_start3A_685] : memref<200x8x32x8x128xf32, #tpu.memory_space<hbm>> -> memref<1x1x1x8x128xf32, #tpu.memory_space<hbm>>
      %dma_start3A_687 = tpu.memref_squeeze %dma_start3A_686 : memref<1x1x1x8x128xf32, #tpu.memory_space<hbm>> -> memref<8x128xf32, #tpu.memory_space<hbm>>
      %dma_start3A_688 = arith.constant 0 : i32
      %dma_start3A_689 = arith.constant 0 : i32
      %dma_start3A_690 = tpu.memref_slice %arg7[%add3A_565, %dma_start3A_680, %add3A, %dma_start3A_688, %dma_start3A_689] : memref<200x8x32x8x128xf32, #tpu.memory_space<hbm>> -> memref<1x1x1x8x128xf32, #tpu.memory_space<hbm>>
      %dma_start3A_691 = tpu.memref_squeeze %dma_start3A_690 : memref<1x1x1x8x128xf32, #tpu.memory_space<hbm>> -> memref<8x128xf32, #tpu.memory_space<hbm>>
      %dma_start3A_692 = arith.constant 32 : i32
      %dma_start3A_693 = arith.constant 0 : i32
      %dma_start3A_694 = tpu.memref_slice %arg26[%dma_start3A_692, %dma_start3A_693] : memref<64x129xf32, #tpu.memory_space<vmem>> -> memref<8x128xf32, #tpu.memory_space<vmem>>
      tpu.enqueue_dma source(%dma_start3A_694 : memref<8x128xf32, #tpu.memory_space<vmem>>) target(%dma_start3A_691 : memref<8x128xf32, #tpu.memory_space<hbm>>) target_semaphore(%arg36 : memref<!tpu.dma_semaphore, #tpu.memory_space<semaphore_mem>>)
      %dma_start3A_695 = arith.constant 5 : i32
      %dma_start3A_696 = arith.constant 40 : i32
      %dma_start3A_697 = arith.constant 0 : i32
      %dma_start3A_698 = tpu.memref_slice %arg26[%dma_start3A_696, %dma_start3A_697] : memref<64x129xf32, #tpu.memory_space<vmem>> -> memref<8x128xf32, #tpu.memory_space<vmem>>
      %dma_start3A_699 = arith.constant 0 : i32
      %dma_start3A_700 = arith.constant 0 : i32
      %dma_start3A_701 = tpu.memref_slice %arg7[%add3A_565, %dma_start3A_695, %add3A, %dma_start3A_699, %dma_start3A_700] : memref<200x8x32x8x128xf32, #tpu.memory_space<hbm>> -> memref<1x1x1x8x128xf32, #tpu.memory_space<hbm>>
      %dma_start3A_702 = tpu.memref_squeeze %dma_start3A_701 : memref<1x1x1x8x128xf32, #tpu.memory_space<hbm>> -> memref<8x128xf32, #tpu.memory_space<hbm>>
      %dma_start3A_703 = arith.constant 0 : i32
      %dma_start3A_704 = arith.constant 0 : i32
      %dma_start3A_705 = tpu.memref_slice %arg7[%add3A_565, %dma_start3A_695, %add3A, %dma_start3A_703, %dma_start3A_704] : memref<200x8x32x8x128xf32, #tpu.memory_space<hbm>> -> memref<1x1x1x8x128xf32, #tpu.memory_space<hbm>>
      %dma_start3A_706 = tpu.memref_squeeze %dma_start3A_705 : memref<1x1x1x8x128xf32, #tpu.memory_space<hbm>> -> memref<8x128xf32, #tpu.memory_space<hbm>>
      %dma_start3A_707 = arith.constant 40 : i32
      %dma_start3A_708 = arith.constant 0 : i32
      %dma_start3A_709 = tpu.memref_slice %arg26[%dma_start3A_707, %dma_start3A_708] : memref<64x129xf32, #tpu.memory_space<vmem>> -> memref<8x128xf32, #tpu.memory_space<vmem>>
      tpu.enqueue_dma source(%dma_start3A_709 : memref<8x128xf32, #tpu.memory_space<vmem>>) target(%dma_start3A_706 : memref<8x128xf32, #tpu.memory_space<hbm>>) target_semaphore(%arg36 : memref<!tpu.dma_semaphore, #tpu.memory_space<semaphore_mem>>)
      %dma_start3A_710 = arith.constant 6 : i32
      %dma_start3A_711 = arith.constant 48 : i32
      %dma_start3A_712 = arith.constant 0 : i32
      %dma_start3A_713 = tpu.memref_slice %arg26[%dma_start3A_711, %dma_start3A_712] : memref<64x129xf32, #tpu.memory_space<vmem>> -> memref<8x128xf32, #tpu.memory_space<vmem>>
      %dma_start3A_714 = arith.constant 0 : i32
      %dma_start3A_715 = arith.constant 0 : i32
      %dma_start3A_716 = tpu.memref_slice %arg7[%add3A_565, %dma_start3A_710, %add3A, %dma_start3A_714, %dma_start3A_715] : memref<200x8x32x8x128xf32, #tpu.memory_space<hbm>> -> memref<1x1x1x8x128xf32, #tpu.memory_space<hbm>>
      %dma_start3A_717 = tpu.memref_squeeze %dma_start3A_716 : memref<1x1x1x8x128xf32, #tpu.memory_space<hbm>> -> memref<8x128xf32, #tpu.memory_space<hbm>>
      %dma_start3A_718 = arith.constant 0 : i32
      %dma_start3A_719 = arith.constant 0 : i32
      %dma_start3A_720 = tpu.memref_slice %arg7[%add3A_565, %dma_start3A_710, %add3A, %dma_start3A_718, %dma_start3A_719] : memref<200x8x32x8x128xf32, #tpu.memory_space<hbm>> -> memref<1x1x1x8x128xf32, #tpu.memory_space<hbm>>
      %dma_start3A_721 = tpu.memref_squeeze %dma_start3A_720 : memref<1x1x1x8x128xf32, #tpu.memory_space<hbm>> -> memref<8x128xf32, #tpu.memory_space<hbm>>
      %dma_start3A_722 = arith.constant 48 : i32
      %dma_start3A_723 = arith.constant 0 : i32
      %dma_start3A_724 = tpu.memref_slice %arg26[%dma_start3A_722, %dma_start3A_723] : memref<64x129xf32, #tpu.memory_space<vmem>> -> memref<8x128xf32, #tpu.memory_space<vmem>>
      tpu.enqueue_dma source(%dma_start3A_724 : memref<8x128xf32, #tpu.memory_space<vmem>>) target(%dma_start3A_721 : memref<8x128xf32, #tpu.memory_space<hbm>>) target_semaphore(%arg36 : memref<!tpu.dma_semaphore, #tpu.memory_space<semaphore_mem>>)
      %dma_start3A_725 = arith.constant 7 : i32
      %dma_start3A_726 = arith.constant 56 : i32
      %dma_start3A_727 = arith.constant 0 : i32
      %dma_start3A_728 = tpu.memref_slice %arg26[%dma_start3A_726, %dma_start3A_727] : memref<64x129xf32, #tpu.memory_space<vmem>> -> memref<8x128xf32, #tpu.memory_space<vmem>>
      %dma_start3A_729 = arith.constant 0 : i32
      %dma_start3A_730 = arith.constant 0 : i32
      %dma_start3A_731 = tpu.memref_slice %arg7[%add3A_565, %dma_start3A_725, %add3A, %dma_start3A_729, %dma_start3A_730] : memref<200x8x32x8x128xf32, #tpu.memory_space<hbm>> -> memref<1x1x1x8x128xf32, #tpu.memory_space<hbm>>
      %dma_start3A_732 = tpu.memref_squeeze %dma_start3A_731 : memref<1x1x1x8x128xf32, #tpu.memory_space<hbm>> -> memref<8x128xf32, #tpu.memory_space<hbm>>
      %dma_start3A_733 = arith.constant 0 : i32
      %dma_start3A_734 = arith.constant 0 : i32
      %dma_start3A_735 = tpu.memref_slice %arg7[%add3A_565, %dma_start3A_725, %add3A, %dma_start3A_733, %dma_start3A_734] : memref<200x8x32x8x128xf32, #tpu.memory_space<hbm>> -> memref<1x1x1x8x128xf32, #tpu.memory_space<hbm>>
      %dma_start3A_736 = tpu.memref_squeeze %dma_start3A_735 : memref<1x1x1x8x128xf32, #tpu.memory_space<hbm>> -> memref<8x128xf32, #tpu.memory_space<hbm>>
      %dma_start3A_737 = arith.constant 56 : i32
      %dma_start3A_738 = arith.constant 0 : i32
      %dma_start3A_739 = tpu.memref_slice %arg26[%dma_start3A_737, %dma_start3A_738] : memref<64x129xf32, #tpu.memory_space<vmem>> -> memref<8x128xf32, #tpu.memory_space<vmem>>
      tpu.enqueue_dma source(%dma_start3A_739 : memref<8x128xf32, #tpu.memory_space<vmem>>) target(%dma_start3A_736 : memref<8x128xf32, #tpu.memory_space<hbm>>) target_semaphore(%arg36 : memref<!tpu.dma_semaphore, #tpu.memory_space<semaphore_mem>>)
      %mul3A_740 = arith.constant 4 : i32
      %mul3A_741 = arith.muli %scan3A_390, %mul3A_740 : i32
      %add3A_742 = arith.constant 2 : i32
      %add3A_743 = arith.addi %mul3A_741, %add3A_742 : i32
      %dma_wait3A_744 = arith.constant 0 : i32
      %dma_wait3A_745 = arith.constant 0 : i32
      %dma_wait3A_746 = tpu.memref_slice %arg4[%dma_wait3A_744, %dma_wait3A_745] : memref<100000x64xf32, #tpu.memory_space<hbm>> -> memref<100000x64xf32, #tpu.memory_space<hbm>>
      tpu.wait_indirect_dma semaphore(%arg33 : memref<!tpu.dma_semaphore, #tpu.memory_space<semaphore_mem>>) src(%dma_wait3A_746 : memref<100000x64xf32, #tpu.memory_space<hbm>>) dst(%arg19 : memref<128x64xf32, #tpu.memory_space<vmem>>)
      %dma_wait3A_747 = arith.constant 0 : i32
      %dma_wait3A_748 = arith.constant 0 : i32
      %dma_wait3A_749 = tpu.memref_slice %arg5[%dma_wait3A_747, %dma_wait3A_748] : memref<100000x64xf32, #tpu.memory_space<hbm>> -> memref<100000x64xf32, #tpu.memory_space<hbm>>
      tpu.wait_indirect_dma semaphore(%arg33 : memref<!tpu.dma_semaphore, #tpu.memory_space<semaphore_mem>>) src(%dma_wait3A_749 : memref<100000x64xf32, #tpu.memory_space<hbm>>) dst(%arg23 : memref<128x64xf32, #tpu.memory_space<vmem>>)
      %add3A_750 = arith.constant 4 : i32
      %add3A_751 = arith.addi %add3A_743, %add3A_750 : i32
      %lt3A_752 = arith.constant 200 : i32
      %lt3A_753 = arith.cmpi slt, %add3A_751, %lt3A_752 : i32
      %convert_element_type3A_754 = arith.extui %lt3A_753 : i1 to i32
      %cond3A_755 = arith.constant 0 : i32
      %cond3A_756 = arith.cmpi ne, %convert_element_type3A_754, %cond3A_755 : i32
      scf.if %cond3A_756 {
        %add3A_1096 = arith.constant 4 : i32
        %add3A_1097 = arith.addi %add3A_743, %add3A_1096 : i32
        %jit3A = arith.constant 8 : i32
        %div3A = arith.divsi %add3A_1097, %jit3A : i32
        %sign3A = arith.constant 0 : i32
        %sign3A_1098 = arith.cmpi sgt, %add3A_1097, %sign3A : i32
        %sign3A_1099 = arith.extui %sign3A_1098 : i1 to i32
        %sign3A_1100 = arith.constant 0 : i32
        %sign3A_1101 = arith.cmpi slt, %add3A_1097, %sign3A_1100 : i32
        %sign3A_1102 = arith.extui %sign3A_1101 : i1 to i32
        %sign3A_1103 = arith.subi %sign3A_1099, %sign3A_1102 : i32
        %sign3A_1104 = arith.constant 0 : i32
        %sign3A_1105 = arith.cmpi sgt, %jit3A, %sign3A_1104 : i32
        %sign3A_1106 = arith.extui %sign3A_1105 : i1 to i32
        %sign3A_1107 = arith.constant 0 : i32
        %sign3A_1108 = arith.cmpi slt, %jit3A, %sign3A_1107 : i32
        %sign3A_1109 = arith.extui %sign3A_1108 : i1 to i32
        %sign3A_1110 = arith.subi %sign3A_1106, %sign3A_1109 : i32
        %ne3A = arith.cmpi ne, %sign3A_1103, %sign3A_1110 : i32
        %rem3A = arith.remsi %add3A_1097, %jit3A : i32
        %ne3A_1111 = arith.constant 0 : i32
        %ne3A_1112 = arith.cmpi ne, %rem3A, %ne3A_1111 : i32
        %and3A = arith.andi %ne3A, %ne3A_1112 : i1
        %sub3A_1113 = arith.constant 1 : i32
        %sub3A_1114 = arith.subi %div3A, %sub3A_1113 : i32
        %select_n3A = arith.select %and3A, %sub3A_1114, %div3A : i32
        %jit3A_1115 = arith.constant 8 : i32
        %eq3A = arith.constant 0 : i32
        %eq3A_1116 = arith.cmpi eq, %jit3A_1115, %eq3A : i32
        %jit3A_1117 = arith.constant 1 : i32
        %select_n3A_1118 = arith.select %eq3A_1116, %jit3A_1117, %jit3A_1115 : i32
        %rem3A_1119 = arith.remsi %add3A_1097, %select_n3A_1118 : i32
        %ne3A_1120 = arith.constant 0 : i32
        %ne3A_1121 = arith.cmpi ne, %rem3A_1119, %ne3A_1120 : i32
        %lt3A_1122 = arith.constant 0 : i32
        %lt3A_1123 = arith.cmpi slt, %rem3A_1119, %lt3A_1122 : i32
        %lt3A_1124 = arith.constant 0 : i32
        %lt3A_1125 = arith.cmpi slt, %select_n3A_1118, %lt3A_1124 : i32
        %ne3A_1126 = arith.xori %lt3A_1123, %lt3A_1125 : i1
        %and3A_1127 = arith.andi %ne3A_1126, %ne3A_1121 : i1
        %add3A_1128 = arith.addi %rem3A_1119, %select_n3A_1118 : i32
        %select_n3A_1129 = arith.select %and3A_1127, %add3A_1128, %rem3A_1119 : i32
        %dma_start3A_1130 = arith.constant 0 : i32
        %dma_start3A_1131 = tpu.memref_slice %arg2[%select_n3A, %add3A, %select_n3A_1129, %dma_start3A_1130] : memref<25x32x8x128xi32, #tpu.memory_space<hbm>> -> memref<1x1x1x128xi32, #tpu.memory_space<hbm>>
        %dma_start3A_1132 = tpu.memref_squeeze %dma_start3A_1131 : memref<1x1x1x128xi32, #tpu.memory_space<hbm>> -> memref<128xi32, #tpu.memory_space<hbm>>
        %dma_start3A_1133 = arith.constant 0 : i32
        %dma_start3A_1134 = tpu.memref_slice %arg2[%select_n3A, %add3A, %select_n3A_1129, %dma_start3A_1133] : memref<25x32x8x128xi32, #tpu.memory_space<hbm>> -> memref<1x1x1x128xi32, #tpu.memory_space<hbm>>
        %dma_start3A_1135 = tpu.memref_squeeze %dma_start3A_1134 : memref<1x1x1x128xi32, #tpu.memory_space<hbm>> -> memref<128xi32, #tpu.memory_space<hbm>>
        tpu.enqueue_dma source(%dma_start3A_1135 : memref<128xi32, #tpu.memory_space<hbm>>) target(%arg11 : memref<128xi32, #tpu.memory_space<vmem>>) target_semaphore(%arg29 : memref<!tpu.dma_semaphore, #tpu.memory_space<semaphore_mem>>)
        %dma_start3A_1136 = arith.constant 0 : i32
        %dma_start3A_1137 = tpu.memref_slice %arg3[%select_n3A, %add3A, %select_n3A_1129, %dma_start3A_1136] : memref<25x32x8x128xi32, #tpu.memory_space<hbm>> -> memref<1x1x1x128xi32, #tpu.memory_space<hbm>>
        %dma_start3A_1138 = tpu.memref_squeeze %dma_start3A_1137 : memref<1x1x1x128xi32, #tpu.memory_space<hbm>> -> memref<128xi32, #tpu.memory_space<hbm>>
        %dma_start3A_1139 = arith.constant 0 : i32
        %dma_start3A_1140 = tpu.memref_slice %arg3[%select_n3A, %add3A, %select_n3A_1129, %dma_start3A_1139] : memref<25x32x8x128xi32, #tpu.memory_space<hbm>> -> memref<1x1x1x128xi32, #tpu.memory_space<hbm>>
        %dma_start3A_1141 = tpu.memref_squeeze %dma_start3A_1140 : memref<1x1x1x128xi32, #tpu.memory_space<hbm>> -> memref<128xi32, #tpu.memory_space<hbm>>
        tpu.enqueue_dma source(%dma_start3A_1141 : memref<128xi32, #tpu.memory_space<hbm>>) target(%arg15 : memref<128xi32, #tpu.memory_space<vmem>>) target_semaphore(%arg29 : memref<!tpu.dma_semaphore, #tpu.memory_space<semaphore_mem>>)
      } else {
      }
      %add3A_757 = arith.constant 4 : i32
      %add3A_758 = arith.addi %add3A_743, %add3A_757 : i32
      %sub3A_759 = arith.constant 1 : i32
      %sub3A_760 = arith.subi %add3A_758, %sub3A_759 : i32
      %lt3A_761 = arith.constant 200 : i32
      %lt3A_762 = arith.cmpi slt, %sub3A_760, %lt3A_761 : i32
      %convert_element_type3A_763 = arith.extui %lt3A_762 : i1 to i32
      %cond3A_764 = arith.constant 0 : i32
      %cond3A_765 = arith.cmpi ne, %convert_element_type3A_763, %cond3A_764 : i32
      scf.if %cond3A_765 {
        %jit3A = arith.constant 8 : i32
        %div3A = arith.divsi %sub3A_760, %jit3A : i32
        %sign3A = arith.constant 0 : i32
        %sign3A_1096 = arith.cmpi sgt, %sub3A_760, %sign3A : i32
        %sign3A_1097 = arith.extui %sign3A_1096 : i1 to i32
        %sign3A_1098 = arith.constant 0 : i32
        %sign3A_1099 = arith.cmpi slt, %sub3A_760, %sign3A_1098 : i32
        %sign3A_1100 = arith.extui %sign3A_1099 : i1 to i32
        %sign3A_1101 = arith.subi %sign3A_1097, %sign3A_1100 : i32
        %sign3A_1102 = arith.constant 0 : i32
        %sign3A_1103 = arith.cmpi sgt, %jit3A, %sign3A_1102 : i32
        %sign3A_1104 = arith.extui %sign3A_1103 : i1 to i32
        %sign3A_1105 = arith.constant 0 : i32
        %sign3A_1106 = arith.cmpi slt, %jit3A, %sign3A_1105 : i32
        %sign3A_1107 = arith.extui %sign3A_1106 : i1 to i32
        %sign3A_1108 = arith.subi %sign3A_1104, %sign3A_1107 : i32
        %ne3A = arith.cmpi ne, %sign3A_1101, %sign3A_1108 : i32
        %rem3A = arith.remsi %sub3A_760, %jit3A : i32
        %ne3A_1109 = arith.constant 0 : i32
        %ne3A_1110 = arith.cmpi ne, %rem3A, %ne3A_1109 : i32
        %and3A = arith.andi %ne3A, %ne3A_1110 : i1
        %sub3A_1111 = arith.constant 1 : i32
        %sub3A_1112 = arith.subi %div3A, %sub3A_1111 : i32
        %select_n3A = arith.select %and3A, %sub3A_1112, %div3A : i32
        %jit3A_1113 = arith.constant 8 : i32
        %eq3A = arith.constant 0 : i32
        %eq3A_1114 = arith.cmpi eq, %jit3A_1113, %eq3A : i32
        %jit3A_1115 = arith.constant 1 : i32
        %select_n3A_1116 = arith.select %eq3A_1114, %jit3A_1115, %jit3A_1113 : i32
        %rem3A_1117 = arith.remsi %sub3A_760, %select_n3A_1116 : i32
        %ne3A_1118 = arith.constant 0 : i32
        %ne3A_1119 = arith.cmpi ne, %rem3A_1117, %ne3A_1118 : i32
        %lt3A_1120 = arith.constant 0 : i32
        %lt3A_1121 = arith.cmpi slt, %rem3A_1117, %lt3A_1120 : i32
        %lt3A_1122 = arith.constant 0 : i32
        %lt3A_1123 = arith.cmpi slt, %select_n3A_1116, %lt3A_1122 : i32
        %ne3A_1124 = arith.xori %lt3A_1121, %lt3A_1123 : i1
        %and3A_1125 = arith.andi %ne3A_1124, %ne3A_1119 : i1
        %add3A_1126 = arith.addi %rem3A_1117, %select_n3A_1116 : i32
        %select_n3A_1127 = arith.select %and3A_1125, %add3A_1126, %rem3A_1117 : i32
        %dma_wait3A_1128 = arith.constant 0 : i32
        %dma_wait3A_1129 = tpu.memref_slice %arg2[%select_n3A, %add3A, %select_n3A_1127, %dma_wait3A_1128] : memref<25x32x8x128xi32, #tpu.memory_space<hbm>> -> memref<1x1x1x128xi32, #tpu.memory_space<hbm>>
        %dma_wait3A_1130 = tpu.memref_squeeze %dma_wait3A_1129 : memref<1x1x1x128xi32, #tpu.memory_space<hbm>> -> memref<128xi32, #tpu.memory_space<hbm>>
        %dma_wait3A_1131 = arith.constant 0 : i32
        %dma_wait3A_1132 = tpu.memref_slice %arg2[%select_n3A, %add3A, %select_n3A_1127, %dma_wait3A_1131] : memref<25x32x8x128xi32, #tpu.memory_space<hbm>> -> memref<1x1x1x128xi32, #tpu.memory_space<hbm>>
        %dma_wait3A_1133 = tpu.memref_squeeze %dma_wait3A_1132 : memref<1x1x1x128xi32, #tpu.memory_space<hbm>> -> memref<128xi32, #tpu.memory_space<hbm>>
        tpu.wait_dma2 semaphore(%arg28 : memref<!tpu.dma_semaphore, #tpu.memory_space<semaphore_mem>>) src(%dma_wait3A_1133 : memref<128xi32, #tpu.memory_space<hbm>>) dst(%arg10 : memref<128xi32, #tpu.memory_space<vmem>>)
        %dma_wait3A_1134 = arith.constant 0 : i32
        %dma_wait3A_1135 = tpu.memref_slice %arg3[%select_n3A, %add3A, %select_n3A_1127, %dma_wait3A_1134] : memref<25x32x8x128xi32, #tpu.memory_space<hbm>> -> memref<1x1x1x128xi32, #tpu.memory_space<hbm>>
        %dma_wait3A_1136 = tpu.memref_squeeze %dma_wait3A_1135 : memref<1x1x1x128xi32, #tpu.memory_space<hbm>> -> memref<128xi32, #tpu.memory_space<hbm>>
        %dma_wait3A_1137 = arith.constant 0 : i32
        %dma_wait3A_1138 = tpu.memref_slice %arg3[%select_n3A, %add3A, %select_n3A_1127, %dma_wait3A_1137] : memref<25x32x8x128xi32, #tpu.memory_space<hbm>> -> memref<1x1x1x128xi32, #tpu.memory_space<hbm>>
        %dma_wait3A_1139 = tpu.memref_squeeze %dma_wait3A_1138 : memref<1x1x1x128xi32, #tpu.memory_space<hbm>> -> memref<128xi32, #tpu.memory_space<hbm>>
        tpu.wait_dma2 semaphore(%arg28 : memref<!tpu.dma_semaphore, #tpu.memory_space<semaphore_mem>>) src(%dma_wait3A_1139 : memref<128xi32, #tpu.memory_space<hbm>>) dst(%arg14 : memref<128xi32, #tpu.memory_space<vmem>>)
        %dma_start3A_1140 = arith.constant 0 : i32
        %dma_start3A_1141 = arith.constant 0 : i32
        %dma_start3A_1142 = tpu.memref_slice %arg4[%dma_start3A_1140, %dma_start3A_1141] : memref<100000x64xf32, #tpu.memory_space<hbm>> -> memref<100000x64xf32, #tpu.memory_space<hbm>>
        tpu.enqueue_indirect_dma source(%dma_start3A_1142 : memref<100000x64xf32, #tpu.memory_space<hbm>>) target(%arg18 : memref<128x64xf32, #tpu.memory_space<vmem>>) offsets(%arg10 : memref<128xi32, #tpu.memory_space<vmem>>) semaphore(%arg32 : memref<!tpu.dma_semaphore, #tpu.memory_space<semaphore_mem>>)
        %dma_start3A_1143 = arith.constant 0 : i32
        %dma_start3A_1144 = arith.constant 0 : i32
        %dma_start3A_1145 = tpu.memref_slice %arg5[%dma_start3A_1143, %dma_start3A_1144] : memref<100000x64xf32, #tpu.memory_space<hbm>> -> memref<100000x64xf32, #tpu.memory_space<hbm>>
        tpu.enqueue_indirect_dma source(%dma_start3A_1145 : memref<100000x64xf32, #tpu.memory_space<hbm>>) target(%arg22 : memref<128x64xf32, #tpu.memory_space<vmem>>) offsets(%arg14 : memref<128xi32, #tpu.memory_space<vmem>>) semaphore(%arg32 : memref<!tpu.dma_semaphore, #tpu.memory_space<semaphore_mem>>)
      } else {
      }
      %ge3A_766 = arith.constant 2 : i32
      %ge3A_767 = arith.cmpi sge, %add3A_743, %ge3A_766 : i32
      %convert_element_type3A_768 = arith.extui %ge3A_767 : i1 to i32
      %cond3A_769 = arith.constant 0 : i32
      %cond3A_770 = arith.cmpi ne, %convert_element_type3A_768, %cond3A_769 : i32
      scf.if %cond3A_770 {
        %sub3A_1096 = arith.constant 2 : i32
        %sub3A_1097 = arith.subi %add3A_743, %sub3A_1096 : i32
        %dma_wait3A_1098 = arith.constant 0 : i32
        %dma_wait3A_1099 = arith.constant 0 : i32
        %dma_wait3A_1100 = arith.constant 0 : i32
        %dma_wait3A_1101 = tpu.memref_slice %arg25[%dma_wait3A_1099, %dma_wait3A_1100] : memref<64x129xf32, #tpu.memory_space<vmem>> -> memref<8x128xf32, #tpu.memory_space<vmem>>
        %dma_wait3A_1102 = arith.constant 0 : i32
        %dma_wait3A_1103 = arith.constant 0 : i32
        %dma_wait3A_1104 = tpu.memref_slice %arg7[%sub3A_1097, %dma_wait3A_1098, %add3A, %dma_wait3A_1102, %dma_wait3A_1103] : memref<200x8x32x8x128xf32, #tpu.memory_space<hbm>> -> memref<1x1x1x8x128xf32, #tpu.memory_space<hbm>>
        %dma_wait3A_1105 = tpu.memref_squeeze %dma_wait3A_1104 : memref<1x1x1x8x128xf32, #tpu.memory_space<hbm>> -> memref<8x128xf32, #tpu.memory_space<hbm>>
        %dma_wait3A_1106 = arith.constant 0 : i32
        %dma_wait3A_1107 = arith.constant 0 : i32
        %dma_wait3A_1108 = tpu.memref_slice %arg7[%sub3A_1097, %dma_wait3A_1098, %add3A, %dma_wait3A_1106, %dma_wait3A_1107] : memref<200x8x32x8x128xf32, #tpu.memory_space<hbm>> -> memref<1x1x1x8x128xf32, #tpu.memory_space<hbm>>
        %dma_wait3A_1109 = tpu.memref_squeeze %dma_wait3A_1108 : memref<1x1x1x8x128xf32, #tpu.memory_space<hbm>> -> memref<8x128xf32, #tpu.memory_space<hbm>>
        %dma_wait3A_1110 = arith.constant 0 : i32
        %dma_wait3A_1111 = arith.constant 0 : i32
        %dma_wait3A_1112 = tpu.memref_slice %arg25[%dma_wait3A_1110, %dma_wait3A_1111] : memref<64x129xf32, #tpu.memory_space<vmem>> -> memref<8x128xf32, #tpu.memory_space<vmem>>
        tpu.wait_dma2 semaphore(%arg35 : memref<!tpu.dma_semaphore, #tpu.memory_space<semaphore_mem>>) src(%dma_wait3A_1112 : memref<8x128xf32, #tpu.memory_space<vmem>>) dst(%dma_wait3A_1109 : memref<8x128xf32, #tpu.memory_space<hbm>>)
        %dma_wait3A_1113 = arith.constant 1 : i32
        %dma_wait3A_1114 = arith.constant 8 : i32
        %dma_wait3A_1115 = arith.constant 0 : i32
        %dma_wait3A_1116 = tpu.memref_slice %arg25[%dma_wait3A_1114, %dma_wait3A_1115] : memref<64x129xf32, #tpu.memory_space<vmem>> -> memref<8x128xf32, #tpu.memory_space<vmem>>
        %dma_wait3A_1117 = arith.constant 0 : i32
        %dma_wait3A_1118 = arith.constant 0 : i32
        %dma_wait3A_1119 = tpu.memref_slice %arg7[%sub3A_1097, %dma_wait3A_1113, %add3A, %dma_wait3A_1117, %dma_wait3A_1118] : memref<200x8x32x8x128xf32, #tpu.memory_space<hbm>> -> memref<1x1x1x8x128xf32, #tpu.memory_space<hbm>>
        %dma_wait3A_1120 = tpu.memref_squeeze %dma_wait3A_1119 : memref<1x1x1x8x128xf32, #tpu.memory_space<hbm>> -> memref<8x128xf32, #tpu.memory_space<hbm>>
        %dma_wait3A_1121 = arith.constant 0 : i32
        %dma_wait3A_1122 = arith.constant 0 : i32
        %dma_wait3A_1123 = tpu.memref_slice %arg7[%sub3A_1097, %dma_wait3A_1113, %add3A, %dma_wait3A_1121, %dma_wait3A_1122] : memref<200x8x32x8x128xf32, #tpu.memory_space<hbm>> -> memref<1x1x1x8x128xf32, #tpu.memory_space<hbm>>
        %dma_wait3A_1124 = tpu.memref_squeeze %dma_wait3A_1123 : memref<1x1x1x8x128xf32, #tpu.memory_space<hbm>> -> memref<8x128xf32, #tpu.memory_space<hbm>>
        %dma_wait3A_1125 = arith.constant 8 : i32
        %dma_wait3A_1126 = arith.constant 0 : i32
        %dma_wait3A_1127 = tpu.memref_slice %arg25[%dma_wait3A_1125, %dma_wait3A_1126] : memref<64x129xf32, #tpu.memory_space<vmem>> -> memref<8x128xf32, #tpu.memory_space<vmem>>
        tpu.wait_dma2 semaphore(%arg35 : memref<!tpu.dma_semaphore, #tpu.memory_space<semaphore_mem>>) src(%dma_wait3A_1127 : memref<8x128xf32, #tpu.memory_space<vmem>>) dst(%dma_wait3A_1124 : memref<8x128xf32, #tpu.memory_space<hbm>>)
        %dma_wait3A_1128 = arith.constant 2 : i32
        %dma_wait3A_1129 = arith.constant 16 : i32
        %dma_wait3A_1130 = arith.constant 0 : i32
        %dma_wait3A_1131 = tpu.memref_slice %arg25[%dma_wait3A_1129, %dma_wait3A_1130] : memref<64x129xf32, #tpu.memory_space<vmem>> -> memref<8x128xf32, #tpu.memory_space<vmem>>
        %dma_wait3A_1132 = arith.constant 0 : i32
        %dma_wait3A_1133 = arith.constant 0 : i32
        %dma_wait3A_1134 = tpu.memref_slice %arg7[%sub3A_1097, %dma_wait3A_1128, %add3A, %dma_wait3A_1132, %dma_wait3A_1133] : memref<200x8x32x8x128xf32, #tpu.memory_space<hbm>> -> memref<1x1x1x8x128xf32, #tpu.memory_space<hbm>>
        %dma_wait3A_1135 = tpu.memref_squeeze %dma_wait3A_1134 : memref<1x1x1x8x128xf32, #tpu.memory_space<hbm>> -> memref<8x128xf32, #tpu.memory_space<hbm>>
        %dma_wait3A_1136 = arith.constant 0 : i32
        %dma_wait3A_1137 = arith.constant 0 : i32
        %dma_wait3A_1138 = tpu.memref_slice %arg7[%sub3A_1097, %dma_wait3A_1128, %add3A, %dma_wait3A_1136, %dma_wait3A_1137] : memref<200x8x32x8x128xf32, #tpu.memory_space<hbm>> -> memref<1x1x1x8x128xf32, #tpu.memory_space<hbm>>
        %dma_wait3A_1139 = tpu.memref_squeeze %dma_wait3A_1138 : memref<1x1x1x8x128xf32, #tpu.memory_space<hbm>> -> memref<8x128xf32, #tpu.memory_space<hbm>>
        %dma_wait3A_1140 = arith.constant 16 : i32
        %dma_wait3A_1141 = arith.constant 0 : i32
        %dma_wait3A_1142 = tpu.memref_slice %arg25[%dma_wait3A_1140, %dma_wait3A_1141] : memref<64x129xf32, #tpu.memory_space<vmem>> -> memref<8x128xf32, #tpu.memory_space<vmem>>
        tpu.wait_dma2 semaphore(%arg35 : memref<!tpu.dma_semaphore, #tpu.memory_space<semaphore_mem>>) src(%dma_wait3A_1142 : memref<8x128xf32, #tpu.memory_space<vmem>>) dst(%dma_wait3A_1139 : memref<8x128xf32, #tpu.memory_space<hbm>>)
        %dma_wait3A_1143 = arith.constant 3 : i32
        %dma_wait3A_1144 = arith.constant 24 : i32
        %dma_wait3A_1145 = arith.constant 0 : i32
        %dma_wait3A_1146 = tpu.memref_slice %arg25[%dma_wait3A_1144, %dma_wait3A_1145] : memref<64x129xf32, #tpu.memory_space<vmem>> -> memref<8x128xf32, #tpu.memory_space<vmem>>
        %dma_wait3A_1147 = arith.constant 0 : i32
        %dma_wait3A_1148 = arith.constant 0 : i32
        %dma_wait3A_1149 = tpu.memref_slice %arg7[%sub3A_1097, %dma_wait3A_1143, %add3A, %dma_wait3A_1147, %dma_wait3A_1148] : memref<200x8x32x8x128xf32, #tpu.memory_space<hbm>> -> memref<1x1x1x8x128xf32, #tpu.memory_space<hbm>>
        %dma_wait3A_1150 = tpu.memref_squeeze %dma_wait3A_1149 : memref<1x1x1x8x128xf32, #tpu.memory_space<hbm>> -> memref<8x128xf32, #tpu.memory_space<hbm>>
        %dma_wait3A_1151 = arith.constant 0 : i32
        %dma_wait3A_1152 = arith.constant 0 : i32
        %dma_wait3A_1153 = tpu.memref_slice %arg7[%sub3A_1097, %dma_wait3A_1143, %add3A, %dma_wait3A_1151, %dma_wait3A_1152] : memref<200x8x32x8x128xf32, #tpu.memory_space<hbm>> -> memref<1x1x1x8x128xf32, #tpu.memory_space<hbm>>
        %dma_wait3A_1154 = tpu.memref_squeeze %dma_wait3A_1153 : memref<1x1x1x8x128xf32, #tpu.memory_space<hbm>> -> memref<8x128xf32, #tpu.memory_space<hbm>>
        %dma_wait3A_1155 = arith.constant 24 : i32
        %dma_wait3A_1156 = arith.constant 0 : i32
        %dma_wait3A_1157 = tpu.memref_slice %arg25[%dma_wait3A_1155, %dma_wait3A_1156] : memref<64x129xf32, #tpu.memory_space<vmem>> -> memref<8x128xf32, #tpu.memory_space<vmem>>
        tpu.wait_dma2 semaphore(%arg35 : memref<!tpu.dma_semaphore, #tpu.memory_space<semaphore_mem>>) src(%dma_wait3A_1157 : memref<8x128xf32, #tpu.memory_space<vmem>>) dst(%dma_wait3A_1154 : memref<8x128xf32, #tpu.memory_space<hbm>>)
        %dma_wait3A_1158 = arith.constant 4 : i32
        %dma_wait3A_1159 = arith.constant 32 : i32
        %dma_wait3A_1160 = arith.constant 0 : i32
        %dma_wait3A_1161 = tpu.memref_slice %arg25[%dma_wait3A_1159, %dma_wait3A_1160] : memref<64x129xf32, #tpu.memory_space<vmem>> -> memref<8x128xf32, #tpu.memory_space<vmem>>
        %dma_wait3A_1162 = arith.constant 0 : i32
        %dma_wait3A_1163 = arith.constant 0 : i32
        %dma_wait3A_1164 = tpu.memref_slice %arg7[%sub3A_1097, %dma_wait3A_1158, %add3A, %dma_wait3A_1162, %dma_wait3A_1163] : memref<200x8x32x8x128xf32, #tpu.memory_space<hbm>> -> memref<1x1x1x8x128xf32, #tpu.memory_space<hbm>>
        %dma_wait3A_1165 = tpu.memref_squeeze %dma_wait3A_1164 : memref<1x1x1x8x128xf32, #tpu.memory_space<hbm>> -> memref<8x128xf32, #tpu.memory_space<hbm>>
        %dma_wait3A_1166 = arith.constant 0 : i32
        %dma_wait3A_1167 = arith.constant 0 : i32
        %dma_wait3A_1168 = tpu.memref_slice %arg7[%sub3A_1097, %dma_wait3A_1158, %add3A, %dma_wait3A_1166, %dma_wait3A_1167] : memref<200x8x32x8x128xf32, #tpu.memory_space<hbm>> -> memref<1x1x1x8x128xf32, #tpu.memory_space<hbm>>
        %dma_wait3A_1169 = tpu.memref_squeeze %dma_wait3A_1168 : memref<1x1x1x8x128xf32, #tpu.memory_space<hbm>> -> memref<8x128xf32, #tpu.memory_space<hbm>>
        %dma_wait3A_1170 = arith.constant 32 : i32
        %dma_wait3A_1171 = arith.constant 0 : i32
        %dma_wait3A_1172 = tpu.memref_slice %arg25[%dma_wait3A_1170, %dma_wait3A_1171] : memref<64x129xf32, #tpu.memory_space<vmem>> -> memref<8x128xf32, #tpu.memory_space<vmem>>
        tpu.wait_dma2 semaphore(%arg35 : memref<!tpu.dma_semaphore, #tpu.memory_space<semaphore_mem>>) src(%dma_wait3A_1172 : memref<8x128xf32, #tpu.memory_space<vmem>>) dst(%dma_wait3A_1169 : memref<8x128xf32, #tpu.memory_space<hbm>>)
        %dma_wait3A_1173 = arith.constant 5 : i32
        %dma_wait3A_1174 = arith.constant 40 : i32
        %dma_wait3A_1175 = arith.constant 0 : i32
        %dma_wait3A_1176 = tpu.memref_slice %arg25[%dma_wait3A_1174, %dma_wait3A_1175] : memref<64x129xf32, #tpu.memory_space<vmem>> -> memref<8x128xf32, #tpu.memory_space<vmem>>
        %dma_wait3A_1177 = arith.constant 0 : i32
        %dma_wait3A_1178 = arith.constant 0 : i32
        %dma_wait3A_1179 = tpu.memref_slice %arg7[%sub3A_1097, %dma_wait3A_1173, %add3A, %dma_wait3A_1177, %dma_wait3A_1178] : memref<200x8x32x8x128xf32, #tpu.memory_space<hbm>> -> memref<1x1x1x8x128xf32, #tpu.memory_space<hbm>>
        %dma_wait3A_1180 = tpu.memref_squeeze %dma_wait3A_1179 : memref<1x1x1x8x128xf32, #tpu.memory_space<hbm>> -> memref<8x128xf32, #tpu.memory_space<hbm>>
        %dma_wait3A_1181 = arith.constant 0 : i32
        %dma_wait3A_1182 = arith.constant 0 : i32
        %dma_wait3A_1183 = tpu.memref_slice %arg7[%sub3A_1097, %dma_wait3A_1173, %add3A, %dma_wait3A_1181, %dma_wait3A_1182] : memref<200x8x32x8x128xf32, #tpu.memory_space<hbm>> -> memref<1x1x1x8x128xf32, #tpu.memory_space<hbm>>
        %dma_wait3A_1184 = tpu.memref_squeeze %dma_wait3A_1183 : memref<1x1x1x8x128xf32, #tpu.memory_space<hbm>> -> memref<8x128xf32, #tpu.memory_space<hbm>>
        %dma_wait3A_1185 = arith.constant 40 : i32
        %dma_wait3A_1186 = arith.constant 0 : i32
        %dma_wait3A_1187 = tpu.memref_slice %arg25[%dma_wait3A_1185, %dma_wait3A_1186] : memref<64x129xf32, #tpu.memory_space<vmem>> -> memref<8x128xf32, #tpu.memory_space<vmem>>
        tpu.wait_dma2 semaphore(%arg35 : memref<!tpu.dma_semaphore, #tpu.memory_space<semaphore_mem>>) src(%dma_wait3A_1187 : memref<8x128xf32, #tpu.memory_space<vmem>>) dst(%dma_wait3A_1184 : memref<8x128xf32, #tpu.memory_space<hbm>>)
        %dma_wait3A_1188 = arith.constant 6 : i32
        %dma_wait3A_1189 = arith.constant 48 : i32
        %dma_wait3A_1190 = arith.constant 0 : i32
        %dma_wait3A_1191 = tpu.memref_slice %arg25[%dma_wait3A_1189, %dma_wait3A_1190] : memref<64x129xf32, #tpu.memory_space<vmem>> -> memref<8x128xf32, #tpu.memory_space<vmem>>
        %dma_wait3A_1192 = arith.constant 0 : i32
        %dma_wait3A_1193 = arith.constant 0 : i32
        %dma_wait3A_1194 = tpu.memref_slice %arg7[%sub3A_1097, %dma_wait3A_1188, %add3A, %dma_wait3A_1192, %dma_wait3A_1193] : memref<200x8x32x8x128xf32, #tpu.memory_space<hbm>> -> memref<1x1x1x8x128xf32, #tpu.memory_space<hbm>>
        %dma_wait3A_1195 = tpu.memref_squeeze %dma_wait3A_1194 : memref<1x1x1x8x128xf32, #tpu.memory_space<hbm>> -> memref<8x128xf32, #tpu.memory_space<hbm>>
        %dma_wait3A_1196 = arith.constant 0 : i32
        %dma_wait3A_1197 = arith.constant 0 : i32
        %dma_wait3A_1198 = tpu.memref_slice %arg7[%sub3A_1097, %dma_wait3A_1188, %add3A, %dma_wait3A_1196, %dma_wait3A_1197] : memref<200x8x32x8x128xf32, #tpu.memory_space<hbm>> -> memref<1x1x1x8x128xf32, #tpu.memory_space<hbm>>
        %dma_wait3A_1199 = tpu.memref_squeeze %dma_wait3A_1198 : memref<1x1x1x8x128xf32, #tpu.memory_space<hbm>> -> memref<8x128xf32, #tpu.memory_space<hbm>>
        %dma_wait3A_1200 = arith.constant 48 : i32
        %dma_wait3A_1201 = arith.constant 0 : i32
        %dma_wait3A_1202 = tpu.memref_slice %arg25[%dma_wait3A_1200, %dma_wait3A_1201] : memref<64x129xf32, #tpu.memory_space<vmem>> -> memref<8x128xf32, #tpu.memory_space<vmem>>
        tpu.wait_dma2 semaphore(%arg35 : memref<!tpu.dma_semaphore, #tpu.memory_space<semaphore_mem>>) src(%dma_wait3A_1202 : memref<8x128xf32, #tpu.memory_space<vmem>>) dst(%dma_wait3A_1199 : memref<8x128xf32, #tpu.memory_space<hbm>>)
        %dma_wait3A_1203 = arith.constant 7 : i32
        %dma_wait3A_1204 = arith.constant 56 : i32
        %dma_wait3A_1205 = arith.constant 0 : i32
        %dma_wait3A_1206 = tpu.memref_slice %arg25[%dma_wait3A_1204, %dma_wait3A_1205] : memref<64x129xf32, #tpu.memory_space<vmem>> -> memref<8x128xf32, #tpu.memory_space<vmem>>
        %dma_wait3A_1207 = arith.constant 0 : i32
        %dma_wait3A_1208 = arith.constant 0 : i32
        %dma_wait3A_1209 = tpu.memref_slice %arg7[%sub3A_1097, %dma_wait3A_1203, %add3A, %dma_wait3A_1207, %dma_wait3A_1208] : memref<200x8x32x8x128xf32, #tpu.memory_space<hbm>> -> memref<1x1x1x8x128xf32, #tpu.memory_space<hbm>>
        %dma_wait3A_1210 = tpu.memref_squeeze %dma_wait3A_1209 : memref<1x1x1x8x128xf32, #tpu.memory_space<hbm>> -> memref<8x128xf32, #tpu.memory_space<hbm>>
        %dma_wait3A_1211 = arith.constant 0 : i32
        %dma_wait3A_1212 = arith.constant 0 : i32
        %dma_wait3A_1213 = tpu.memref_slice %arg7[%sub3A_1097, %dma_wait3A_1203, %add3A, %dma_wait3A_1211, %dma_wait3A_1212] : memref<200x8x32x8x128xf32, #tpu.memory_space<hbm>> -> memref<1x1x1x8x128xf32, #tpu.memory_space<hbm>>
        %dma_wait3A_1214 = tpu.memref_squeeze %dma_wait3A_1213 : memref<1x1x1x8x128xf32, #tpu.memory_space<hbm>> -> memref<8x128xf32, #tpu.memory_space<hbm>>
        %dma_wait3A_1215 = arith.constant 56 : i32
        %dma_wait3A_1216 = arith.constant 0 : i32
        %dma_wait3A_1217 = tpu.memref_slice %arg25[%dma_wait3A_1215, %dma_wait3A_1216] : memref<64x129xf32, #tpu.memory_space<vmem>> -> memref<8x128xf32, #tpu.memory_space<vmem>>
        tpu.wait_dma2 semaphore(%arg35 : memref<!tpu.dma_semaphore, #tpu.memory_space<semaphore_mem>>) src(%dma_wait3A_1217 : memref<8x128xf32, #tpu.memory_space<vmem>>) dst(%dma_wait3A_1214 : memref<8x128xf32, #tpu.memory_space<hbm>>)
      } else {
      }
      %get3A_771 = arith.index_cast %add3A_743 : i32 to index
      %get3A_772 = arith.constant 0 : index
      %get3A_773 = tpu.vector_load %arg8[%get3A_771, %get3A_772] {strides = array<i32>} : memref<200x64xf32, #tpu.memory_space<vmem>>, vector<16xf32>,
      %get3A_774 = arith.index_cast %add3A_743 : i32 to index
      %get3A_775 = arith.constant 16 : index
      %get3A_776 = tpu.vector_load %arg8[%get3A_774, %get3A_775] {strides = array<i32>} : memref<200x64xf32, #tpu.memory_space<vmem>>, vector<16xf32>,
      %get3A_777 = arith.index_cast %add3A_743 : i32 to index
      %get3A_778 = arith.constant 32 : index
      %get3A_779 = tpu.vector_load %arg8[%get3A_777, %get3A_778] {strides = array<i32>} : memref<200x64xf32, #tpu.memory_space<vmem>>, vector<16xf32>,
      %get3A_780 = arith.index_cast %add3A_743 : i32 to index
      %get3A_781 = arith.constant 48 : index
      %get3A_782 = tpu.vector_load %arg8[%get3A_780, %get3A_781] {strides = array<i32>} : memref<200x64xf32, #tpu.memory_space<vmem>>, vector<16xf32>,
      %add3A_783 = arith.constant 0 : i32
      %add3A_784 = vector.broadcast %add3A_783 : i32 to vector<16xi32>
      %add3A_785 = arith.addi %iota3A, %add3A_784 : vector<16xi32>
      %add3A_786 = arith.constant 16 : i32
      %add3A_787 = vector.broadcast %add3A_786 : i32 to vector<16xi32>
      %add3A_788 = arith.addi %iota3A, %add3A_787 : vector<16xi32>
      %add3A_789 = arith.constant 32 : i32
      %add3A_790 = vector.broadcast %add3A_789 : i32 to vector<16xi32>
      %add3A_791 = arith.addi %iota3A, %add3A_790 : vector<16xi32>
      %add3A_792 = arith.constant 48 : i32
      %add3A_793 = vector.broadcast %add3A_792 : i32 to vector<16xi32>
      %add3A_794 = arith.addi %iota3A, %add3A_793 : vector<16xi32>
      %parallel_loop3A_795 = arith.constant 0 : i32
      %parallel_loop3A_796 = arith.constant 128 : i32
      %parallel_loop3A_797 = arith.constant 1 : i32
      scf.for %parallel_loop3A_1096 = %parallel_loop3A_795 to %parallel_loop3A_796 step %parallel_loop3A_797  : i32 {
        %parallel_loop3A_1097 = vector.broadcast %parallel_loop3A_1096 : i32 to vector<16xi32>
        %parallel_loop3A_1098 = arith.index_cast %parallel_loop3A_1096 : i32 to index
        %parallel_loop3A_1099 = arith.constant 0 : index
        %parallel_loop3A_1100 = tpu.vector_load %arg19[%parallel_loop3A_1098, %parallel_loop3A_1099] {strides = array<i32>} : memref<128x64xf32, #tpu.memory_space<vmem>>, vector<16xf32>,
        %parallel_loop3A_1101 = arith.index_cast %parallel_loop3A_1096 : i32 to index
        %parallel_loop3A_1102 = arith.constant 0 : index
        %parallel_loop3A_1103 = tpu.vector_load %arg23[%parallel_loop3A_1101, %parallel_loop3A_1102] {strides = array<i32>} : memref<128x64xf32, #tpu.memory_space<vmem>>, vector<16xf32>,
        %parallel_loop3A_1104 = arith.addf %parallel_loop3A_1100, %parallel_loop3A_1103 : vector<16xf32>
        %parallel_loop3A_1105 = arith.addf %parallel_loop3A_1104, %get3A_773 : vector<16xf32>
        tpu.vector_store_idx %arg25[%add3A_785, %parallel_loop3A_1097], %parallel_loop3A_1105 : memref<64x129xf32, #tpu.memory_space<vmem>>[vector<16xi32>, vector<16xi32>], vector<16xf32>,
        %parallel_loop3A_1106 = arith.index_cast %parallel_loop3A_1096 : i32 to index
        %parallel_loop3A_1107 = arith.constant 16 : index
        %parallel_loop3A_1108 = tpu.vector_load %arg19[%parallel_loop3A_1106, %parallel_loop3A_1107] {strides = array<i32>} : memref<128x64xf32, #tpu.memory_space<vmem>>, vector<16xf32>,
        %parallel_loop3A_1109 = arith.index_cast %parallel_loop3A_1096 : i32 to index
        %parallel_loop3A_1110 = arith.constant 16 : index
        %parallel_loop3A_1111 = tpu.vector_load %arg23[%parallel_loop3A_1109, %parallel_loop3A_1110] {strides = array<i32>} : memref<128x64xf32, #tpu.memory_space<vmem>>, vector<16xf32>,
        %parallel_loop3A_1112 = arith.addf %parallel_loop3A_1108, %parallel_loop3A_1111 : vector<16xf32>
        %parallel_loop3A_1113 = arith.addf %parallel_loop3A_1112, %get3A_776 : vector<16xf32>
        tpu.vector_store_idx %arg25[%add3A_788, %parallel_loop3A_1097], %parallel_loop3A_1113 : memref<64x129xf32, #tpu.memory_space<vmem>>[vector<16xi32>, vector<16xi32>], vector<16xf32>,
        %parallel_loop3A_1114 = arith.index_cast %parallel_loop3A_1096 : i32 to index
        %parallel_loop3A_1115 = arith.constant 32 : index
        %parallel_loop3A_1116 = tpu.vector_load %arg19[%parallel_loop3A_1114, %parallel_loop3A_1115] {strides = array<i32>} : memref<128x64xf32, #tpu.memory_space<vmem>>, vector<16xf32>,
        %parallel_loop3A_1117 = arith.index_cast %parallel_loop3A_1096 : i32 to index
        %parallel_loop3A_1118 = arith.constant 32 : index
        %parallel_loop3A_1119 = tpu.vector_load %arg23[%parallel_loop3A_1117, %parallel_loop3A_1118] {strides = array<i32>} : memref<128x64xf32, #tpu.memory_space<vmem>>, vector<16xf32>,
        %parallel_loop3A_1120 = arith.addf %parallel_loop3A_1116, %parallel_loop3A_1119 : vector<16xf32>
        %parallel_loop3A_1121 = arith.addf %parallel_loop3A_1120, %get3A_779 : vector<16xf32>
        tpu.vector_store_idx %arg25[%add3A_791, %parallel_loop3A_1097], %parallel_loop3A_1121 : memref<64x129xf32, #tpu.memory_space<vmem>>[vector<16xi32>, vector<16xi32>], vector<16xf32>,
        %parallel_loop3A_1122 = arith.index_cast %parallel_loop3A_1096 : i32 to index
        %parallel_loop3A_1123 = arith.constant 48 : index
        %parallel_loop3A_1124 = tpu.vector_load %arg19[%parallel_loop3A_1122, %parallel_loop3A_1123] {strides = array<i32>} : memref<128x64xf32, #tpu.memory_space<vmem>>, vector<16xf32>,
        %parallel_loop3A_1125 = arith.index_cast %parallel_loop3A_1096 : i32 to index
        %parallel_loop3A_1126 = arith.constant 48 : index
        %parallel_loop3A_1127 = tpu.vector_load %arg23[%parallel_loop3A_1125, %parallel_loop3A_1126] {strides = array<i32>} : memref<128x64xf32, #tpu.memory_space<vmem>>, vector<16xf32>,
        %parallel_loop3A_1128 = arith.addf %parallel_loop3A_1124, %parallel_loop3A_1127 : vector<16xf32>
        %parallel_loop3A_1129 = arith.addf %parallel_loop3A_1128, %get3A_782 : vector<16xf32>
        tpu.vector_store_idx %arg25[%add3A_794, %parallel_loop3A_1097], %parallel_loop3A_1129 : memref<64x129xf32, #tpu.memory_space<vmem>>[vector<16xi32>, vector<16xi32>], vector<16xf32>,
      } {sc.loop_unroll_factor = 4 : i64, sc.parallel_access}
      %dma_start3A_798 = arith.constant 0 : i32
      %dma_start3A_799 = arith.constant 0 : i32
      %dma_start3A_800 = arith.constant 0 : i32
      %dma_start3A_801 = tpu.memref_slice %arg25[%dma_start3A_799, %dma_start3A_800] : memref<64x129xf32, #tpu.memory_space<vmem>> -> memref<8x128xf32, #tpu.memory_space<vmem>>
      %dma_start3A_802 = arith.constant 0 : i32
      %dma_start3A_803 = arith.constant 0 : i32
      %dma_start3A_804 = tpu.memref_slice %arg7[%add3A_743, %dma_start3A_798, %add3A, %dma_start3A_802, %dma_start3A_803] : memref<200x8x32x8x128xf32, #tpu.memory_space<hbm>> -> memref<1x1x1x8x128xf32, #tpu.memory_space<hbm>>
      %dma_start3A_805 = tpu.memref_squeeze %dma_start3A_804 : memref<1x1x1x8x128xf32, #tpu.memory_space<hbm>> -> memref<8x128xf32, #tpu.memory_space<hbm>>
      %dma_start3A_806 = arith.constant 0 : i32
      %dma_start3A_807 = arith.constant 0 : i32
      %dma_start3A_808 = tpu.memref_slice %arg7[%add3A_743, %dma_start3A_798, %add3A, %dma_start3A_806, %dma_start3A_807] : memref<200x8x32x8x128xf32, #tpu.memory_space<hbm>> -> memref<1x1x1x8x128xf32, #tpu.memory_space<hbm>>
      %dma_start3A_809 = tpu.memref_squeeze %dma_start3A_808 : memref<1x1x1x8x128xf32, #tpu.memory_space<hbm>> -> memref<8x128xf32, #tpu.memory_space<hbm>>
      %dma_start3A_810 = arith.constant 0 : i32
      %dma_start3A_811 = arith.constant 0 : i32
      %dma_start3A_812 = tpu.memref_slice %arg25[%dma_start3A_810, %dma_start3A_811] : memref<64x129xf32, #tpu.memory_space<vmem>> -> memref<8x128xf32, #tpu.memory_space<vmem>>
      tpu.enqueue_dma source(%dma_start3A_812 : memref<8x128xf32, #tpu.memory_space<vmem>>) target(%dma_start3A_809 : memref<8x128xf32, #tpu.memory_space<hbm>>) target_semaphore(%arg35 : memref<!tpu.dma_semaphore, #tpu.memory_space<semaphore_mem>>)
      %dma_start3A_813 = arith.constant 1 : i32
      %dma_start3A_814 = arith.constant 8 : i32
      %dma_start3A_815 = arith.constant 0 : i32
      %dma_start3A_816 = tpu.memref_slice %arg25[%dma_start3A_814, %dma_start3A_815] : memref<64x129xf32, #tpu.memory_space<vmem>> -> memref<8x128xf32, #tpu.memory_space<vmem>>
      %dma_start3A_817 = arith.constant 0 : i32
      %dma_start3A_818 = arith.constant 0 : i32
      %dma_start3A_819 = tpu.memref_slice %arg7[%add3A_743, %dma_start3A_813, %add3A, %dma_start3A_817, %dma_start3A_818] : memref<200x8x32x8x128xf32, #tpu.memory_space<hbm>> -> memref<1x1x1x8x128xf32, #tpu.memory_space<hbm>>
      %dma_start3A_820 = tpu.memref_squeeze %dma_start3A_819 : memref<1x1x1x8x128xf32, #tpu.memory_space<hbm>> -> memref<8x128xf32, #tpu.memory_space<hbm>>
      %dma_start3A_821 = arith.constant 0 : i32
      %dma_start3A_822 = arith.constant 0 : i32
      %dma_start3A_823 = tpu.memref_slice %arg7[%add3A_743, %dma_start3A_813, %add3A, %dma_start3A_821, %dma_start3A_822] : memref<200x8x32x8x128xf32, #tpu.memory_space<hbm>> -> memref<1x1x1x8x128xf32, #tpu.memory_space<hbm>>
      %dma_start3A_824 = tpu.memref_squeeze %dma_start3A_823 : memref<1x1x1x8x128xf32, #tpu.memory_space<hbm>> -> memref<8x128xf32, #tpu.memory_space<hbm>>
      %dma_start3A_825 = arith.constant 8 : i32
      %dma_start3A_826 = arith.constant 0 : i32
      %dma_start3A_827 = tpu.memref_slice %arg25[%dma_start3A_825, %dma_start3A_826] : memref<64x129xf32, #tpu.memory_space<vmem>> -> memref<8x128xf32, #tpu.memory_space<vmem>>
      tpu.enqueue_dma source(%dma_start3A_827 : memref<8x128xf32, #tpu.memory_space<vmem>>) target(%dma_start3A_824 : memref<8x128xf32, #tpu.memory_space<hbm>>) target_semaphore(%arg35 : memref<!tpu.dma_semaphore, #tpu.memory_space<semaphore_mem>>)
      %dma_start3A_828 = arith.constant 2 : i32
      %dma_start3A_829 = arith.constant 16 : i32
      %dma_start3A_830 = arith.constant 0 : i32
      %dma_start3A_831 = tpu.memref_slice %arg25[%dma_start3A_829, %dma_start3A_830] : memref<64x129xf32, #tpu.memory_space<vmem>> -> memref<8x128xf32, #tpu.memory_space<vmem>>
      %dma_start3A_832 = arith.constant 0 : i32
      %dma_start3A_833 = arith.constant 0 : i32
      %dma_start3A_834 = tpu.memref_slice %arg7[%add3A_743, %dma_start3A_828, %add3A, %dma_start3A_832, %dma_start3A_833] : memref<200x8x32x8x128xf32, #tpu.memory_space<hbm>> -> memref<1x1x1x8x128xf32, #tpu.memory_space<hbm>>
      %dma_start3A_835 = tpu.memref_squeeze %dma_start3A_834 : memref<1x1x1x8x128xf32, #tpu.memory_space<hbm>> -> memref<8x128xf32, #tpu.memory_space<hbm>>
      %dma_start3A_836 = arith.constant 0 : i32
      %dma_start3A_837 = arith.constant 0 : i32
      %dma_start3A_838 = tpu.memref_slice %arg7[%add3A_743, %dma_start3A_828, %add3A, %dma_start3A_836, %dma_start3A_837] : memref<200x8x32x8x128xf32, #tpu.memory_space<hbm>> -> memref<1x1x1x8x128xf32, #tpu.memory_space<hbm>>
      %dma_start3A_839 = tpu.memref_squeeze %dma_start3A_838 : memref<1x1x1x8x128xf32, #tpu.memory_space<hbm>> -> memref<8x128xf32, #tpu.memory_space<hbm>>
      %dma_start3A_840 = arith.constant 16 : i32
      %dma_start3A_841 = arith.constant 0 : i32
      %dma_start3A_842 = tpu.memref_slice %arg25[%dma_start3A_840, %dma_start3A_841] : memref<64x129xf32, #tpu.memory_space<vmem>> -> memref<8x128xf32, #tpu.memory_space<vmem>>
      tpu.enqueue_dma source(%dma_start3A_842 : memref<8x128xf32, #tpu.memory_space<vmem>>) target(%dma_start3A_839 : memref<8x128xf32, #tpu.memory_space<hbm>>) target_semaphore(%arg35 : memref<!tpu.dma_semaphore, #tpu.memory_space<semaphore_mem>>)
      %dma_start3A_843 = arith.constant 3 : i32
      %dma_start3A_844 = arith.constant 24 : i32
      %dma_start3A_845 = arith.constant 0 : i32
      %dma_start3A_846 = tpu.memref_slice %arg25[%dma_start3A_844, %dma_start3A_845] : memref<64x129xf32, #tpu.memory_space<vmem>> -> memref<8x128xf32, #tpu.memory_space<vmem>>
      %dma_start3A_847 = arith.constant 0 : i32
      %dma_start3A_848 = arith.constant 0 : i32
      %dma_start3A_849 = tpu.memref_slice %arg7[%add3A_743, %dma_start3A_843, %add3A, %dma_start3A_847, %dma_start3A_848] : memref<200x8x32x8x128xf32, #tpu.memory_space<hbm>> -> memref<1x1x1x8x128xf32, #tpu.memory_space<hbm>>
      %dma_start3A_850 = tpu.memref_squeeze %dma_start3A_849 : memref<1x1x1x8x128xf32, #tpu.memory_space<hbm>> -> memref<8x128xf32, #tpu.memory_space<hbm>>
      %dma_start3A_851 = arith.constant 0 : i32
      %dma_start3A_852 = arith.constant 0 : i32
      %dma_start3A_853 = tpu.memref_slice %arg7[%add3A_743, %dma_start3A_843, %add3A, %dma_start3A_851, %dma_start3A_852] : memref<200x8x32x8x128xf32, #tpu.memory_space<hbm>> -> memref<1x1x1x8x128xf32, #tpu.memory_space<hbm>>
      %dma_start3A_854 = tpu.memref_squeeze %dma_start3A_853 : memref<1x1x1x8x128xf32, #tpu.memory_space<hbm>> -> memref<8x128xf32, #tpu.memory_space<hbm>>
      %dma_start3A_855 = arith.constant 24 : i32
      %dma_start3A_856 = arith.constant 0 : i32
      %dma_start3A_857 = tpu.memref_slice %arg25[%dma_start3A_855, %dma_start3A_856] : memref<64x129xf32, #tpu.memory_space<vmem>> -> memref<8x128xf32, #tpu.memory_space<vmem>>
      tpu.enqueue_dma source(%dma_start3A_857 : memref<8x128xf32, #tpu.memory_space<vmem>>) target(%dma_start3A_854 : memref<8x128xf32, #tpu.memory_space<hbm>>) target_semaphore(%arg35 : memref<!tpu.dma_semaphore, #tpu.memory_space<semaphore_mem>>)
      %dma_start3A_858 = arith.constant 4 : i32
      %dma_start3A_859 = arith.constant 32 : i32
      %dma_start3A_860 = arith.constant 0 : i32
      %dma_start3A_861 = tpu.memref_slice %arg25[%dma_start3A_859, %dma_start3A_860] : memref<64x129xf32, #tpu.memory_space<vmem>> -> memref<8x128xf32, #tpu.memory_space<vmem>>
      %dma_start3A_862 = arith.constant 0 : i32
      %dma_start3A_863 = arith.constant 0 : i32
      %dma_start3A_864 = tpu.memref_slice %arg7[%add3A_743, %dma_start3A_858, %add3A, %dma_start3A_862, %dma_start3A_863] : memref<200x8x32x8x128xf32, #tpu.memory_space<hbm>> -> memref<1x1x1x8x128xf32, #tpu.memory_space<hbm>>
      %dma_start3A_865 = tpu.memref_squeeze %dma_start3A_864 : memref<1x1x1x8x128xf32, #tpu.memory_space<hbm>> -> memref<8x128xf32, #tpu.memory_space<hbm>>
      %dma_start3A_866 = arith.constant 0 : i32
      %dma_start3A_867 = arith.constant 0 : i32
      %dma_start3A_868 = tpu.memref_slice %arg7[%add3A_743, %dma_start3A_858, %add3A, %dma_start3A_866, %dma_start3A_867] : memref<200x8x32x8x128xf32, #tpu.memory_space<hbm>> -> memref<1x1x1x8x128xf32, #tpu.memory_space<hbm>>
      %dma_start3A_869 = tpu.memref_squeeze %dma_start3A_868 : memref<1x1x1x8x128xf32, #tpu.memory_space<hbm>> -> memref<8x128xf32, #tpu.memory_space<hbm>>
      %dma_start3A_870 = arith.constant 32 : i32
      %dma_start3A_871 = arith.constant 0 : i32
      %dma_start3A_872 = tpu.memref_slice %arg25[%dma_start3A_870, %dma_start3A_871] : memref<64x129xf32, #tpu.memory_space<vmem>> -> memref<8x128xf32, #tpu.memory_space<vmem>>
      tpu.enqueue_dma source(%dma_start3A_872 : memref<8x128xf32, #tpu.memory_space<vmem>>) target(%dma_start3A_869 : memref<8x128xf32, #tpu.memory_space<hbm>>) target_semaphore(%arg35 : memref<!tpu.dma_semaphore, #tpu.memory_space<semaphore_mem>>)
      %dma_start3A_873 = arith.constant 5 : i32
      %dma_start3A_874 = arith.constant 40 : i32
      %dma_start3A_875 = arith.constant 0 : i32
      %dma_start3A_876 = tpu.memref_slice %arg25[%dma_start3A_874, %dma_start3A_875] : memref<64x129xf32, #tpu.memory_space<vmem>> -> memref<8x128xf32, #tpu.memory_space<vmem>>
      %dma_start3A_877 = arith.constant 0 : i32
      %dma_start3A_878 = arith.constant 0 : i32
      %dma_start3A_879 = tpu.memref_slice %arg7[%add3A_743, %dma_start3A_873, %add3A, %dma_start3A_877, %dma_start3A_878] : memref<200x8x32x8x128xf32, #tpu.memory_space<hbm>> -> memref<1x1x1x8x128xf32, #tpu.memory_space<hbm>>
      %dma_start3A_880 = tpu.memref_squeeze %dma_start3A_879 : memref<1x1x1x8x128xf32, #tpu.memory_space<hbm>> -> memref<8x128xf32, #tpu.memory_space<hbm>>
      %dma_start3A_881 = arith.constant 0 : i32
      %dma_start3A_882 = arith.constant 0 : i32
      %dma_start3A_883 = tpu.memref_slice %arg7[%add3A_743, %dma_start3A_873, %add3A, %dma_start3A_881, %dma_start3A_882] : memref<200x8x32x8x128xf32, #tpu.memory_space<hbm>> -> memref<1x1x1x8x128xf32, #tpu.memory_space<hbm>>
      %dma_start3A_884 = tpu.memref_squeeze %dma_start3A_883 : memref<1x1x1x8x128xf32, #tpu.memory_space<hbm>> -> memref<8x128xf32, #tpu.memory_space<hbm>>
      %dma_start3A_885 = arith.constant 40 : i32
      %dma_start3A_886 = arith.constant 0 : i32
      %dma_start3A_887 = tpu.memref_slice %arg25[%dma_start3A_885, %dma_start3A_886] : memref<64x129xf32, #tpu.memory_space<vmem>> -> memref<8x128xf32, #tpu.memory_space<vmem>>
      tpu.enqueue_dma source(%dma_start3A_887 : memref<8x128xf32, #tpu.memory_space<vmem>>) target(%dma_start3A_884 : memref<8x128xf32, #tpu.memory_space<hbm>>) target_semaphore(%arg35 : memref<!tpu.dma_semaphore, #tpu.memory_space<semaphore_mem>>)
      %dma_start3A_888 = arith.constant 6 : i32
      %dma_start3A_889 = arith.constant 48 : i32
      %dma_start3A_890 = arith.constant 0 : i32
      %dma_start3A_891 = tpu.memref_slice %arg25[%dma_start3A_889, %dma_start3A_890] : memref<64x129xf32, #tpu.memory_space<vmem>> -> memref<8x128xf32, #tpu.memory_space<vmem>>
      %dma_start3A_892 = arith.constant 0 : i32
      %dma_start3A_893 = arith.constant 0 : i32
      %dma_start3A_894 = tpu.memref_slice %arg7[%add3A_743, %dma_start3A_888, %add3A, %dma_start3A_892, %dma_start3A_893] : memref<200x8x32x8x128xf32, #tpu.memory_space<hbm>> -> memref<1x1x1x8x128xf32, #tpu.memory_space<hbm>>
      %dma_start3A_895 = tpu.memref_squeeze %dma_start3A_894 : memref<1x1x1x8x128xf32, #tpu.memory_space<hbm>> -> memref<8x128xf32, #tpu.memory_space<hbm>>
      %dma_start3A_896 = arith.constant 0 : i32
      %dma_start3A_897 = arith.constant 0 : i32
      %dma_start3A_898 = tpu.memref_slice %arg7[%add3A_743, %dma_start3A_888, %add3A, %dma_start3A_896, %dma_start3A_897] : memref<200x8x32x8x128xf32, #tpu.memory_space<hbm>> -> memref<1x1x1x8x128xf32, #tpu.memory_space<hbm>>
      %dma_start3A_899 = tpu.memref_squeeze %dma_start3A_898 : memref<1x1x1x8x128xf32, #tpu.memory_space<hbm>> -> memref<8x128xf32, #tpu.memory_space<hbm>>
      %dma_start3A_900 = arith.constant 48 : i32
      %dma_start3A_901 = arith.constant 0 : i32
      %dma_start3A_902 = tpu.memref_slice %arg25[%dma_start3A_900, %dma_start3A_901] : memref<64x129xf32, #tpu.memory_space<vmem>> -> memref<8x128xf32, #tpu.memory_space<vmem>>
      tpu.enqueue_dma source(%dma_start3A_902 : memref<8x128xf32, #tpu.memory_space<vmem>>) target(%dma_start3A_899 : memref<8x128xf32, #tpu.memory_space<hbm>>) target_semaphore(%arg35 : memref<!tpu.dma_semaphore, #tpu.memory_space<semaphore_mem>>)
      %dma_start3A_903 = arith.constant 7 : i32
      %dma_start3A_904 = arith.constant 56 : i32
      %dma_start3A_905 = arith.constant 0 : i32
      %dma_start3A_906 = tpu.memref_slice %arg25[%dma_start3A_904, %dma_start3A_905] : memref<64x129xf32, #tpu.memory_space<vmem>> -> memref<8x128xf32, #tpu.memory_space<vmem>>
      %dma_start3A_907 = arith.constant 0 : i32
      %dma_start3A_908 = arith.constant 0 : i32
      %dma_start3A_909 = tpu.memref_slice %arg7[%add3A_743, %dma_start3A_903, %add3A, %dma_start3A_907, %dma_start3A_908] : memref<200x8x32x8x128xf32, #tpu.memory_space<hbm>> -> memref<1x1x1x8x128xf32, #tpu.memory_space<hbm>>
      %dma_start3A_910 = tpu.memref_squeeze %dma_start3A_909 : memref<1x1x1x8x128xf32, #tpu.memory_space<hbm>> -> memref<8x128xf32, #tpu.memory_space<hbm>>
      %dma_start3A_911 = arith.constant 0 : i32
      %dma_start3A_912 = arith.constant 0 : i32
      %dma_start3A_913 = tpu.memref_slice %arg7[%add3A_743, %dma_start3A_903, %add3A, %dma_start3A_911, %dma_start3A_912] : memref<200x8x32x8x128xf32, #tpu.memory_space<hbm>> -> memref<1x1x1x8x128xf32, #tpu.memory_space<hbm>>
      %dma_start3A_914 = tpu.memref_squeeze %dma_start3A_913 : memref<1x1x1x8x128xf32, #tpu.memory_space<hbm>> -> memref<8x128xf32, #tpu.memory_space<hbm>>
      %dma_start3A_915 = arith.constant 56 : i32
      %dma_start3A_916 = arith.constant 0 : i32
      %dma_start3A_917 = tpu.memref_slice %arg25[%dma_start3A_915, %dma_start3A_916] : memref<64x129xf32, #tpu.memory_space<vmem>> -> memref<8x128xf32, #tpu.memory_space<vmem>>
      tpu.enqueue_dma source(%dma_start3A_917 : memref<8x128xf32, #tpu.memory_space<vmem>>) target(%dma_start3A_914 : memref<8x128xf32, #tpu.memory_space<hbm>>) target_semaphore(%arg35 : memref<!tpu.dma_semaphore, #tpu.memory_space<semaphore_mem>>)
      %mul3A_918 = arith.constant 4 : i32
      %mul3A_919 = arith.muli %scan3A_390, %mul3A_918 : i32
      %add3A_920 = arith.constant 3 : i32
      %add3A_921 = arith.addi %mul3A_919, %add3A_920 : i32
      %dma_wait3A_922 = arith.constant 0 : i32
      %dma_wait3A_923 = arith.constant 0 : i32
      %dma_wait3A_924 = tpu.memref_slice %arg4[%dma_wait3A_922, %dma_wait3A_923] : memref<100000x64xf32, #tpu.memory_space<hbm>> -> memref<100000x64xf32, #tpu.memory_space<hbm>>
      tpu.wait_indirect_dma semaphore(%arg34 : memref<!tpu.dma_semaphore, #tpu.memory_space<semaphore_mem>>) src(%dma_wait3A_924 : memref<100000x64xf32, #tpu.memory_space<hbm>>) dst(%arg20 : memref<128x64xf32, #tpu.memory_space<vmem>>)
      %dma_wait3A_925 = arith.constant 0 : i32
      %dma_wait3A_926 = arith.constant 0 : i32
      %dma_wait3A_927 = tpu.memref_slice %arg5[%dma_wait3A_925, %dma_wait3A_926] : memref<100000x64xf32, #tpu.memory_space<hbm>> -> memref<100000x64xf32, #tpu.memory_space<hbm>>
      tpu.wait_indirect_dma semaphore(%arg34 : memref<!tpu.dma_semaphore, #tpu.memory_space<semaphore_mem>>) src(%dma_wait3A_927 : memref<100000x64xf32, #tpu.memory_space<hbm>>) dst(%arg24 : memref<128x64xf32, #tpu.memory_space<vmem>>)
      %add3A_928 = arith.constant 4 : i32
      %add3A_929 = arith.addi %add3A_921, %add3A_928 : i32
      %lt3A_930 = arith.constant 200 : i32
      %lt3A_931 = arith.cmpi slt, %add3A_929, %lt3A_930 : i32
      %convert_element_type3A_932 = arith.extui %lt3A_931 : i1 to i32
      %cond3A_933 = arith.constant 0 : i32
      %cond3A_934 = arith.cmpi ne, %convert_element_type3A_932, %cond3A_933 : i32
      scf.if %cond3A_934 {
        %add3A_1096 = arith.constant 4 : i32
        %add3A_1097 = arith.addi %add3A_921, %add3A_1096 : i32
        %jit3A = arith.constant 8 : i32
        %div3A = arith.divsi %add3A_1097, %jit3A : i32
        %sign3A = arith.constant 0 : i32
        %sign3A_1098 = arith.cmpi sgt, %add3A_1097, %sign3A : i32
        %sign3A_1099 = arith.extui %sign3A_1098 : i1 to i32
        %sign3A_1100 = arith.constant 0 : i32
        %sign3A_1101 = arith.cmpi slt, %add3A_1097, %sign3A_1100 : i32
        %sign3A_1102 = arith.extui %sign3A_1101 : i1 to i32
        %sign3A_1103 = arith.subi %sign3A_1099, %sign3A_1102 : i32
        %sign3A_1104 = arith.constant 0 : i32
        %sign3A_1105 = arith.cmpi sgt, %jit3A, %sign3A_1104 : i32
        %sign3A_1106 = arith.extui %sign3A_1105 : i1 to i32
        %sign3A_1107 = arith.constant 0 : i32
        %sign3A_1108 = arith.cmpi slt, %jit3A, %sign3A_1107 : i32
        %sign3A_1109 = arith.extui %sign3A_1108 : i1 to i32
        %sign3A_1110 = arith.subi %sign3A_1106, %sign3A_1109 : i32
        %ne3A = arith.cmpi ne, %sign3A_1103, %sign3A_1110 : i32
        %rem3A = arith.remsi %add3A_1097, %jit3A : i32
        %ne3A_1111 = arith.constant 0 : i32
        %ne3A_1112 = arith.cmpi ne, %rem3A, %ne3A_1111 : i32
        %and3A = arith.andi %ne3A, %ne3A_1112 : i1
        %sub3A_1113 = arith.constant 1 : i32
        %sub3A_1114 = arith.subi %div3A, %sub3A_1113 : i32
        %select_n3A = arith.select %and3A, %sub3A_1114, %div3A : i32
        %jit3A_1115 = arith.constant 8 : i32
        %eq3A = arith.constant 0 : i32
        %eq3A_1116 = arith.cmpi eq, %jit3A_1115, %eq3A : i32
        %jit3A_1117 = arith.constant 1 : i32
        %select_n3A_1118 = arith.select %eq3A_1116, %jit3A_1117, %jit3A_1115 : i32
        %rem3A_1119 = arith.remsi %add3A_1097, %select_n3A_1118 : i32
        %ne3A_1120 = arith.constant 0 : i32
        %ne3A_1121 = arith.cmpi ne, %rem3A_1119, %ne3A_1120 : i32
        %lt3A_1122 = arith.constant 0 : i32
        %lt3A_1123 = arith.cmpi slt, %rem3A_1119, %lt3A_1122 : i32
        %lt3A_1124 = arith.constant 0 : i32
        %lt3A_1125 = arith.cmpi slt, %select_n3A_1118, %lt3A_1124 : i32
        %ne3A_1126 = arith.xori %lt3A_1123, %lt3A_1125 : i1
        %and3A_1127 = arith.andi %ne3A_1126, %ne3A_1121 : i1
        %add3A_1128 = arith.addi %rem3A_1119, %select_n3A_1118 : i32
        %select_n3A_1129 = arith.select %and3A_1127, %add3A_1128, %rem3A_1119 : i32
        %dma_start3A_1130 = arith.constant 0 : i32
        %dma_start3A_1131 = tpu.memref_slice %arg2[%select_n3A, %add3A, %select_n3A_1129, %dma_start3A_1130] : memref<25x32x8x128xi32, #tpu.memory_space<hbm>> -> memref<1x1x1x128xi32, #tpu.memory_space<hbm>>
        %dma_start3A_1132 = tpu.memref_squeeze %dma_start3A_1131 : memref<1x1x1x128xi32, #tpu.memory_space<hbm>> -> memref<128xi32, #tpu.memory_space<hbm>>
        %dma_start3A_1133 = arith.constant 0 : i32
        %dma_start3A_1134 = tpu.memref_slice %arg2[%select_n3A, %add3A, %select_n3A_1129, %dma_start3A_1133] : memref<25x32x8x128xi32, #tpu.memory_space<hbm>> -> memref<1x1x1x128xi32, #tpu.memory_space<hbm>>
        %dma_start3A_1135 = tpu.memref_squeeze %dma_start3A_1134 : memref<1x1x1x128xi32, #tpu.memory_space<hbm>> -> memref<128xi32, #tpu.memory_space<hbm>>
        tpu.enqueue_dma source(%dma_start3A_1135 : memref<128xi32, #tpu.memory_space<hbm>>) target(%arg12 : memref<128xi32, #tpu.memory_space<vmem>>) target_semaphore(%arg30 : memref<!tpu.dma_semaphore, #tpu.memory_space<semaphore_mem>>)
        %dma_start3A_1136 = arith.constant 0 : i32
        %dma_start3A_1137 = tpu.memref_slice %arg3[%select_n3A, %add3A, %select_n3A_1129, %dma_start3A_1136] : memref<25x32x8x128xi32, #tpu.memory_space<hbm>> -> memref<1x1x1x128xi32, #tpu.memory_space<hbm>>
        %dma_start3A_1138 = tpu.memref_squeeze %dma_start3A_1137 : memref<1x1x1x128xi32, #tpu.memory_space<hbm>> -> memref<128xi32, #tpu.memory_space<hbm>>
        %dma_start3A_1139 = arith.constant 0 : i32
        %dma_start3A_1140 = tpu.memref_slice %arg3[%select_n3A, %add3A, %select_n3A_1129, %dma_start3A_1139] : memref<25x32x8x128xi32, #tpu.memory_space<hbm>> -> memref<1x1x1x128xi32, #tpu.memory_space<hbm>>
        %dma_start3A_1141 = tpu.memref_squeeze %dma_start3A_1140 : memref<1x1x1x128xi32, #tpu.memory_space<hbm>> -> memref<128xi32, #tpu.memory_space<hbm>>
        tpu.enqueue_dma source(%dma_start3A_1141 : memref<128xi32, #tpu.memory_space<hbm>>) target(%arg16 : memref<128xi32, #tpu.memory_space<vmem>>) target_semaphore(%arg30 : memref<!tpu.dma_semaphore, #tpu.memory_space<semaphore_mem>>)
      } else {
      }
      %add3A_935 = arith.constant 4 : i32
      %add3A_936 = arith.addi %add3A_921, %add3A_935 : i32
      %sub3A_937 = arith.constant 1 : i32
      %sub3A_938 = arith.subi %add3A_936, %sub3A_937 : i32
      %lt3A_939 = arith.constant 200 : i32
      %lt3A_940 = arith.cmpi slt, %sub3A_938, %lt3A_939 : i32
      %convert_element_type3A_941 = arith.extui %lt3A_940 : i1 to i32
      %cond3A_942 = arith.constant 0 : i32
      %cond3A_943 = arith.cmpi ne, %convert_element_type3A_941, %cond3A_942 : i32
      scf.if %cond3A_943 {
        %jit3A = arith.constant 8 : i32
        %div3A = arith.divsi %sub3A_938, %jit3A : i32
        %sign3A = arith.constant 0 : i32
        %sign3A_1096 = arith.cmpi sgt, %sub3A_938, %sign3A : i32
        %sign3A_1097 = arith.extui %sign3A_1096 : i1 to i32
        %sign3A_1098 = arith.constant 0 : i32
        %sign3A_1099 = arith.cmpi slt, %sub3A_938, %sign3A_1098 : i32
        %sign3A_1100 = arith.extui %sign3A_1099 : i1 to i32
        %sign3A_1101 = arith.subi %sign3A_1097, %sign3A_1100 : i32
        %sign3A_1102 = arith.constant 0 : i32
        %sign3A_1103 = arith.cmpi sgt, %jit3A, %sign3A_1102 : i32
        %sign3A_1104 = arith.extui %sign3A_1103 : i1 to i32
        %sign3A_1105 = arith.constant 0 : i32
        %sign3A_1106 = arith.cmpi slt, %jit3A, %sign3A_1105 : i32
        %sign3A_1107 = arith.extui %sign3A_1106 : i1 to i32
        %sign3A_1108 = arith.subi %sign3A_1104, %sign3A_1107 : i32
        %ne3A = arith.cmpi ne, %sign3A_1101, %sign3A_1108 : i32
        %rem3A = arith.remsi %sub3A_938, %jit3A : i32
        %ne3A_1109 = arith.constant 0 : i32
        %ne3A_1110 = arith.cmpi ne, %rem3A, %ne3A_1109 : i32
        %and3A = arith.andi %ne3A, %ne3A_1110 : i1
        %sub3A_1111 = arith.constant 1 : i32
        %sub3A_1112 = arith.subi %div3A, %sub3A_1111 : i32
        %select_n3A = arith.select %and3A, %sub3A_1112, %div3A : i32
        %jit3A_1113 = arith.constant 8 : i32
        %eq3A = arith.constant 0 : i32
        %eq3A_1114 = arith.cmpi eq, %jit3A_1113, %eq3A : i32
        %jit3A_1115 = arith.constant 1 : i32
        %select_n3A_1116 = arith.select %eq3A_1114, %jit3A_1115, %jit3A_1113 : i32
        %rem3A_1117 = arith.remsi %sub3A_938, %select_n3A_1116 : i32
        %ne3A_1118 = arith.constant 0 : i32
        %ne3A_1119 = arith.cmpi ne, %rem3A_1117, %ne3A_1118 : i32
        %lt3A_1120 = arith.constant 0 : i32
        %lt3A_1121 = arith.cmpi slt, %rem3A_1117, %lt3A_1120 : i32
        %lt3A_1122 = arith.constant 0 : i32
        %lt3A_1123 = arith.cmpi slt, %select_n3A_1116, %lt3A_1122 : i32
        %ne3A_1124 = arith.xori %lt3A_1121, %lt3A_1123 : i1
        %and3A_1125 = arith.andi %ne3A_1124, %ne3A_1119 : i1
        %add3A_1126 = arith.addi %rem3A_1117, %select_n3A_1116 : i32
        %select_n3A_1127 = arith.select %and3A_1125, %add3A_1126, %rem3A_1117 : i32
        %dma_wait3A_1128 = arith.constant 0 : i32
        %dma_wait3A_1129 = tpu.memref_slice %arg2[%select_n3A, %add3A, %select_n3A_1127, %dma_wait3A_1128] : memref<25x32x8x128xi32, #tpu.memory_space<hbm>> -> memref<1x1x1x128xi32, #tpu.memory_space<hbm>>
        %dma_wait3A_1130 = tpu.memref_squeeze %dma_wait3A_1129 : memref<1x1x1x128xi32, #tpu.memory_space<hbm>> -> memref<128xi32, #tpu.memory_space<hbm>>
        %dma_wait3A_1131 = arith.constant 0 : i32
        %dma_wait3A_1132 = tpu.memref_slice %arg2[%select_n3A, %add3A, %select_n3A_1127, %dma_wait3A_1131] : memref<25x32x8x128xi32, #tpu.memory_space<hbm>> -> memref<1x1x1x128xi32, #tpu.memory_space<hbm>>
        %dma_wait3A_1133 = tpu.memref_squeeze %dma_wait3A_1132 : memref<1x1x1x128xi32, #tpu.memory_space<hbm>> -> memref<128xi32, #tpu.memory_space<hbm>>
        tpu.wait_dma2 semaphore(%arg29 : memref<!tpu.dma_semaphore, #tpu.memory_space<semaphore_mem>>) src(%dma_wait3A_1133 : memref<128xi32, #tpu.memory_space<hbm>>) dst(%arg11 : memref<128xi32, #tpu.memory_space<vmem>>)
        %dma_wait3A_1134 = arith.constant 0 : i32
        %dma_wait3A_1135 = tpu.memref_slice %arg3[%select_n3A, %add3A, %select_n3A_1127, %dma_wait3A_1134] : memref<25x32x8x128xi32, #tpu.memory_space<hbm>> -> memref<1x1x1x128xi32, #tpu.memory_space<hbm>>
        %dma_wait3A_1136 = tpu.memref_squeeze %dma_wait3A_1135 : memref<1x1x1x128xi32, #tpu.memory_space<hbm>> -> memref<128xi32, #tpu.memory_space<hbm>>
        %dma_wait3A_1137 = arith.constant 0 : i32
        %dma_wait3A_1138 = tpu.memref_slice %arg3[%select_n3A, %add3A, %select_n3A_1127, %dma_wait3A_1137] : memref<25x32x8x128xi32, #tpu.memory_space<hbm>> -> memref<1x1x1x128xi32, #tpu.memory_space<hbm>>
        %dma_wait3A_1139 = tpu.memref_squeeze %dma_wait3A_1138 : memref<1x1x1x128xi32, #tpu.memory_space<hbm>> -> memref<128xi32, #tpu.memory_space<hbm>>
        tpu.wait_dma2 semaphore(%arg29 : memref<!tpu.dma_semaphore, #tpu.memory_space<semaphore_mem>>) src(%dma_wait3A_1139 : memref<128xi32, #tpu.memory_space<hbm>>) dst(%arg15 : memref<128xi32, #tpu.memory_space<vmem>>)
        %dma_start3A_1140 = arith.constant 0 : i32
        %dma_start3A_1141 = arith.constant 0 : i32
        %dma_start3A_1142 = tpu.memref_slice %arg4[%dma_start3A_1140, %dma_start3A_1141] : memref<100000x64xf32, #tpu.memory_space<hbm>> -> memref<100000x64xf32, #tpu.memory_space<hbm>>
        tpu.enqueue_indirect_dma source(%dma_start3A_1142 : memref<100000x64xf32, #tpu.memory_space<hbm>>) target(%arg19 : memref<128x64xf32, #tpu.memory_space<vmem>>) offsets(%arg11 : memref<128xi32, #tpu.memory_space<vmem>>) semaphore(%arg33 : memref<!tpu.dma_semaphore, #tpu.memory_space<semaphore_mem>>)
        %dma_start3A_1143 = arith.constant 0 : i32
        %dma_start3A_1144 = arith.constant 0 : i32
        %dma_start3A_1145 = tpu.memref_slice %arg5[%dma_start3A_1143, %dma_start3A_1144] : memref<100000x64xf32, #tpu.memory_space<hbm>> -> memref<100000x64xf32, #tpu.memory_space<hbm>>
        tpu.enqueue_indirect_dma source(%dma_start3A_1145 : memref<100000x64xf32, #tpu.memory_space<hbm>>) target(%arg23 : memref<128x64xf32, #tpu.memory_space<vmem>>) offsets(%arg15 : memref<128xi32, #tpu.memory_space<vmem>>) semaphore(%arg33 : memref<!tpu.dma_semaphore, #tpu.memory_space<semaphore_mem>>)
      } else {
      }
      %ge3A_944 = arith.constant 2 : i32
      %ge3A_945 = arith.cmpi sge, %add3A_921, %ge3A_944 : i32
      %convert_element_type3A_946 = arith.extui %ge3A_945 : i1 to i32
      %cond3A_947 = arith.constant 0 : i32
      %cond3A_948 = arith.cmpi ne, %convert_element_type3A_946, %cond3A_947 : i32
      scf.if %cond3A_948 {
        %sub3A_1096 = arith.constant 2 : i32
        %sub3A_1097 = arith.subi %add3A_921, %sub3A_1096 : i32
        %dma_wait3A_1098 = arith.constant 0 : i32
        %dma_wait3A_1099 = arith.constant 0 : i32
        %dma_wait3A_1100 = arith.constant 0 : i32
        %dma_wait3A_1101 = tpu.memref_slice %arg26[%dma_wait3A_1099, %dma_wait3A_1100] : memref<64x129xf32, #tpu.memory_space<vmem>> -> memref<8x128xf32, #tpu.memory_space<vmem>>
        %dma_wait3A_1102 = arith.constant 0 : i32
        %dma_wait3A_1103 = arith.constant 0 : i32
        %dma_wait3A_1104 = tpu.memref_slice %arg7[%sub3A_1097, %dma_wait3A_1098, %add3A, %dma_wait3A_1102, %dma_wait3A_1103] : memref<200x8x32x8x128xf32, #tpu.memory_space<hbm>> -> memref<1x1x1x8x128xf32, #tpu.memory_space<hbm>>
        %dma_wait3A_1105 = tpu.memref_squeeze %dma_wait3A_1104 : memref<1x1x1x8x128xf32, #tpu.memory_space<hbm>> -> memref<8x128xf32, #tpu.memory_space<hbm>>
        %dma_wait3A_1106 = arith.constant 0 : i32
        %dma_wait3A_1107 = arith.constant 0 : i32
        %dma_wait3A_1108 = tpu.memref_slice %arg7[%sub3A_1097, %dma_wait3A_1098, %add3A, %dma_wait3A_1106, %dma_wait3A_1107] : memref<200x8x32x8x128xf32, #tpu.memory_space<hbm>> -> memref<1x1x1x8x128xf32, #tpu.memory_space<hbm>>
        %dma_wait3A_1109 = tpu.memref_squeeze %dma_wait3A_1108 : memref<1x1x1x8x128xf32, #tpu.memory_space<hbm>> -> memref<8x128xf32, #tpu.memory_space<hbm>>
        %dma_wait3A_1110 = arith.constant 0 : i32
        %dma_wait3A_1111 = arith.constant 0 : i32
        %dma_wait3A_1112 = tpu.memref_slice %arg26[%dma_wait3A_1110, %dma_wait3A_1111] : memref<64x129xf32, #tpu.memory_space<vmem>> -> memref<8x128xf32, #tpu.memory_space<vmem>>
        tpu.wait_dma2 semaphore(%arg36 : memref<!tpu.dma_semaphore, #tpu.memory_space<semaphore_mem>>) src(%dma_wait3A_1112 : memref<8x128xf32, #tpu.memory_space<vmem>>) dst(%dma_wait3A_1109 : memref<8x128xf32, #tpu.memory_space<hbm>>)
        %dma_wait3A_1113 = arith.constant 1 : i32
        %dma_wait3A_1114 = arith.constant 8 : i32
        %dma_wait3A_1115 = arith.constant 0 : i32
        %dma_wait3A_1116 = tpu.memref_slice %arg26[%dma_wait3A_1114, %dma_wait3A_1115] : memref<64x129xf32, #tpu.memory_space<vmem>> -> memref<8x128xf32, #tpu.memory_space<vmem>>
        %dma_wait3A_1117 = arith.constant 0 : i32
        %dma_wait3A_1118 = arith.constant 0 : i32
        %dma_wait3A_1119 = tpu.memref_slice %arg7[%sub3A_1097, %dma_wait3A_1113, %add3A, %dma_wait3A_1117, %dma_wait3A_1118] : memref<200x8x32x8x128xf32, #tpu.memory_space<hbm>> -> memref<1x1x1x8x128xf32, #tpu.memory_space<hbm>>
        %dma_wait3A_1120 = tpu.memref_squeeze %dma_wait3A_1119 : memref<1x1x1x8x128xf32, #tpu.memory_space<hbm>> -> memref<8x128xf32, #tpu.memory_space<hbm>>
        %dma_wait3A_1121 = arith.constant 0 : i32
        %dma_wait3A_1122 = arith.constant 0 : i32
        %dma_wait3A_1123 = tpu.memref_slice %arg7[%sub3A_1097, %dma_wait3A_1113, %add3A, %dma_wait3A_1121, %dma_wait3A_1122] : memref<200x8x32x8x128xf32, #tpu.memory_space<hbm>> -> memref<1x1x1x8x128xf32, #tpu.memory_space<hbm>>
        %dma_wait3A_1124 = tpu.memref_squeeze %dma_wait3A_1123 : memref<1x1x1x8x128xf32, #tpu.memory_space<hbm>> -> memref<8x128xf32, #tpu.memory_space<hbm>>
        %dma_wait3A_1125 = arith.constant 8 : i32
        %dma_wait3A_1126 = arith.constant 0 : i32
        %dma_wait3A_1127 = tpu.memref_slice %arg26[%dma_wait3A_1125, %dma_wait3A_1126] : memref<64x129xf32, #tpu.memory_space<vmem>> -> memref<8x128xf32, #tpu.memory_space<vmem>>
        tpu.wait_dma2 semaphore(%arg36 : memref<!tpu.dma_semaphore, #tpu.memory_space<semaphore_mem>>) src(%dma_wait3A_1127 : memref<8x128xf32, #tpu.memory_space<vmem>>) dst(%dma_wait3A_1124 : memref<8x128xf32, #tpu.memory_space<hbm>>)
        %dma_wait3A_1128 = arith.constant 2 : i32
        %dma_wait3A_1129 = arith.constant 16 : i32
        %dma_wait3A_1130 = arith.constant 0 : i32
        %dma_wait3A_1131 = tpu.memref_slice %arg26[%dma_wait3A_1129, %dma_wait3A_1130] : memref<64x129xf32, #tpu.memory_space<vmem>> -> memref<8x128xf32, #tpu.memory_space<vmem>>
        %dma_wait3A_1132 = arith.constant 0 : i32
        %dma_wait3A_1133 = arith.constant 0 : i32
        %dma_wait3A_1134 = tpu.memref_slice %arg7[%sub3A_1097, %dma_wait3A_1128, %add3A, %dma_wait3A_1132, %dma_wait3A_1133] : memref<200x8x32x8x128xf32, #tpu.memory_space<hbm>> -> memref<1x1x1x8x128xf32, #tpu.memory_space<hbm>>
        %dma_wait3A_1135 = tpu.memref_squeeze %dma_wait3A_1134 : memref<1x1x1x8x128xf32, #tpu.memory_space<hbm>> -> memref<8x128xf32, #tpu.memory_space<hbm>>
        %dma_wait3A_1136 = arith.constant 0 : i32
        %dma_wait3A_1137 = arith.constant 0 : i32
        %dma_wait3A_1138 = tpu.memref_slice %arg7[%sub3A_1097, %dma_wait3A_1128, %add3A, %dma_wait3A_1136, %dma_wait3A_1137] : memref<200x8x32x8x128xf32, #tpu.memory_space<hbm>> -> memref<1x1x1x8x128xf32, #tpu.memory_space<hbm>>
        %dma_wait3A_1139 = tpu.memref_squeeze %dma_wait3A_1138 : memref<1x1x1x8x128xf32, #tpu.memory_space<hbm>> -> memref<8x128xf32, #tpu.memory_space<hbm>>
        %dma_wait3A_1140 = arith.constant 16 : i32
        %dma_wait3A_1141 = arith.constant 0 : i32
        %dma_wait3A_1142 = tpu.memref_slice %arg26[%dma_wait3A_1140, %dma_wait3A_1141] : memref<64x129xf32, #tpu.memory_space<vmem>> -> memref<8x128xf32, #tpu.memory_space<vmem>>
        tpu.wait_dma2 semaphore(%arg36 : memref<!tpu.dma_semaphore, #tpu.memory_space<semaphore_mem>>) src(%dma_wait3A_1142 : memref<8x128xf32, #tpu.memory_space<vmem>>) dst(%dma_wait3A_1139 : memref<8x128xf32, #tpu.memory_space<hbm>>)
        %dma_wait3A_1143 = arith.constant 3 : i32
        %dma_wait3A_1144 = arith.constant 24 : i32
        %dma_wait3A_1145 = arith.constant 0 : i32
        %dma_wait3A_1146 = tpu.memref_slice %arg26[%dma_wait3A_1144, %dma_wait3A_1145] : memref<64x129xf32, #tpu.memory_space<vmem>> -> memref<8x128xf32, #tpu.memory_space<vmem>>
        %dma_wait3A_1147 = arith.constant 0 : i32
        %dma_wait3A_1148 = arith.constant 0 : i32
        %dma_wait3A_1149 = tpu.memref_slice %arg7[%sub3A_1097, %dma_wait3A_1143, %add3A, %dma_wait3A_1147, %dma_wait3A_1148] : memref<200x8x32x8x128xf32, #tpu.memory_space<hbm>> -> memref<1x1x1x8x128xf32, #tpu.memory_space<hbm>>
        %dma_wait3A_1150 = tpu.memref_squeeze %dma_wait3A_1149 : memref<1x1x1x8x128xf32, #tpu.memory_space<hbm>> -> memref<8x128xf32, #tpu.memory_space<hbm>>
        %dma_wait3A_1151 = arith.constant 0 : i32
        %dma_wait3A_1152 = arith.constant 0 : i32
        %dma_wait3A_1153 = tpu.memref_slice %arg7[%sub3A_1097, %dma_wait3A_1143, %add3A, %dma_wait3A_1151, %dma_wait3A_1152] : memref<200x8x32x8x128xf32, #tpu.memory_space<hbm>> -> memref<1x1x1x8x128xf32, #tpu.memory_space<hbm>>
        %dma_wait3A_1154 = tpu.memref_squeeze %dma_wait3A_1153 : memref<1x1x1x8x128xf32, #tpu.memory_space<hbm>> -> memref<8x128xf32, #tpu.memory_space<hbm>>
        %dma_wait3A_1155 = arith.constant 24 : i32
        %dma_wait3A_1156 = arith.constant 0 : i32
        %dma_wait3A_1157 = tpu.memref_slice %arg26[%dma_wait3A_1155, %dma_wait3A_1156] : memref<64x129xf32, #tpu.memory_space<vmem>> -> memref<8x128xf32, #tpu.memory_space<vmem>>
        tpu.wait_dma2 semaphore(%arg36 : memref<!tpu.dma_semaphore, #tpu.memory_space<semaphore_mem>>) src(%dma_wait3A_1157 : memref<8x128xf32, #tpu.memory_space<vmem>>) dst(%dma_wait3A_1154 : memref<8x128xf32, #tpu.memory_space<hbm>>)
        %dma_wait3A_1158 = arith.constant 4 : i32
        %dma_wait3A_1159 = arith.constant 32 : i32
        %dma_wait3A_1160 = arith.constant 0 : i32
        %dma_wait3A_1161 = tpu.memref_slice %arg26[%dma_wait3A_1159, %dma_wait3A_1160] : memref<64x129xf32, #tpu.memory_space<vmem>> -> memref<8x128xf32, #tpu.memory_space<vmem>>
        %dma_wait3A_1162 = arith.constant 0 : i32
        %dma_wait3A_1163 = arith.constant 0 : i32
        %dma_wait3A_1164 = tpu.memref_slice %arg7[%sub3A_1097, %dma_wait3A_1158, %add3A, %dma_wait3A_1162, %dma_wait3A_1163] : memref<200x8x32x8x128xf32, #tpu.memory_space<hbm>> -> memref<1x1x1x8x128xf32, #tpu.memory_space<hbm>>
        %dma_wait3A_1165 = tpu.memref_squeeze %dma_wait3A_1164 : memref<1x1x1x8x128xf32, #tpu.memory_space<hbm>> -> memref<8x128xf32, #tpu.memory_space<hbm>>
        %dma_wait3A_1166 = arith.constant 0 : i32
        %dma_wait3A_1167 = arith.constant 0 : i32
        %dma_wait3A_1168 = tpu.memref_slice %arg7[%sub3A_1097, %dma_wait3A_1158, %add3A, %dma_wait3A_1166, %dma_wait3A_1167] : memref<200x8x32x8x128xf32, #tpu.memory_space<hbm>> -> memref<1x1x1x8x128xf32, #tpu.memory_space<hbm>>
        %dma_wait3A_1169 = tpu.memref_squeeze %dma_wait3A_1168 : memref<1x1x1x8x128xf32, #tpu.memory_space<hbm>> -> memref<8x128xf32, #tpu.memory_space<hbm>>
        %dma_wait3A_1170 = arith.constant 32 : i32
        %dma_wait3A_1171 = arith.constant 0 : i32
        %dma_wait3A_1172 = tpu.memref_slice %arg26[%dma_wait3A_1170, %dma_wait3A_1171] : memref<64x129xf32, #tpu.memory_space<vmem>> -> memref<8x128xf32, #tpu.memory_space<vmem>>
        tpu.wait_dma2 semaphore(%arg36 : memref<!tpu.dma_semaphore, #tpu.memory_space<semaphore_mem>>) src(%dma_wait3A_1172 : memref<8x128xf32, #tpu.memory_space<vmem>>) dst(%dma_wait3A_1169 : memref<8x128xf32, #tpu.memory_space<hbm>>)
        %dma_wait3A_1173 = arith.constant 5 : i32
        %dma_wait3A_1174 = arith.constant 40 : i32
        %dma_wait3A_1175 = arith.constant 0 : i32
        %dma_wait3A_1176 = tpu.memref_slice %arg26[%dma_wait3A_1174, %dma_wait3A_1175] : memref<64x129xf32, #tpu.memory_space<vmem>> -> memref<8x128xf32, #tpu.memory_space<vmem>>
        %dma_wait3A_1177 = arith.constant 0 : i32
        %dma_wait3A_1178 = arith.constant 0 : i32
        %dma_wait3A_1179 = tpu.memref_slice %arg7[%sub3A_1097, %dma_wait3A_1173, %add3A, %dma_wait3A_1177, %dma_wait3A_1178] : memref<200x8x32x8x128xf32, #tpu.memory_space<hbm>> -> memref<1x1x1x8x128xf32, #tpu.memory_space<hbm>>
        %dma_wait3A_1180 = tpu.memref_squeeze %dma_wait3A_1179 : memref<1x1x1x8x128xf32, #tpu.memory_space<hbm>> -> memref<8x128xf32, #tpu.memory_space<hbm>>
        %dma_wait3A_1181 = arith.constant 0 : i32
        %dma_wait3A_1182 = arith.constant 0 : i32
        %dma_wait3A_1183 = tpu.memref_slice %arg7[%sub3A_1097, %dma_wait3A_1173, %add3A, %dma_wait3A_1181, %dma_wait3A_1182] : memref<200x8x32x8x128xf32, #tpu.memory_space<hbm>> -> memref<1x1x1x8x128xf32, #tpu.memory_space<hbm>>
        %dma_wait3A_1184 = tpu.memref_squeeze %dma_wait3A_1183 : memref<1x1x1x8x128xf32, #tpu.memory_space<hbm>> -> memref<8x128xf32, #tpu.memory_space<hbm>>
        %dma_wait3A_1185 = arith.constant 40 : i32
        %dma_wait3A_1186 = arith.constant 0 : i32
        %dma_wait3A_1187 = tpu.memref_slice %arg26[%dma_wait3A_1185, %dma_wait3A_1186] : memref<64x129xf32, #tpu.memory_space<vmem>> -> memref<8x128xf32, #tpu.memory_space<vmem>>
        tpu.wait_dma2 semaphore(%arg36 : memref<!tpu.dma_semaphore, #tpu.memory_space<semaphore_mem>>) src(%dma_wait3A_1187 : memref<8x128xf32, #tpu.memory_space<vmem>>) dst(%dma_wait3A_1184 : memref<8x128xf32, #tpu.memory_space<hbm>>)
        %dma_wait3A_1188 = arith.constant 6 : i32
        %dma_wait3A_1189 = arith.constant 48 : i32
        %dma_wait3A_1190 = arith.constant 0 : i32
        %dma_wait3A_1191 = tpu.memref_slice %arg26[%dma_wait3A_1189, %dma_wait3A_1190] : memref<64x129xf32, #tpu.memory_space<vmem>> -> memref<8x128xf32, #tpu.memory_space<vmem>>
        %dma_wait3A_1192 = arith.constant 0 : i32
        %dma_wait3A_1193 = arith.constant 0 : i32
        %dma_wait3A_1194 = tpu.memref_slice %arg7[%sub3A_1097, %dma_wait3A_1188, %add3A, %dma_wait3A_1192, %dma_wait3A_1193] : memref<200x8x32x8x128xf32, #tpu.memory_space<hbm>> -> memref<1x1x1x8x128xf32, #tpu.memory_space<hbm>>
        %dma_wait3A_1195 = tpu.memref_squeeze %dma_wait3A_1194 : memref<1x1x1x8x128xf32, #tpu.memory_space<hbm>> -> memref<8x128xf32, #tpu.memory_space<hbm>>
        %dma_wait3A_1196 = arith.constant 0 : i32
        %dma_wait3A_1197 = arith.constant 0 : i32
        %dma_wait3A_1198 = tpu.memref_slice %arg7[%sub3A_1097, %dma_wait3A_1188, %add3A, %dma_wait3A_1196, %dma_wait3A_1197] : memref<200x8x32x8x128xf32, #tpu.memory_space<hbm>> -> memref<1x1x1x8x128xf32, #tpu.memory_space<hbm>>
        %dma_wait3A_1199 = tpu.memref_squeeze %dma_wait3A_1198 : memref<1x1x1x8x128xf32, #tpu.memory_space<hbm>> -> memref<8x128xf32, #tpu.memory_space<hbm>>
        %dma_wait3A_1200 = arith.constant 48 : i32
        %dma_wait3A_1201 = arith.constant 0 : i32
        %dma_wait3A_1202 = tpu.memref_slice %arg26[%dma_wait3A_1200, %dma_wait3A_1201] : memref<64x129xf32, #tpu.memory_space<vmem>> -> memref<8x128xf32, #tpu.memory_space<vmem>>
        tpu.wait_dma2 semaphore(%arg36 : memref<!tpu.dma_semaphore, #tpu.memory_space<semaphore_mem>>) src(%dma_wait3A_1202 : memref<8x128xf32, #tpu.memory_space<vmem>>) dst(%dma_wait3A_1199 : memref<8x128xf32, #tpu.memory_space<hbm>>)
        %dma_wait3A_1203 = arith.constant 7 : i32
        %dma_wait3A_1204 = arith.constant 56 : i32
        %dma_wait3A_1205 = arith.constant 0 : i32
        %dma_wait3A_1206 = tpu.memref_slice %arg26[%dma_wait3A_1204, %dma_wait3A_1205] : memref<64x129xf32, #tpu.memory_space<vmem>> -> memref<8x128xf32, #tpu.memory_space<vmem>>
        %dma_wait3A_1207 = arith.constant 0 : i32
        %dma_wait3A_1208 = arith.constant 0 : i32
        %dma_wait3A_1209 = tpu.memref_slice %arg7[%sub3A_1097, %dma_wait3A_1203, %add3A, %dma_wait3A_1207, %dma_wait3A_1208] : memref<200x8x32x8x128xf32, #tpu.memory_space<hbm>> -> memref<1x1x1x8x128xf32, #tpu.memory_space<hbm>>
        %dma_wait3A_1210 = tpu.memref_squeeze %dma_wait3A_1209 : memref<1x1x1x8x128xf32, #tpu.memory_space<hbm>> -> memref<8x128xf32, #tpu.memory_space<hbm>>
        %dma_wait3A_1211 = arith.constant 0 : i32
        %dma_wait3A_1212 = arith.constant 0 : i32
        %dma_wait3A_1213 = tpu.memref_slice %arg7[%sub3A_1097, %dma_wait3A_1203, %add3A, %dma_wait3A_1211, %dma_wait3A_1212] : memref<200x8x32x8x128xf32, #tpu.memory_space<hbm>> -> memref<1x1x1x8x128xf32, #tpu.memory_space<hbm>>
        %dma_wait3A_1214 = tpu.memref_squeeze %dma_wait3A_1213 : memref<1x1x1x8x128xf32, #tpu.memory_space<hbm>> -> memref<8x128xf32, #tpu.memory_space<hbm>>
        %dma_wait3A_1215 = arith.constant 56 : i32
        %dma_wait3A_1216 = arith.constant 0 : i32
        %dma_wait3A_1217 = tpu.memref_slice %arg26[%dma_wait3A_1215, %dma_wait3A_1216] : memref<64x129xf32, #tpu.memory_space<vmem>> -> memref<8x128xf32, #tpu.memory_space<vmem>>
        tpu.wait_dma2 semaphore(%arg36 : memref<!tpu.dma_semaphore, #tpu.memory_space<semaphore_mem>>) src(%dma_wait3A_1217 : memref<8x128xf32, #tpu.memory_space<vmem>>) dst(%dma_wait3A_1214 : memref<8x128xf32, #tpu.memory_space<hbm>>)
      } else {
      }
      %get3A_949 = arith.index_cast %add3A_921 : i32 to index
      %get3A_950 = arith.constant 0 : index
      %get3A_951 = tpu.vector_load %arg8[%get3A_949, %get3A_950] {strides = array<i32>} : memref<200x64xf32, #tpu.memory_space<vmem>>, vector<16xf32>,
      %get3A_952 = arith.index_cast %add3A_921 : i32 to index
      %get3A_953 = arith.constant 16 : index
      %get3A_954 = tpu.vector_load %arg8[%get3A_952, %get3A_953] {strides = array<i32>} : memref<200x64xf32, #tpu.memory_space<vmem>>, vector<16xf32>,
      %get3A_955 = arith.index_cast %add3A_921 : i32 to index
      %get3A_956 = arith.constant 32 : index
      %get3A_957 = tpu.vector_load %arg8[%get3A_955, %get3A_956] {strides = array<i32>} : memref<200x64xf32, #tpu.memory_space<vmem>>, vector<16xf32>,
      %get3A_958 = arith.index_cast %add3A_921 : i32 to index
      %get3A_959 = arith.constant 48 : index
      %get3A_960 = tpu.vector_load %arg8[%get3A_958, %get3A_959] {strides = array<i32>} : memref<200x64xf32, #tpu.memory_space<vmem>>, vector<16xf32>,
      %add3A_961 = arith.constant 0 : i32
      %add3A_962 = vector.broadcast %add3A_961 : i32 to vector<16xi32>
      %add3A_963 = arith.addi %iota3A, %add3A_962 : vector<16xi32>
      %add3A_964 = arith.constant 16 : i32
      %add3A_965 = vector.broadcast %add3A_964 : i32 to vector<16xi32>
      %add3A_966 = arith.addi %iota3A, %add3A_965 : vector<16xi32>
      %add3A_967 = arith.constant 32 : i32
      %add3A_968 = vector.broadcast %add3A_967 : i32 to vector<16xi32>
      %add3A_969 = arith.addi %iota3A, %add3A_968 : vector<16xi32>
      %add3A_970 = arith.constant 48 : i32
      %add3A_971 = vector.broadcast %add3A_970 : i32 to vector<16xi32>
      %add3A_972 = arith.addi %iota3A, %add3A_971 : vector<16xi32>
      %parallel_loop3A_973 = arith.constant 0 : i32
      %parallel_loop3A_974 = arith.constant 128 : i32
      %parallel_loop3A_975 = arith.constant 1 : i32
      scf.for %parallel_loop3A_1096 = %parallel_loop3A_973 to %parallel_loop3A_974 step %parallel_loop3A_975  : i32 {
        %parallel_loop3A_1097 = vector.broadcast %parallel_loop3A_1096 : i32 to vector<16xi32>
        %parallel_loop3A_1098 = arith.index_cast %parallel_loop3A_1096 : i32 to index
        %parallel_loop3A_1099 = arith.constant 0 : index
        %parallel_loop3A_1100 = tpu.vector_load %arg20[%parallel_loop3A_1098, %parallel_loop3A_1099] {strides = array<i32>} : memref<128x64xf32, #tpu.memory_space<vmem>>, vector<16xf32>,
        %parallel_loop3A_1101 = arith.index_cast %parallel_loop3A_1096 : i32 to index
        %parallel_loop3A_1102 = arith.constant 0 : index
        %parallel_loop3A_1103 = tpu.vector_load %arg24[%parallel_loop3A_1101, %parallel_loop3A_1102] {strides = array<i32>} : memref<128x64xf32, #tpu.memory_space<vmem>>, vector<16xf32>,
        %parallel_loop3A_1104 = arith.addf %parallel_loop3A_1100, %parallel_loop3A_1103 : vector<16xf32>
        %parallel_loop3A_1105 = arith.addf %parallel_loop3A_1104, %get3A_951 : vector<16xf32>
        tpu.vector_store_idx %arg26[%add3A_963, %parallel_loop3A_1097], %parallel_loop3A_1105 : memref<64x129xf32, #tpu.memory_space<vmem>>[vector<16xi32>, vector<16xi32>], vector<16xf32>,
        %parallel_loop3A_1106 = arith.index_cast %parallel_loop3A_1096 : i32 to index
        %parallel_loop3A_1107 = arith.constant 16 : index
        %parallel_loop3A_1108 = tpu.vector_load %arg20[%parallel_loop3A_1106, %parallel_loop3A_1107] {strides = array<i32>} : memref<128x64xf32, #tpu.memory_space<vmem>>, vector<16xf32>,
        %parallel_loop3A_1109 = arith.index_cast %parallel_loop3A_1096 : i32 to index
        %parallel_loop3A_1110 = arith.constant 16 : index
        %parallel_loop3A_1111 = tpu.vector_load %arg24[%parallel_loop3A_1109, %parallel_loop3A_1110] {strides = array<i32>} : memref<128x64xf32, #tpu.memory_space<vmem>>, vector<16xf32>,
        %parallel_loop3A_1112 = arith.addf %parallel_loop3A_1108, %parallel_loop3A_1111 : vector<16xf32>
        %parallel_loop3A_1113 = arith.addf %parallel_loop3A_1112, %get3A_954 : vector<16xf32>
        tpu.vector_store_idx %arg26[%add3A_966, %parallel_loop3A_1097], %parallel_loop3A_1113 : memref<64x129xf32, #tpu.memory_space<vmem>>[vector<16xi32>, vector<16xi32>], vector<16xf32>,
        %parallel_loop3A_1114 = arith.index_cast %parallel_loop3A_1096 : i32 to index
        %parallel_loop3A_1115 = arith.constant 32 : index
        %parallel_loop3A_1116 = tpu.vector_load %arg20[%parallel_loop3A_1114, %parallel_loop3A_1115] {strides = array<i32>} : memref<128x64xf32, #tpu.memory_space<vmem>>, vector<16xf32>,
        %parallel_loop3A_1117 = arith.index_cast %parallel_loop3A_1096 : i32 to index
        %parallel_loop3A_1118 = arith.constant 32 : index
        %parallel_loop3A_1119 = tpu.vector_load %arg24[%parallel_loop3A_1117, %parallel_loop3A_1118] {strides = array<i32>} : memref<128x64xf32, #tpu.memory_space<vmem>>, vector<16xf32>,
        %parallel_loop3A_1120 = arith.addf %parallel_loop3A_1116, %parallel_loop3A_1119 : vector<16xf32>
        %parallel_loop3A_1121 = arith.addf %parallel_loop3A_1120, %get3A_957 : vector<16xf32>
        tpu.vector_store_idx %arg26[%add3A_969, %parallel_loop3A_1097], %parallel_loop3A_1121 : memref<64x129xf32, #tpu.memory_space<vmem>>[vector<16xi32>, vector<16xi32>], vector<16xf32>,
        %parallel_loop3A_1122 = arith.index_cast %parallel_loop3A_1096 : i32 to index
        %parallel_loop3A_1123 = arith.constant 48 : index
        %parallel_loop3A_1124 = tpu.vector_load %arg20[%parallel_loop3A_1122, %parallel_loop3A_1123] {strides = array<i32>} : memref<128x64xf32, #tpu.memory_space<vmem>>, vector<16xf32>,
        %parallel_loop3A_1125 = arith.index_cast %parallel_loop3A_1096 : i32 to index
        %parallel_loop3A_1126 = arith.constant 48 : index
        %parallel_loop3A_1127 = tpu.vector_load %arg24[%parallel_loop3A_1125, %parallel_loop3A_1126] {strides = array<i32>} : memref<128x64xf32, #tpu.memory_space<vmem>>, vector<16xf32>,
        %parallel_loop3A_1128 = arith.addf %parallel_loop3A_1124, %parallel_loop3A_1127 : vector<16xf32>
        %parallel_loop3A_1129 = arith.addf %parallel_loop3A_1128, %get3A_960 : vector<16xf32>
        tpu.vector_store_idx %arg26[%add3A_972, %parallel_loop3A_1097], %parallel_loop3A_1129 : memref<64x129xf32, #tpu.memory_space<vmem>>[vector<16xi32>, vector<16xi32>], vector<16xf32>,
      } {sc.loop_unroll_factor = 4 : i64, sc.parallel_access}
      %dma_start3A_976 = arith.constant 0 : i32
      %dma_start3A_977 = arith.constant 0 : i32
      %dma_start3A_978 = arith.constant 0 : i32
      %dma_start3A_979 = tpu.memref_slice %arg26[%dma_start3A_977, %dma_start3A_978] : memref<64x129xf32, #tpu.memory_space<vmem>> -> memref<8x128xf32, #tpu.memory_space<vmem>>
      %dma_start3A_980 = arith.constant 0 : i32
      %dma_start3A_981 = arith.constant 0 : i32
      %dma_start3A_982 = tpu.memref_slice %arg7[%add3A_921, %dma_start3A_976, %add3A, %dma_start3A_980, %dma_start3A_981] : memref<200x8x32x8x128xf32, #tpu.memory_space<hbm>> -> memref<1x1x1x8x128xf32, #tpu.memory_space<hbm>>
      %dma_start3A_983 = tpu.memref_squeeze %dma_start3A_982 : memref<1x1x1x8x128xf32, #tpu.memory_space<hbm>> -> memref<8x128xf32, #tpu.memory_space<hbm>>
      %dma_start3A_984 = arith.constant 0 : i32
      %dma_start3A_985 = arith.constant 0 : i32
      %dma_start3A_986 = tpu.memref_slice %arg7[%add3A_921, %dma_start3A_976, %add3A, %dma_start3A_984, %dma_start3A_985] : memref<200x8x32x8x128xf32, #tpu.memory_space<hbm>> -> memref<1x1x1x8x128xf32, #tpu.memory_space<hbm>>
      %dma_start3A_987 = tpu.memref_squeeze %dma_start3A_986 : memref<1x1x1x8x128xf32, #tpu.memory_space<hbm>> -> memref<8x128xf32, #tpu.memory_space<hbm>>
      %dma_start3A_988 = arith.constant 0 : i32
      %dma_start3A_989 = arith.constant 0 : i32
      %dma_start3A_990 = tpu.memref_slice %arg26[%dma_start3A_988, %dma_start3A_989] : memref<64x129xf32, #tpu.memory_space<vmem>> -> memref<8x128xf32, #tpu.memory_space<vmem>>
      tpu.enqueue_dma source(%dma_start3A_990 : memref<8x128xf32, #tpu.memory_space<vmem>>) target(%dma_start3A_987 : memref<8x128xf32, #tpu.memory_space<hbm>>) target_semaphore(%arg36 : memref<!tpu.dma_semaphore, #tpu.memory_space<semaphore_mem>>)
      %dma_start3A_991 = arith.constant 1 : i32
      %dma_start3A_992 = arith.constant 8 : i32
      %dma_start3A_993 = arith.constant 0 : i32
      %dma_start3A_994 = tpu.memref_slice %arg26[%dma_start3A_992, %dma_start3A_993] : memref<64x129xf32, #tpu.memory_space<vmem>> -> memref<8x128xf32, #tpu.memory_space<vmem>>
      %dma_start3A_995 = arith.constant 0 : i32
      %dma_start3A_996 = arith.constant 0 : i32
      %dma_start3A_997 = tpu.memref_slice %arg7[%add3A_921, %dma_start3A_991, %add3A, %dma_start3A_995, %dma_start3A_996] : memref<200x8x32x8x128xf32, #tpu.memory_space<hbm>> -> memref<1x1x1x8x128xf32, #tpu.memory_space<hbm>>
      %dma_start3A_998 = tpu.memref_squeeze %dma_start3A_997 : memref<1x1x1x8x128xf32, #tpu.memory_space<hbm>> -> memref<8x128xf32, #tpu.memory_space<hbm>>
      %dma_start3A_999 = arith.constant 0 : i32
      %dma_start3A_1000 = arith.constant 0 : i32
      %dma_start3A_1001 = tpu.memref_slice %arg7[%add3A_921, %dma_start3A_991, %add3A, %dma_start3A_999, %dma_start3A_1000] : memref<200x8x32x8x128xf32, #tpu.memory_space<hbm>> -> memref<1x1x1x8x128xf32, #tpu.memory_space<hbm>>
      %dma_start3A_1002 = tpu.memref_squeeze %dma_start3A_1001 : memref<1x1x1x8x128xf32, #tpu.memory_space<hbm>> -> memref<8x128xf32, #tpu.memory_space<hbm>>
      %dma_start3A_1003 = arith.constant 8 : i32
      %dma_start3A_1004 = arith.constant 0 : i32
      %dma_start3A_1005 = tpu.memref_slice %arg26[%dma_start3A_1003, %dma_start3A_1004] : memref<64x129xf32, #tpu.memory_space<vmem>> -> memref<8x128xf32, #tpu.memory_space<vmem>>
      tpu.enqueue_dma source(%dma_start3A_1005 : memref<8x128xf32, #tpu.memory_space<vmem>>) target(%dma_start3A_1002 : memref<8x128xf32, #tpu.memory_space<hbm>>) target_semaphore(%arg36 : memref<!tpu.dma_semaphore, #tpu.memory_space<semaphore_mem>>)
      %dma_start3A_1006 = arith.constant 2 : i32
      %dma_start3A_1007 = arith.constant 16 : i32
      %dma_start3A_1008 = arith.constant 0 : i32
      %dma_start3A_1009 = tpu.memref_slice %arg26[%dma_start3A_1007, %dma_start3A_1008] : memref<64x129xf32, #tpu.memory_space<vmem>> -> memref<8x128xf32, #tpu.memory_space<vmem>>
      %dma_start3A_1010 = arith.constant 0 : i32
      %dma_start3A_1011 = arith.constant 0 : i32
      %dma_start3A_1012 = tpu.memref_slice %arg7[%add3A_921, %dma_start3A_1006, %add3A, %dma_start3A_1010, %dma_start3A_1011] : memref<200x8x32x8x128xf32, #tpu.memory_space<hbm>> -> memref<1x1x1x8x128xf32, #tpu.memory_space<hbm>>
      %dma_start3A_1013 = tpu.memref_squeeze %dma_start3A_1012 : memref<1x1x1x8x128xf32, #tpu.memory_space<hbm>> -> memref<8x128xf32, #tpu.memory_space<hbm>>
      %dma_start3A_1014 = arith.constant 0 : i32
      %dma_start3A_1015 = arith.constant 0 : i32
      %dma_start3A_1016 = tpu.memref_slice %arg7[%add3A_921, %dma_start3A_1006, %add3A, %dma_start3A_1014, %dma_start3A_1015] : memref<200x8x32x8x128xf32, #tpu.memory_space<hbm>> -> memref<1x1x1x8x128xf32, #tpu.memory_space<hbm>>
      %dma_start3A_1017 = tpu.memref_squeeze %dma_start3A_1016 : memref<1x1x1x8x128xf32, #tpu.memory_space<hbm>> -> memref<8x128xf32, #tpu.memory_space<hbm>>
      %dma_start3A_1018 = arith.constant 16 : i32
      %dma_start3A_1019 = arith.constant 0 : i32
      %dma_start3A_1020 = tpu.memref_slice %arg26[%dma_start3A_1018, %dma_start3A_1019] : memref<64x129xf32, #tpu.memory_space<vmem>> -> memref<8x128xf32, #tpu.memory_space<vmem>>
      tpu.enqueue_dma source(%dma_start3A_1020 : memref<8x128xf32, #tpu.memory_space<vmem>>) target(%dma_start3A_1017 : memref<8x128xf32, #tpu.memory_space<hbm>>) target_semaphore(%arg36 : memref<!tpu.dma_semaphore, #tpu.memory_space<semaphore_mem>>)
      %dma_start3A_1021 = arith.constant 3 : i32
      %dma_start3A_1022 = arith.constant 24 : i32
      %dma_start3A_1023 = arith.constant 0 : i32
      %dma_start3A_1024 = tpu.memref_slice %arg26[%dma_start3A_1022, %dma_start3A_1023] : memref<64x129xf32, #tpu.memory_space<vmem>> -> memref<8x128xf32, #tpu.memory_space<vmem>>
      %dma_start3A_1025 = arith.constant 0 : i32
      %dma_start3A_1026 = arith.constant 0 : i32
      %dma_start3A_1027 = tpu.memref_slice %arg7[%add3A_921, %dma_start3A_1021, %add3A, %dma_start3A_1025, %dma_start3A_1026] : memref<200x8x32x8x128xf32, #tpu.memory_space<hbm>> -> memref<1x1x1x8x128xf32, #tpu.memory_space<hbm>>
      %dma_start3A_1028 = tpu.memref_squeeze %dma_start3A_1027 : memref<1x1x1x8x128xf32, #tpu.memory_space<hbm>> -> memref<8x128xf32, #tpu.memory_space<hbm>>
      %dma_start3A_1029 = arith.constant 0 : i32
      %dma_start3A_1030 = arith.constant 0 : i32
      %dma_start3A_1031 = tpu.memref_slice %arg7[%add3A_921, %dma_start3A_1021, %add3A, %dma_start3A_1029, %dma_start3A_1030] : memref<200x8x32x8x128xf32, #tpu.memory_space<hbm>> -> memref<1x1x1x8x128xf32, #tpu.memory_space<hbm>>
      %dma_start3A_1032 = tpu.memref_squeeze %dma_start3A_1031 : memref<1x1x1x8x128xf32, #tpu.memory_space<hbm>> -> memref<8x128xf32, #tpu.memory_space<hbm>>
      %dma_start3A_1033 = arith.constant 24 : i32
      %dma_start3A_1034 = arith.constant 0 : i32
      %dma_start3A_1035 = tpu.memref_slice %arg26[%dma_start3A_1033, %dma_start3A_1034] : memref<64x129xf32, #tpu.memory_space<vmem>> -> memref<8x128xf32, #tpu.memory_space<vmem>>
      tpu.enqueue_dma source(%dma_start3A_1035 : memref<8x128xf32, #tpu.memory_space<vmem>>) target(%dma_start3A_1032 : memref<8x128xf32, #tpu.memory_space<hbm>>) target_semaphore(%arg36 : memref<!tpu.dma_semaphore, #tpu.memory_space<semaphore_mem>>)
      %dma_start3A_1036 = arith.constant 4 : i32
      %dma_start3A_1037 = arith.constant 32 : i32
      %dma_start3A_1038 = arith.constant 0 : i32
      %dma_start3A_1039 = tpu.memref_slice %arg26[%dma_start3A_1037, %dma_start3A_1038] : memref<64x129xf32, #tpu.memory_space<vmem>> -> memref<8x128xf32, #tpu.memory_space<vmem>>
      %dma_start3A_1040 = arith.constant 0 : i32
      %dma_start3A_1041 = arith.constant 0 : i32
      %dma_start3A_1042 = tpu.memref_slice %arg7[%add3A_921, %dma_start3A_1036, %add3A, %dma_start3A_1040, %dma_start3A_1041] : memref<200x8x32x8x128xf32, #tpu.memory_space<hbm>> -> memref<1x1x1x8x128xf32, #tpu.memory_space<hbm>>
      %dma_start3A_1043 = tpu.memref_squeeze %dma_start3A_1042 : memref<1x1x1x8x128xf32, #tpu.memory_space<hbm>> -> memref<8x128xf32, #tpu.memory_space<hbm>>
      %dma_start3A_1044 = arith.constant 0 : i32
      %dma_start3A_1045 = arith.constant 0 : i32
      %dma_start3A_1046 = tpu.memref_slice %arg7[%add3A_921, %dma_start3A_1036, %add3A, %dma_start3A_1044, %dma_start3A_1045] : memref<200x8x32x8x128xf32, #tpu.memory_space<hbm>> -> memref<1x1x1x8x128xf32, #tpu.memory_space<hbm>>
      %dma_start3A_1047 = tpu.memref_squeeze %dma_start3A_1046 : memref<1x1x1x8x128xf32, #tpu.memory_space<hbm>> -> memref<8x128xf32, #tpu.memory_space<hbm>>
      %dma_start3A_1048 = arith.constant 32 : i32
      %dma_start3A_1049 = arith.constant 0 : i32
      %dma_start3A_1050 = tpu.memref_slice %arg26[%dma_start3A_1048, %dma_start3A_1049] : memref<64x129xf32, #tpu.memory_space<vmem>> -> memref<8x128xf32, #tpu.memory_space<vmem>>
      tpu.enqueue_dma source(%dma_start3A_1050 : memref<8x128xf32, #tpu.memory_space<vmem>>) target(%dma_start3A_1047 : memref<8x128xf32, #tpu.memory_space<hbm>>) target_semaphore(%arg36 : memref<!tpu.dma_semaphore, #tpu.memory_space<semaphore_mem>>)
      %dma_start3A_1051 = arith.constant 5 : i32
      %dma_start3A_1052 = arith.constant 40 : i32
      %dma_start3A_1053 = arith.constant 0 : i32
      %dma_start3A_1054 = tpu.memref_slice %arg26[%dma_start3A_1052, %dma_start3A_1053] : memref<64x129xf32, #tpu.memory_space<vmem>> -> memref<8x128xf32, #tpu.memory_space<vmem>>
      %dma_start3A_1055 = arith.constant 0 : i32
      %dma_start3A_1056 = arith.constant 0 : i32
      %dma_start3A_1057 = tpu.memref_slice %arg7[%add3A_921, %dma_start3A_1051, %add3A, %dma_start3A_1055, %dma_start3A_1056] : memref<200x8x32x8x128xf32, #tpu.memory_space<hbm>> -> memref<1x1x1x8x128xf32, #tpu.memory_space<hbm>>
      %dma_start3A_1058 = tpu.memref_squeeze %dma_start3A_1057 : memref<1x1x1x8x128xf32, #tpu.memory_space<hbm>> -> memref<8x128xf32, #tpu.memory_space<hbm>>
      %dma_start3A_1059 = arith.constant 0 : i32
      %dma_start3A_1060 = arith.constant 0 : i32
      %dma_start3A_1061 = tpu.memref_slice %arg7[%add3A_921, %dma_start3A_1051, %add3A, %dma_start3A_1059, %dma_start3A_1060] : memref<200x8x32x8x128xf32, #tpu.memory_space<hbm>> -> memref<1x1x1x8x128xf32, #tpu.memory_space<hbm>>
      %dma_start3A_1062 = tpu.memref_squeeze %dma_start3A_1061 : memref<1x1x1x8x128xf32, #tpu.memory_space<hbm>> -> memref<8x128xf32, #tpu.memory_space<hbm>>
      %dma_start3A_1063 = arith.constant 40 : i32
      %dma_start3A_1064 = arith.constant 0 : i32
      %dma_start3A_1065 = tpu.memref_slice %arg26[%dma_start3A_1063, %dma_start3A_1064] : memref<64x129xf32, #tpu.memory_space<vmem>> -> memref<8x128xf32, #tpu.memory_space<vmem>>
      tpu.enqueue_dma source(%dma_start3A_1065 : memref<8x128xf32, #tpu.memory_space<vmem>>) target(%dma_start3A_1062 : memref<8x128xf32, #tpu.memory_space<hbm>>) target_semaphore(%arg36 : memref<!tpu.dma_semaphore, #tpu.memory_space<semaphore_mem>>)
      %dma_start3A_1066 = arith.constant 6 : i32
      %dma_start3A_1067 = arith.constant 48 : i32
      %dma_start3A_1068 = arith.constant 0 : i32
      %dma_start3A_1069 = tpu.memref_slice %arg26[%dma_start3A_1067, %dma_start3A_1068] : memref<64x129xf32, #tpu.memory_space<vmem>> -> memref<8x128xf32, #tpu.memory_space<vmem>>
      %dma_start3A_1070 = arith.constant 0 : i32
      %dma_start3A_1071 = arith.constant 0 : i32
      %dma_start3A_1072 = tpu.memref_slice %arg7[%add3A_921, %dma_start3A_1066, %add3A, %dma_start3A_1070, %dma_start3A_1071] : memref<200x8x32x8x128xf32, #tpu.memory_space<hbm>> -> memref<1x1x1x8x128xf32, #tpu.memory_space<hbm>>
      %dma_start3A_1073 = tpu.memref_squeeze %dma_start3A_1072 : memref<1x1x1x8x128xf32, #tpu.memory_space<hbm>> -> memref<8x128xf32, #tpu.memory_space<hbm>>
      %dma_start3A_1074 = arith.constant 0 : i32
      %dma_start3A_1075 = arith.constant 0 : i32
      %dma_start3A_1076 = tpu.memref_slice %arg7[%add3A_921, %dma_start3A_1066, %add3A, %dma_start3A_1074, %dma_start3A_1075] : memref<200x8x32x8x128xf32, #tpu.memory_space<hbm>> -> memref<1x1x1x8x128xf32, #tpu.memory_space<hbm>>
      %dma_start3A_1077 = tpu.memref_squeeze %dma_start3A_1076 : memref<1x1x1x8x128xf32, #tpu.memory_space<hbm>> -> memref<8x128xf32, #tpu.memory_space<hbm>>
      %dma_start3A_1078 = arith.constant 48 : i32
      %dma_start3A_1079 = arith.constant 0 : i32
      %dma_start3A_1080 = tpu.memref_slice %arg26[%dma_start3A_1078, %dma_start3A_1079] : memref<64x129xf32, #tpu.memory_space<vmem>> -> memref<8x128xf32, #tpu.memory_space<vmem>>
      tpu.enqueue_dma source(%dma_start3A_1080 : memref<8x128xf32, #tpu.memory_space<vmem>>) target(%dma_start3A_1077 : memref<8x128xf32, #tpu.memory_space<hbm>>) target_semaphore(%arg36 : memref<!tpu.dma_semaphore, #tpu.memory_space<semaphore_mem>>)
      %dma_start3A_1081 = arith.constant 7 : i32
      %dma_start3A_1082 = arith.constant 56 : i32
      %dma_start3A_1083 = arith.constant 0 : i32
      %dma_start3A_1084 = tpu.memref_slice %arg26[%dma_start3A_1082, %dma_start3A_1083] : memref<64x129xf32, #tpu.memory_space<vmem>> -> memref<8x128xf32, #tpu.memory_space<vmem>>
      %dma_start3A_1085 = arith.constant 0 : i32
      %dma_start3A_1086 = arith.constant 0 : i32
      %dma_start3A_1087 = tpu.memref_slice %arg7[%add3A_921, %dma_start3A_1081, %add3A, %dma_start3A_1085, %dma_start3A_1086] : memref<200x8x32x8x128xf32, #tpu.memory_space<hbm>> -> memref<1x1x1x8x128xf32, #tpu.memory_space<hbm>>
      %dma_start3A_1088 = tpu.memref_squeeze %dma_start3A_1087 : memref<1x1x1x8x128xf32, #tpu.memory_space<hbm>> -> memref<8x128xf32, #tpu.memory_space<hbm>>
      %dma_start3A_1089 = arith.constant 0 : i32
      %dma_start3A_1090 = arith.constant 0 : i32
      %dma_start3A_1091 = tpu.memref_slice %arg7[%add3A_921, %dma_start3A_1081, %add3A, %dma_start3A_1089, %dma_start3A_1090] : memref<200x8x32x8x128xf32, #tpu.memory_space<hbm>> -> memref<1x1x1x8x128xf32, #tpu.memory_space<hbm>>
      %dma_start3A_1092 = tpu.memref_squeeze %dma_start3A_1091 : memref<1x1x1x8x128xf32, #tpu.memory_space<hbm>> -> memref<8x128xf32, #tpu.memory_space<hbm>>
      %dma_start3A_1093 = arith.constant 56 : i32
      %dma_start3A_1094 = arith.constant 0 : i32
      %dma_start3A_1095 = tpu.memref_slice %arg26[%dma_start3A_1093, %dma_start3A_1094] : memref<64x129xf32, #tpu.memory_space<vmem>> -> memref<8x128xf32, #tpu.memory_space<vmem>>
      tpu.enqueue_dma source(%dma_start3A_1095 : memref<8x128xf32, #tpu.memory_space<vmem>>) target(%dma_start3A_1092 : memref<8x128xf32, #tpu.memory_space<hbm>>) target_semaphore(%arg36 : memref<!tpu.dma_semaphore, #tpu.memory_space<semaphore_mem>>)
    }
    %scan3A_133 = arith.constant 50 : i32
    %dma_wait3A_134 = arith.constant 198 : i32
    %dma_wait3A_135 = arith.constant 0 : i32
    %dma_wait3A_136 = arith.constant 0 : i32
    %dma_wait3A_137 = arith.constant 0 : i32
    %dma_wait3A_138 = tpu.memref_slice %arg25[%dma_wait3A_136, %dma_wait3A_137] : memref<64x129xf32, #tpu.memory_space<vmem>> -> memref<8x128xf32, #tpu.memory_space<vmem>>
    %dma_wait3A_139 = arith.constant 0 : i32
    %dma_wait3A_140 = arith.constant 0 : i32
    %dma_wait3A_141 = tpu.memref_slice %arg7[%dma_wait3A_134, %dma_wait3A_135, %add3A, %dma_wait3A_139, %dma_wait3A_140] : memref<200x8x32x8x128xf32, #tpu.memory_space<hbm>> -> memref<1x1x1x8x128xf32, #tpu.memory_space<hbm>>
    %dma_wait3A_142 = tpu.memref_squeeze %dma_wait3A_141 : memref<1x1x1x8x128xf32, #tpu.memory_space<hbm>> -> memref<8x128xf32, #tpu.memory_space<hbm>>
    %dma_wait3A_143 = arith.constant 0 : i32
    %dma_wait3A_144 = arith.constant 0 : i32
    %dma_wait3A_145 = tpu.memref_slice %arg7[%dma_wait3A_134, %dma_wait3A_135, %add3A, %dma_wait3A_143, %dma_wait3A_144] : memref<200x8x32x8x128xf32, #tpu.memory_space<hbm>> -> memref<1x1x1x8x128xf32, #tpu.memory_space<hbm>>
    %dma_wait3A_146 = tpu.memref_squeeze %dma_wait3A_145 : memref<1x1x1x8x128xf32, #tpu.memory_space<hbm>> -> memref<8x128xf32, #tpu.memory_space<hbm>>
    %dma_wait3A_147 = arith.constant 0 : i32
    %dma_wait3A_148 = arith.constant 0 : i32
    %dma_wait3A_149 = tpu.memref_slice %arg25[%dma_wait3A_147, %dma_wait3A_148] : memref<64x129xf32, #tpu.memory_space<vmem>> -> memref<8x128xf32, #tpu.memory_space<vmem>>
    tpu.wait_dma2 semaphore(%arg35 : memref<!tpu.dma_semaphore, #tpu.memory_space<semaphore_mem>>) src(%dma_wait3A_149 : memref<8x128xf32, #tpu.memory_space<vmem>>) dst(%dma_wait3A_146 : memref<8x128xf32, #tpu.memory_space<hbm>>)
    %dma_wait3A_150 = arith.constant 198 : i32
    %dma_wait3A_151 = arith.constant 1 : i32
    %dma_wait3A_152 = arith.constant 8 : i32
    %dma_wait3A_153 = arith.constant 0 : i32
    %dma_wait3A_154 = tpu.memref_slice %arg25[%dma_wait3A_152, %dma_wait3A_153] : memref<64x129xf32, #tpu.memory_space<vmem>> -> memref<8x128xf32, #tpu.memory_space<vmem>>
    %dma_wait3A_155 = arith.constant 0 : i32
    %dma_wait3A_156 = arith.constant 0 : i32
    %dma_wait3A_157 = tpu.memref_slice %arg7[%dma_wait3A_150, %dma_wait3A_151, %add3A, %dma_wait3A_155, %dma_wait3A_156] : memref<200x8x32x8x128xf32, #tpu.memory_space<hbm>> -> memref<1x1x1x8x128xf32, #tpu.memory_space<hbm>>
    %dma_wait3A_158 = tpu.memref_squeeze %dma_wait3A_157 : memref<1x1x1x8x128xf32, #tpu.memory_space<hbm>> -> memref<8x128xf32, #tpu.memory_space<hbm>>
    %dma_wait3A_159 = arith.constant 0 : i32
    %dma_wait3A_160 = arith.constant 0 : i32
    %dma_wait3A_161 = tpu.memref_slice %arg7[%dma_wait3A_150, %dma_wait3A_151, %add3A, %dma_wait3A_159, %dma_wait3A_160] : memref<200x8x32x8x128xf32, #tpu.memory_space<hbm>> -> memref<1x1x1x8x128xf32, #tpu.memory_space<hbm>>
    %dma_wait3A_162 = tpu.memref_squeeze %dma_wait3A_161 : memref<1x1x1x8x128xf32, #tpu.memory_space<hbm>> -> memref<8x128xf32, #tpu.memory_space<hbm>>
    %dma_wait3A_163 = arith.constant 8 : i32
    %dma_wait3A_164 = arith.constant 0 : i32
    %dma_wait3A_165 = tpu.memref_slice %arg25[%dma_wait3A_163, %dma_wait3A_164] : memref<64x129xf32, #tpu.memory_space<vmem>> -> memref<8x128xf32, #tpu.memory_space<vmem>>
    tpu.wait_dma2 semaphore(%arg35 : memref<!tpu.dma_semaphore, #tpu.memory_space<semaphore_mem>>) src(%dma_wait3A_165 : memref<8x128xf32, #tpu.memory_space<vmem>>) dst(%dma_wait3A_162 : memref<8x128xf32, #tpu.memory_space<hbm>>)
    %dma_wait3A_166 = arith.constant 198 : i32
    %dma_wait3A_167 = arith.constant 2 : i32
    %dma_wait3A_168 = arith.constant 16 : i32
    %dma_wait3A_169 = arith.constant 0 : i32
    %dma_wait3A_170 = tpu.memref_slice %arg25[%dma_wait3A_168, %dma_wait3A_169] : memref<64x129xf32, #tpu.memory_space<vmem>> -> memref<8x128xf32, #tpu.memory_space<vmem>>
    %dma_wait3A_171 = arith.constant 0 : i32
    %dma_wait3A_172 = arith.constant 0 : i32
    %dma_wait3A_173 = tpu.memref_slice %arg7[%dma_wait3A_166, %dma_wait3A_167, %add3A, %dma_wait3A_171, %dma_wait3A_172] : memref<200x8x32x8x128xf32, #tpu.memory_space<hbm>> -> memref<1x1x1x8x128xf32, #tpu.memory_space<hbm>>
    %dma_wait3A_174 = tpu.memref_squeeze %dma_wait3A_173 : memref<1x1x1x8x128xf32, #tpu.memory_space<hbm>> -> memref<8x128xf32, #tpu.memory_space<hbm>>
    %dma_wait3A_175 = arith.constant 0 : i32
    %dma_wait3A_176 = arith.constant 0 : i32
    %dma_wait3A_177 = tpu.memref_slice %arg7[%dma_wait3A_166, %dma_wait3A_167, %add3A, %dma_wait3A_175, %dma_wait3A_176] : memref<200x8x32x8x128xf32, #tpu.memory_space<hbm>> -> memref<1x1x1x8x128xf32, #tpu.memory_space<hbm>>
    %dma_wait3A_178 = tpu.memref_squeeze %dma_wait3A_177 : memref<1x1x1x8x128xf32, #tpu.memory_space<hbm>> -> memref<8x128xf32, #tpu.memory_space<hbm>>
    %dma_wait3A_179 = arith.constant 16 : i32
    %dma_wait3A_180 = arith.constant 0 : i32
    %dma_wait3A_181 = tpu.memref_slice %arg25[%dma_wait3A_179, %dma_wait3A_180] : memref<64x129xf32, #tpu.memory_space<vmem>> -> memref<8x128xf32, #tpu.memory_space<vmem>>
    tpu.wait_dma2 semaphore(%arg35 : memref<!tpu.dma_semaphore, #tpu.memory_space<semaphore_mem>>) src(%dma_wait3A_181 : memref<8x128xf32, #tpu.memory_space<vmem>>) dst(%dma_wait3A_178 : memref<8x128xf32, #tpu.memory_space<hbm>>)
    %dma_wait3A_182 = arith.constant 198 : i32
    %dma_wait3A_183 = arith.constant 3 : i32
    %dma_wait3A_184 = arith.constant 24 : i32
    %dma_wait3A_185 = arith.constant 0 : i32
    %dma_wait3A_186 = tpu.memref_slice %arg25[%dma_wait3A_184, %dma_wait3A_185] : memref<64x129xf32, #tpu.memory_space<vmem>> -> memref<8x128xf32, #tpu.memory_space<vmem>>
    %dma_wait3A_187 = arith.constant 0 : i32
    %dma_wait3A_188 = arith.constant 0 : i32
    %dma_wait3A_189 = tpu.memref_slice %arg7[%dma_wait3A_182, %dma_wait3A_183, %add3A, %dma_wait3A_187, %dma_wait3A_188] : memref<200x8x32x8x128xf32, #tpu.memory_space<hbm>> -> memref<1x1x1x8x128xf32, #tpu.memory_space<hbm>>
    %dma_wait3A_190 = tpu.memref_squeeze %dma_wait3A_189 : memref<1x1x1x8x128xf32, #tpu.memory_space<hbm>> -> memref<8x128xf32, #tpu.memory_space<hbm>>
    %dma_wait3A_191 = arith.constant 0 : i32
    %dma_wait3A_192 = arith.constant 0 : i32
    %dma_wait3A_193 = tpu.memref_slice %arg7[%dma_wait3A_182, %dma_wait3A_183, %add3A, %dma_wait3A_191, %dma_wait3A_192] : memref<200x8x32x8x128xf32, #tpu.memory_space<hbm>> -> memref<1x1x1x8x128xf32, #tpu.memory_space<hbm>>
    %dma_wait3A_194 = tpu.memref_squeeze %dma_wait3A_193 : memref<1x1x1x8x128xf32, #tpu.memory_space<hbm>> -> memref<8x128xf32, #tpu.memory_space<hbm>>
    %dma_wait3A_195 = arith.constant 24 : i32
    %dma_wait3A_196 = arith.constant 0 : i32
    %dma_wait3A_197 = tpu.memref_slice %arg25[%dma_wait3A_195, %dma_wait3A_196] : memref<64x129xf32, #tpu.memory_space<vmem>> -> memref<8x128xf32, #tpu.memory_space<vmem>>
    tpu.wait_dma2 semaphore(%arg35 : memref<!tpu.dma_semaphore, #tpu.memory_space<semaphore_mem>>) src(%dma_wait3A_197 : memref<8x128xf32, #tpu.memory_space<vmem>>) dst(%dma_wait3A_194 : memref<8x128xf32, #tpu.memory_space<hbm>>)
    %dma_wait3A_198 = arith.constant 198 : i32
    %dma_wait3A_199 = arith.constant 4 : i32
    %dma_wait3A_200 = arith.constant 32 : i32
    %dma_wait3A_201 = arith.constant 0 : i32
    %dma_wait3A_202 = tpu.memref_slice %arg25[%dma_wait3A_200, %dma_wait3A_201] : memref<64x129xf32, #tpu.memory_space<vmem>> -> memref<8x128xf32, #tpu.memory_space<vmem>>
    %dma_wait3A_203 = arith.constant 0 : i32
    %dma_wait3A_204 = arith.constant 0 : i32
    %dma_wait3A_205 = tpu.memref_slice %arg7[%dma_wait3A_198, %dma_wait3A_199, %add3A, %dma_wait3A_203, %dma_wait3A_204] : memref<200x8x32x8x128xf32, #tpu.memory_space<hbm>> -> memref<1x1x1x8x128xf32, #tpu.memory_space<hbm>>
    %dma_wait3A_206 = tpu.memref_squeeze %dma_wait3A_205 : memref<1x1x1x8x128xf32, #tpu.memory_space<hbm>> -> memref<8x128xf32, #tpu.memory_space<hbm>>
    %dma_wait3A_207 = arith.constant 0 : i32
    %dma_wait3A_208 = arith.constant 0 : i32
    %dma_wait3A_209 = tpu.memref_slice %arg7[%dma_wait3A_198, %dma_wait3A_199, %add3A, %dma_wait3A_207, %dma_wait3A_208] : memref<200x8x32x8x128xf32, #tpu.memory_space<hbm>> -> memref<1x1x1x8x128xf32, #tpu.memory_space<hbm>>
    %dma_wait3A_210 = tpu.memref_squeeze %dma_wait3A_209 : memref<1x1x1x8x128xf32, #tpu.memory_space<hbm>> -> memref<8x128xf32, #tpu.memory_space<hbm>>
    %dma_wait3A_211 = arith.constant 32 : i32
    %dma_wait3A_212 = arith.constant 0 : i32
    %dma_wait3A_213 = tpu.memref_slice %arg25[%dma_wait3A_211, %dma_wait3A_212] : memref<64x129xf32, #tpu.memory_space<vmem>> -> memref<8x128xf32, #tpu.memory_space<vmem>>
    tpu.wait_dma2 semaphore(%arg35 : memref<!tpu.dma_semaphore, #tpu.memory_space<semaphore_mem>>) src(%dma_wait3A_213 : memref<8x128xf32, #tpu.memory_space<vmem>>) dst(%dma_wait3A_210 : memref<8x128xf32, #tpu.memory_space<hbm>>)
    %dma_wait3A_214 = arith.constant 198 : i32
    %dma_wait3A_215 = arith.constant 5 : i32
    %dma_wait3A_216 = arith.constant 40 : i32
    %dma_wait3A_217 = arith.constant 0 : i32
    %dma_wait3A_218 = tpu.memref_slice %arg25[%dma_wait3A_216, %dma_wait3A_217] : memref<64x129xf32, #tpu.memory_space<vmem>> -> memref<8x128xf32, #tpu.memory_space<vmem>>
    %dma_wait3A_219 = arith.constant 0 : i32
    %dma_wait3A_220 = arith.constant 0 : i32
    %dma_wait3A_221 = tpu.memref_slice %arg7[%dma_wait3A_214, %dma_wait3A_215, %add3A, %dma_wait3A_219, %dma_wait3A_220] : memref<200x8x32x8x128xf32, #tpu.memory_space<hbm>> -> memref<1x1x1x8x128xf32, #tpu.memory_space<hbm>>
    %dma_wait3A_222 = tpu.memref_squeeze %dma_wait3A_221 : memref<1x1x1x8x128xf32, #tpu.memory_space<hbm>> -> memref<8x128xf32, #tpu.memory_space<hbm>>
    %dma_wait3A_223 = arith.constant 0 : i32
    %dma_wait3A_224 = arith.constant 0 : i32
    %dma_wait3A_225 = tpu.memref_slice %arg7[%dma_wait3A_214, %dma_wait3A_215, %add3A, %dma_wait3A_223, %dma_wait3A_224] : memref<200x8x32x8x128xf32, #tpu.memory_space<hbm>> -> memref<1x1x1x8x128xf32, #tpu.memory_space<hbm>>
    %dma_wait3A_226 = tpu.memref_squeeze %dma_wait3A_225 : memref<1x1x1x8x128xf32, #tpu.memory_space<hbm>> -> memref<8x128xf32, #tpu.memory_space<hbm>>
    %dma_wait3A_227 = arith.constant 40 : i32
    %dma_wait3A_228 = arith.constant 0 : i32
    %dma_wait3A_229 = tpu.memref_slice %arg25[%dma_wait3A_227, %dma_wait3A_228] : memref<64x129xf32, #tpu.memory_space<vmem>> -> memref<8x128xf32, #tpu.memory_space<vmem>>
    tpu.wait_dma2 semaphore(%arg35 : memref<!tpu.dma_semaphore, #tpu.memory_space<semaphore_mem>>) src(%dma_wait3A_229 : memref<8x128xf32, #tpu.memory_space<vmem>>) dst(%dma_wait3A_226 : memref<8x128xf32, #tpu.memory_space<hbm>>)
    %dma_wait3A_230 = arith.constant 198 : i32
    %dma_wait3A_231 = arith.constant 6 : i32
    %dma_wait3A_232 = arith.constant 48 : i32
    %dma_wait3A_233 = arith.constant 0 : i32
    %dma_wait3A_234 = tpu.memref_slice %arg25[%dma_wait3A_232, %dma_wait3A_233] : memref<64x129xf32, #tpu.memory_space<vmem>> -> memref<8x128xf32, #tpu.memory_space<vmem>>
    %dma_wait3A_235 = arith.constant 0 : i32
    %dma_wait3A_236 = arith.constant 0 : i32
    %dma_wait3A_237 = tpu.memref_slice %arg7[%dma_wait3A_230, %dma_wait3A_231, %add3A, %dma_wait3A_235, %dma_wait3A_236] : memref<200x8x32x8x128xf32, #tpu.memory_space<hbm>> -> memref<1x1x1x8x128xf32, #tpu.memory_space<hbm>>
    %dma_wait3A_238 = tpu.memref_squeeze %dma_wait3A_237 : memref<1x1x1x8x128xf32, #tpu.memory_space<hbm>> -> memref<8x128xf32, #tpu.memory_space<hbm>>
    %dma_wait3A_239 = arith.constant 0 : i32
    %dma_wait3A_240 = arith.constant 0 : i32
    %dma_wait3A_241 = tpu.memref_slice %arg7[%dma_wait3A_230, %dma_wait3A_231, %add3A, %dma_wait3A_239, %dma_wait3A_240] : memref<200x8x32x8x128xf32, #tpu.memory_space<hbm>> -> memref<1x1x1x8x128xf32, #tpu.memory_space<hbm>>
    %dma_wait3A_242 = tpu.memref_squeeze %dma_wait3A_241 : memref<1x1x1x8x128xf32, #tpu.memory_space<hbm>> -> memref<8x128xf32, #tpu.memory_space<hbm>>
    %dma_wait3A_243 = arith.constant 48 : i32
    %dma_wait3A_244 = arith.constant 0 : i32
    %dma_wait3A_245 = tpu.memref_slice %arg25[%dma_wait3A_243, %dma_wait3A_244] : memref<64x129xf32, #tpu.memory_space<vmem>> -> memref<8x128xf32, #tpu.memory_space<vmem>>
    tpu.wait_dma2 semaphore(%arg35 : memref<!tpu.dma_semaphore, #tpu.memory_space<semaphore_mem>>) src(%dma_wait3A_245 : memref<8x128xf32, #tpu.memory_space<vmem>>) dst(%dma_wait3A_242 : memref<8x128xf32, #tpu.memory_space<hbm>>)
    %dma_wait3A_246 = arith.constant 198 : i32
    %dma_wait3A_247 = arith.constant 7 : i32
    %dma_wait3A_248 = arith.constant 56 : i32
    %dma_wait3A_249 = arith.constant 0 : i32
    %dma_wait3A_250 = tpu.memref_slice %arg25[%dma_wait3A_248, %dma_wait3A_249] : memref<64x129xf32, #tpu.memory_space<vmem>> -> memref<8x128xf32, #tpu.memory_space<vmem>>
    %dma_wait3A_251 = arith.constant 0 : i32
    %dma_wait3A_252 = arith.constant 0 : i32
    %dma_wait3A_253 = tpu.memref_slice %arg7[%dma_wait3A_246, %dma_wait3A_247, %add3A, %dma_wait3A_251, %dma_wait3A_252] : memref<200x8x32x8x128xf32, #tpu.memory_space<hbm>> -> memref<1x1x1x8x128xf32, #tpu.memory_space<hbm>>
    %dma_wait3A_254 = tpu.memref_squeeze %dma_wait3A_253 : memref<1x1x1x8x128xf32, #tpu.memory_space<hbm>> -> memref<8x128xf32, #tpu.memory_space<hbm>>
    %dma_wait3A_255 = arith.constant 0 : i32
    %dma_wait3A_256 = arith.constant 0 : i32
    %dma_wait3A_257 = tpu.memref_slice %arg7[%dma_wait3A_246, %dma_wait3A_247, %add3A, %dma_wait3A_255, %dma_wait3A_256] : memref<200x8x32x8x128xf32, #tpu.memory_space<hbm>> -> memref<1x1x1x8x128xf32, #tpu.memory_space<hbm>>
    %dma_wait3A_258 = tpu.memref_squeeze %dma_wait3A_257 : memref<1x1x1x8x128xf32, #tpu.memory_space<hbm>> -> memref<8x128xf32, #tpu.memory_space<hbm>>
    %dma_wait3A_259 = arith.constant 56 : i32
    %dma_wait3A_260 = arith.constant 0 : i32
    %dma_wait3A_261 = tpu.memref_slice %arg25[%dma_wait3A_259, %dma_wait3A_260] : memref<64x129xf32, #tpu.memory_space<vmem>> -> memref<8x128xf32, #tpu.memory_space<vmem>>
    tpu.wait_dma2 semaphore(%arg35 : memref<!tpu.dma_semaphore, #tpu.memory_space<semaphore_mem>>) src(%dma_wait3A_261 : memref<8x128xf32, #tpu.memory_space<vmem>>) dst(%dma_wait3A_258 : memref<8x128xf32, #tpu.memory_space<hbm>>)
    %dma_wait3A_262 = arith.constant 199 : i32
    %dma_wait3A_263 = arith.constant 0 : i32
    %dma_wait3A_264 = arith.constant 0 : i32
    %dma_wait3A_265 = arith.constant 0 : i32
    %dma_wait3A_266 = tpu.memref_slice %arg26[%dma_wait3A_264, %dma_wait3A_265] : memref<64x129xf32, #tpu.memory_space<vmem>> -> memref<8x128xf32, #tpu.memory_space<vmem>>
    %dma_wait3A_267 = arith.constant 0 : i32
    %dma_wait3A_268 = arith.constant 0 : i32
    %dma_wait3A_269 = tpu.memref_slice %arg7[%dma_wait3A_262, %dma_wait3A_263, %add3A, %dma_wait3A_267, %dma_wait3A_268] : memref<200x8x32x8x128xf32, #tpu.memory_space<hbm>> -> memref<1x1x1x8x128xf32, #tpu.memory_space<hbm>>
    %dma_wait3A_270 = tpu.memref_squeeze %dma_wait3A_269 : memref<1x1x1x8x128xf32, #tpu.memory_space<hbm>> -> memref<8x128xf32, #tpu.memory_space<hbm>>
    %dma_wait3A_271 = arith.constant 0 : i32
    %dma_wait3A_272 = arith.constant 0 : i32
    %dma_wait3A_273 = tpu.memref_slice %arg7[%dma_wait3A_262, %dma_wait3A_263, %add3A, %dma_wait3A_271, %dma_wait3A_272] : memref<200x8x32x8x128xf32, #tpu.memory_space<hbm>> -> memref<1x1x1x8x128xf32, #tpu.memory_space<hbm>>
    %dma_wait3A_274 = tpu.memref_squeeze %dma_wait3A_273 : memref<1x1x1x8x128xf32, #tpu.memory_space<hbm>> -> memref<8x128xf32, #tpu.memory_space<hbm>>
    %dma_wait3A_275 = arith.constant 0 : i32
    %dma_wait3A_276 = arith.constant 0 : i32
    %dma_wait3A_277 = tpu.memref_slice %arg26[%dma_wait3A_275, %dma_wait3A_276] : memref<64x129xf32, #tpu.memory_space<vmem>> -> memref<8x128xf32, #tpu.memory_space<vmem>>
    tpu.wait_dma2 semaphore(%arg36 : memref<!tpu.dma_semaphore, #tpu.memory_space<semaphore_mem>>) src(%dma_wait3A_277 : memref<8x128xf32, #tpu.memory_space<vmem>>) dst(%dma_wait3A_274 : memref<8x128xf32, #tpu.memory_space<hbm>>)
    %dma_wait3A_278 = arith.constant 199 : i32
    %dma_wait3A_279 = arith.constant 1 : i32
    %dma_wait3A_280 = arith.constant 8 : i32
    %dma_wait3A_281 = arith.constant 0 : i32
    %dma_wait3A_282 = tpu.memref_slice %arg26[%dma_wait3A_280, %dma_wait3A_281] : memref<64x129xf32, #tpu.memory_space<vmem>> -> memref<8x128xf32, #tpu.memory_space<vmem>>
    %dma_wait3A_283 = arith.constant 0 : i32
    %dma_wait3A_284 = arith.constant 0 : i32
    %dma_wait3A_285 = tpu.memref_slice %arg7[%dma_wait3A_278, %dma_wait3A_279, %add3A, %dma_wait3A_283, %dma_wait3A_284] : memref<200x8x32x8x128xf32, #tpu.memory_space<hbm>> -> memref<1x1x1x8x128xf32, #tpu.memory_space<hbm>>
    %dma_wait3A_286 = tpu.memref_squeeze %dma_wait3A_285 : memref<1x1x1x8x128xf32, #tpu.memory_space<hbm>> -> memref<8x128xf32, #tpu.memory_space<hbm>>
    %dma_wait3A_287 = arith.constant 0 : i32
    %dma_wait3A_288 = arith.constant 0 : i32
    %dma_wait3A_289 = tpu.memref_slice %arg7[%dma_wait3A_278, %dma_wait3A_279, %add3A, %dma_wait3A_287, %dma_wait3A_288] : memref<200x8x32x8x128xf32, #tpu.memory_space<hbm>> -> memref<1x1x1x8x128xf32, #tpu.memory_space<hbm>>
    %dma_wait3A_290 = tpu.memref_squeeze %dma_wait3A_289 : memref<1x1x1x8x128xf32, #tpu.memory_space<hbm>> -> memref<8x128xf32, #tpu.memory_space<hbm>>
    %dma_wait3A_291 = arith.constant 8 : i32
    %dma_wait3A_292 = arith.constant 0 : i32
    %dma_wait3A_293 = tpu.memref_slice %arg26[%dma_wait3A_291, %dma_wait3A_292] : memref<64x129xf32, #tpu.memory_space<vmem>> -> memref<8x128xf32, #tpu.memory_space<vmem>>
    tpu.wait_dma2 semaphore(%arg36 : memref<!tpu.dma_semaphore, #tpu.memory_space<semaphore_mem>>) src(%dma_wait3A_293 : memref<8x128xf32, #tpu.memory_space<vmem>>) dst(%dma_wait3A_290 : memref<8x128xf32, #tpu.memory_space<hbm>>)
    %dma_wait3A_294 = arith.constant 199 : i32
    %dma_wait3A_295 = arith.constant 2 : i32
    %dma_wait3A_296 = arith.constant 16 : i32
    %dma_wait3A_297 = arith.constant 0 : i32
    %dma_wait3A_298 = tpu.memref_slice %arg26[%dma_wait3A_296, %dma_wait3A_297] : memref<64x129xf32, #tpu.memory_space<vmem>> -> memref<8x128xf32, #tpu.memory_space<vmem>>
    %dma_wait3A_299 = arith.constant 0 : i32
    %dma_wait3A_300 = arith.constant 0 : i32
    %dma_wait3A_301 = tpu.memref_slice %arg7[%dma_wait3A_294, %dma_wait3A_295, %add3A, %dma_wait3A_299, %dma_wait3A_300] : memref<200x8x32x8x128xf32, #tpu.memory_space<hbm>> -> memref<1x1x1x8x128xf32, #tpu.memory_space<hbm>>
    %dma_wait3A_302 = tpu.memref_squeeze %dma_wait3A_301 : memref<1x1x1x8x128xf32, #tpu.memory_space<hbm>> -> memref<8x128xf32, #tpu.memory_space<hbm>>
    %dma_wait3A_303 = arith.constant 0 : i32
    %dma_wait3A_304 = arith.constant 0 : i32
    %dma_wait3A_305 = tpu.memref_slice %arg7[%dma_wait3A_294, %dma_wait3A_295, %add3A, %dma_wait3A_303, %dma_wait3A_304] : memref<200x8x32x8x128xf32, #tpu.memory_space<hbm>> -> memref<1x1x1x8x128xf32, #tpu.memory_space<hbm>>
    %dma_wait3A_306 = tpu.memref_squeeze %dma_wait3A_305 : memref<1x1x1x8x128xf32, #tpu.memory_space<hbm>> -> memref<8x128xf32, #tpu.memory_space<hbm>>
    %dma_wait3A_307 = arith.constant 16 : i32
    %dma_wait3A_308 = arith.constant 0 : i32
    %dma_wait3A_309 = tpu.memref_slice %arg26[%dma_wait3A_307, %dma_wait3A_308] : memref<64x129xf32, #tpu.memory_space<vmem>> -> memref<8x128xf32, #tpu.memory_space<vmem>>
    tpu.wait_dma2 semaphore(%arg36 : memref<!tpu.dma_semaphore, #tpu.memory_space<semaphore_mem>>) src(%dma_wait3A_309 : memref<8x128xf32, #tpu.memory_space<vmem>>) dst(%dma_wait3A_306 : memref<8x128xf32, #tpu.memory_space<hbm>>)
    %dma_wait3A_310 = arith.constant 199 : i32
    %dma_wait3A_311 = arith.constant 3 : i32
    %dma_wait3A_312 = arith.constant 24 : i32
    %dma_wait3A_313 = arith.constant 0 : i32
    %dma_wait3A_314 = tpu.memref_slice %arg26[%dma_wait3A_312, %dma_wait3A_313] : memref<64x129xf32, #tpu.memory_space<vmem>> -> memref<8x128xf32, #tpu.memory_space<vmem>>
    %dma_wait3A_315 = arith.constant 0 : i32
    %dma_wait3A_316 = arith.constant 0 : i32
    %dma_wait3A_317 = tpu.memref_slice %arg7[%dma_wait3A_310, %dma_wait3A_311, %add3A, %dma_wait3A_315, %dma_wait3A_316] : memref<200x8x32x8x128xf32, #tpu.memory_space<hbm>> -> memref<1x1x1x8x128xf32, #tpu.memory_space<hbm>>
    %dma_wait3A_318 = tpu.memref_squeeze %dma_wait3A_317 : memref<1x1x1x8x128xf32, #tpu.memory_space<hbm>> -> memref<8x128xf32, #tpu.memory_space<hbm>>
    %dma_wait3A_319 = arith.constant 0 : i32
    %dma_wait3A_320 = arith.constant 0 : i32
    %dma_wait3A_321 = tpu.memref_slice %arg7[%dma_wait3A_310, %dma_wait3A_311, %add3A, %dma_wait3A_319, %dma_wait3A_320] : memref<200x8x32x8x128xf32, #tpu.memory_space<hbm>> -> memref<1x1x1x8x128xf32, #tpu.memory_space<hbm>>
    %dma_wait3A_322 = tpu.memref_squeeze %dma_wait3A_321 : memref<1x1x1x8x128xf32, #tpu.memory_space<hbm>> -> memref<8x128xf32, #tpu.memory_space<hbm>>
    %dma_wait3A_323 = arith.constant 24 : i32
    %dma_wait3A_324 = arith.constant 0 : i32
    %dma_wait3A_325 = tpu.memref_slice %arg26[%dma_wait3A_323, %dma_wait3A_324] : memref<64x129xf32, #tpu.memory_space<vmem>> -> memref<8x128xf32, #tpu.memory_space<vmem>>
    tpu.wait_dma2 semaphore(%arg36 : memref<!tpu.dma_semaphore, #tpu.memory_space<semaphore_mem>>) src(%dma_wait3A_325 : memref<8x128xf32, #tpu.memory_space<vmem>>) dst(%dma_wait3A_322 : memref<8x128xf32, #tpu.memory_space<hbm>>)
    %dma_wait3A_326 = arith.constant 199 : i32
    %dma_wait3A_327 = arith.constant 4 : i32
    %dma_wait3A_328 = arith.constant 32 : i32
    %dma_wait3A_329 = arith.constant 0 : i32
    %dma_wait3A_330 = tpu.memref_slice %arg26[%dma_wait3A_328, %dma_wait3A_329] : memref<64x129xf32, #tpu.memory_space<vmem>> -> memref<8x128xf32, #tpu.memory_space<vmem>>
    %dma_wait3A_331 = arith.constant 0 : i32
    %dma_wait3A_332 = arith.constant 0 : i32
    %dma_wait3A_333 = tpu.memref_slice %arg7[%dma_wait3A_326, %dma_wait3A_327, %add3A, %dma_wait3A_331, %dma_wait3A_332] : memref<200x8x32x8x128xf32, #tpu.memory_space<hbm>> -> memref<1x1x1x8x128xf32, #tpu.memory_space<hbm>>
    %dma_wait3A_334 = tpu.memref_squeeze %dma_wait3A_333 : memref<1x1x1x8x128xf32, #tpu.memory_space<hbm>> -> memref<8x128xf32, #tpu.memory_space<hbm>>
    %dma_wait3A_335 = arith.constant 0 : i32
    %dma_wait3A_336 = arith.constant 0 : i32
    %dma_wait3A_337 = tpu.memref_slice %arg7[%dma_wait3A_326, %dma_wait3A_327, %add3A, %dma_wait3A_335, %dma_wait3A_336] : memref<200x8x32x8x128xf32, #tpu.memory_space<hbm>> -> memref<1x1x1x8x128xf32, #tpu.memory_space<hbm>>
    %dma_wait3A_338 = tpu.memref_squeeze %dma_wait3A_337 : memref<1x1x1x8x128xf32, #tpu.memory_space<hbm>> -> memref<8x128xf32, #tpu.memory_space<hbm>>
    %dma_wait3A_339 = arith.constant 32 : i32
    %dma_wait3A_340 = arith.constant 0 : i32
    %dma_wait3A_341 = tpu.memref_slice %arg26[%dma_wait3A_339, %dma_wait3A_340] : memref<64x129xf32, #tpu.memory_space<vmem>> -> memref<8x128xf32, #tpu.memory_space<vmem>>
    tpu.wait_dma2 semaphore(%arg36 : memref<!tpu.dma_semaphore, #tpu.memory_space<semaphore_mem>>) src(%dma_wait3A_341 : memref<8x128xf32, #tpu.memory_space<vmem>>) dst(%dma_wait3A_338 : memref<8x128xf32, #tpu.memory_space<hbm>>)
    %dma_wait3A_342 = arith.constant 199 : i32
    %dma_wait3A_343 = arith.constant 5 : i32
    %dma_wait3A_344 = arith.constant 40 : i32
    %dma_wait3A_345 = arith.constant 0 : i32
    %dma_wait3A_346 = tpu.memref_slice %arg26[%dma_wait3A_344, %dma_wait3A_345] : memref<64x129xf32, #tpu.memory_space<vmem>> -> memref<8x128xf32, #tpu.memory_space<vmem>>
    %dma_wait3A_347 = arith.constant 0 : i32
    %dma_wait3A_348 = arith.constant 0 : i32
    %dma_wait3A_349 = tpu.memref_slice %arg7[%dma_wait3A_342, %dma_wait3A_343, %add3A, %dma_wait3A_347, %dma_wait3A_348] : memref<200x8x32x8x128xf32, #tpu.memory_space<hbm>> -> memref<1x1x1x8x128xf32, #tpu.memory_space<hbm>>
    %dma_wait3A_350 = tpu.memref_squeeze %dma_wait3A_349 : memref<1x1x1x8x128xf32, #tpu.memory_space<hbm>> -> memref<8x128xf32, #tpu.memory_space<hbm>>
    %dma_wait3A_351 = arith.constant 0 : i32
    %dma_wait3A_352 = arith.constant 0 : i32
    %dma_wait3A_353 = tpu.memref_slice %arg7[%dma_wait3A_342, %dma_wait3A_343, %add3A, %dma_wait3A_351, %dma_wait3A_352] : memref<200x8x32x8x128xf32, #tpu.memory_space<hbm>> -> memref<1x1x1x8x128xf32, #tpu.memory_space<hbm>>
    %dma_wait3A_354 = tpu.memref_squeeze %dma_wait3A_353 : memref<1x1x1x8x128xf32, #tpu.memory_space<hbm>> -> memref<8x128xf32, #tpu.memory_space<hbm>>
    %dma_wait3A_355 = arith.constant 40 : i32
    %dma_wait3A_356 = arith.constant 0 : i32
    %dma_wait3A_357 = tpu.memref_slice %arg26[%dma_wait3A_355, %dma_wait3A_356] : memref<64x129xf32, #tpu.memory_space<vmem>> -> memref<8x128xf32, #tpu.memory_space<vmem>>
    tpu.wait_dma2 semaphore(%arg36 : memref<!tpu.dma_semaphore, #tpu.memory_space<semaphore_mem>>) src(%dma_wait3A_357 : memref<8x128xf32, #tpu.memory_space<vmem>>) dst(%dma_wait3A_354 : memref<8x128xf32, #tpu.memory_space<hbm>>)
    %dma_wait3A_358 = arith.constant 199 : i32
    %dma_wait3A_359 = arith.constant 6 : i32
    %dma_wait3A_360 = arith.constant 48 : i32
    %dma_wait3A_361 = arith.constant 0 : i32
    %dma_wait3A_362 = tpu.memref_slice %arg26[%dma_wait3A_360, %dma_wait3A_361] : memref<64x129xf32, #tpu.memory_space<vmem>> -> memref<8x128xf32, #tpu.memory_space<vmem>>
    %dma_wait3A_363 = arith.constant 0 : i32
    %dma_wait3A_364 = arith.constant 0 : i32
    %dma_wait3A_365 = tpu.memref_slice %arg7[%dma_wait3A_358, %dma_wait3A_359, %add3A, %dma_wait3A_363, %dma_wait3A_364] : memref<200x8x32x8x128xf32, #tpu.memory_space<hbm>> -> memref<1x1x1x8x128xf32, #tpu.memory_space<hbm>>
    %dma_wait3A_366 = tpu.memref_squeeze %dma_wait3A_365 : memref<1x1x1x8x128xf32, #tpu.memory_space<hbm>> -> memref<8x128xf32, #tpu.memory_space<hbm>>
    %dma_wait3A_367 = arith.constant 0 : i32
    %dma_wait3A_368 = arith.constant 0 : i32
    %dma_wait3A_369 = tpu.memref_slice %arg7[%dma_wait3A_358, %dma_wait3A_359, %add3A, %dma_wait3A_367, %dma_wait3A_368] : memref<200x8x32x8x128xf32, #tpu.memory_space<hbm>> -> memref<1x1x1x8x128xf32, #tpu.memory_space<hbm>>
    %dma_wait3A_370 = tpu.memref_squeeze %dma_wait3A_369 : memref<1x1x1x8x128xf32, #tpu.memory_space<hbm>> -> memref<8x128xf32, #tpu.memory_space<hbm>>
    %dma_wait3A_371 = arith.constant 48 : i32
    %dma_wait3A_372 = arith.constant 0 : i32
    %dma_wait3A_373 = tpu.memref_slice %arg26[%dma_wait3A_371, %dma_wait3A_372] : memref<64x129xf32, #tpu.memory_space<vmem>> -> memref<8x128xf32, #tpu.memory_space<vmem>>
    tpu.wait_dma2 semaphore(%arg36 : memref<!tpu.dma_semaphore, #tpu.memory_space<semaphore_mem>>) src(%dma_wait3A_373 : memref<8x128xf32, #tpu.memory_space<vmem>>) dst(%dma_wait3A_370 : memref<8x128xf32, #tpu.memory_space<hbm>>)
    %dma_wait3A_374 = arith.constant 199 : i32
    %dma_wait3A_375 = arith.constant 7 : i32
    %dma_wait3A_376 = arith.constant 56 : i32
    %dma_wait3A_377 = arith.constant 0 : i32
    %dma_wait3A_378 = tpu.memref_slice %arg26[%dma_wait3A_376, %dma_wait3A_377] : memref<64x129xf32, #tpu.memory_space<vmem>> -> memref<8x128xf32, #tpu.memory_space<vmem>>
    %dma_wait3A_379 = arith.constant 0 : i32
    %dma_wait3A_380 = arith.constant 0 : i32
    %dma_wait3A_381 = tpu.memref_slice %arg7[%dma_wait3A_374, %dma_wait3A_375, %add3A, %dma_wait3A_379, %dma_wait3A_380] : memref<200x8x32x8x128xf32, #tpu.memory_space<hbm>> -> memref<1x1x1x8x128xf32, #tpu.memory_space<hbm>>
    %dma_wait3A_382 = tpu.memref_squeeze %dma_wait3A_381 : memref<1x1x1x8x128xf32, #tpu.memory_space<hbm>> -> memref<8x128xf32, #tpu.memory_space<hbm>>
    %dma_wait3A_383 = arith.constant 0 : i32
    %dma_wait3A_384 = arith.constant 0 : i32
    %dma_wait3A_385 = tpu.memref_slice %arg7[%dma_wait3A_374, %dma_wait3A_375, %add3A, %dma_wait3A_383, %dma_wait3A_384] : memref<200x8x32x8x128xf32, #tpu.memory_space<hbm>> -> memref<1x1x1x8x128xf32, #tpu.memory_space<hbm>>
    %dma_wait3A_386 = tpu.memref_squeeze %dma_wait3A_385 : memref<1x1x1x8x128xf32, #tpu.memory_space<hbm>> -> memref<8x128xf32, #tpu.memory_space<hbm>>
    %dma_wait3A_387 = arith.constant 56 : i32
    %dma_wait3A_388 = arith.constant 0 : i32
    %dma_wait3A_389 = tpu.memref_slice %arg26[%dma_wait3A_387, %dma_wait3A_388] : memref<64x129xf32, #tpu.memory_space<vmem>> -> memref<8x128xf32, #tpu.memory_space<vmem>>
    tpu.wait_dma2 semaphore(%arg36 : memref<!tpu.dma_semaphore, #tpu.memory_space<semaphore_mem>>) src(%dma_wait3A_389 : memref<8x128xf32, #tpu.memory_space<vmem>>) dst(%dma_wait3A_386 : memref<8x128xf32, #tpu.memory_space<hbm>>)
    return
  }
}

</mosaic_0001>

<sc_bundles>
// kernel: _run.3.cloned.1.call-start
scs
__scs_entry_jumppad:
0x0: {  	(pc) =	sbr.rel $0x88, $3  }
0x1: {  	(tag) =	ssettag $0x0;
	lr =	simm.s32 $0x1  }
0x2: {  	[smem:$0x3F9C] =	sst lr;
	_ =	strace $0xD0000000  }
0x3: {  	_ = 	snop  }
0x4: {  	_ = 	snop  }
0x5: {  	_ = 	snop  }
0x6: {  	_ = 	snop  }
0x7: {  	_ = 	snop  }
__scs_overlays_trampoline_lowered:
0x8: {  	[smem:$0x3FAB] =	sst s0  }
0x9: {  	[smem:$0x3FAC] =	sst s1  }
0xa: {  	[smem:$0x3FAD] =	sst s2  }
0xb: {  	[smem:$0x3FAE] =	sst s3  }
0xc: {  	[smem:$0x3FAF] =	sst s4  }
0xd: {  	[smem:$0x3FB0] =	sst s5  }
0xe: {  	[smem:$0x3FB1] =	sst s6  }
0xf: {  	[smem:$0x3FB2] =	sst s7  }
0x10: {  	[smem:$0x3FB3] =	sst s8  }
0x11: {  	[smem:$0x3FB4] =	sst s9;
	s0 =	simm.s32 @!p0 $0x0  }
0x12: {  	s1 =	sld [smem:$0x3F9A];
	s0 =	simm.s32 @p0 $0x1  }
0x13: {  	[smem:$0x3FB5] =	sst s0;
	s0 =	simm.s32 @!p1 $0x0  }
0x14: {  	s2 =	sld [smem:$0x3F99];
	s0 =	simm.s32 @p1 $0x1  }
0x15: {  	[smem:$0x3FB6] =	sst s0;
	s0 =	simm.s32 @!p2 $0x0  }
0x16: {  	s3 =	sld [smem:$0x3FDB];
	s0 =	simm.s32 @p2 $0x1  }
0x17: {  	s4 =	simm.s32 $0x1BF5;
	[smem:$0x3FB8] =	sst s0  }
0x18: {  	s0 =	sld [smem:$0x3F9B];
	_ =	swait.ge [sflag:s4], $0x0  }
0x19: {  	s7 =	sld [smem:$0x3F9C]  }
0x1a: {  	s8 =	sadd.s32 $0xFFFFE003, lr  }
0x1b: {  	s9 =	sadd.s32 $0xFFFFFEF7, lr;
	s5 =	simm.s32 $0xFFFFFFFF;
	p2 =	slt.u32 s8, $0xFFFFF086  }
0x1c: {  	p1 =	slt.u32 s9, $0xF7A;
	s5 =	simm.s32 @!p2 $0x0  }
0x1d: {  	s5 =	simm.s32 @p1 $0x1;
	p0 =	seq.s32 s7, s2  }
0x1e: {  	s7 =	smul.u32 @!p0 $0xF7A, s2;
	p2 =	seq.s32 @!p0 s5, $0x0  }
0x1f: {  	s9 =	smul.u32 $0xF7A, s1;
	s8 =	simm.s32 @!p0 $0x1BF5;
	p2 =	por !p2, p0  }
0x20: {  	[sflag:s8] =	ssyncset.s32 @!p0 $0xFFFFF086;
	s6 =	sadd.s32 @!p0 s3, s7;
	s7 =	simm.s32 @!p0 $0x108  }
0x21: {  	s3 =	sadd.s32 s3, s9;
	s6 =	sadd.s32 @!p0 $0x88, s6;
	s7 =	simm.s32 @p2 $0x1082  }
0x22: {  	[simem:s7], [sflag:s8] =	dma.local @!p0 [hbm:s6], $0xF7A  }
0x23: {  	s9 =	sor.u32 $0xD0000000, s2;
	s6 =	simm.s32 $0x108;
	_ =	swait.ge @!p0 [sflag:s8], $0x0  }
0x24: {  	s3 =	sadd.s32 $0x88, s3;
	s6 =	simm.s32 @!p1 $0x1082;
	[sflag:s4] =	ssyncset.s32 $0xFFFFF086  }
0x25: {  	[simem:s6], [sflag:s4] =	dma.local [hbm:s3], $0xF7A  }
0x26: {  	[smem:$0x3F9C] =	sst s1;
	(tag) =	ssettag s2;
	_ =	strace s9  }
0x27: {  	s1 =	sld [smem:$0x3FAC]  }
0x28: {  	s2 =	sld [smem:$0x3FAD]  }
0x29: {  	s4 =	sld [smem:$0x3FAF]  }
0x2a: {  	p0 =	seq.s32 s5, $0x0;
	s5 =	sld [smem:$0x3FB0]  }
0x2b: {  	s6 =	sld [smem:$0x3FB1]  }
0x2c: {  	s7 =	sld [smem:$0x3FB2]  }
0x2d: {  	s3 =	simm.s32 $0x108;
	s8 =	sld [smem:$0x3FB3]  }
0x2e: {  	s3 =	simm.s32 @!p0 $0x1082;
	s9 =	sld [smem:$0x3FB4]  }
0x2f: {  	lr =	sadd.s32 s0, s3;
	s0 =	sld [smem:$0x3FAB]  }
0x30: {  	s3 =	sld [smem:$0x3FAE]  }
0x31: {  	[smem:$0x3FB7] =	sst s10  }
0x32: {  	s10 =	sld [smem:$0x3FB5];
	_ =	sdelay $0x3  }
0x33: {  	p0 =	seq.s32 s10, $0x1;
	s10 =	sld [smem:$0x3FB7];
	_ =	sdelay $0x3  }
0x34: {  	[smem:$0x3FB7] =	sst s10  }
0x35: {  	s10 =	sld [smem:$0x3FB6];
	_ =	sdelay $0x3  }
0x36: {  	p1 =	seq.s32 s10, $0x1;
	s10 =	sld [smem:$0x3FB7];
	_ =	sdelay $0x3  }
0x37: {  	[smem:$0x3FB7] =	sst s10  }
0x38: {  	s10 =	sld [smem:$0x3FB8]  }
0x39: {  	_ = 	snop;
	(pc) =	sbr.ind lr, $3  }
0x3a: {  	_ = 	snop  }
0x3b: {  	_ = 	snop  }
0x3c: {  	p2 =	seq.s32 s10, $0x1;
	s10 =	sld [smem:$0x3FB7]  }
0x3d: {  	_ =	shalt  }
0x3e: {  	_ =	shalt  }
0x3f: {  	_ =	shalt  }
0x40: {  	_ =	shalt  }
0x41: {  	_ =	shalt  }
0x42: {  	_ =	shalt  }
0x43: {  	_ =	shalt  }
0x44: {  	_ =	shalt  }
0x45: {  	_ =	shalt  }
0x46: {  	_ =	shalt  }
0x47: {  	_ =	shalt  }
0x48: {  	_ =	shalt  }
0x49: {  	_ =	shalt  }
0x4a: {  	_ =	shalt  }
0x4b: {  	_ =	shalt  }
0x4c: {  	_ =	shalt  }
0x4d: {  	_ =	shalt  }
0x4e: {  	_ =	shalt  }
0x4f: {  	_ =	shalt  }
0x50: {  	_ =	shalt  }
0x51: {  	_ =	shalt  }
0x52: {  	_ =	shalt  }
0x53: {  	_ =	shalt  }
0x54: {  	_ =	shalt  }
0x55: {  	_ =	shalt  }
0x56: {  	_ =	shalt  }
0x57: {  	_ =	shalt  }
0x58: {  	_ =	shalt  }
0x59: {  	_ =	shalt  }
0x5a: {  	_ =	shalt  }
0x5b: {  	_ =	shalt  }
0x5c: {  	_ =	shalt  }
0x5d: {  	_ =	shalt  }
0x5e: {  	_ =	shalt  }
0x5f: {  	_ =	shalt  }
0x60: {  	_ =	shalt  }
0x61: {  	_ =	shalt  }
0x62: {  	_ =	shalt  }
0x63: {  	_ =	shalt  }
0x64: {  	_ =	shalt  }
0x65: {  	_ =	shalt  }
0x66: {  	_ =	shalt  }
0x67: {  	_ =	shalt  }
0x68: {  	_ =	shalt  }
0x69: {  	_ =	shalt  }
0x6a: {  	_ =	shalt  }
0x6b: {  	_ =	shalt  }
0x6c: {  	_ =	shalt  }
0x6d: {  	_ =	shalt  }
0x6e: {  	_ =	shalt  }
0x6f: {  	_ =	shalt  }
0x70: {  	_ =	shalt  }
0x71: {  	_ =	shalt  }
0x72: {  	_ =	shalt  }
0x73: {  	_ =	shalt  }
0x74: {  	_ =	shalt  }
0x75: {  	_ =	shalt  }
0x76: {  	_ =	shalt  }
0x77: {  	_ =	shalt  }
0x78: {  	_ =	shalt  }
0x79: {  	_ =	shalt  }
0x7a: {  	_ =	shalt  }
0x7b: {  	_ =	shalt  }
0x7c: {  	_ =	shalt  }
0x7d: {  	_ =	shalt  }
0x7e: {  	_ =	shalt  }
0x7f: {  	_ =	shalt  }
0x80: {  	_ =	shalt  }
0x81: {  	_ =	shalt  }
0x82: {  	_ =	shalt  }
0x83: {  	_ =	shalt  }
0x84: {  	_ =	shalt  }
0x85: {  	_ =	shalt  }
0x86: {  	_ =	shalt  }
0x87: {  	_ =	shalt  }
.Lfunc_end0:
.L_simem_size_0:
called_computation_lowered:
.L_overlay_start_0:
0x88: {  	s2 =	sld [smem:$0x3FD9]  }
0x89: {  	s3 =	sld [smem:$0x3FFE];
	_ =	sdelay $0x1  }
0x8a: {  	s1 =	srdreg.scid  }
0x8b: {  	s0 =	sand.u32 $0x1, s1  }
0x8c: {  	s17 =	sshll.u32 s0, $0xA;
	s2 =	sadd.s32 s3, s2  }
0x8d: {  	s2 =	sadd.s32 s2, s17  }
0x8e: {  	[smem:$0x3FC3] =	sst s2  }
0x8f: {  	_ = 	snop  }
0x90: {  	s2 =	sld [smem:$0x3FC9]  }
0x91: {  	s18 =	sld [smem:$0x3FC8]  }
0x92: {  	s4 =	sld [smem:$0x3FD0];
	(tm) =	ssettm $0x1  }
0x93: {  	s5 =	sld [smem:$0x3FFB];
	_ =	sdelay $0x3  }
0x94: {  	_ =	strace s5  }
0x95: {  	s5 =	sld [smem:$0x3FFC];
	_ =	sdelay $0x3  }
0x96: {  	_ =	strace s5  }
0x97: {  	s5 =	sld [smem:$0x3FFD];
	_ =	sdelay $0x3  }
0x98: {  	_ =	strace s5  }
0x99: {  	_ =	strace $0x8FFFFFFF  }
0x9a: {  	s19 =	sld [smem:$0x3FDB];
	_ =	sdelay $0x1  }
0x9b: {  	s6 =	simm.s32 $_scs_section_size  }
0x9c: {  	s7 =	simm.s32 $_size__tile_overlayer_lowered;
	s8 =	simm.s32 $_tile_overlayer_lowered  }
0x9d: {  	s22 =	simm.s32 $0x1BFF;
	s21 =	sshll.u32 s8, $0x1;
	s5 =	sadd.s32 s6, s19  }
0x9e: {  	s9 =	simm.s32 $0x0;
	s20 =	sshll.u32 s7, $0x1;
	s7 =	sadd.s32 s21, s5  }
0x9f: {  	[timem:s9], [sflag:s22] =	dma.local [hbm:s7], s20  }
0xa0: {  	_ =	swait.ge [sflag:s22], s20  }
0xa1: {  	s6 =	ssub.s32 $0x0, s20;
	[sflag:s22] =	ssyncset.done $0x0  }
0xa2: {  	[sflag:s22] =	ssyncadd.s32 s6;
	_ =	sdelay $0x1  }
0xa3: {  	s23 =	simm.s32 $0x1B8B  }
0xa4: {  	_ =	swait.ge [sflag:s23], $0x1  }
0xa5: {  	[sflag:s23] =	ssyncset.done $0x0  }
0xa6: {  	s25 =	simm.s32 $0x1B8E;
	s24 =	sld [smem:$0x3FFE];
	[sflag:s23] =	ssyncadd.s32 $0xFFFFFFFF  }
0xa7: {  	s26 =	simm.s32 $execute0_lowered;
	[smem:$0x3FD2] =	sst s25  }
0xa8: {  	s7 =	sshll.u32 s26, $0x1;
	_ =	strace $0x80000046;
	[dreg:$0x1] =	wrdreg $0xFFFFFFFF  }
0xa9: {  	s28 =	simm.s32 $_size_execute0_lowered;
	s5 =	sadd.s32 s5, s7;
	[dreg:$0x0] =	wrdreg $0x0  }
0xaa: {  	s7 =	sshll.u32 s28, $0x1;
	[dreg:$0x2] =	wrdreg s5  }
0xab: {  	[dreg:$0x3] =	wrdreg s7  }
0xac: {  	[dreg:$0x4] =	wrdreg $0xC0  }
0xad: {  	_ =	task [dreg:s9], $0x5FFFF  }
0xae: {  	[dreg:$0x1] =	wrdreg $0xFFFFFFFF  }
0xaf: {  	[dreg:$0x0] =	wrdreg $0x60  }
0xb0: {  	[dreg:$0x2] =	wrdreg s2  }
0xb1: {  	[dreg:$0x3] =	wrdreg s18  }
0xb2: {  	[dreg:$0x4] =	wrdreg s24  }
0xb3: {  	[dreg:$0x5] =	wrdreg s4  }
0xb4: {  	[dreg:$0x6] =	wrdreg $0x9  }
0xb5: {  	_ =	task.clear_ibuf [dreg:s9], $0x7FFFF;
	_ =	strace $0x90000046  }
0xb6: {  	s29 =	simm.s32 $0x9;
	_ =	strace $0x80000048  }
0xb7: {  	_ =	swait.ge [sflag:s29], $0x1  }
0xb8: {  	[sflag:s29] =	ssyncadd.s32 $0xFFFFFFFF  }
0xb9: {  	_ =	strace $0x90000048  }
0xba: {  	_ =	sfence  }
0xbb: {  	s30 =	sld [smem:$0x0];
	_ =	sdelay $0x2  }
0xbc: {  	s31 =	sshll.u32 s1, $0xD;
	s1 =	sshrl.u32 s1, $0x2  }
0xbd: {  	s3 =	sand.u32 $0x4000, s31;
	s1 =	sadd.s32 s1, s30  }
0xbe: {  	s0 =	sor.u32 s3, s0;
	s1 =	sshll.u32 s1, $0x11  }
0xbf: {  	s0 =	sor.u32 s1, s0  }
0xc0: {  	s0 =	sadd.s32 $0x8F2B, s0  }
0xc1: {  	[sflag:s0] =	ssyncadd.remote.s32 $0x1  }
0xc2: {  	_ =	sfence.sel $0xFFFF  }
0xc3: {  	[dreg:$0x0] =	wrdreg $0xFFFFFFFF;
	(pc) =	sbr.abs _section_cstart, $3  }
0xc4: {  	[dreg:$0x1] =	wrdreg $0xFFFFFFFF  }
0xc5: {  	_ =	task.clear_ibuf [dreg:s9], $0x2FFFF;
	_ =	strace $0x9FFFFFFF  }
0xc6: {  	(tm) =	ssettm $0x7FFFFFFF  }
0xc7: {  	_ =	shalt  }
tec
execute0_lowered:
.L_overlay_start_1:
0x0: {  	(tag) =	ssettag $0x1  }
0x1: {  	s3 =	rddreg [dreg:$0x0]  }
0x2: {  	s9 =	rddreg [dreg:$0x1]  }
0x3: {  	s0 =	rddreg [dreg:$0x2]  }
0x4: {  	s10 =	rddreg [dreg:$0x3];
	s5 =	simm.s32 $0x0  }
0x5: {  	s1 =	srdreg.scid;
	s2 =	stileid.u32;
	s13 =	simm.s32 $0x13600  }
0x6: {  	s28 =	simm.s32 $0x6;
	s29 =	simm.s32 $0x15800;
	s11 =	simm.s32 $0x9  }
0x7: {  	s12 =	simm.s32 $0x8;
	s14 =	simm.s32 $0xA;
	[smem:$0x7FF] =	sst s5  }
0x8: {  	s1 =	sand.u32 $0x1, s1;
	s6 =	sadd.s32 $0x2800, s0;
	s2 =	sshll.u32 s2, $0xB  }
0x9: {  	s7 =	sadd.s32 $0xC5E00, s0;
	s0 =	sadd.s32 $0x2000, s0;
	s4 =	sshll.u32 s1, $0xA  }
0xa: {  	s18 =	sadd.s32 $0x1000, s10;
	_ =	strace $0x80000047;
	s8 =	sor.u32 s4, s2  }
0xb: {  	s1 =	ssub.s32 $0x2, s1;
	[dreg:$0x5] =	wrdreg s0;
	s2 =	sshrl.u32 s8, $0x3  }
0xc: {  	s19 =	sshrl.u32 s1, $0x1;
	s4 =	simm.s32 $0x7;
	s20 =	sadd.s32 s3, s2  }
0xd: {  	s0 =	ssub.s32 s1, s19;
	s22 =	sadd.s32 s9, s2;
	[dreg:$0x6] =	wrdreg s20  }
0xe: {  	s21 =	sor.u32 $0x10, s2;
	s0 =	smax.u32 s0, $0x1;
	[dreg:$0x7] =	wrdreg s22  }
0xf: {  	s19 =	sadd.s32 $0x2000, s10;
	s23 =	sadd.s32 s3, s21;
	[dreg:$0xe] =	wrdreg s0  }
0x10: {  	s24 =	sor.u32 $0x20, s2;
	s1 =	sadd.s32 s9, s21;
	[dreg:$0x8] =	wrdreg s23  }
0x11: {  	s26 =	sor.u32 $0x30, s2;
	s25 =	sadd.s32 s3, s24;
	[dreg:$0x9] =	wrdreg s1  }
0x12: {  	s30 =	sadd.s32 s9, s24;
	s31 =	sadd.s32 s3, s26;
	[dreg:$0xa] =	wrdreg s25  }
0x13: {  	v0 =	vlaneseq.u32;
	s20 =	sadd.s32 $0x3000, s10;
	s21 =	sadd.s32 $0x4000, s10;
	[dreg:$0xb] =	wrdreg s30  }
0x14: {  	v0 =	vmul.u32 $0x88, v0;
	s22 =	sadd.s32 $0x5000, s10;
	s24 =	sadd.s32 $0x7000, s10;
	[dreg:$0xc] =	wrdreg s31  }
0x15: {  	s1 =	sadd.s32 s9, s26;
	s23 =	sadd.s32 $0x6000, s10;
	s9 =	simm.s32 $0x5  }
0x16: {  	v1 =	vadd.s32 $0x880, v0;
	v2 =	vadd.s32 $0x1100, v0;
	v3 =	vadd.s32 $0x1980, v0;
	s10 =	simm.s32 $0x4;
	[dreg:$0xd] =	wrdreg s1;
	s1 =	simm.s32 $0x0  }
.LBB2_1:
0x17: {  	[dreg:$0xf] =	wrdreg s1  }
0x18: {  	s0 =	rddreg [dreg:$0x5];
	s1 =	simm.s32 $0xB  }
0x19: {  	[tilespmem:s5], [sflag:$0xB] =	stream.linear.gather [hbm4b:s0+s5], $0x3200, $0x38;
	[tilespmem:$0x17A00] =	vst v63  }
0x1a: {  	_ =	swait.ge [sflag:s1], $0x3200  }
0x1b: {  	[sflag:s1] =	ssyncset.done $0x0  }
0x1c: {  	s2 =	rddreg [dreg:$0x6];
	[sflag:s1] =	ssyncadd.s32 $0xFFFFCE00;
	s1 =	simm.s32 $0x3200  }
0x1d: {  	[tilespmem:s1], [sflag:$0x1] =	stream.linear.gather [hbm4b:s2+s5], $0x80, $0x38;
	[tilespmem:$0x17A00] =	vst v63  }
0x1e: {  	s3 =	rddreg [dreg:$0x7];
	s2 =	simm.s32 $0x3400  }
0x1f: {  	[tilespmem:s2], [sflag:$0x1] =	stream.linear.gather [hbm4b:s3+s5], $0x80, $0x38;
	[tilespmem:$0x17A00] =	vst v63  }
0x20: {  	s15 =	rddreg [dreg:$0x8];
	s3 =	simm.s32 $0x3280  }
0x21: {  	[tilespmem:s3], [sflag:$0x2] =	stream.linear.gather [hbm4b:s15+s5], $0x80, $0x38;
	[tilespmem:$0x17A00] =	vst v63  }
0x22: {  	s16 =	rddreg [dreg:$0x9];
	s15 =	simm.s32 $0x3480  }
0x23: {  	[tilespmem:s15], [sflag:$0x2] =	stream.linear.gather [hbm4b:s16+s5], $0x80, $0x38;
	[tilespmem:$0x17A00] =	vst v63  }
0x24: {  	s17 =	rddreg [dreg:$0xa];
	s16 =	simm.s32 $0x3300  }
0x25: {  	[tilespmem:s16], [sflag:$0x3] =	stream.linear.gather [hbm4b:s17+s5], $0x80, $0x38;
	[tilespmem:$0x17A00] =	vst v63  }
0x26: {  	s25 =	rddreg [dreg:$0xb];
	s17 =	simm.s32 $0x3500  }
0x27: {  	[tilespmem:s17], [sflag:$0x3] =	stream.linear.gather [hbm4b:s25+s5], $0x80, $0x38;
	[tilespmem:$0x17A00] =	vst v63  }
0x28: {  	s26 =	rddreg [dreg:$0xc];
	s25 =	simm.s32 $0x3380  }
0x29: {  	[tilespmem:s25], [sflag:$0x4] =	stream.linear.gather [hbm4b:s26+s5], $0x80, $0x38;
	[tilespmem:$0x17A00] =	vst v63  }
0x2a: {  	s31 =	simm.s32 $0x3580;
	s30 =	rddreg [dreg:$0xd];
	s25 =	simm.s32 $0x1  }
0x2b: {  	[tilespmem:s31], [sflag:$0x4] =	stream.linear.gather [hbm4b:s30+s5], $0x80, $0x38;
	[tilespmem:$0x17A00] =	vst v63  }
0x2c: {  	_ =	swait.ge [sflag:s25], $0x80  }
0x2d: {  	[sflag:s25] =	ssyncset.done $0x0  }
0x2e: {  	[sflag:s25] =	ssyncadd.s32 $0xFFFFFF80  }
0x2f: {  	_ =	swait.ge [sflag:s25], $0x80  }
0x30: {  	[sflag:s25] =	ssyncset.done $0x0  }
0x31: {  	s0 =	simm.s32 $0x80;
	s26 =	simm.s32 $0x3600;
	[sflag:s25] =	ssyncadd.s32 $0xFFFFFF80  }
0x32: {  	[tilespmem:s26], [sflag:$0x5] =	stream.indirect.gather [hbm4b:s6+s0], $0x40, s1, s0, $0xb8;
	[tilespmem:$0x17A00] =	vst v63  }
0x33: {  	s30 =	simm.s32 $0xB600;
	s31 =	simm.s32 $0x2  }
0x34: {  	[tilespmem:s30], [sflag:$0x5] =	stream.indirect.gather [hbm4b:s7+s0], $0x40, s2, s0, $0xb8;
	[tilespmem:$0x17A00] =	vst v63  }
0x35: {  	_ =	swait.ge [sflag:s31], $0x80  }
0x36: {  	[sflag:s31] =	ssyncset.done $0x0  }
0x37: {  	[sflag:s31] =	ssyncadd.s32 $0xFFFFFF80  }
0x38: {  	_ =	swait.ge [sflag:s31], $0x80  }
0x39: {  	[sflag:s31] =	ssyncset.done $0x0  }
0x3a: {  	s2 =	simm.s32 $0x5600;
	[sflag:s31] =	ssyncadd.s32 $0xFFFFFF80  }
0x3b: {  	[tilespmem:s2], [sflag:$0x6] =	stream.indirect.gather [hbm4b:s6+s0], $0x40, s3, s0, $0xb8;
	[tilespmem:$0x17A00] =	vst v63  }
0x3c: {  	s25 =	simm.s32 $0xD600;
	s26 =	simm.s32 $0x3  }
0x3d: {  	[tilespmem:s25], [sflag:$0x6] =	stream.indirect.gather [hbm4b:s7+s0], $0x40, s15, s0, $0xb8;
	[tilespmem:$0x17A00] =	vst v63  }
0x3e: {  	_ =	swait.ge [sflag:s26], $0x80  }
0x3f: {  	[sflag:s26] =	ssyncset.done $0x0  }
0x40: {  	[sflag:s26] =	ssyncadd.s32 $0xFFFFFF80  }
0x41: {  	_ =	swait.ge [sflag:s26], $0x80  }
0x42: {  	[sflag:s26] =	ssyncset.done $0x0  }
0x43: {  	s30 =	simm.s32 $0x7600;
	[sflag:s26] =	ssyncadd.s32 $0xFFFFFF80  }
0x44: {  	[tilespmem:s30], [sflag:$0x7] =	stream.indirect.gather [hbm4b:s6+s0], $0x40, s16, s0, $0xb8;
	[tilespmem:$0x17A00] =	vst v63  }
0x45: {  	s31 =	simm.s32 $0xF600;
	s15 =	simm.s32 $0x0  }
0x46: {  	[tilespmem:s31], [sflag:$0x7] =	stream.indirect.gather [hbm4b:s7+s0], $0x40, s17, s0, $0xb8;
	[tilespmem:$0x17A00] =	vst v63  }
.LBB2_2:
0x47: {  	s17 =	sshll.u32 s15, $0x2;
	p0 =	seq.s32 s15, $0x31;
	_ =	swait.ge [sflag:s9], $0x2000  }
0x48: {  	s0 =	sadd.s32 @!p0 $0x4, s17;
	[sflag:s9] =	ssyncset.done $0x0  }
0x49: {  	s1 =	sshll.u32 @!p0 s0, $0x7;
	s0 =	sshll.u32 @!p0 s0, $0xC;
	[sflag:s9] =	ssyncadd.s32 $0xFFFFE000  }
0x4a: {  	s1 =	sand.u32 @!p0 $0x200, s1;
	s0 =	sand.u32 @!p0 $0x1F8000, s0;
	_ =	swait.ge [sflag:s9], $0x2000  }
0x4b: {  	s0 =	sor.u32 @!p0 s0, s1;
	[sflag:s9] =	ssyncset.done $0x0  }
0x4c: {  	s0 =	sor.u32 @!p0 s8, s0;
	[sflag:s9] =	ssyncadd.s32 $0xFFFFE000  }
0x4d: {  	s0 =	sshrl.u32 @!p0 s0, $0x3;
	s1 =	rddreg [dreg:$0x0]  }
0x4e: {  	s2 =	simm.s32 @!p0 $0x0;
	s16 =	simm.s32 @!p0 $0x3200;
	s1 =	sadd.s32 @!p0 s1, s0  }
0x4f: {  	[tilespmem:s16], [sflag:$0x1] =	stream.linear.gather @!p0 [hbm4b:s1+s2], $0x80, $0x38;
	[tilespmem:$0x17A00] =	vst v63  }
0x50: {  	s1 =	rddreg [dreg:$0x1]  }
0x51: {  	s0 =	sadd.s32 @!p0 s1, s0;
	s1 =	simm.s32 @!p0 $0x3400  }
0x52: {  	[tilespmem:s1], [sflag:$0x1] =	stream.linear.gather @!p0 [hbm4b:s0+s2], $0x80, $0x38;
	[tilespmem:$0x17A00] =	vst v63  }
0x53: {  	_ =	swait.ge [sflag:s10], $0x80  }
0x54: {  	[sflag:s10] =	ssyncset.done $0x0  }
0x55: {  	[sflag:s10] =	ssyncadd.s32 $0xFFFFFF80  }
0x56: {  	_ =	swait.ge [sflag:s10], $0x80  }
0x57: {  	s3 =	simm.s32 $0x80;
	p1 =	seq.s32 s15, $0x0;
	[sflag:s10] =	ssyncset.done $0x0  }
0x58: {  	s16 =	simm.s32 $0x9600;
	s2 =	simm.s32 $0x3380;
	[sflag:s10] =	ssyncadd.s32 $0xFFFFFF80  }
0x59: {  	[tilespmem:s16], [sflag:$0x8] =	stream.indirect.gather [hbm4b:s6+s3], $0x40, s2, s3, $0xb8;
	[tilespmem:$0x17A00] =	vst v63  }
0x5a: {  	s25 =	simm.s32 $0x3580;
	s26 =	simm.s32 $0x11600;
	s0 =	simm.s32 @!p1 $0x9  }
0x5b: {  	[tilespmem:s26], [sflag:$0x8] =	stream.indirect.gather [hbm4b:s7+s3], $0x40, s25, s3, $0xb8;
	[tilespmem:$0x17A00] =	vst v63  }
0x5c: {  	_ =	swait.ge @!p1 [sflag:s0], $0x400  }
0x5d: {  	[sflag:s0] =	ssyncset.done @!p1 $0x0  }
0x5e: {  	[sflag:s0] =	ssyncadd.s32 @!p1 $0xFFFFFC00  }
0x5f: {  	_ =	swait.ge @!p1 [sflag:s0], $0x400  }
0x60: {  	[sflag:s0] =	ssyncset.done @!p1 $0x0  }
0x61: {  	[sflag:s0] =	ssyncadd.s32 @!p1 $0xFFFFFC00  }
0x62: {  	_ =	swait.ge @!p1 [sflag:s0], $0x400  }
0x63: {  	[sflag:s0] =	ssyncset.done @!p1 $0x0  }
0x64: {  	[sflag:s0] =	ssyncadd.s32 @!p1 $0xFFFFFC00  }
0x65: {  	_ =	swait.ge @!p1 [sflag:s0], $0x400  }
0x66: {  	[sflag:s0] =	ssyncset.done @!p1 $0x0  }
0x67: {  	[sflag:s0] =	ssyncadd.s32 @!p1 $0xFFFFFC00  }
0x68: {  	_ =	swait.ge @!p1 [sflag:s0], $0x400  }
0x69: {  	[sflag:s0] =	ssyncset.done @!p1 $0x0  }
0x6a: {  	[sflag:s0] =	ssyncadd.s32 @!p1 $0xFFFFFC00  }
0x6b: {  	_ =	swait.ge @!p1 [sflag:s0], $0x400  }
0x6c: {  	[sflag:s0] =	ssyncset.done @!p1 $0x0  }
0x6d: {  	[sflag:s0] =	ssyncadd.s32 @!p1 $0xFFFFFC00  }
0x6e: {  	_ =	swait.ge @!p1 [sflag:s0], $0x400  }
0x6f: {  	[sflag:s0] =	ssyncset.done @!p1 $0x0  }
0x70: {  	[sflag:s0] =	ssyncadd.s32 @!p1 $0xFFFFFC00  }
0x71: {  	_ =	swait.ge @!p1 [sflag:s0], $0x400  }
0x72: {  	s2 =	sshll.u32 s15, $0x8;
	[sflag:s0] =	ssyncset.done @!p1 $0x0  }
0x73: {  	[sflag:s0] =	ssyncadd.s32 @!p1 $0xFFFFFC00;
	s0 =	sand.u32 $0x3FFFFF00, s2  }
0x74: {  	s26 =	simm.s32 $0x3680;
	v11 =	vld [tilespmem:s0+$0x0]  }
0x75: {  	s25 =	simm.s32 $0xB680;
	v4 =	vld [tilespmem:s26+$0x40]  }
0x76: {  	v7 =	vld [tilespmem:s25+$0x40]  }
0x77: {  	s3 =	simm.s32 $0x3;
	v10 =	vld [tilespmem:s0+$0x10]  }
0x78: {  	v6 =	vmov s3;
	v8 =	vld [tilespmem:s26+$0xFFFFFF80]  }
0x79: {  	v6 =	vand.u32 $0x7F, v6;
	v9 =	vld [tilespmem:s25+$0xFFFFFF80]  }
0x7a: {  	s16 =	simm.s32 $0x0;
	v13 =	vadd.s32 v0, v6;
	v12 =	vld [tilespmem:s26+$0xFFFFFFC0]  }
0x7b: {  	v14 =	vmov s16;
	v15 =	vld [tilespmem:s25+$0xFFFFFFC0];
	v4 =	vadd.f32 v7, v4  }
0x7c: {  	s2 =	simm.s32 $0x1;
	v18 =	vld [tilespmem:s25+$0x0];
	v7 =	vand.u32 $0x7C, v14  }
0x7d: {  	v17 =	vmov s2;
	v14 =	vld [tilespmem:s26+$0x0];
	v16 =	vadd.s32 v0, v7;
	v19 =	vadd.f32 v4, v11  }
0x7e: {  	s3 =	simm.s32 $0x2;
	v5 =	vld [tilespmem:s0+$0x20];
	v8 =	vadd.f32 v9, v8;
	v9 =	vand.u32 $0x7D, v17  }
0x7f: {  	v20 =	vmov s3;
	v17 =	vadd.s32 v0, v9;
	v4 =	vld [tilespmem:s0+$0x30];
	[tilespmem:v13+s13+$0x0] =	vst.idx.msk $0xffff, v19  }
0x80: {  	v12 =	vadd.f32 v15, v12;
	v13 =	vadd.f32 v8, v11;
	v8 =	vand.u32 $0x7E, v20;
	v15 =	vld [tilespmem:s26+$0x50]  }
0x81: {  	v19 =	vadd.s32 v0, v8;
	v20 =	vld [tilespmem:s25+$0x50]  }
0x82: {  	v12 =	vadd.f32 v12, v11;
	[tilespmem:v16+s13+$0x0] =	vst.idx.msk $0xffff, v13;
	v13 =	vadd.f32 v18, v14  }
0x83: {  	v14 =	vld [tilespmem:s26+$0xFFFFFF90]  }
0x84: {  	[tilespmem:v17+s13+$0x0] =	vst.idx.msk $0xffff, v12;
	v16 =	vld [tilespmem:s25+$0xFFFFFF90];
	v12 =	vadd.f32 v13, v11  }
0x85: {  	v17 =	vadd.s32 v1, v6;
	v18 =	vld [tilespmem:s25+$0xFFFFFFD0]  }
0x86: {  	v13 =	vld [tilespmem:s26+$0xFFFFFFD0];
	[tilespmem:v19+s13+$0x0] =	vst.idx.msk $0xffff, v12;
	v12 =	vadd.f32 v20, v15  }
0x87: {  	v15 =	vld [tilespmem:s26+$0x10]  }
0x88: {  	v19 =	vadd.s32 v1, v7;
	v20 =	vld [tilespmem:s25+$0x10];
	v12 =	vadd.f32 v12, v10  }
0x89: {  	v14 =	vadd.f32 v16, v14  }
0x8a: {  	v16 =	vadd.s32 v1, v9;
	[tilespmem:v17+s13+$0x0] =	vst.idx.msk $0xffff, v12  }
0x8b: {  	v13 =	vadd.f32 v18, v13;
	v12 =	vadd.f32 v14, v10;
	v14 =	vld [tilespmem:s26+$0x60]  }
0x8c: {  	v17 =	vadd.s32 v1, v8;
	v18 =	vld [tilespmem:s25+$0x60]  }
0x8d: {  	[tilespmem:v19+s13+$0x0] =	vst.idx.msk $0xffff, v12;
	v12 =	vadd.f32 v13, v10;
	v13 =	vadd.f32 v20, v15  }
0x8e: {  	v15 =	vld [tilespmem:s26+$0xFFFFFFA0]  }
0x8f: {  	v20 =	vld [tilespmem:s25+$0xFFFFFFA0];
	[tilespmem:v16+s13+$0x0] =	vst.idx.msk $0xffff, v12;
	v12 =	vadd.f32 v13, v10  }
0x90: {  	v16 =	vadd.s32 v2, v6;
	v13 =	vld [tilespmem:s26+$0xFFFFFFE0]  }
0x91: {  	v22 =	vld [tilespmem:s25+$0xFFFFFFE0];
	[tilespmem:v17+s13+$0x0] =	vst.idx.msk $0xffff, v12;
	v12 =	vadd.f32 v18, v14  }
0x92: {  	v14 =	vld [tilespmem:s26+$0x20]  }
0x93: {  	s30 =	simm.s32 $0xB780;
	v18 =	vadd.s32 v2, v7;
	v17 =	vld [tilespmem:s25+$0x20];
	v12 =	vadd.f32 v12, v5  }
0x94: {  	v21 =	vld [tilespmem:s30+$0x40];
	s0 =	simm.s32 $0x3780;
	v15 =	vadd.f32 v20, v15  }
0x95: {  	v19 =	vld [tilespmem:s0+$0x40];
	[tilespmem:v16+s13+$0x0] =	vst.idx.msk $0xffff, v12;
	v16 =	vadd.s32 v2, v9  }
0x96: {  	v23 =	vadd.f32 v15, v5;
	v22 =	vadd.f32 v22, v13;
	v12 =	vld [tilespmem:s26+$0x70]  }
0x97: {  	s16 =	simm.s32 $0x7;
	v15 =	vadd.s32 v2, v8;
	v13 =	vld [tilespmem:s25+$0x70]  }
0x98: {  	v24 =	vmov s16;
	v20 =	vld [tilespmem:s0+$0xFFFFFF80];
	[tilespmem:v18+s13+$0x0] =	vst.idx.msk $0xffff, v23;
	v18 =	vadd.f32 v22, v5;
	v17 =	vadd.f32 v17, v14  }
0x99: {  	s31 =	simm.s32 $0x4;
	s1 =	simm.s32 $0x8;
	s16 =	sor.u32 $0x3, s17;
	v22 =	vld [tilespmem:s30+$0xFFFFFF80];
	v14 =	vand.u32 $0x7F, v24  }
.LBB2_3:
0x9a: {  	p1 =	slt.u32 s1, $0x7C;
	v23 =	vld [tilespmem:s0+$0xFFFFFFC0];
	v24 =	vadd.s32 v0, v14;
	[tilespmem:v16+s13+$0x0] =	vst.idx.msk $0xffff, v18;
	v16 =	vadd.f32 v17, v5  }
0x9b: {  	v17 =	vmov s31;
	v19 =	vadd.f32 v21, v19;
	v21 =	vadd.s32 v3, v6;
	v6 =	vmovc v14;
	v18 =	vld [tilespmem:s30+$0xFFFFFFC0]  }
0x9c: {  	s2 =	sadd.s32 $0x1, s31;
	v14 =	vand.u32 $0x7C, v17;
	v17 =	vld [tilespmem:s0+$0x0];
	[tilespmem:v15+s13+$0x0] =	vst.idx.msk $0xffff, v16;
	v12 =	vadd.f32 v13, v12  }
0x9d: {  	v13 =	vadd.s32 v0, v14;
	v15 =	vmov s2;
	v19 =	vadd.f32 v19, v11;
	v16 =	vld [tilespmem:s30+$0x0]  }
0x9e: {  	s2 =	sadd.s32 $0x2, s31;
	s31 =	smov.u32 s1;
	v15 =	vand.u32 $0x7D, v15;
	v20 =	vadd.f32 v22, v20;
	v22 =	vld [tilespmem:s26+$0xFFFFFFB0];
	v12 =	vadd.f32 v12, v4  }
0x9f: {  	v26 =	vmov s2;
	v25 =	vadd.s32 v0, v15;
	[tilespmem:v24+s13+$0x0] =	vst.idx.msk $0xffff, v19;
	v19 =	vld [tilespmem:s25+$0xFFFFFFB0]  }
0xa0: {  	v20 =	vadd.f32 v20, v11;
	v18 =	vadd.f32 v18, v23;
	v23 =	vand.u32 $0x7E, v26;
	v24 =	vld [tilespmem:s0+$0x50];
	[tilespmem:v21+s13+$0x0] =	vst.idx.msk $0xffff, v12  }
0xa1: {  	v12 =	vadd.s32 v0, v23;
	v21 =	vld [tilespmem:s30+$0x50]  }
0xa2: {  	[tilespmem:v13+s13+$0x0] =	vst.idx.msk $0xffff, v20;
	v13 =	vadd.f32 v18, v11;
	v16 =	vadd.f32 v16, v17;
	v17 =	vld [tilespmem:s26+$0xFFFFFFF0]  }
0xa3: {  	v20 =	vadd.s32 v3, v7;
	v7 =	vmov v14;
	v18 =	vld [tilespmem:s0+$0xFFFFFF90]  }
0xa4: {  	v14 =	vld [tilespmem:s30+$0xFFFFFF90];
	[tilespmem:v25+s13+$0x0] =	vst.idx.msk $0xffff, v13;
	v13 =	vadd.f32 v16, v11;
	v16 =	vadd.f32 v19, v22  }
0xa5: {  	v22 =	vadd.s32 v1, v6;
	v19 =	vld [tilespmem:s0+$0xFFFFFFD0]  }
0xa6: {  	v25 =	vld [tilespmem:s30+$0xFFFFFFD0];
	[tilespmem:v12+s13+$0x0] =	vst.idx.msk $0xffff, v13;
	v12 =	vadd.f32 v21, v24;
	v13 =	vadd.f32 v16, v4  }
0xa7: {  	v16 =	vld [tilespmem:s0+$0x10]  }
0xa8: {  	v21 =	vadd.s32 v1, v7;
	v24 =	vld [tilespmem:s30+$0x10];
	v12 =	vadd.f32 v12, v10;
	[tilespmem:v20+s13+$0x0] =	vst.idx.msk $0xffff, v13  }
0xa9: {  	v13 =	vadd.f32 v14, v18;
	v14 =	vld [tilespmem:s25+$0xFFFFFFF0]  }
0xaa: {  	v18 =	vadd.s32 v1, v15;
	[tilespmem:v22+s13+$0x0] =	vst.idx.msk $0xffff, v12;
	v12 =	vld [tilespmem:s26+$0x30];
	s26 =	smov.u32 s0  }
0xab: {  	v13 =	vadd.f32 v13, v10;
	v19 =	vadd.f32 v25, v19;
	v20 =	vld [tilespmem:s0+$0x60]  }
0xac: {  	v26 =	vadd.s32 v3, v9;
	v9 =	vmov v15;
	v22 =	vadd.s32 v1, v23;
	v25 =	vld [tilespmem:s30+$0x60]  }
0xad: {  	[tilespmem:v21+s13+$0x0] =	vst.idx.msk $0xffff, v13;
	v13 =	vadd.f32 v19, v10;
	v15 =	vadd.f32 v24, v16;
	v16 =	vld [tilespmem:s25+$0x30];
	s25 =	smov.u32 s30  }
0xae: {  	v21 =	vld [tilespmem:s0+$0xFFFFFFA0];
	v14 =	vadd.f32 v14, v17  }
0xaf: {  	v17 =	vld [tilespmem:s30+$0xFFFFFFA0];
	[tilespmem:v18+s13+$0x0] =	vst.idx.msk $0xffff, v13;
	v13 =	vadd.f32 v15, v10  }
0xb0: {  	v18 =	vadd.s32 v2, v6;
	v15 =	vld [tilespmem:s0+$0xFFFFFFE0];
	v14 =	vadd.f32 v14, v4  }
0xb1: {  	v24 =	vld [tilespmem:s30+$0xFFFFFFE0];
	[tilespmem:v22+s13+$0x0] =	vst.idx.msk $0xffff, v13;
	v13 =	vadd.f32 v25, v20;
	v20 =	vadd.s32 v3, v8;
	v8 =	vmov v23  }
0xb2: {  	v22 =	vld [tilespmem:s0+$0x20];
	[tilespmem:v26+s13+$0x0] =	vst.idx.msk $0xffff, v14;
	v12 =	vadd.f32 v16, v12  }
0xb3: {  	v14 =	vadd.s32 v2, v7;
	s0 =	sadd.s32 $0x100, s0;
	v23 =	vld [tilespmem:s30+$0x20];
	v13 =	vadd.f32 v13, v5  }
0xb4: {  	s30 =	sadd.s32 $0x100, s30;
	v19 =	vld [tilespmem:s0+$0x40];
	v17 =	vadd.f32 v17, v21;
	v25 =	vadd.f32 v12, v4  }
.Ltmp0:
0xb5: {  	v16 =	vadd.s32 v2, v9;
	v21 =	vld [tilespmem:s30+$0x40];
	[tilespmem:v18+s13+$0x0] =	vst.idx.msk $0xffff, v13;
	(pc) =	sbr.rel @p1 .LBB2_3-.Ltmp0, $4  }
0xb6: {  	v17 =	vadd.f32 v17, v5;
	v18 =	vadd.f32 v24, v15;
	v12 =	vld [tilespmem:s26+$0x70];
	[tilespmem:v20+s13+$0x0] =	vst.idx.msk $0xffff, v25  }
0xb7: {  	s2 =	sadd.s32 $0x3, s1;
	v15 =	vadd.s32 v2, v8;
	v13 =	vld [tilespmem:s25+$0x70]  }
0xb8: {  	v24 =	vmov s2;
	v20 =	vld [tilespmem:s0+$0xFFFFFF80];
	[tilespmem:v14+s13+$0x0] =	vst.idx.msk $0xffff, v17;
	v18 =	vadd.f32 v18, v5;
	v17 =	vadd.f32 v23, v22  }
0xb9: {  	s1 =	sadd.s32 $0x4, s1;
	v14 =	vand.u32 $0x7F, v24;
	v22 =	vld [tilespmem:s30+$0xFFFFFF80]  }
0xba: {  	v23 =	vld [tilespmem:s0+$0xFFFFFFC0]  }
0xbb: {  	v24 =	vadd.s32 v0, v14;
	v25 =	vmov s31;
	v26 =	vld [tilespmem:s30+$0xFFFFFFC0]  }
0xbc: {  	v19 =	vadd.f32 v21, v19;
	s1 =	sadd.s32 $0x1, s31;
	v21 =	vand.u32 $0x7C, v25  }
0xbd: {  	v27 =	vld [tilespmem:s0+$0x0];
	v44 =	vmov s1;
	v28 =	vadd.s32 v0, v21  }
0xbe: {  	v29 =	vld [tilespmem:s30+$0x0];
	v19 =	vadd.f32 v19, v11;
	v20 =	vadd.f32 v22, v20;
	v22 =	vand.u32 $0x7D, v44  }
0xbf: {  	s3 =	sadd.s32 $0x2, s31;
	v25 =	vadd.s32 v0, v22  }
0xc0: {  	v30 =	vmov s3;
	[tilespmem:v24+s13+$0x0] =	vst.idx.msk $0xffff, v19;
	v19 =	vadd.f32 v20, v11;
	v20 =	vadd.f32 v26, v23  }
0xc1: {  	v23 =	vand.u32 $0x7E, v30;
	v24 =	vld [tilespmem:s0+$0x50]  }
0xc2: {  	v46 =	vld [tilespmem:s30+$0x50];
	v45 =	vadd.s32 v0, v23;
	[tilespmem:v28+s13+$0x0] =	vst.idx.msk $0xffff, v19;
	v19 =	vadd.f32 v20, v11  }
0xc3: {  	v20 =	vadd.f32 v29, v27;
	v47 =	vld [tilespmem:s0+$0xFFFFFF90]  }
0xc4: {  	v28 =	vld [tilespmem:s30+$0xFFFFFF90];
	[tilespmem:v25+s13+$0x0] =	vst.idx.msk $0xffff, v19  }
0xc5: {  	v11 =	vadd.f32 v20, v11;
	v19 =	vld [tilespmem:s0+$0xFFFFFFD0]  }
0xc6: {  	v20 =	vadd.s32 v1, v14;
	v25 =	vld [tilespmem:s30+$0xFFFFFFD0]  }
0xc7: {  	[tilespmem:v45+s13+$0x0] =	vst.idx.msk $0xffff, v11;
	v11 =	vadd.f32 v46, v24  }
0xc8: {  	v49 =	vadd.s32 v1, v21;
	v48 =	vld [tilespmem:s0+$0x10]  }
0xc9: {  	v50 =	vld [tilespmem:s30+$0x10];
	v11 =	vadd.f32 v11, v10;
	v27 =	vadd.f32 v28, v47  }
0xca: {  	v51 =	vld [tilespmem:s26+$0xFFFFFFB0];
	[tilespmem:v16+s13+$0x0] =	vst.idx.msk $0xffff, v18;
	v52 =	vadd.s32 v1, v22  }
0xcb: {  	v18 =	vld [tilespmem:s26+$0xFFFFFFF0];
	[tilespmem:v20+s13+$0x0] =	vst.idx.msk $0xffff, v11;
	v20 =	vadd.f32 v27, v10;
	v19 =	vadd.f32 v25, v19  }
0xcc: {  	v53 =	vld [tilespmem:s0+$0x60]  }
0xcd: {  	v54 =	vld [tilespmem:s30+$0x60];
	[tilespmem:v49+s13+$0x0] =	vst.idx.msk $0xffff, v20;
	v20 =	vadd.s32 v1, v23;
	v19 =	vadd.f32 v19, v10  }
0xce: {  	v24 =	vadd.f32 v50, v48;
	v55 =	vld [tilespmem:s0+$0xFFFFFFA0]  }
0xcf: {  	[tilespmem:v52+s13+$0x0] =	vst.idx.msk $0xffff, v19;
	v19 =	vld [tilespmem:s30+$0xFFFFFFA0]  }
0xd0: {  	v10 =	vadd.f32 v24, v10;
	v56 =	vld [tilespmem:s0+$0xFFFFFFE0]  }
0xd1: {  	v16 =	vld [tilespmem:s30+$0xFFFFFFE0]  }
0xd2: {  	v17 =	vadd.f32 v17, v5;
	v57 =	vadd.s32 v2, v14;
	v58 =	vld [tilespmem:s25+$0xFFFFFFF0];
	[tilespmem:v20+s13+$0x0] =	vst.idx.msk $0xffff, v10  }
0xd3: {  	v10 =	vadd.f32 v54, v53;
	v20 =	vld [tilespmem:s0+$0x20]  }
0xd4: {  	[tilespmem:v15+s13+$0x0] =	vst.idx.msk $0xffff, v17;
	v15 =	vadd.s32 v2, v21;
	v17 =	vld [tilespmem:s30+$0x20]  }
0xd5: {  	v60 =	vld [tilespmem:s26+$0x30];
	v59 =	vadd.s32 v2, v22;
	v10 =	vadd.f32 v10, v5;
	v19 =	vadd.f32 v19, v55  }
0xd6: {  	v61 =	vld [tilespmem:s25+$0x30];
	v16 =	vadd.f32 v16, v56  }
0xd7: {  	v11 =	vld [tilespmem:s25+$0xFFFFFFB0];
	[tilespmem:v57+s13+$0x0] =	vst.idx.msk $0xffff, v10;
	v10 =	vadd.f32 v19, v5  }
0xd8: {  	v62 =	vadd.s32 v2, v23;
	v19 =	vld [tilespmem:s0+$0x70];
	v16 =	vadd.f32 v16, v5  }
0xd9: {  	[tilespmem:v15+s13+$0x0] =	vst.idx.msk $0xffff, v10;
	v10 =	vadd.f32 v17, v20;
	v15 =	vld [tilespmem:s30+$0x70]  }
0xda: {  	v6 =	vadd.s32 v3, v6;
	[tilespmem:v59+s13+$0x0] =	vst.idx.msk $0xffff, v16;
	v16 =	vld [tilespmem:s0+$0xFFFFFFB0]  }
0xdb: {  	v7 =	vadd.s32 v3, v7;
	v12 =	vadd.f32 v13, v12;
	v5 =	vadd.f32 v10, v5;
	v10 =	vld [tilespmem:s30+$0xFFFFFFB0]  }
0xdc: {  	v9 =	vadd.s32 v3, v9;
	v11 =	vadd.f32 v11, v51;
	v13 =	vld [tilespmem:s0+$0xFFFFFFF0]  }
0xdd: {  	v12 =	vadd.f32 v12, v4;
	v17 =	vadd.f32 v58, v18;
	[tilespmem:v62+s13+$0x0] =	vst.idx.msk $0xffff, v5;
	v5 =	vld [tilespmem:s30+$0xFFFFFFF0]  }
0xde: {  	v11 =	vadd.f32 v11, v4;
	v18 =	vld [tilespmem:s0+$0x30]  }
0xdf: {  	v8 =	vadd.s32 v3, v8;
	[tilespmem:v6+s13+$0x0] =	vst.idx.msk $0xffff, v12;
	v6 =	vadd.f32 v17, v4;
	v12 =	vld [tilespmem:s30+$0x30]  }
0xe0: {  	[tilespmem:v7+s13+$0x0] =	vst.idx.msk $0xffff, v11;
	v7 =	vadd.f32 v61, v60;
	v11 =	vadd.s32 v3, v14  }
0xe1: {  	[tilespmem:v9+s13+$0x0] =	vst.idx.msk $0xffff, v6;
	v9 =	vadd.s32 v3, v21;
	v6 =	vadd.f32 v15, v19  }
0xe2: {  	v14 =	vadd.s32 v3, v22;
	v7 =	vadd.f32 v7, v4;
	v10 =	vadd.f32 v10, v16  }
0xe3: {  	v6 =	vadd.f32 v6, v4;
	v5 =	vadd.f32 v5, v13;
	v13 =	vadd.s32 v3, v23  }
0xe4: {  	[tilespmem:v8+s13+$0x0] =	vst.idx.msk $0xffff, v7;
	v7 =	vadd.f32 v10, v4;
	v8 =	vadd.f32 v12, v18  }
0xe5: {  	s2 =	sshll.u32 s15, $0x14;
	[tilespmem:v11+s13+$0x0] =	vst.idx.msk $0xffff, v6;
	v5 =	vadd.f32 v5, v4  }
0xe6: {  	s0 =	sor.u32 s8, s2;
	[tilespmem:v9+s13+$0x0] =	vst.idx.msk $0xffff, v7;
	v4 =	vadd.f32 v8, v4  }
0xe7: {  	s3 =	rddreg [dreg:$0x3];
	s0 =	sshrl.u32 s0, $0x3;
	[tilespmem:v14+s13+$0x0] =	vst.idx.msk $0xffff, v5  }
0xe8: {  	s1 =	sadd.s32 s3, s0;
	[tilespmem:v13+s13+$0x0] =	vst.idx.msk $0xffff, v4  }
0xe9: {  	[hbm4b:s1+s5] =	stream.linear.scatter [tilespmem:s13], [sflag:$0x9], $0x80, $0x38;
	[tilespmem:$0x17A00] =	vst v63  }
0xea: {  	s3 =	simm.s32 $0x13688;
	s2 =	sadd.s32 $0x10, s1  }
0xeb: {  	[hbm4b:s2+s5] =	stream.linear.scatter [tilespmem:s3], [sflag:$0x9], $0x80, $0x38;
	[tilespmem:$0x17A00] =	vst v63  }
0xec: {  	s26 =	simm.s32 $0x13710;
	s25 =	sadd.s32 $0x20, s1  }
0xed: {  	[hbm4b:s25+s5] =	stream.linear.scatter [tilespmem:s26], [sflag:$0x9], $0x80, $0x38;
	[tilespmem:$0x17A00] =	vst v63  }
0xee: {  	s25 =	sadd.s32 $0x30, s1;
	s26 =	simm.s32 $0x13798  }
0xef: {  	[hbm4b:s25+s5] =	stream.linear.scatter [tilespmem:s26], [sflag:$0x9], $0x80, $0x38;
	[tilespmem:$0x17A00] =	vst v63  }
0xf0: {  	s25 =	sadd.s32 $0x40, s1;
	s26 =	simm.s32 $0x13820  }
0xf1: {  	[hbm4b:s25+s5] =	stream.linear.scatter [tilespmem:s26], [sflag:$0x9], $0x80, $0x38;
	[tilespmem:$0x17A00] =	vst v63  }
0xf2: {  	s25 =	sadd.s32 $0x50, s1;
	s26 =	simm.s32 $0x138A8  }
0xf3: {  	[hbm4b:s25+s5] =	stream.linear.scatter [tilespmem:s26], [sflag:$0x9], $0x80, $0x38;
	[tilespmem:$0x17A00] =	vst v63  }
0xf4: {  	s3 =	sadd.s32 $0x60, s1;
	s25 =	simm.s32 $0x13930  }
0xf5: {  	[hbm4b:s3+s5] =	stream.linear.scatter [tilespmem:s25], [sflag:$0x9], $0x80, $0x38;
	[tilespmem:$0x17A00] =	vst v63  }
0xf6: {  	s1 =	sadd.s32 $0x70, s1;
	s26 =	simm.s32 $0x139B8  }
0xf7: {  	[hbm4b:s1+s5] =	stream.linear.scatter [tilespmem:s26], [sflag:$0x9], $0x80, $0x38;
	[tilespmem:$0x17A00] =	vst v63  }
0xf8: {  	s3 =	simm.s32 $0x13A40;
	s1 =	sadd.s32 s0, s18  }
0xf9: {  	[hbm4b:s1+s5] =	stream.linear.scatter [tilespmem:s3], [sflag:$0x9], $0x80, $0x38;
	[tilespmem:$0x17A00] =	vst v63  }
0xfa: {  	s26 =	simm.s32 $0x13AC8;
	s25 =	sadd.s32 $0x10, s1  }
0xfb: {  	[hbm4b:s25+s5] =	stream.linear.scatter [tilespmem:s26], [sflag:$0x9], $0x80, $0x38;
	[tilespmem:$0x17A00] =	vst v63  }
0xfc: {  	s25 =	sadd.s32 $0x20, s1;
	s26 =	simm.s32 $0x13B50  }
0xfd: {  	[hbm4b:s25+s5] =	stream.linear.scatter [tilespmem:s26], [sflag:$0x9], $0x80, $0x38;
	[tilespmem:$0x17A00] =	vst v63  }
0xfe: {  	s25 =	sadd.s32 $0x30, s1;
	s26 =	simm.s32 $0x13BD8  }
0xff: {  	[hbm4b:s25+s5] =	stream.linear.scatter [tilespmem:s26], [sflag:$0x9], $0x80, $0x38;
	[tilespmem:$0x17A00] =	vst v63  }
0x100: {  	s25 =	sadd.s32 $0x40, s1;
	s26 =	simm.s32 $0x13C60  }
0x101: {  	[hbm4b:s25+s5] =	stream.linear.scatter [tilespmem:s26], [sflag:$0x9], $0x80, $0x38;
	[tilespmem:$0x17A00] =	vst v63  }
0x102: {  	s25 =	sadd.s32 $0x50, s1;
	s26 =	simm.s32 $0x13CE8  }
0x103: {  	[hbm4b:s25+s5] =	stream.linear.scatter [tilespmem:s26], [sflag:$0x9], $0x80, $0x38;
	[tilespmem:$0x17A00] =	vst v63  }
0x104: {  	s3 =	sadd.s32 $0x60, s1;
	s25 =	simm.s32 $0x13D70  }
0x105: {  	[hbm4b:s3+s5] =	stream.linear.scatter [tilespmem:s25], [sflag:$0x9], $0x80, $0x38;
	[tilespmem:$0x17A00] =	vst v63  }
0x106: {  	s1 =	sadd.s32 $0x70, s1;
	s26 =	simm.s32 $0x13DF8  }
0x107: {  	[hbm4b:s1+s5] =	stream.linear.scatter [tilespmem:s26], [sflag:$0x9], $0x80, $0x38;
	[tilespmem:$0x17A00] =	vst v63  }
0x108: {  	s3 =	simm.s32 $0x13E80;
	s1 =	sadd.s32 s0, s19  }
0x109: {  	[hbm4b:s1+s5] =	stream.linear.scatter [tilespmem:s3], [sflag:$0x9], $0x80, $0x38;
	[tilespmem:$0x17A00] =	vst v63  }
0x10a: {  	s26 =	simm.s32 $0x13F08;
	s25 =	sadd.s32 $0x10, s1  }
0x10b: {  	[hbm4b:s25+s5] =	stream.linear.scatter [tilespmem:s26], [sflag:$0x9], $0x80, $0x38;
	[tilespmem:$0x17A00] =	vst v63  }
0x10c: {  	s25 =	sadd.s32 $0x20, s1;
	s26 =	simm.s32 $0x13F90  }
0x10d: {  	[hbm4b:s25+s5] =	stream.linear.scatter [tilespmem:s26], [sflag:$0x9], $0x80, $0x38;
	[tilespmem:$0x17A00] =	vst v63  }
0x10e: {  	s25 =	sadd.s32 $0x30, s1;
	s26 =	simm.s32 $0x14018  }
0x10f: {  	[hbm4b:s25+s5] =	stream.linear.scatter [tilespmem:s26], [sflag:$0x9], $0x80, $0x38;
	[tilespmem:$0x17A00] =	vst v63  }
0x110: {  	s25 =	sadd.s32 $0x40, s1;
	s26 =	simm.s32 $0x140A0  }
0x111: {  	[hbm4b:s25+s5] =	stream.linear.scatter [tilespmem:s26], [sflag:$0x9], $0x80, $0x38;
	[tilespmem:$0x17A00] =	vst v63  }
0x112: {  	s25 =	sadd.s32 $0x50, s1;
	s26 =	simm.s32 $0x14128  }
0x113: {  	[hbm4b:s25+s5] =	stream.linear.scatter [tilespmem:s26], [sflag:$0x9], $0x80, $0x38;
	[tilespmem:$0x17A00] =	vst v63  }
0x114: {  	s3 =	sadd.s32 $0x60, s1;
	s25 =	simm.s32 $0x141B0  }
0x115: {  	[hbm4b:s3+s5] =	stream.linear.scatter [tilespmem:s25], [sflag:$0x9], $0x80, $0x38;
	[tilespmem:$0x17A00] =	vst v63  }
0x116: {  	s1 =	sadd.s32 $0x70, s1;
	s26 =	simm.s32 $0x14238  }
0x117: {  	[hbm4b:s1+s5] =	stream.linear.scatter [tilespmem:s26], [sflag:$0x9], $0x80, $0x38;
	[tilespmem:$0x17A00] =	vst v63  }
0x118: {  	s3 =	simm.s32 $0x142C0;
	s1 =	sadd.s32 s0, s20  }
0x119: {  	[hbm4b:s1+s5] =	stream.linear.scatter [tilespmem:s3], [sflag:$0x9], $0x80, $0x38;
	[tilespmem:$0x17A00] =	vst v63  }
0x11a: {  	s26 =	simm.s32 $0x14348;
	s25 =	sadd.s32 $0x10, s1  }
0x11b: {  	[hbm4b:s25+s5] =	stream.linear.scatter [tilespmem:s26], [sflag:$0x9], $0x80, $0x38;
	[tilespmem:$0x17A00] =	vst v63  }
0x11c: {  	s25 =	sadd.s32 $0x20, s1;
	s26 =	simm.s32 $0x143D0  }
0x11d: {  	[hbm4b:s25+s5] =	stream.linear.scatter [tilespmem:s26], [sflag:$0x9], $0x80, $0x38;
	[tilespmem:$0x17A00] =	vst v63  }
0x11e: {  	s25 =	sadd.s32 $0x30, s1;
	s26 =	simm.s32 $0x14458  }
0x11f: {  	[hbm4b:s25+s5] =	stream.linear.scatter [tilespmem:s26], [sflag:$0x9], $0x80, $0x38;
	[tilespmem:$0x17A00] =	vst v63  }
0x120: {  	s25 =	sadd.s32 $0x40, s1;
	s26 =	simm.s32 $0x144E0  }
0x121: {  	[hbm4b:s25+s5] =	stream.linear.scatter [tilespmem:s26], [sflag:$0x9], $0x80, $0x38;
	[tilespmem:$0x17A00] =	vst v63  }
0x122: {  	s25 =	sadd.s32 $0x50, s1;
	s26 =	simm.s32 $0x14568  }
0x123: {  	[hbm4b:s25+s5] =	stream.linear.scatter [tilespmem:s26], [sflag:$0x9], $0x80, $0x38;
	[tilespmem:$0x17A00] =	vst v63  }
0x124: {  	s3 =	sadd.s32 $0x60, s1;
	s25 =	simm.s32 $0x145F0  }
0x125: {  	[hbm4b:s3+s5] =	stream.linear.scatter [tilespmem:s25], [sflag:$0x9], $0x80, $0x38;
	[tilespmem:$0x17A00] =	vst v63  }
0x126: {  	s1 =	sadd.s32 $0x70, s1;
	s26 =	simm.s32 $0x14678  }
0x127: {  	[hbm4b:s1+s5] =	stream.linear.scatter [tilespmem:s26], [sflag:$0x9], $0x80, $0x38;
	[tilespmem:$0x17A00] =	vst v63  }
0x128: {  	s3 =	simm.s32 $0x14700;
	s1 =	sadd.s32 s0, s21  }
0x129: {  	[hbm4b:s1+s5] =	stream.linear.scatter [tilespmem:s3], [sflag:$0x9], $0x80, $0x38;
	[tilespmem:$0x17A00] =	vst v63  }
0x12a: {  	s26 =	simm.s32 $0x14788;
	s25 =	sadd.s32 $0x10, s1  }
0x12b: {  	[hbm4b:s25+s5] =	stream.linear.scatter [tilespmem:s26], [sflag:$0x9], $0x80, $0x38;
	[tilespmem:$0x17A00] =	vst v63  }
0x12c: {  	s25 =	sadd.s32 $0x20, s1;
	s26 =	simm.s32 $0x14810  }
0x12d: {  	[hbm4b:s25+s5] =	stream.linear.scatter [tilespmem:s26], [sflag:$0x9], $0x80, $0x38;
	[tilespmem:$0x17A00] =	vst v63  }
0x12e: {  	s25 =	sadd.s32 $0x30, s1;
	s26 =	simm.s32 $0x14898  }
0x12f: {  	[hbm4b:s25+s5] =	stream.linear.scatter [tilespmem:s26], [sflag:$0x9], $0x80, $0x38;
	[tilespmem:$0x17A00] =	vst v63  }
0x130: {  	s25 =	sadd.s32 $0x40, s1;
	s26 =	simm.s32 $0x14920  }
0x131: {  	[hbm4b:s25+s5] =	stream.linear.scatter [tilespmem:s26], [sflag:$0x9], $0x80, $0x38;
	[tilespmem:$0x17A00] =	vst v63  }
0x132: {  	s25 =	sadd.s32 $0x50, s1;
	s26 =	simm.s32 $0x149A8  }
0x133: {  	[hbm4b:s25+s5] =	stream.linear.scatter [tilespmem:s26], [sflag:$0x9], $0x80, $0x38;
	[tilespmem:$0x17A00] =	vst v63  }
0x134: {  	s3 =	sadd.s32 $0x60, s1;
	s25 =	simm.s32 $0x14A30  }
0x135: {  	[hbm4b:s3+s5] =	stream.linear.scatter [tilespmem:s25], [sflag:$0x9], $0x80, $0x38;
	[tilespmem:$0x17A00] =	vst v63  }
0x136: {  	s1 =	sadd.s32 $0x70, s1;
	s26 =	simm.s32 $0x14AB8  }
0x137: {  	[hbm4b:s1+s5] =	stream.linear.scatter [tilespmem:s26], [sflag:$0x9], $0x80, $0x38;
	[tilespmem:$0x17A00] =	vst v63  }
0x138: {  	s3 =	simm.s32 $0x14B40;
	s1 =	sadd.s32 s0, s22  }
0x139: {  	[hbm4b:s1+s5] =	stream.linear.scatter [tilespmem:s3], [sflag:$0x9], $0x80, $0x38;
	[tilespmem:$0x17A00] =	vst v63  }
0x13a: {  	s26 =	simm.s32 $0x14BC8;
	s25 =	sadd.s32 $0x10, s1  }
0x13b: {  	[hbm4b:s25+s5] =	stream.linear.scatter [tilespmem:s26], [sflag:$0x9], $0x80, $0x38;
	[tilespmem:$0x17A00] =	vst v63  }
0x13c: {  	s25 =	sadd.s32 $0x20, s1;
	s26 =	simm.s32 $0x14C50  }
0x13d: {  	[hbm4b:s25+s5] =	stream.linear.scatter [tilespmem:s26], [sflag:$0x9], $0x80, $0x38;
	[tilespmem:$0x17A00] =	vst v63  }
0x13e: {  	s25 =	sadd.s32 $0x30, s1;
	s26 =	simm.s32 $0x14CD8  }
0x13f: {  	[hbm4b:s25+s5] =	stream.linear.scatter [tilespmem:s26], [sflag:$0x9], $0x80, $0x38;
	[tilespmem:$0x17A00] =	vst v63  }
0x140: {  	s25 =	sadd.s32 $0x40, s1;
	s26 =	simm.s32 $0x14D60  }
0x141: {  	[hbm4b:s25+s5] =	stream.linear.scatter [tilespmem:s26], [sflag:$0x9], $0x80, $0x38;
	[tilespmem:$0x17A00] =	vst v63  }
0x142: {  	s25 =	sadd.s32 $0x50, s1;
	s26 =	simm.s32 $0x14DE8  }
0x143: {  	[hbm4b:s25+s5] =	stream.linear.scatter [tilespmem:s26], [sflag:$0x9], $0x80, $0x38;
	[tilespmem:$0x17A00] =	vst v63  }
0x144: {  	s3 =	sadd.s32 $0x60, s1;
	s25 =	simm.s32 $0x14E70  }
0x145: {  	[hbm4b:s3+s5] =	stream.linear.scatter [tilespmem:s25], [sflag:$0x9], $0x80, $0x38;
	[tilespmem:$0x17A00] =	vst v63  }
0x146: {  	s1 =	sadd.s32 $0x70, s1;
	s26 =	simm.s32 $0x14EF8  }
0x147: {  	[hbm4b:s1+s5] =	stream.linear.scatter [tilespmem:s26], [sflag:$0x9], $0x80, $0x38;
	[tilespmem:$0x17A00] =	vst v63  }
0x148: {  	s3 =	simm.s32 $0x14F80;
	s1 =	sadd.s32 s0, s23  }
0x149: {  	[hbm4b:s1+s5] =	stream.linear.scatter [tilespmem:s3], [sflag:$0x9], $0x80, $0x38;
	[tilespmem:$0x17A00] =	vst v63  }
0x14a: {  	s26 =	simm.s32 $0x15008;
	s25 =	sadd.s32 $0x10, s1  }
0x14b: {  	[hbm4b:s25+s5] =	stream.linear.scatter [tilespmem:s26], [sflag:$0x9], $0x80, $0x38;
	[tilespmem:$0x17A00] =	vst v63  }
0x14c: {  	s25 =	sadd.s32 $0x20, s1;
	s26 =	simm.s32 $0x15090  }
0x14d: {  	[hbm4b:s25+s5] =	stream.linear.scatter [tilespmem:s26], [sflag:$0x9], $0x80, $0x38;
	[tilespmem:$0x17A00] =	vst v63  }
0x14e: {  	s25 =	sadd.s32 $0x30, s1;
	s26 =	simm.s32 $0x15118  }
0x14f: {  	[hbm4b:s25+s5] =	stream.linear.scatter [tilespmem:s26], [sflag:$0x9], $0x80, $0x38;
	[tilespmem:$0x17A00] =	vst v63  }
0x150: {  	s25 =	sadd.s32 $0x40, s1;
	s26 =	simm.s32 $0x151A0  }
0x151: {  	[hbm4b:s25+s5] =	stream.linear.scatter [tilespmem:s26], [sflag:$0x9], $0x80, $0x38;
	[tilespmem:$0x17A00] =	vst v63  }
0x152: {  	s25 =	sadd.s32 $0x50, s1;
	s26 =	simm.s32 $0x15228  }
0x153: {  	[hbm4b:s25+s5] =	stream.linear.scatter [tilespmem:s26], [sflag:$0x9], $0x80, $0x38;
	[tilespmem:$0x17A00] =	vst v63  }
0x154: {  	s3 =	sadd.s32 $0x60, s1;
	s25 =	simm.s32 $0x152B0  }
0x155: {  	[hbm4b:s3+s5] =	stream.linear.scatter [tilespmem:s25], [sflag:$0x9], $0x80, $0x38;
	[tilespmem:$0x17A00] =	vst v63  }
0x156: {  	s1 =	sadd.s32 $0x70, s1;
	s26 =	simm.s32 $0x15338  }
0x157: {  	[hbm4b:s1+s5] =	stream.linear.scatter [tilespmem:s26], [sflag:$0x9], $0x80, $0x38;
	[tilespmem:$0x17A00] =	vst v63  }
0x158: {  	s0 =	sadd.s32 s0, s24;
	s3 =	simm.s32 $0x153C0  }
0x159: {  	[hbm4b:s0+s5] =	stream.linear.scatter [tilespmem:s3], [sflag:$0x9], $0x80, $0x38;
	[tilespmem:$0x17A00] =	vst v63  }
0x15a: {  	s25 =	sadd.s32 $0x10, s0;
	s26 =	simm.s32 $0x15448  }
0x15b: {  	[hbm4b:s25+s5] =	stream.linear.scatter [tilespmem:s26], [sflag:$0x9], $0x80, $0x38;
	[tilespmem:$0x17A00] =	vst v63  }
0x15c: {  	s2 =	sadd.s32 $0x20, s0;
	s3 =	simm.s32 $0x154D0  }
0x15d: {  	[hbm4b:s2+s5] =	stream.linear.scatter [tilespmem:s3], [sflag:$0x9], $0x80, $0x38;
	[tilespmem:$0x17A00] =	vst v63  }
0x15e: {  	s25 =	sadd.s32 $0x30, s0;
	s26 =	simm.s32 $0x15558  }
0x15f: {  	[hbm4b:s25+s5] =	stream.linear.scatter [tilespmem:s26], [sflag:$0x9], $0x80, $0x38;
	[tilespmem:$0x17A00] =	vst v63  }
0x160: {  	s2 =	sadd.s32 $0x40, s0;
	s3 =	simm.s32 $0x155E0  }
0x161: {  	[hbm4b:s2+s5] =	stream.linear.scatter [tilespmem:s3], [sflag:$0x9], $0x80, $0x38;
	[tilespmem:$0x17A00] =	vst v63  }
0x162: {  	s25 =	sadd.s32 $0x50, s0;
	s26 =	simm.s32 $0x15668  }
0x163: {  	[hbm4b:s25+s5] =	stream.linear.scatter [tilespmem:s26], [sflag:$0x9], $0x80, $0x38;
	[tilespmem:$0x17A00] =	vst v63  }
0x164: {  	s3 =	sadd.s32 $0x60, s0;
	s25 =	simm.s32 $0x156F0  }
0x165: {  	[hbm4b:s3+s5] =	stream.linear.scatter [tilespmem:s25], [sflag:$0x9], $0x80, $0x38;
	[tilespmem:$0x17A00] =	vst v63  }
0x166: {  	s0 =	sadd.s32 $0x70, s0;
	s26 =	simm.s32 $0x15778  }
0x167: {  	[hbm4b:s0+s5] =	stream.linear.scatter [tilespmem:s26], [sflag:$0x9], $0x80, $0x38;
	[tilespmem:$0x17A00] =	vst v63  }
0x168: {  	_ =	swait.ge [sflag:s28], $0x2000  }
0x169: {  	s0 =	sadd.s32 @!p0 $0x5, s17;
	[sflag:s28] =	ssyncset.done $0x0  }
0x16a: {  	s1 =	sshll.u32 @!p0 s0, $0x7;
	s0 =	sshll.u32 @!p0 s0, $0xC;
	[sflag:s28] =	ssyncadd.s32 $0xFFFFE000  }
0x16b: {  	s1 =	sand.u32 @!p0 $0x280, s1;
	s0 =	sand.u32 @!p0 $0x1F8000, s0;
	_ =	swait.ge [sflag:s28], $0x2000  }
0x16c: {  	s0 =	sor.u32 @!p0 s0, s1;
	[sflag:s28] =	ssyncset.done $0x0  }
0x16d: {  	s0 =	sor.u32 @!p0 s8, s0;
	[sflag:s28] =	ssyncadd.s32 $0xFFFFE000  }
0x16e: {  	s0 =	sshrl.u32 @!p0 s0, $0x3;
	s1 =	rddreg [dreg:$0x0]  }
0x16f: {  	s2 =	simm.s32 @!p0 $0x0;
	s25 =	simm.s32 @!p0 $0x3280;
	s1 =	sadd.s32 @!p0 s1, s0  }
0x170: {  	[tilespmem:s25], [sflag:$0x2] =	stream.linear.gather @!p0 [hbm4b:s1+s2], $0x80, $0x38;
	[tilespmem:$0x17A00] =	vst v63  }
0x171: {  	s1 =	rddreg [dreg:$0x1]  }
0x172: {  	s0 =	sadd.s32 @!p0 s1, s0;
	s1 =	simm.s32 @!p0 $0x3480  }
0x173: {  	[tilespmem:s1], [sflag:$0x2] =	stream.linear.gather @!p0 [hbm4b:s0+s2], $0x80, $0x38;
	[tilespmem:$0x17A00] =	vst v63  }
0x174: {  	s0 =	simm.s32 @!p0 $0x1  }
0x175: {  	_ =	swait.ge @!p0 [sflag:s0], $0x80  }
0x176: {  	[sflag:s0] =	ssyncset.done @!p0 $0x0  }
0x177: {  	[sflag:s0] =	ssyncadd.s32 @!p0 $0xFFFFFF80  }
0x178: {  	_ =	swait.ge @!p0 [sflag:s0], $0x80  }
0x179: {  	p1 =	seq.s32 @!p0 s15, $0x0;
	s1 =	simm.s32 @!p0 $0x3200;
	[sflag:s0] =	ssyncset.done @!p0 $0x0  }
0x17a: {  	s2 =	simm.s32 @!p0 $0x3600;
	[sflag:s0] =	ssyncadd.s32 @!p0 $0xFFFFFF80;
	s0 =	simm.s32 @!p0 $0x80  }
0x17b: {  	[tilespmem:s2], [sflag:$0x5] =	stream.indirect.gather @!p0 [hbm4b:s6+s0], $0x40, s1, s0, $0xb8;
	[tilespmem:$0x17A00] =	vst v63  }
0x17c: {  	p1 =	por p0, !p1;
	s1 =	simm.s32 @!p0 $0x3400;
	s2 =	simm.s32 @!p0 $0xB600  }
0x17d: {  	[tilespmem:s2], [sflag:$0x5] =	stream.indirect.gather @!p0 [hbm4b:s7+s0], $0x40, s1, s0, $0xb8;
	[tilespmem:$0x17A00] =	vst v63  }
0x17e: {  	_ =	swait.ge @p1 [sflag:s14], $0x400  }
0x17f: {  	[sflag:s14] =	ssyncset.done @p1 $0x0  }
0x180: {  	[sflag:s14] =	ssyncadd.s32 @p1 $0xFFFFFC00  }
0x181: {  	_ =	swait.ge @p1 [sflag:s14], $0x400  }
0x182: {  	[sflag:s14] =	ssyncset.done @p1 $0x0  }
0x183: {  	[sflag:s14] =	ssyncadd.s32 @p1 $0xFFFFFC00  }
0x184: {  	_ =	swait.ge @p1 [sflag:s14], $0x400  }
0x185: {  	[sflag:s14] =	ssyncset.done @p1 $0x0  }
0x186: {  	[sflag:s14] =	ssyncadd.s32 @p1 $0xFFFFFC00  }
0x187: {  	_ =	swait.ge @p1 [sflag:s14], $0x400  }
0x188: {  	[sflag:s14] =	ssyncset.done @p1 $0x0  }
0x189: {  	[sflag:s14] =	ssyncadd.s32 @p1 $0xFFFFFC00  }
0x18a: {  	_ =	swait.ge @p1 [sflag:s14], $0x400  }
0x18b: {  	[sflag:s14] =	ssyncset.done @p1 $0x0  }
0x18c: {  	[sflag:s14] =	ssyncadd.s32 @p1 $0xFFFFFC00  }
0x18d: {  	_ =	swait.ge @p1 [sflag:s14], $0x400  }
0x18e: {  	[sflag:s14] =	ssyncset.done @p1 $0x0  }
0x18f: {  	[sflag:s14] =	ssyncadd.s32 @p1 $0xFFFFFC00  }
0x190: {  	_ =	swait.ge @p1 [sflag:s14], $0x400  }
0x191: {  	[sflag:s14] =	ssyncset.done @p1 $0x0  }
0x192: {  	[sflag:s14] =	ssyncadd.s32 @p1 $0xFFFFFC00  }
0x193: {  	s25 =	sor.u32 $0x1, s17;
	_ =	swait.ge @p1 [sflag:s14], $0x400  }
0x194: {  	s2 =	sshll.u32 s25, $0x6;
	[sflag:s14] =	ssyncset.done @p1 $0x0  }
0x195: {  	s0 =	sand.u32 $0x3FFFFFC0, s2;
	[sflag:s14] =	ssyncadd.s32 @p1 $0xFFFFFC00  }
0x196: {  	s30 =	simm.s32 $0x5680;
	v11 =	vld [tilespmem:s0+$0x0]  }
0x197: {  	s26 =	simm.s32 $0xD680;
	v4 =	vld [tilespmem:s30+$0x40]  }
0x198: {  	v7 =	vld [tilespmem:s26+$0x40]  }
0x199: {  	s3 =	simm.s32 $0x3;
	v10 =	vld [tilespmem:s0+$0x10]  }
0x19a: {  	v6 =	vmov s3;
	v8 =	vld [tilespmem:s30+$0xFFFFFF80]  }
0x19b: {  	v6 =	vand.u32 $0x7F, v6;
	v9 =	vld [tilespmem:s26+$0xFFFFFF80]  }
0x19c: {  	v13 =	vadd.s32 v0, v6;
	s2 =	simm.s32 $0x0;
	v12 =	vld [tilespmem:s30+$0xFFFFFFC0]  }
0x19d: {  	v14 =	vmov s2;
	v15 =	vld [tilespmem:s26+$0xFFFFFFC0];
	v4 =	vadd.f32 v7, v4  }
0x19e: {  	s3 =	simm.s32 $0x1;
	v18 =	vld [tilespmem:s26+$0x0];
	v7 =	vand.u32 $0x7C, v14  }
0x19f: {  	v17 =	vmov s3;
	v14 =	vld [tilespmem:s30+$0x0];
	v16 =	vadd.s32 v0, v7;
	v19 =	vadd.f32 v4, v11  }
0x1a0: {  	s2 =	simm.s32 $0x2;
	v5 =	vld [tilespmem:s0+$0x20];
	v8 =	vadd.f32 v9, v8;
	v9 =	vand.u32 $0x7D, v17  }
0x1a1: {  	v20 =	vmov s2;
	v17 =	vadd.s32 v0, v9;
	v4 =	vld [tilespmem:s0+$0x30];
	[tilespmem:v13+s29+$0x0] =	vst.idx.msk $0xffff, v19  }
0x1a2: {  	v12 =	vadd.f32 v15, v12;
	v13 =	vadd.f32 v8, v11;
	v8 =	vand.u32 $0x7E, v20;
	v15 =	vld [tilespmem:s30+$0x50]  }
0x1a3: {  	v19 =	vadd.s32 v0, v8;
	v20 =	vld [tilespmem:s26+$0x50]  }
0x1a4: {  	v12 =	vadd.f32 v12, v11;
	[tilespmem:v16+s29+$0x0] =	vst.idx.msk $0xffff, v13;
	v13 =	vadd.f32 v18, v14  }
0x1a5: {  	v14 =	vld [tilespmem:s30+$0xFFFFFF90]  }
0x1a6: {  	[tilespmem:v17+s29+$0x0] =	vst.idx.msk $0xffff, v12;
	v16 =	vld [tilespmem:s26+$0xFFFFFF90];
	v12 =	vadd.f32 v13, v11  }
0x1a7: {  	v17 =	vadd.s32 v1, v6;
	v18 =	vld [tilespmem:s26+$0xFFFFFFD0]  }
0x1a8: {  	v13 =	vld [tilespmem:s30+$0xFFFFFFD0];
	[tilespmem:v19+s29+$0x0] =	vst.idx.msk $0xffff, v12;
	v12 =	vadd.f32 v20, v15  }
0x1a9: {  	v15 =	vld [tilespmem:s30+$0x10]  }
0x1aa: {  	v19 =	vadd.s32 v1, v7;
	v20 =	vld [tilespmem:s26+$0x10];
	v12 =	vadd.f32 v12, v10  }
0x1ab: {  	v14 =	vadd.f32 v16, v14  }
0x1ac: {  	v16 =	vadd.s32 v1, v9;
	[tilespmem:v17+s29+$0x0] =	vst.idx.msk $0xffff, v12  }
0x1ad: {  	v13 =	vadd.f32 v18, v13;
	v12 =	vadd.f32 v14, v10;
	v14 =	vld [tilespmem:s30+$0x60]  }
0x1ae: {  	v17 =	vadd.s32 v1, v8;
	v18 =	vld [tilespmem:s26+$0x60]  }
0x1af: {  	[tilespmem:v19+s29+$0x0] =	vst.idx.msk $0xffff, v12;
	v12 =	vadd.f32 v13, v10;
	v13 =	vadd.f32 v20, v15  }
0x1b0: {  	v15 =	vld [tilespmem:s30+$0xFFFFFFA0]  }
0x1b1: {  	v20 =	vld [tilespmem:s26+$0xFFFFFFA0];
	[tilespmem:v16+s29+$0x0] =	vst.idx.msk $0xffff, v12;
	v12 =	vadd.f32 v13, v10  }
0x1b2: {  	v16 =	vadd.s32 v2, v6;
	v13 =	vld [tilespmem:s30+$0xFFFFFFE0]  }
0x1b3: {  	v22 =	vld [tilespmem:s26+$0xFFFFFFE0];
	[tilespmem:v17+s29+$0x0] =	vst.idx.msk $0xffff, v12;
	v12 =	vadd.f32 v18, v14  }
0x1b4: {  	v14 =	vld [tilespmem:s30+$0x20]  }
0x1b5: {  	s0 =	simm.s32 $0xD780;
	v18 =	vadd.s32 v2, v7;
	v17 =	vld [tilespmem:s26+$0x20];
	v12 =	vadd.f32 v12, v5  }
0x1b6: {  	s31 =	simm.s32 $0x5780;
	v21 =	vld [tilespmem:s0+$0x40];
	v15 =	vadd.f32 v20, v15  }
0x1b7: {  	v19 =	vld [tilespmem:s31+$0x40];
	[tilespmem:v16+s29+$0x0] =	vst.idx.msk $0xffff, v12;
	v16 =	vadd.s32 v2, v9  }
0x1b8: {  	v23 =	vadd.f32 v15, v5;
	v22 =	vadd.f32 v22, v13;
	v12 =	vld [tilespmem:s30+$0x70]  }
0x1b9: {  	s3 =	simm.s32 $0x7;
	v15 =	vadd.s32 v2, v8;
	v13 =	vld [tilespmem:s26+$0x70]  }
0x1ba: {  	v63 =	vmov s3;
	v20 =	vld [tilespmem:s31+$0xFFFFFF80];
	[tilespmem:v18+s29+$0x0] =	vst.idx.msk $0xffff, v23;
	v18 =	vadd.f32 v22, v5;
	v17 =	vadd.f32 v17, v14  }
0x1bb: {  	s1 =	simm.s32 $0x4;
	s2 =	simm.s32 $0x8;
	v22 =	vld [tilespmem:s0+$0xFFFFFF80];
	v14 =	vand.u32 $0x7F, v63  }
.LBB2_5:
0x1bc: {  	p1 =	slt.u32 s2, $0x7C;
	v23 =	vld [tilespmem:s31+$0xFFFFFFC0];
	v24 =	vadd.s32 v0, v14;
	[tilespmem:v16+s29+$0x0] =	vst.idx.msk $0xffff, v18;
	v16 =	vadd.f32 v17, v5  }
0x1bd: {  	v17 =	vmov s1;
	v19 =	vadd.f32 v21, v19;
	v21 =	vadd.s32 v3, v6;
	v6 =	vmovc v14;
	v18 =	vld [tilespmem:s0+$0xFFFFFFC0]  }
0x1be: {  	s3 =	sadd.s32 $0x1, s1;
	v14 =	vand.u32 $0x7C, v17;
	v17 =	vld [tilespmem:s31+$0x0];
	[tilespmem:v15+s29+$0x0] =	vst.idx.msk $0xffff, v16;
	v12 =	vadd.f32 v13, v12  }
0x1bf: {  	v13 =	vadd.s32 v0, v14;
	v15 =	vmov s3;
	v19 =	vadd.f32 v19, v11;
	v16 =	vld [tilespmem:s0+$0x0]  }
0x1c0: {  	s3 =	sadd.s32 $0x2, s1;
	s1 =	smov.u32 s2;
	v15 =	vand.u32 $0x7D, v15;
	v20 =	vadd.f32 v22, v20;
	v22 =	vld [tilespmem:s30+$0xFFFFFFB0];
	v12 =	vadd.f32 v12, v4  }
0x1c1: {  	v26 =	vmov s3;
	v25 =	vadd.s32 v0, v15;
	[tilespmem:v24+s29+$0x0] =	vst.idx.msk $0xffff, v19;
	v19 =	vld [tilespmem:s26+$0xFFFFFFB0]  }
0x1c2: {  	v20 =	vadd.f32 v20, v11;
	v18 =	vadd.f32 v18, v23;
	v23 =	vand.u32 $0x7E, v26;
	v24 =	vld [tilespmem:s31+$0x50];
	[tilespmem:v21+s29+$0x0] =	vst.idx.msk $0xffff, v12  }
0x1c3: {  	v12 =	vadd.s32 v0, v23;
	v21 =	vld [tilespmem:s0+$0x50]  }
0x1c4: {  	[tilespmem:v13+s29+$0x0] =	vst.idx.msk $0xffff, v20;
	v13 =	vadd.f32 v18, v11;
	v16 =	vadd.f32 v16, v17;
	v17 =	vld [tilespmem:s30+$0xFFFFFFF0]  }
0x1c5: {  	v20 =	vadd.s32 v3, v7;
	v7 =	vmov v14;
	v18 =	vld [tilespmem:s31+$0xFFFFFF90]  }
0x1c6: {  	v14 =	vld [tilespmem:s0+$0xFFFFFF90];
	[tilespmem:v25+s29+$0x0] =	vst.idx.msk $0xffff, v13;
	v13 =	vadd.f32 v16, v11;
	v16 =	vadd.f32 v19, v22  }
0x1c7: {  	v22 =	vadd.s32 v1, v6;
	v19 =	vld [tilespmem:s31+$0xFFFFFFD0]  }
0x1c8: {  	v25 =	vld [tilespmem:s0+$0xFFFFFFD0];
	[tilespmem:v12+s29+$0x0] =	vst.idx.msk $0xffff, v13;
	v12 =	vadd.f32 v21, v24;
	v13 =	vadd.f32 v16, v4  }
0x1c9: {  	v16 =	vld [tilespmem:s31+$0x10]  }
0x1ca: {  	v21 =	vadd.s32 v1, v7;
	v24 =	vld [tilespmem:s0+$0x10];
	v12 =	vadd.f32 v12, v10;
	[tilespmem:v20+s29+$0x0] =	vst.idx.msk $0xffff, v13  }
0x1cb: {  	v13 =	vadd.f32 v14, v18;
	v14 =	vld [tilespmem:s26+$0xFFFFFFF0]  }
0x1cc: {  	v18 =	vadd.s32 v1, v15;
	[tilespmem:v22+s29+$0x0] =	vst.idx.msk $0xffff, v12;
	v12 =	vld [tilespmem:s30+$0x30];
	s30 =	smov.u32 s31  }
0x1cd: {  	v13 =	vadd.f32 v13, v10;
	v19 =	vadd.f32 v25, v19;
	v20 =	vld [tilespmem:s31+$0x60]  }
0x1ce: {  	v26 =	vadd.s32 v3, v9;
	v9 =	vmov v15;
	v22 =	vadd.s32 v1, v23;
	v25 =	vld [tilespmem:s0+$0x60]  }
0x1cf: {  	[tilespmem:v21+s29+$0x0] =	vst.idx.msk $0xffff, v13;
	v13 =	vadd.f32 v19, v10;
	v15 =	vadd.f32 v24, v16;
	v16 =	vld [tilespmem:s26+$0x30];
	s26 =	smov.u32 s0  }
0x1d0: {  	v21 =	vld [tilespmem:s31+$0xFFFFFFA0];
	v14 =	vadd.f32 v14, v17  }
0x1d1: {  	v17 =	vld [tilespmem:s0+$0xFFFFFFA0];
	[tilespmem:v18+s29+$0x0] =	vst.idx.msk $0xffff, v13;
	v13 =	vadd.f32 v15, v10  }
0x1d2: {  	v18 =	vadd.s32 v2, v6;
	v15 =	vld [tilespmem:s31+$0xFFFFFFE0];
	v14 =	vadd.f32 v14, v4  }
0x1d3: {  	v24 =	vld [tilespmem:s0+$0xFFFFFFE0];
	[tilespmem:v22+s29+$0x0] =	vst.idx.msk $0xffff, v13;
	v13 =	vadd.f32 v25, v20;
	v20 =	vadd.s32 v3, v8;
	v8 =	vmov v23  }
0x1d4: {  	v22 =	vld [tilespmem:s31+$0x20];
	[tilespmem:v26+s29+$0x0] =	vst.idx.msk $0xffff, v14;
	v12 =	vadd.f32 v16, v12  }
0x1d5: {  	v14 =	vadd.s32 v2, v7;
	s31 =	sadd.s32 $0x100, s31;
	v23 =	vld [tilespmem:s0+$0x20];
	v13 =	vadd.f32 v13, v5  }
0x1d6: {  	s0 =	sadd.s32 $0x100, s0;
	v19 =	vld [tilespmem:s31+$0x40];
	v17 =	vadd.f32 v17, v21;
	v25 =	vadd.f32 v12, v4  }
.Ltmp1:
0x1d7: {  	v16 =	vadd.s32 v2, v9;
	v21 =	vld [tilespmem:s0+$0x40];
	[tilespmem:v18+s29+$0x0] =	vst.idx.msk $0xffff, v13;
	(pc) =	sbr.rel @p1 .LBB2_5-.Ltmp1, $4  }
0x1d8: {  	v17 =	vadd.f32 v17, v5;
	v18 =	vadd.f32 v24, v15;
	v12 =	vld [tilespmem:s30+$0x70];
	[tilespmem:v20+s29+$0x0] =	vst.idx.msk $0xffff, v25  }
0x1d9: {  	s3 =	sadd.s32 $0x3, s2;
	v15 =	vadd.s32 v2, v8;
	v13 =	vld [tilespmem:s26+$0x70]  }
0x1da: {  	v24 =	vmov s3;
	v20 =	vld [tilespmem:s31+$0xFFFFFF80];
	[tilespmem:v14+s29+$0x0] =	vst.idx.msk $0xffff, v17;
	v18 =	vadd.f32 v18, v5;
	v17 =	vadd.f32 v23, v22  }
0x1db: {  	s2 =	sadd.s32 $0x4, s2;
	v14 =	vand.u32 $0x7F, v24;
	v22 =	vld [tilespmem:s0+$0xFFFFFF80]  }
0x1dc: {  	v23 =	vld [tilespmem:s31+$0xFFFFFFC0]  }
0x1dd: {  	v24 =	vadd.s32 v0, v14;
	v25 =	vmov s1;
	v26 =	vld [tilespmem:s0+$0xFFFFFFC0]  }
0x1de: {  	v19 =	vadd.f32 v21, v19;
	s2 =	sadd.s32 $0x1, s1;
	v21 =	vand.u32 $0x7C, v25  }
0x1df: {  	v44 =	vld [tilespmem:s31+$0x0];
	v28 =	vmov s2;
	v27 =	vadd.s32 v0, v21  }
0x1e0: {  	v29 =	vld [tilespmem:s0+$0x0];
	v19 =	vadd.f32 v19, v11;
	v20 =	vadd.f32 v22, v20;
	v22 =	vand.u32 $0x7D, v28  }
0x1e1: {  	s2 =	sadd.s32 $0x2, s1;
	v28 =	vadd.s32 v0, v22  }
0x1e2: {  	v30 =	vmov s2;
	[tilespmem:v24+s29+$0x0] =	vst.idx.msk $0xffff, v19;
	v19 =	vadd.f32 v20, v11;
	v20 =	vadd.f32 v26, v23  }
0x1e3: {  	v23 =	vand.u32 $0x7E, v30;
	v24 =	vld [tilespmem:s31+$0x50]  }
0x1e4: {  	v46 =	vld [tilespmem:s0+$0x50];
	v45 =	vadd.s32 v0, v23;
	[tilespmem:v27+s29+$0x0] =	vst.idx.msk $0xffff, v19;
	v19 =	vadd.f32 v20, v11  }
0x1e5: {  	v20 =	vadd.f32 v29, v44;
	v47 =	vld [tilespmem:s31+$0xFFFFFF90]  }
0x1e6: {  	v27 =	vld [tilespmem:s0+$0xFFFFFF90];
	[tilespmem:v28+s29+$0x0] =	vst.idx.msk $0xffff, v19  }
0x1e7: {  	v11 =	vadd.f32 v20, v11;
	v19 =	vld [tilespmem:s31+$0xFFFFFFD0]  }
0x1e8: {  	v20 =	vadd.s32 v1, v14;
	v28 =	vld [tilespmem:s0+$0xFFFFFFD0]  }
0x1e9: {  	[tilespmem:v45+s29+$0x0] =	vst.idx.msk $0xffff, v11;
	v11 =	vadd.f32 v46, v24  }
0x1ea: {  	v49 =	vadd.s32 v1, v21;
	v48 =	vld [tilespmem:s31+$0x10]  }
0x1eb: {  	v50 =	vld [tilespmem:s0+$0x10];
	v11 =	vadd.f32 v11, v10;
	v25 =	vadd.f32 v27, v47  }
0x1ec: {  	v51 =	vld [tilespmem:s30+$0xFFFFFFB0];
	[tilespmem:v16+s29+$0x0] =	vst.idx.msk $0xffff, v18;
	v52 =	vadd.s32 v1, v22  }
0x1ed: {  	v18 =	vld [tilespmem:s30+$0xFFFFFFF0];
	[tilespmem:v20+s29+$0x0] =	vst.idx.msk $0xffff, v11;
	v20 =	vadd.f32 v25, v10;
	v19 =	vadd.f32 v28, v19  }
0x1ee: {  	v53 =	vld [tilespmem:s31+$0x60]  }
0x1ef: {  	v54 =	vld [tilespmem:s0+$0x60];
	[tilespmem:v49+s29+$0x0] =	vst.idx.msk $0xffff, v20;
	v20 =	vadd.s32 v1, v23;
	v19 =	vadd.f32 v19, v10  }
0x1f0: {  	v24 =	vadd.f32 v50, v48;
	v55 =	vld [tilespmem:s31+$0xFFFFFFA0]  }
0x1f1: {  	[tilespmem:v52+s29+$0x0] =	vst.idx.msk $0xffff, v19;
	v19 =	vld [tilespmem:s0+$0xFFFFFFA0]  }
0x1f2: {  	v10 =	vadd.f32 v24, v10;
	v56 =	vld [tilespmem:s31+$0xFFFFFFE0]  }
0x1f3: {  	v16 =	vld [tilespmem:s0+$0xFFFFFFE0]  }
0x1f4: {  	v17 =	vadd.f32 v17, v5;
	v57 =	vadd.s32 v2, v14;
	v58 =	vld [tilespmem:s26+$0xFFFFFFF0];
	[tilespmem:v20+s29+$0x0] =	vst.idx.msk $0xffff, v10  }
0x1f5: {  	v10 =	vadd.f32 v54, v53;
	v20 =	vld [tilespmem:s31+$0x20]  }
0x1f6: {  	[tilespmem:v15+s29+$0x0] =	vst.idx.msk $0xffff, v17;
	v15 =	vadd.s32 v2, v21;
	v17 =	vld [tilespmem:s0+$0x20]  }
0x1f7: {  	v60 =	vld [tilespmem:s30+$0x30];
	v59 =	vadd.s32 v2, v22;
	v10 =	vadd.f32 v10, v5;
	v19 =	vadd.f32 v19, v55  }
0x1f8: {  	v61 =	vld [tilespmem:s26+$0x30];
	v16 =	vadd.f32 v16, v56  }
0x1f9: {  	v11 =	vld [tilespmem:s26+$0xFFFFFFB0];
	[tilespmem:v57+s29+$0x0] =	vst.idx.msk $0xffff, v10;
	v10 =	vadd.f32 v19, v5  }
0x1fa: {  	v62 =	vadd.s32 v2, v23;
	v19 =	vld [tilespmem:s31+$0x70];
	v16 =	vadd.f32 v16, v5  }
0x1fb: {  	[tilespmem:v15+s29+$0x0] =	vst.idx.msk $0xffff, v10;
	v10 =	vadd.f32 v17, v20;
	v15 =	vld [tilespmem:s0+$0x70]  }
0x1fc: {  	v6 =	vadd.s32 v3, v6;
	[tilespmem:v59+s29+$0x0] =	vst.idx.msk $0xffff, v16;
	v16 =	vld [tilespmem:s31+$0xFFFFFFB0]  }
0x1fd: {  	v7 =	vadd.s32 v3, v7;
	v12 =	vadd.f32 v13, v12;
	v5 =	vadd.f32 v10, v5;
	v10 =	vld [tilespmem:s0+$0xFFFFFFB0]  }
0x1fe: {  	v9 =	vadd.s32 v3, v9;
	v11 =	vadd.f32 v11, v51;
	v13 =	vld [tilespmem:s31+$0xFFFFFFF0]  }
0x1ff: {  	v12 =	vadd.f32 v12, v4;
	v17 =	vadd.f32 v58, v18;
	[tilespmem:v62+s29+$0x0] =	vst.idx.msk $0xffff, v5;
	v5 =	vld [tilespmem:s0+$0xFFFFFFF0]  }
0x200: {  	v11 =	vadd.f32 v11, v4;
	v18 =	vld [tilespmem:s31+$0x30]  }
0x201: {  	v8 =	vadd.s32 v3, v8;
	[tilespmem:v6+s29+$0x0] =	vst.idx.msk $0xffff, v12;
	v6 =	vadd.f32 v17, v4;
	v12 =	vld [tilespmem:s0+$0x30]  }
0x202: {  	[tilespmem:v7+s29+$0x0] =	vst.idx.msk $0xffff, v11;
	v7 =	vadd.f32 v61, v60;
	v11 =	vadd.s32 v3, v14  }
0x203: {  	[tilespmem:v9+s29+$0x0] =	vst.idx.msk $0xffff, v6;
	v9 =	vadd.s32 v3, v21;
	v6 =	vadd.f32 v15, v19  }
0x204: {  	v14 =	vadd.s32 v3, v22;
	v7 =	vadd.f32 v7, v4;
	v10 =	vadd.f32 v10, v16  }
0x205: {  	v6 =	vadd.f32 v6, v4;
	v5 =	vadd.f32 v5, v13;
	v13 =	vadd.s32 v3, v23  }
0x206: {  	[tilespmem:v8+s29+$0x0] =	vst.idx.msk $0xffff, v7;
	v7 =	vadd.f32 v10, v4;
	v8 =	vadd.f32 v12, v18  }
0x207: {  	s3 =	sshll.u32 s25, $0x12;
	[tilespmem:v11+s29+$0x0] =	vst.idx.msk $0xffff, v6;
	v5 =	vadd.f32 v5, v4  }
0x208: {  	s0 =	sor.u32 s8, s3;
	[tilespmem:v9+s29+$0x0] =	vst.idx.msk $0xffff, v7;
	v4 =	vadd.f32 v8, v4  }
0x209: {  	s25 =	rddreg [dreg:$0x3];
	s0 =	sshrl.u32 s0, $0x3;
	[tilespmem:v14+s29+$0x0] =	vst.idx.msk $0xffff, v5  }
0x20a: {  	s1 =	sadd.s32 s25, s0;
	[tilespmem:v13+s29+$0x0] =	vst.idx.msk $0xffff, v4  }
0x20b: {  	[hbm4b:s1+s5] =	stream.linear.scatter [tilespmem:s29], [sflag:$0xA], $0x80, $0x38;
	[tilespmem:$0x17A00] =	vst v63  }
0x20c: {  	s3 =	simm.s32 $0x15888;
	s26 =	sadd.s32 $0x10, s1  }
0x20d: {  	[hbm4b:s26+s5] =	stream.linear.scatter [tilespmem:s3], [sflag:$0xA], $0x80, $0x38;
	[tilespmem:$0x17A00] =	vst v63  }
0x20e: {  	s25 =	sadd.s32 $0x20, s1;
	s26 =	simm.s32 $0x15910  }
0x20f: {  	[hbm4b:s25+s5] =	stream.linear.scatter [tilespmem:s26], [sflag:$0xA], $0x80, $0x38;
	[tilespmem:$0x17A00] =	vst v63  }
0x210: {  	s25 =	sadd.s32 $0x30, s1;
	s26 =	simm.s32 $0x15998  }
0x211: {  	[hbm4b:s25+s5] =	stream.linear.scatter [tilespmem:s26], [sflag:$0xA], $0x80, $0x38;
	[tilespmem:$0x17A00] =	vst v63  }
0x212: {  	s25 =	sadd.s32 $0x40, s1;
	s26 =	simm.s32 $0x15A20  }
0x213: {  	[hbm4b:s25+s5] =	stream.linear.scatter [tilespmem:s26], [sflag:$0xA], $0x80, $0x38;
	[tilespmem:$0x17A00] =	vst v63  }
0x214: {  	s25 =	sadd.s32 $0x50, s1;
	s26 =	simm.s32 $0x15AA8  }
0x215: {  	[hbm4b:s25+s5] =	stream.linear.scatter [tilespmem:s26], [sflag:$0xA], $0x80, $0x38;
	[tilespmem:$0x17A00] =	vst v63  }
0x216: {  	s3 =	sadd.s32 $0x60, s1;
	s25 =	simm.s32 $0x15B30  }
0x217: {  	[hbm4b:s3+s5] =	stream.linear.scatter [tilespmem:s25], [sflag:$0xA], $0x80, $0x38;
	[tilespmem:$0x17A00] =	vst v63  }
0x218: {  	s1 =	sadd.s32 $0x70, s1;
	s26 =	simm.s32 $0x15BB8  }
0x219: {  	[hbm4b:s1+s5] =	stream.linear.scatter [tilespmem:s26], [sflag:$0xA], $0x80, $0x38;
	[tilespmem:$0x17A00] =	vst v63  }
0x21a: {  	s3 =	simm.s32 $0x15C40;
	s1 =	sadd.s32 s0, s18  }
0x21b: {  	[hbm4b:s1+s5] =	stream.linear.scatter [tilespmem:s3], [sflag:$0xA], $0x80, $0x38;
	[tilespmem:$0x17A00] =	vst v63  }
0x21c: {  	s26 =	simm.s32 $0x15CC8;
	s25 =	sadd.s32 $0x10, s1  }
0x21d: {  	[hbm4b:s25+s5] =	stream.linear.scatter [tilespmem:s26], [sflag:$0xA], $0x80, $0x38;
	[tilespmem:$0x17A00] =	vst v63  }
0x21e: {  	s25 =	sadd.s32 $0x20, s1;
	s26 =	simm.s32 $0x15D50  }
0x21f: {  	[hbm4b:s25+s5] =	stream.linear.scatter [tilespmem:s26], [sflag:$0xA], $0x80, $0x38;
	[tilespmem:$0x17A00] =	vst v63  }
0x220: {  	s25 =	sadd.s32 $0x30, s1;
	s26 =	simm.s32 $0x15DD8  }
0x221: {  	[hbm4b:s25+s5] =	stream.linear.scatter [tilespmem:s26], [sflag:$0xA], $0x80, $0x38;
	[tilespmem:$0x17A00] =	vst v63  }
0x222: {  	s25 =	sadd.s32 $0x40, s1;
	s26 =	simm.s32 $0x15E60  }
0x223: {  	[hbm4b:s25+s5] =	stream.linear.scatter [tilespmem:s26], [sflag:$0xA], $0x80, $0x38;
	[tilespmem:$0x17A00] =	vst v63  }
0x224: {  	s25 =	sadd.s32 $0x50, s1;
	s26 =	simm.s32 $0x15EE8  }
0x225: {  	[hbm4b:s25+s5] =	stream.linear.scatter [tilespmem:s26], [sflag:$0xA], $0x80, $0x38;
	[tilespmem:$0x17A00] =	vst v63  }
0x226: {  	s3 =	sadd.s32 $0x60, s1;
	s25 =	simm.s32 $0x15F70  }
0x227: {  	[hbm4b:s3+s5] =	stream.linear.scatter [tilespmem:s25], [sflag:$0xA], $0x80, $0x38;
	[tilespmem:$0x17A00] =	vst v63  }
0x228: {  	s1 =	sadd.s32 $0x70, s1;
	s26 =	simm.s32 $0x15FF8  }
0x229: {  	[hbm4b:s1+s5] =	stream.linear.scatter [tilespmem:s26], [sflag:$0xA], $0x80, $0x38;
	[tilespmem:$0x17A00] =	vst v63  }
0x22a: {  	s3 =	simm.s32 $0x16080;
	s1 =	sadd.s32 s0, s19  }
0x22b: {  	[hbm4b:s1+s5] =	stream.linear.scatter [tilespmem:s3], [sflag:$0xA], $0x80, $0x38;
	[tilespmem:$0x17A00] =	vst v63  }
0x22c: {  	s26 =	simm.s32 $0x16108;
	s25 =	sadd.s32 $0x10, s1  }
0x22d: {  	[hbm4b:s25+s5] =	stream.linear.scatter [tilespmem:s26], [sflag:$0xA], $0x80, $0x38;
	[tilespmem:$0x17A00] =	vst v63  }
0x22e: {  	s25 =	sadd.s32 $0x20, s1;
	s26 =	simm.s32 $0x16190  }
0x22f: {  	[hbm4b:s25+s5] =	stream.linear.scatter [tilespmem:s26], [sflag:$0xA], $0x80, $0x38;
	[tilespmem:$0x17A00] =	vst v63  }
0x230: {  	s25 =	sadd.s32 $0x30, s1;
	s26 =	simm.s32 $0x16218  }
0x231: {  	[hbm4b:s25+s5] =	stream.linear.scatter [tilespmem:s26], [sflag:$0xA], $0x80, $0x38;
	[tilespmem:$0x17A00] =	vst v63  }
0x232: {  	s25 =	sadd.s32 $0x40, s1;
	s26 =	simm.s32 $0x162A0  }
0x233: {  	[hbm4b:s25+s5] =	stream.linear.scatter [tilespmem:s26], [sflag:$0xA], $0x80, $0x38;
	[tilespmem:$0x17A00] =	vst v63  }
0x234: {  	s25 =	sadd.s32 $0x50, s1;
	s26 =	simm.s32 $0x16328  }
0x235: {  	[hbm4b:s25+s5] =	stream.linear.scatter [tilespmem:s26], [sflag:$0xA], $0x80, $0x38;
	[tilespmem:$0x17A00] =	vst v63  }
0x236: {  	s3 =	sadd.s32 $0x60, s1;
	s25 =	simm.s32 $0x163B0  }
0x237: {  	[hbm4b:s3+s5] =	stream.linear.scatter [tilespmem:s25], [sflag:$0xA], $0x80, $0x38;
	[tilespmem:$0x17A00] =	vst v63  }
0x238: {  	s1 =	sadd.s32 $0x70, s1;
	s26 =	simm.s32 $0x16438  }
0x239: {  	[hbm4b:s1+s5] =	stream.linear.scatter [tilespmem:s26], [sflag:$0xA], $0x80, $0x38;
	[tilespmem:$0x17A00] =	vst v63  }
0x23a: {  	s3 =	simm.s32 $0x164C0;
	s1 =	sadd.s32 s0, s20  }
0x23b: {  	[hbm4b:s1+s5] =	stream.linear.scatter [tilespmem:s3], [sflag:$0xA], $0x80, $0x38;
	[tilespmem:$0x17A00] =	vst v63  }
0x23c: {  	s26 =	simm.s32 $0x16548;
	s25 =	sadd.s32 $0x10, s1  }
0x23d: {  	[hbm4b:s25+s5] =	stream.linear.scatter [tilespmem:s26], [sflag:$0xA], $0x80, $0x38;
	[tilespmem:$0x17A00] =	vst v63  }
0x23e: {  	s25 =	sadd.s32 $0x20, s1;
	s26 =	simm.s32 $0x165D0  }
0x23f: {  	[hbm4b:s25+s5] =	stream.linear.scatter [tilespmem:s26], [sflag:$0xA], $0x80, $0x38;
	[tilespmem:$0x17A00] =	vst v63  }
0x240: {  	s25 =	sadd.s32 $0x30, s1;
	s26 =	simm.s32 $0x16658  }
0x241: {  	[hbm4b:s25+s5] =	stream.linear.scatter [tilespmem:s26], [sflag:$0xA], $0x80, $0x38;
	[tilespmem:$0x17A00] =	vst v63  }
0x242: {  	s25 =	sadd.s32 $0x40, s1;
	s26 =	simm.s32 $0x166E0  }
0x243: {  	[hbm4b:s25+s5] =	stream.linear.scatter [tilespmem:s26], [sflag:$0xA], $0x80, $0x38;
	[tilespmem:$0x17A00] =	vst v63  }
0x244: {  	s25 =	sadd.s32 $0x50, s1;
	s26 =	simm.s32 $0x16768  }
0x245: {  	[hbm4b:s25+s5] =	stream.linear.scatter [tilespmem:s26], [sflag:$0xA], $0x80, $0x38;
	[tilespmem:$0x17A00] =	vst v63  }
0x246: {  	s3 =	sadd.s32 $0x60, s1;
	s25 =	simm.s32 $0x167F0  }
0x247: {  	[hbm4b:s3+s5] =	stream.linear.scatter [tilespmem:s25], [sflag:$0xA], $0x80, $0x38;
	[tilespmem:$0x17A00] =	vst v63  }
0x248: {  	s1 =	sadd.s32 $0x70, s1;
	s26 =	simm.s32 $0x16878  }
0x249: {  	[hbm4b:s1+s5] =	stream.linear.scatter [tilespmem:s26], [sflag:$0xA], $0x80, $0x38;
	[tilespmem:$0x17A00] =	vst v63  }
0x24a: {  	s3 =	simm.s32 $0x16900;
	s1 =	sadd.s32 s0, s21  }
0x24b: {  	[hbm4b:s1+s5] =	stream.linear.scatter [tilespmem:s3], [sflag:$0xA], $0x80, $0x38;
	[tilespmem:$0x17A00] =	vst v63  }
0x24c: {  	s26 =	simm.s32 $0x16988;
	s25 =	sadd.s32 $0x10, s1  }
0x24d: {  	[hbm4b:s25+s5] =	stream.linear.scatter [tilespmem:s26], [sflag:$0xA], $0x80, $0x38;
	[tilespmem:$0x17A00] =	vst v63  }
0x24e: {  	s25 =	sadd.s32 $0x20, s1;
	s26 =	simm.s32 $0x16A10  }
0x24f: {  	[hbm4b:s25+s5] =	stream.linear.scatter [tilespmem:s26], [sflag:$0xA], $0x80, $0x38;
	[tilespmem:$0x17A00] =	vst v63  }
0x250: {  	s25 =	sadd.s32 $0x30, s1;
	s26 =	simm.s32 $0x16A98  }
0x251: {  	[hbm4b:s25+s5] =	stream.linear.scatter [tilespmem:s26], [sflag:$0xA], $0x80, $0x38;
	[tilespmem:$0x17A00] =	vst v63  }
0x252: {  	s25 =	sadd.s32 $0x40, s1;
	s26 =	simm.s32 $0x16B20  }
0x253: {  	[hbm4b:s25+s5] =	stream.linear.scatter [tilespmem:s26], [sflag:$0xA], $0x80, $0x38;
	[tilespmem:$0x17A00] =	vst v63  }
0x254: {  	s25 =	sadd.s32 $0x50, s1;
	s26 =	simm.s32 $0x16BA8  }
0x255: {  	[hbm4b:s25+s5] =	stream.linear.scatter [tilespmem:s26], [sflag:$0xA], $0x80, $0x38;
	[tilespmem:$0x17A00] =	vst v63  }
0x256: {  	s3 =	sadd.s32 $0x60, s1;
	s25 =	simm.s32 $0x16C30  }
0x257: {  	[hbm4b:s3+s5] =	stream.linear.scatter [tilespmem:s25], [sflag:$0xA], $0x80, $0x38;
	[tilespmem:$0x17A00] =	vst v63  }
0x258: {  	s1 =	sadd.s32 $0x70, s1;
	s26 =	simm.s32 $0x16CB8  }
0x259: {  	[hbm4b:s1+s5] =	stream.linear.scatter [tilespmem:s26], [sflag:$0xA], $0x80, $0x38;
	[tilespmem:$0x17A00] =	vst v63  }
0x25a: {  	s3 =	simm.s32 $0x16D40;
	s1 =	sadd.s32 s0, s22  }
0x25b: {  	[hbm4b:s1+s5] =	stream.linear.scatter [tilespmem:s3], [sflag:$0xA], $0x80, $0x38;
	[tilespmem:$0x17A00] =	vst v63  }
0x25c: {  	s26 =	simm.s32 $0x16DC8;
	s25 =	sadd.s32 $0x10, s1  }
0x25d: {  	[hbm4b:s25+s5] =	stream.linear.scatter [tilespmem:s26], [sflag:$0xA], $0x80, $0x38;
	[tilespmem:$0x17A00] =	vst v63  }
0x25e: {  	s25 =	sadd.s32 $0x20, s1;
	s26 =	simm.s32 $0x16E50  }
0x25f: {  	[hbm4b:s25+s5] =	stream.linear.scatter [tilespmem:s26], [sflag:$0xA], $0x80, $0x38;
	[tilespmem:$0x17A00] =	vst v63  }
0x260: {  	s25 =	sadd.s32 $0x30, s1;
	s26 =	simm.s32 $0x16ED8  }
0x261: {  	[hbm4b:s25+s5] =	stream.linear.scatter [tilespmem:s26], [sflag:$0xA], $0x80, $0x38;
	[tilespmem:$0x17A00] =	vst v63  }
0x262: {  	s25 =	sadd.s32 $0x40, s1;
	s26 =	simm.s32 $0x16F60  }
0x263: {  	[hbm4b:s25+s5] =	stream.linear.scatter [tilespmem:s26], [sflag:$0xA], $0x80, $0x38;
	[tilespmem:$0x17A00] =	vst v63  }
0x264: {  	s25 =	sadd.s32 $0x50, s1;
	s26 =	simm.s32 $0x16FE8  }
0x265: {  	[hbm4b:s25+s5] =	stream.linear.scatter [tilespmem:s26], [sflag:$0xA], $0x80, $0x38;
	[tilespmem:$0x17A00] =	vst v63  }
0x266: {  	s3 =	sadd.s32 $0x60, s1;
	s25 =	simm.s32 $0x17070  }
0x267: {  	[hbm4b:s3+s5] =	stream.linear.scatter [tilespmem:s25], [sflag:$0xA], $0x80, $0x38;
	[tilespmem:$0x17A00] =	vst v63  }
0x268: {  	s1 =	sadd.s32 $0x70, s1;
	s26 =	simm.s32 $0x170F8  }
0x269: {  	[hbm4b:s1+s5] =	stream.linear.scatter [tilespmem:s26], [sflag:$0xA], $0x80, $0x38;
	[tilespmem:$0x17A00] =	vst v63  }
0x26a: {  	s3 =	simm.s32 $0x17180;
	s1 =	sadd.s32 s0, s23  }
0x26b: {  	[hbm4b:s1+s5] =	stream.linear.scatter [tilespmem:s3], [sflag:$0xA], $0x80, $0x38;
	[tilespmem:$0x17A00] =	vst v63  }
0x26c: {  	s26 =	simm.s32 $0x17208;
	s25 =	sadd.s32 $0x10, s1  }
0x26d: {  	[hbm4b:s25+s5] =	stream.linear.scatter [tilespmem:s26], [sflag:$0xA], $0x80, $0x38;
	[tilespmem:$0x17A00] =	vst v63  }
0x26e: {  	s25 =	sadd.s32 $0x20, s1;
	s26 =	simm.s32 $0x17290  }
0x26f: {  	[hbm4b:s25+s5] =	stream.linear.scatter [tilespmem:s26], [sflag:$0xA], $0x80, $0x38;
	[tilespmem:$0x17A00] =	vst v63  }
0x270: {  	s25 =	sadd.s32 $0x30, s1;
	s26 =	simm.s32 $0x17318  }
0x271: {  	[hbm4b:s25+s5] =	stream.linear.scatter [tilespmem:s26], [sflag:$0xA], $0x80, $0x38;
	[tilespmem:$0x17A00] =	vst v63  }
0x272: {  	s25 =	sadd.s32 $0x40, s1;
	s26 =	simm.s32 $0x173A0  }
0x273: {  	[hbm4b:s25+s5] =	stream.linear.scatter [tilespmem:s26], [sflag:$0xA], $0x80, $0x38;
	[tilespmem:$0x17A00] =	vst v63  }
0x274: {  	s25 =	sadd.s32 $0x50, s1;
	s26 =	simm.s32 $0x17428  }
0x275: {  	[hbm4b:s25+s5] =	stream.linear.scatter [tilespmem:s26], [sflag:$0xA], $0x80, $0x38;
	[tilespmem:$0x17A00] =	vst v63  }
0x276: {  	s3 =	sadd.s32 $0x60, s1;
	s25 =	simm.s32 $0x174B0  }
0x277: {  	[hbm4b:s3+s5] =	stream.linear.scatter [tilespmem:s25], [sflag:$0xA], $0x80, $0x38;
	[tilespmem:$0x17A00] =	vst v63  }
0x278: {  	s1 =	sadd.s32 $0x70, s1;
	s26 =	simm.s32 $0x17538  }
0x279: {  	[hbm4b:s1+s5] =	stream.linear.scatter [tilespmem:s26], [sflag:$0xA], $0x80, $0x38;
	[tilespmem:$0x17A00] =	vst v63  }
0x27a: {  	s0 =	sadd.s32 s0, s24;
	s3 =	simm.s32 $0x175C0  }
0x27b: {  	[hbm4b:s0+s5] =	stream.linear.scatter [tilespmem:s3], [sflag:$0xA], $0x80, $0x38;
	[tilespmem:$0x17A00] =	vst v63  }
0x27c: {  	s25 =	sadd.s32 $0x10, s0;
	s26 =	simm.s32 $0x17648  }
0x27d: {  	[hbm4b:s25+s5] =	stream.linear.scatter [tilespmem:s26], [sflag:$0xA], $0x80, $0x38;
	[tilespmem:$0x17A00] =	vst v63  }
0x27e: {  	s2 =	sadd.s32 $0x20, s0;
	s3 =	simm.s32 $0x176D0  }
0x27f: {  	[hbm4b:s2+s5] =	stream.linear.scatter [tilespmem:s3], [sflag:$0xA], $0x80, $0x38;
	[tilespmem:$0x17A00] =	vst v63  }
0x280: {  	s25 =	sadd.s32 $0x30, s0;
	s26 =	simm.s32 $0x17758  }
0x281: {  	[hbm4b:s25+s5] =	stream.linear.scatter [tilespmem:s26], [sflag:$0xA], $0x80, $0x38;
	[tilespmem:$0x17A00] =	vst v63  }
0x282: {  	s2 =	sadd.s32 $0x40, s0;
	s3 =	simm.s32 $0x177E0  }
0x283: {  	[hbm4b:s2+s5] =	stream.linear.scatter [tilespmem:s3], [sflag:$0xA], $0x80, $0x38;
	[tilespmem:$0x17A00] =	vst v63  }
0x284: {  	s25 =	sadd.s32 $0x50, s0;
	s26 =	simm.s32 $0x17868  }
0x285: {  	[hbm4b:s25+s5] =	stream.linear.scatter [tilespmem:s26], [sflag:$0xA], $0x80, $0x38;
	[tilespmem:$0x17A00] =	vst v63  }
0x286: {  	s3 =	sadd.s32 $0x60, s0;
	s25 =	simm.s32 $0x178F0  }
0x287: {  	[hbm4b:s3+s5] =	stream.linear.scatter [tilespmem:s25], [sflag:$0xA], $0x80, $0x38;
	[tilespmem:$0x17A00] =	vst v63  }
0x288: {  	s0 =	sadd.s32 $0x70, s0;
	s26 =	simm.s32 $0x17978  }
0x289: {  	[hbm4b:s0+s5] =	stream.linear.scatter [tilespmem:s26], [sflag:$0xA], $0x80, $0x38;
	[tilespmem:$0x17A00] =	vst v63  }
0x28a: {  	_ =	swait.ge [sflag:s4], $0x2000  }
0x28b: {  	s0 =	sadd.s32 @!p0 $0x6, s17;
	[sflag:s4] =	ssyncset.done $0x0  }
0x28c: {  	s1 =	sshll.u32 @!p0 s0, $0x7;
	s0 =	sshll.u32 @!p0 s0, $0xC;
	[sflag:s4] =	ssyncadd.s32 $0xFFFFE000  }
0x28d: {  	s1 =	sand.u32 @!p0 $0x300, s1;
	s0 =	sand.u32 @!p0 $0x1F8000, s0;
	_ =	swait.ge [sflag:s4], $0x2000  }
0x28e: {  	s0 =	sor.u32 @!p0 s0, s1;
	[sflag:s4] =	ssyncset.done $0x0  }
0x28f: {  	s0 =	sor.u32 @!p0 s8, s0;
	[sflag:s4] =	ssyncadd.s32 $0xFFFFE000  }
0x290: {  	s0 =	sshrl.u32 @!p0 s0, $0x3;
	s1 =	rddreg [dreg:$0x0]  }
0x291: {  	s2 =	simm.s32 @!p0 $0x0;
	s3 =	simm.s32 @!p0 $0x3300;
	s1 =	sadd.s32 @!p0 s1, s0  }
0x292: {  	[tilespmem:s3], [sflag:$0x3] =	stream.linear.gather @!p0 [hbm4b:s1+s2], $0x80, $0x38;
	[tilespmem:$0x17A00] =	vst v63  }
0x293: {  	s1 =	rddreg [dreg:$0x1]  }
0x294: {  	s0 =	sadd.s32 @!p0 s1, s0;
	s1 =	simm.s32 @!p0 $0x3500  }
0x295: {  	[tilespmem:s1], [sflag:$0x3] =	stream.linear.gather @!p0 [hbm4b:s0+s2], $0x80, $0x38;
	[tilespmem:$0x17A00] =	vst v63  }
0x296: {  	s0 =	simm.s32 @!p0 $0x2  }
0x297: {  	_ =	swait.ge @!p0 [sflag:s0], $0x80  }
0x298: {  	[sflag:s0] =	ssyncset.done @!p0 $0x0  }
0x299: {  	[sflag:s0] =	ssyncadd.s32 @!p0 $0xFFFFFF80  }
0x29a: {  	_ =	swait.ge @!p0 [sflag:s0], $0x80  }
0x29b: {  	s1 =	simm.s32 @!p0 $0x3280;
	[sflag:s0] =	ssyncset.done @!p0 $0x0  }
0x29c: {  	s2 =	simm.s32 @!p0 $0x5600;
	[sflag:s0] =	ssyncadd.s32 @!p0 $0xFFFFFF80;
	s0 =	simm.s32 @!p0 $0x80  }
0x29d: {  	[tilespmem:s2], [sflag:$0x6] =	stream.indirect.gather @!p0 [hbm4b:s6+s0], $0x40, s1, s0, $0xb8;
	[tilespmem:$0x17A00] =	vst v63  }
0x29e: {  	s1 =	simm.s32 @!p0 $0x3480;
	s2 =	simm.s32 @!p0 $0xD600  }
0x29f: {  	[tilespmem:s2], [sflag:$0x6] =	stream.indirect.gather @!p0 [hbm4b:s7+s0], $0x40, s1, s0, $0xb8;
	[tilespmem:$0x17A00] =	vst v63  }
0x2a0: {  	_ =	swait.ge [sflag:s11], $0x400  }
0x2a1: {  	[sflag:s11] =	ssyncset.done $0x0  }
0x2a2: {  	[sflag:s11] =	ssyncadd.s32 $0xFFFFFC00  }
0x2a3: {  	_ =	swait.ge [sflag:s11], $0x400  }
0x2a4: {  	[sflag:s11] =	ssyncset.done $0x0  }
0x2a5: {  	[sflag:s11] =	ssyncadd.s32 $0xFFFFFC00  }
0x2a6: {  	_ =	swait.ge [sflag:s11], $0x400  }
0x2a7: {  	[sflag:s11] =	ssyncset.done $0x0  }
0x2a8: {  	[sflag:s11] =	ssyncadd.s32 $0xFFFFFC00  }
0x2a9: {  	_ =	swait.ge [sflag:s11], $0x400  }
0x2aa: {  	[sflag:s11] =	ssyncset.done $0x0  }
0x2ab: {  	[sflag:s11] =	ssyncadd.s32 $0xFFFFFC00  }
0x2ac: {  	_ =	swait.ge [sflag:s11], $0x400  }
0x2ad: {  	[sflag:s11] =	ssyncset.done $0x0  }
0x2ae: {  	[sflag:s11] =	ssyncadd.s32 $0xFFFFFC00  }
0x2af: {  	_ =	swait.ge [sflag:s11], $0x400  }
0x2b0: {  	[sflag:s11] =	ssyncset.done $0x0  }
0x2b1: {  	[sflag:s11] =	ssyncadd.s32 $0xFFFFFC00  }
0x2b2: {  	_ =	swait.ge [sflag:s11], $0x400  }
0x2b3: {  	[sflag:s11] =	ssyncset.done $0x0  }
0x2b4: {  	[sflag:s11] =	ssyncadd.s32 $0xFFFFFC00  }
0x2b5: {  	s25 =	sor.u32 $0x2, s17;
	_ =	swait.ge [sflag:s11], $0x400  }
0x2b6: {  	s2 =	sshll.u32 s25, $0x6;
	[sflag:s11] =	ssyncset.done $0x0  }
0x2b7: {  	s0 =	sand.u32 $0x3FFFFFC0, s2;
	[sflag:s11] =	ssyncadd.s32 $0xFFFFFC00  }
0x2b8: {  	s30 =	simm.s32 $0x7680;
	v11 =	vld [tilespmem:s0+$0x0]  }
0x2b9: {  	s26 =	simm.s32 $0xF680;
	v4 =	vld [tilespmem:s30+$0x40]  }
0x2ba: {  	v7 =	vld [tilespmem:s26+$0x40]  }
0x2bb: {  	s3 =	simm.s32 $0x3;
	v10 =	vld [tilespmem:s0+$0x10]  }
0x2bc: {  	v6 =	vmov s3;
	v8 =	vld [tilespmem:s30+$0xFFFFFF80]  }
0x2bd: {  	v6 =	vand.u32 $0x7F, v6;
	v9 =	vld [tilespmem:s26+$0xFFFFFF80]  }
0x2be: {  	v13 =	vadd.s32 v0, v6;
	s2 =	simm.s32 $0x0;
	v12 =	vld [tilespmem:s30+$0xFFFFFFC0]  }
0x2bf: {  	v14 =	vmov s2;
	v15 =	vld [tilespmem:s26+$0xFFFFFFC0];
	v4 =	vadd.f32 v7, v4  }
0x2c0: {  	s3 =	simm.s32 $0x1;
	v18 =	vld [tilespmem:s26+$0x0];
	v7 =	vand.u32 $0x7C, v14  }
0x2c1: {  	v17 =	vmov s3;
	v14 =	vld [tilespmem:s30+$0x0];
	v16 =	vadd.s32 v0, v7;
	v19 =	vadd.f32 v4, v11  }
0x2c2: {  	s2 =	simm.s32 $0x2;
	v5 =	vld [tilespmem:s0+$0x20];
	v8 =	vadd.f32 v9, v8;
	v9 =	vand.u32 $0x7D, v17  }
0x2c3: {  	v20 =	vmov s2;
	v17 =	vadd.s32 v0, v9;
	v4 =	vld [tilespmem:s0+$0x30];
	[tilespmem:v13+s13+$0x0] =	vst.idx.msk $0xffff, v19  }
0x2c4: {  	v12 =	vadd.f32 v15, v12;
	v13 =	vadd.f32 v8, v11;
	v8 =	vand.u32 $0x7E, v20;
	v15 =	vld [tilespmem:s30+$0x50]  }
0x2c5: {  	v19 =	vadd.s32 v0, v8;
	v20 =	vld [tilespmem:s26+$0x50]  }
0x2c6: {  	v12 =	vadd.f32 v12, v11;
	[tilespmem:v16+s13+$0x0] =	vst.idx.msk $0xffff, v13;
	v13 =	vadd.f32 v18, v14  }
0x2c7: {  	v14 =	vld [tilespmem:s30+$0xFFFFFF90]  }
0x2c8: {  	[tilespmem:v17+s13+$0x0] =	vst.idx.msk $0xffff, v12;
	v16 =	vld [tilespmem:s26+$0xFFFFFF90];
	v12 =	vadd.f32 v13, v11  }
0x2c9: {  	v17 =	vadd.s32 v1, v6;
	v18 =	vld [tilespmem:s26+$0xFFFFFFD0]  }
0x2ca: {  	v13 =	vld [tilespmem:s30+$0xFFFFFFD0];
	[tilespmem:v19+s13+$0x0] =	vst.idx.msk $0xffff, v12;
	v12 =	vadd.f32 v20, v15  }
0x2cb: {  	v15 =	vld [tilespmem:s30+$0x10]  }
0x2cc: {  	v19 =	vadd.s32 v1, v7;
	v20 =	vld [tilespmem:s26+$0x10];
	v12 =	vadd.f32 v12, v10  }
0x2cd: {  	v14 =	vadd.f32 v16, v14  }
0x2ce: {  	v16 =	vadd.s32 v1, v9;
	[tilespmem:v17+s13+$0x0] =	vst.idx.msk $0xffff, v12  }
0x2cf: {  	v13 =	vadd.f32 v18, v13;
	v12 =	vadd.f32 v14, v10;
	v14 =	vld [tilespmem:s30+$0x60]  }
0x2d0: {  	v17 =	vadd.s32 v1, v8;
	v18 =	vld [tilespmem:s26+$0x60]  }
0x2d1: {  	[tilespmem:v19+s13+$0x0] =	vst.idx.msk $0xffff, v12;
	v12 =	vadd.f32 v13, v10;
	v13 =	vadd.f32 v20, v15  }
0x2d2: {  	v15 =	vld [tilespmem:s30+$0xFFFFFFA0]  }
0x2d3: {  	v20 =	vld [tilespmem:s26+$0xFFFFFFA0];
	[tilespmem:v16+s13+$0x0] =	vst.idx.msk $0xffff, v12;
	v12 =	vadd.f32 v13, v10  }
0x2d4: {  	v16 =	vadd.s32 v2, v6;
	v13 =	vld [tilespmem:s30+$0xFFFFFFE0]  }
0x2d5: {  	v22 =	vld [tilespmem:s26+$0xFFFFFFE0];
	[tilespmem:v17+s13+$0x0] =	vst.idx.msk $0xffff, v12;
	v12 =	vadd.f32 v18, v14  }
0x2d6: {  	v14 =	vld [tilespmem:s30+$0x20]  }
0x2d7: {  	s0 =	simm.s32 $0xF780;
	v18 =	vadd.s32 v2, v7;
	v17 =	vld [tilespmem:s26+$0x20];
	v12 =	vadd.f32 v12, v5  }
0x2d8: {  	s31 =	simm.s32 $0x7780;
	v21 =	vld [tilespmem:s0+$0x40];
	v15 =	vadd.f32 v20, v15  }
0x2d9: {  	v19 =	vld [tilespmem:s31+$0x40];
	[tilespmem:v16+s13+$0x0] =	vst.idx.msk $0xffff, v12;
	v16 =	vadd.s32 v2, v9  }
0x2da: {  	v23 =	vadd.f32 v15, v5;
	v22 =	vadd.f32 v22, v13;
	v12 =	vld [tilespmem:s30+$0x70]  }
0x2db: {  	s3 =	simm.s32 $0x7;
	v15 =	vadd.s32 v2, v8;
	v13 =	vld [tilespmem:s26+$0x70]  }
0x2dc: {  	v63 =	vmov s3;
	v20 =	vld [tilespmem:s31+$0xFFFFFF80];
	[tilespmem:v18+s13+$0x0] =	vst.idx.msk $0xffff, v23;
	v18 =	vadd.f32 v22, v5;
	v17 =	vadd.f32 v17, v14  }
0x2dd: {  	s1 =	simm.s32 $0x4;
	s2 =	simm.s32 $0x8;
	v22 =	vld [tilespmem:s0+$0xFFFFFF80];
	v14 =	vand.u32 $0x7F, v63  }
.LBB2_7:
0x2de: {  	p1 =	slt.u32 s2, $0x7C;
	v23 =	vld [tilespmem:s31+$0xFFFFFFC0];
	v24 =	vadd.s32 v0, v14;
	[tilespmem:v16+s13+$0x0] =	vst.idx.msk $0xffff, v18;
	v16 =	vadd.f32 v17, v5  }
0x2df: {  	v17 =	vmov s1;
	v19 =	vadd.f32 v21, v19;
	v21 =	vadd.s32 v3, v6;
	v6 =	vmovc v14;
	v18 =	vld [tilespmem:s0+$0xFFFFFFC0]  }
0x2e0: {  	s3 =	sadd.s32 $0x1, s1;
	v14 =	vand.u32 $0x7C, v17;
	v17 =	vld [tilespmem:s31+$0x0];
	[tilespmem:v15+s13+$0x0] =	vst.idx.msk $0xffff, v16;
	v12 =	vadd.f32 v13, v12  }
0x2e1: {  	v13 =	vadd.s32 v0, v14;
	v15 =	vmov s3;
	v19 =	vadd.f32 v19, v11;
	v16 =	vld [tilespmem:s0+$0x0]  }
0x2e2: {  	s3 =	sadd.s32 $0x2, s1;
	s1 =	smov.u32 s2;
	v15 =	vand.u32 $0x7D, v15;
	v20 =	vadd.f32 v22, v20;
	v22 =	vld [tilespmem:s30+$0xFFFFFFB0];
	v12 =	vadd.f32 v12, v4  }
0x2e3: {  	v26 =	vmov s3;
	v25 =	vadd.s32 v0, v15;
	[tilespmem:v24+s13+$0x0] =	vst.idx.msk $0xffff, v19;
	v19 =	vld [tilespmem:s26+$0xFFFFFFB0]  }
0x2e4: {  	v20 =	vadd.f32 v20, v11;
	v18 =	vadd.f32 v18, v23;
	v23 =	vand.u32 $0x7E, v26;
	v24 =	vld [tilespmem:s31+$0x50];
	[tilespmem:v21+s13+$0x0] =	vst.idx.msk $0xffff, v12  }
0x2e5: {  	v12 =	vadd.s32 v0, v23;
	v21 =	vld [tilespmem:s0+$0x50]  }
0x2e6: {  	[tilespmem:v13+s13+$0x0] =	vst.idx.msk $0xffff, v20;
	v13 =	vadd.f32 v18, v11;
	v16 =	vadd.f32 v16, v17;
	v17 =	vld [tilespmem:s30+$0xFFFFFFF0]  }
0x2e7: {  	v20 =	vadd.s32 v3, v7;
	v7 =	vmov v14;
	v18 =	vld [tilespmem:s31+$0xFFFFFF90]  }
0x2e8: {  	v14 =	vld [tilespmem:s0+$0xFFFFFF90];
	[tilespmem:v25+s13+$0x0] =	vst.idx.msk $0xffff, v13;
	v13 =	vadd.f32 v16, v11;
	v16 =	vadd.f32 v19, v22  }
0x2e9: {  	v22 =	vadd.s32 v1, v6;
	v19 =	vld [tilespmem:s31+$0xFFFFFFD0]  }
0x2ea: {  	v25 =	vld [tilespmem:s0+$0xFFFFFFD0];
	[tilespmem:v12+s13+$0x0] =	vst.idx.msk $0xffff, v13;
	v12 =	vadd.f32 v21, v24;
	v13 =	vadd.f32 v16, v4  }
0x2eb: {  	v16 =	vld [tilespmem:s31+$0x10]  }
0x2ec: {  	v21 =	vadd.s32 v1, v7;
	v24 =	vld [tilespmem:s0+$0x10];
	v12 =	vadd.f32 v12, v10;
	[tilespmem:v20+s13+$0x0] =	vst.idx.msk $0xffff, v13  }
0x2ed: {  	v13 =	vadd.f32 v14, v18;
	v14 =	vld [tilespmem:s26+$0xFFFFFFF0]  }
0x2ee: {  	v18 =	vadd.s32 v1, v15;
	[tilespmem:v22+s13+$0x0] =	vst.idx.msk $0xffff, v12;
	v12 =	vld [tilespmem:s30+$0x30];
	s30 =	smov.u32 s31  }
0x2ef: {  	v13 =	vadd.f32 v13, v10;
	v19 =	vadd.f32 v25, v19;
	v20 =	vld [tilespmem:s31+$0x60]  }
0x2f0: {  	v26 =	vadd.s32 v3, v9;
	v9 =	vmov v15;
	v22 =	vadd.s32 v1, v23;
	v25 =	vld [tilespmem:s0+$0x60]  }
0x2f1: {  	[tilespmem:v21+s13+$0x0] =	vst.idx.msk $0xffff, v13;
	v13 =	vadd.f32 v19, v10;
	v15 =	vadd.f32 v24, v16;
	v16 =	vld [tilespmem:s26+$0x30];
	s26 =	smov.u32 s0  }
0x2f2: {  	v21 =	vld [tilespmem:s31+$0xFFFFFFA0];
	v14 =	vadd.f32 v14, v17  }
0x2f3: {  	v17 =	vld [tilespmem:s0+$0xFFFFFFA0];
	[tilespmem:v18+s13+$0x0] =	vst.idx.msk $0xffff, v13;
	v13 =	vadd.f32 v15, v10  }
0x2f4: {  	v18 =	vadd.s32 v2, v6;
	v15 =	vld [tilespmem:s31+$0xFFFFFFE0];
	v14 =	vadd.f32 v14, v4  }
0x2f5: {  	v24 =	vld [tilespmem:s0+$0xFFFFFFE0];
	[tilespmem:v22+s13+$0x0] =	vst.idx.msk $0xffff, v13;
	v13 =	vadd.f32 v25, v20;
	v20 =	vadd.s32 v3, v8;
	v8 =	vmov v23  }
0x2f6: {  	v22 =	vld [tilespmem:s31+$0x20];
	[tilespmem:v26+s13+$0x0] =	vst.idx.msk $0xffff, v14;
	v12 =	vadd.f32 v16, v12  }
0x2f7: {  	v14 =	vadd.s32 v2, v7;
	s31 =	sadd.s32 $0x100, s31;
	v23 =	vld [tilespmem:s0+$0x20];
	v13 =	vadd.f32 v13, v5  }
0x2f8: {  	s0 =	sadd.s32 $0x100, s0;
	v19 =	vld [tilespmem:s31+$0x40];
	v17 =	vadd.f32 v17, v21;
	v25 =	vadd.f32 v12, v4  }
.Ltmp2:
0x2f9: {  	v16 =	vadd.s32 v2, v9;
	v21 =	vld [tilespmem:s0+$0x40];
	[tilespmem:v18+s13+$0x0] =	vst.idx.msk $0xffff, v13;
	(pc) =	sbr.rel @p1 .LBB2_7-.Ltmp2, $4  }
0x2fa: {  	v17 =	vadd.f32 v17, v5;
	v18 =	vadd.f32 v24, v15;
	v12 =	vld [tilespmem:s30+$0x70];
	[tilespmem:v20+s13+$0x0] =	vst.idx.msk $0xffff, v25  }
0x2fb: {  	s3 =	sadd.s32 $0x3, s2;
	v15 =	vadd.s32 v2, v8;
	v13 =	vld [tilespmem:s26+$0x70]  }
0x2fc: {  	v24 =	vmov s3;
	v20 =	vld [tilespmem:s31+$0xFFFFFF80];
	[tilespmem:v14+s13+$0x0] =	vst.idx.msk $0xffff, v17;
	v18 =	vadd.f32 v18, v5;
	v17 =	vadd.f32 v23, v22  }
0x2fd: {  	s2 =	sadd.s32 $0x4, s2;
	v14 =	vand.u32 $0x7F, v24;
	v22 =	vld [tilespmem:s0+$0xFFFFFF80]  }
0x2fe: {  	v23 =	vld [tilespmem:s31+$0xFFFFFFC0]  }
0x2ff: {  	v24 =	vadd.s32 v0, v14;
	v25 =	vmov s1;
	v26 =	vld [tilespmem:s0+$0xFFFFFFC0]  }
0x300: {  	v19 =	vadd.f32 v21, v19;
	s2 =	sadd.s32 $0x1, s1;
	v21 =	vand.u32 $0x7C, v25  }
0x301: {  	v27 =	vld [tilespmem:s31+$0x0];
	v44 =	vmov s2;
	v28 =	vadd.s32 v0, v21  }
0x302: {  	v29 =	vld [tilespmem:s0+$0x0];
	v19 =	vadd.f32 v19, v11;
	v20 =	vadd.f32 v22, v20;
	v22 =	vand.u32 $0x7D, v44  }
0x303: {  	s2 =	sadd.s32 $0x2, s1;
	v25 =	vadd.s32 v0, v22  }
0x304: {  	v30 =	vmov s2;
	[tilespmem:v24+s13+$0x0] =	vst.idx.msk $0xffff, v19;
	v19 =	vadd.f32 v20, v11;
	v20 =	vadd.f32 v26, v23  }
0x305: {  	v23 =	vand.u32 $0x7E, v30;
	v24 =	vld [tilespmem:s31+$0x50]  }
0x306: {  	v46 =	vld [tilespmem:s0+$0x50];
	v45 =	vadd.s32 v0, v23;
	[tilespmem:v28+s13+$0x0] =	vst.idx.msk $0xffff, v19;
	v19 =	vadd.f32 v20, v11  }
0x307: {  	v20 =	vadd.f32 v29, v27;
	v47 =	vld [tilespmem:s31+$0xFFFFFF90]  }
0x308: {  	v28 =	vld [tilespmem:s0+$0xFFFFFF90];
	[tilespmem:v25+s13+$0x0] =	vst.idx.msk $0xffff, v19  }
0x309: {  	v11 =	vadd.f32 v20, v11;
	v19 =	vld [tilespmem:s31+$0xFFFFFFD0]  }
0x30a: {  	v20 =	vadd.s32 v1, v14;
	v25 =	vld [tilespmem:s0+$0xFFFFFFD0]  }
0x30b: {  	[tilespmem:v45+s13+$0x0] =	vst.idx.msk $0xffff, v11;
	v11 =	vadd.f32 v46, v24  }
0x30c: {  	v49 =	vadd.s32 v1, v21;
	v48 =	vld [tilespmem:s31+$0x10]  }
0x30d: {  	v50 =	vld [tilespmem:s0+$0x10];
	v11 =	vadd.f32 v11, v10;
	v27 =	vadd.f32 v28, v47  }
0x30e: {  	v51 =	vld [tilespmem:s30+$0xFFFFFFB0];
	[tilespmem:v16+s13+$0x0] =	vst.idx.msk $0xffff, v18;
	v52 =	vadd.s32 v1, v22  }
0x30f: {  	v18 =	vld [tilespmem:s30+$0xFFFFFFF0];
	[tilespmem:v20+s13+$0x0] =	vst.idx.msk $0xffff, v11;
	v20 =	vadd.f32 v27, v10;
	v19 =	vadd.f32 v25, v19  }
0x310: {  	v53 =	vld [tilespmem:s31+$0x60]  }
0x311: {  	v54 =	vld [tilespmem:s0+$0x60];
	[tilespmem:v49+s13+$0x0] =	vst.idx.msk $0xffff, v20;
	v20 =	vadd.s32 v1, v23;
	v19 =	vadd.f32 v19, v10  }
0x312: {  	v24 =	vadd.f32 v50, v48;
	v55 =	vld [tilespmem:s31+$0xFFFFFFA0]  }
0x313: {  	[tilespmem:v52+s13+$0x0] =	vst.idx.msk $0xffff, v19;
	v19 =	vld [tilespmem:s0+$0xFFFFFFA0]  }
0x314: {  	v10 =	vadd.f32 v24, v10;
	v56 =	vld [tilespmem:s31+$0xFFFFFFE0]  }
0x315: {  	v16 =	vld [tilespmem:s0+$0xFFFFFFE0]  }
0x316: {  	v17 =	vadd.f32 v17, v5;
	v57 =	vadd.s32 v2, v14;
	v58 =	vld [tilespmem:s26+$0xFFFFFFF0];
	[tilespmem:v20+s13+$0x0] =	vst.idx.msk $0xffff, v10  }
0x317: {  	v10 =	vadd.f32 v54, v53;
	v20 =	vld [tilespmem:s31+$0x20]  }
0x318: {  	[tilespmem:v15+s13+$0x0] =	vst.idx.msk $0xffff, v17;
	v15 =	vadd.s32 v2, v21;
	v17 =	vld [tilespmem:s0+$0x20]  }
0x319: {  	v60 =	vld [tilespmem:s30+$0x30];
	v59 =	vadd.s32 v2, v22;
	v10 =	vadd.f32 v10, v5;
	v19 =	vadd.f32 v19, v55  }
0x31a: {  	v61 =	vld [tilespmem:s26+$0x30];
	v16 =	vadd.f32 v16, v56  }
0x31b: {  	v11 =	vld [tilespmem:s26+$0xFFFFFFB0];
	[tilespmem:v57+s13+$0x0] =	vst.idx.msk $0xffff, v10;
	v10 =	vadd.f32 v19, v5  }
0x31c: {  	v62 =	vadd.s32 v2, v23;
	v19 =	vld [tilespmem:s31+$0x70];
	v16 =	vadd.f32 v16, v5  }
0x31d: {  	[tilespmem:v15+s13+$0x0] =	vst.idx.msk $0xffff, v10;
	v10 =	vadd.f32 v17, v20;
	v15 =	vld [tilespmem:s0+$0x70]  }
0x31e: {  	v6 =	vadd.s32 v3, v6;
	[tilespmem:v59+s13+$0x0] =	vst.idx.msk $0xffff, v16;
	v16 =	vld [tilespmem:s31+$0xFFFFFFB0]  }
0x31f: {  	v7 =	vadd.s32 v3, v7;
	v12 =	vadd.f32 v13, v12;
	v5 =	vadd.f32 v10, v5;
	v10 =	vld [tilespmem:s0+$0xFFFFFFB0]  }
0x320: {  	v9 =	vadd.s32 v3, v9;
	v11 =	vadd.f32 v11, v51;
	v13 =	vld [tilespmem:s31+$0xFFFFFFF0]  }
0x321: {  	v12 =	vadd.f32 v12, v4;
	v17 =	vadd.f32 v58, v18;
	[tilespmem:v62+s13+$0x0] =	vst.idx.msk $0xffff, v5;
	v5 =	vld [tilespmem:s0+$0xFFFFFFF0]  }
0x322: {  	v11 =	vadd.f32 v11, v4;
	v18 =	vld [tilespmem:s31+$0x30]  }
0x323: {  	v8 =	vadd.s32 v3, v8;
	[tilespmem:v6+s13+$0x0] =	vst.idx.msk $0xffff, v12;
	v6 =	vadd.f32 v17, v4;
	v12 =	vld [tilespmem:s0+$0x30]  }
0x324: {  	[tilespmem:v7+s13+$0x0] =	vst.idx.msk $0xffff, v11;
	v7 =	vadd.f32 v61, v60;
	v11 =	vadd.s32 v3, v14  }
0x325: {  	[tilespmem:v9+s13+$0x0] =	vst.idx.msk $0xffff, v6;
	v9 =	vadd.s32 v3, v21;
	v6 =	vadd.f32 v15, v19  }
0x326: {  	v14 =	vadd.s32 v3, v22;
	v7 =	vadd.f32 v7, v4;
	v10 =	vadd.f32 v10, v16  }
0x327: {  	v6 =	vadd.f32 v6, v4;
	v5 =	vadd.f32 v5, v13;
	v13 =	vadd.s32 v3, v23  }
0x328: {  	[tilespmem:v8+s13+$0x0] =	vst.idx.msk $0xffff, v7;
	v7 =	vadd.f32 v10, v4;
	v8 =	vadd.f32 v12, v18  }
0x329: {  	s3 =	sshll.u32 s25, $0x12;
	[tilespmem:v11+s13+$0x0] =	vst.idx.msk $0xffff, v6;
	v5 =	vadd.f32 v5, v4  }
0x32a: {  	s0 =	sor.u32 s8, s3;
	[tilespmem:v9+s13+$0x0] =	vst.idx.msk $0xffff, v7;
	v4 =	vadd.f32 v8, v4  }
0x32b: {  	s25 =	rddreg [dreg:$0x3];
	s0 =	sshrl.u32 s0, $0x3;
	[tilespmem:v14+s13+$0x0] =	vst.idx.msk $0xffff, v5  }
0x32c: {  	s1 =	sadd.s32 s25, s0;
	[tilespmem:v13+s13+$0x0] =	vst.idx.msk $0xffff, v4  }
0x32d: {  	[hbm4b:s1+s5] =	stream.linear.scatter [tilespmem:s13], [sflag:$0x9], $0x80, $0x38;
	[tilespmem:$0x17A00] =	vst v63  }
0x32e: {  	s3 =	simm.s32 $0x13688;
	s26 =	sadd.s32 $0x10, s1  }
0x32f: {  	[hbm4b:s26+s5] =	stream.linear.scatter [tilespmem:s3], [sflag:$0x9], $0x80, $0x38;
	[tilespmem:$0x17A00] =	vst v63  }
0x330: {  	s31 =	simm.s32 $0x13710;
	s30 =	sadd.s32 $0x20, s1  }
0x331: {  	[hbm4b:s30+s5] =	stream.linear.scatter [tilespmem:s31], [sflag:$0x9], $0x80, $0x38;
	[tilespmem:$0x17A00] =	vst v63  }
0x332: {  	s25 =	sadd.s32 $0x30, s1;
	s26 =	simm.s32 $0x13798  }
0x333: {  	[hbm4b:s25+s5] =	stream.linear.scatter [tilespmem:s26], [sflag:$0x9], $0x80, $0x38;
	[tilespmem:$0x17A00] =	vst v63  }
0x334: {  	s30 =	sadd.s32 $0x40, s1;
	s31 =	simm.s32 $0x13820  }
0x335: {  	[hbm4b:s30+s5] =	stream.linear.scatter [tilespmem:s31], [sflag:$0x9], $0x80, $0x38;
	[tilespmem:$0x17A00] =	vst v63  }
0x336: {  	s3 =	sadd.s32 $0x50, s1;
	s25 =	simm.s32 $0x138A8  }
0x337: {  	[hbm4b:s3+s5] =	stream.linear.scatter [tilespmem:s25], [sflag:$0x9], $0x80, $0x38;
	[tilespmem:$0x17A00] =	vst v63  }
0x338: {  	s26 =	sadd.s32 $0x60, s1;
	s30 =	simm.s32 $0x13930  }
0x339: {  	[hbm4b:s26+s5] =	stream.linear.scatter [tilespmem:s30], [sflag:$0x9], $0x80, $0x38;
	[tilespmem:$0x17A00] =	vst v63  }
0x33a: {  	s1 =	sadd.s32 $0x70, s1;
	s31 =	simm.s32 $0x139B8  }
0x33b: {  	[hbm4b:s1+s5] =	stream.linear.scatter [tilespmem:s31], [sflag:$0x9], $0x80, $0x38;
	[tilespmem:$0x17A00] =	vst v63  }
0x33c: {  	s3 =	simm.s32 $0x13A40;
	s1 =	sadd.s32 s0, s18  }
0x33d: {  	[hbm4b:s1+s5] =	stream.linear.scatter [tilespmem:s3], [sflag:$0x9], $0x80, $0x38;
	[tilespmem:$0x17A00] =	vst v63  }
0x33e: {  	s26 =	simm.s32 $0x13AC8;
	s25 =	sadd.s32 $0x10, s1  }
0x33f: {  	[hbm4b:s25+s5] =	stream.linear.scatter [tilespmem:s26], [sflag:$0x9], $0x80, $0x38;
	[tilespmem:$0x17A00] =	vst v63  }
0x340: {  	s31 =	simm.s32 $0x13B50;
	s30 =	sadd.s32 $0x20, s1  }
0x341: {  	[hbm4b:s30+s5] =	stream.linear.scatter [tilespmem:s31], [sflag:$0x9], $0x80, $0x38;
	[tilespmem:$0x17A00] =	vst v63  }
0x342: {  	s25 =	sadd.s32 $0x30, s1;
	s26 =	simm.s32 $0x13BD8  }
0x343: {  	[hbm4b:s25+s5] =	stream.linear.scatter [tilespmem:s26], [sflag:$0x9], $0x80, $0x38;
	[tilespmem:$0x17A00] =	vst v63  }
0x344: {  	s30 =	sadd.s32 $0x40, s1;
	s31 =	simm.s32 $0x13C60  }
0x345: {  	[hbm4b:s30+s5] =	stream.linear.scatter [tilespmem:s31], [sflag:$0x9], $0x80, $0x38;
	[tilespmem:$0x17A00] =	vst v63  }
0x346: {  	s3 =	sadd.s32 $0x50, s1;
	s25 =	simm.s32 $0x13CE8  }
0x347: {  	[hbm4b:s3+s5] =	stream.linear.scatter [tilespmem:s25], [sflag:$0x9], $0x80, $0x38;
	[tilespmem:$0x17A00] =	vst v63  }
0x348: {  	s26 =	sadd.s32 $0x60, s1;
	s30 =	simm.s32 $0x13D70  }
0x349: {  	[hbm4b:s26+s5] =	stream.linear.scatter [tilespmem:s30], [sflag:$0x9], $0x80, $0x38;
	[tilespmem:$0x17A00] =	vst v63  }
0x34a: {  	s1 =	sadd.s32 $0x70, s1;
	s31 =	simm.s32 $0x13DF8  }
0x34b: {  	[hbm4b:s1+s5] =	stream.linear.scatter [tilespmem:s31], [sflag:$0x9], $0x80, $0x38;
	[tilespmem:$0x17A00] =	vst v63  }
0x34c: {  	s3 =	simm.s32 $0x13E80;
	s1 =	sadd.s32 s0, s19  }
0x34d: {  	[hbm4b:s1+s5] =	stream.linear.scatter [tilespmem:s3], [sflag:$0x9], $0x80, $0x38;
	[tilespmem:$0x17A00] =	vst v63  }
0x34e: {  	s26 =	simm.s32 $0x13F08;
	s25 =	sadd.s32 $0x10, s1  }
0x34f: {  	[hbm4b:s25+s5] =	stream.linear.scatter [tilespmem:s26], [sflag:$0x9], $0x80, $0x38;
	[tilespmem:$0x17A00] =	vst v63  }
0x350: {  	s31 =	simm.s32 $0x13F90;
	s30 =	sadd.s32 $0x20, s1  }
0x351: {  	[hbm4b:s30+s5] =	stream.linear.scatter [tilespmem:s31], [sflag:$0x9], $0x80, $0x38;
	[tilespmem:$0x17A00] =	vst v63  }
0x352: {  	s25 =	sadd.s32 $0x30, s1;
	s26 =	simm.s32 $0x14018  }
0x353: {  	[hbm4b:s25+s5] =	stream.linear.scatter [tilespmem:s26], [sflag:$0x9], $0x80, $0x38;
	[tilespmem:$0x17A00] =	vst v63  }
0x354: {  	s30 =	sadd.s32 $0x40, s1;
	s31 =	simm.s32 $0x140A0  }
0x355: {  	[hbm4b:s30+s5] =	stream.linear.scatter [tilespmem:s31], [sflag:$0x9], $0x80, $0x38;
	[tilespmem:$0x17A00] =	vst v63  }
0x356: {  	s3 =	sadd.s32 $0x50, s1;
	s25 =	simm.s32 $0x14128  }
0x357: {  	[hbm4b:s3+s5] =	stream.linear.scatter [tilespmem:s25], [sflag:$0x9], $0x80, $0x38;
	[tilespmem:$0x17A00] =	vst v63  }
0x358: {  	s26 =	sadd.s32 $0x60, s1;
	s30 =	simm.s32 $0x141B0  }
0x359: {  	[hbm4b:s26+s5] =	stream.linear.scatter [tilespmem:s30], [sflag:$0x9], $0x80, $0x38;
	[tilespmem:$0x17A00] =	vst v63  }
0x35a: {  	s1 =	sadd.s32 $0x70, s1;
	s31 =	simm.s32 $0x14238  }
0x35b: {  	[hbm4b:s1+s5] =	stream.linear.scatter [tilespmem:s31], [sflag:$0x9], $0x80, $0x38;
	[tilespmem:$0x17A00] =	vst v63  }
0x35c: {  	s3 =	simm.s32 $0x142C0;
	s1 =	sadd.s32 s0, s20  }
0x35d: {  	[hbm4b:s1+s5] =	stream.linear.scatter [tilespmem:s3], [sflag:$0x9], $0x80, $0x38;
	[tilespmem:$0x17A00] =	vst v63  }
0x35e: {  	s26 =	simm.s32 $0x14348;
	s25 =	sadd.s32 $0x10, s1  }
0x35f: {  	[hbm4b:s25+s5] =	stream.linear.scatter [tilespmem:s26], [sflag:$0x9], $0x80, $0x38;
	[tilespmem:$0x17A00] =	vst v63  }
0x360: {  	s31 =	simm.s32 $0x143D0;
	s30 =	sadd.s32 $0x20, s1  }
0x361: {  	[hbm4b:s30+s5] =	stream.linear.scatter [tilespmem:s31], [sflag:$0x9], $0x80, $0x38;
	[tilespmem:$0x17A00] =	vst v63  }
0x362: {  	s25 =	sadd.s32 $0x30, s1;
	s26 =	simm.s32 $0x14458  }
0x363: {  	[hbm4b:s25+s5] =	stream.linear.scatter [tilespmem:s26], [sflag:$0x9], $0x80, $0x38;
	[tilespmem:$0x17A00] =	vst v63  }
0x364: {  	s30 =	sadd.s32 $0x40, s1;
	s31 =	simm.s32 $0x144E0  }
0x365: {  	[hbm4b:s30+s5] =	stream.linear.scatter [tilespmem:s31], [sflag:$0x9], $0x80, $0x38;
	[tilespmem:$0x17A00] =	vst v63  }
0x366: {  	s3 =	sadd.s32 $0x50, s1;
	s25 =	simm.s32 $0x14568  }
0x367: {  	[hbm4b:s3+s5] =	stream.linear.scatter [tilespmem:s25], [sflag:$0x9], $0x80, $0x38;
	[tilespmem:$0x17A00] =	vst v63  }
0x368: {  	s26 =	sadd.s32 $0x60, s1;
	s30 =	simm.s32 $0x145F0  }
0x369: {  	[hbm4b:s26+s5] =	stream.linear.scatter [tilespmem:s30], [sflag:$0x9], $0x80, $0x38;
	[tilespmem:$0x17A00] =	vst v63  }
0x36a: {  	s1 =	sadd.s32 $0x70, s1;
	s31 =	simm.s32 $0x14678  }
0x36b: {  	[hbm4b:s1+s5] =	stream.linear.scatter [tilespmem:s31], [sflag:$0x9], $0x80, $0x38;
	[tilespmem:$0x17A00] =	vst v63  }
0x36c: {  	s3 =	simm.s32 $0x14700;
	s1 =	sadd.s32 s0, s21  }
0x36d: {  	[hbm4b:s1+s5] =	stream.linear.scatter [tilespmem:s3], [sflag:$0x9], $0x80, $0x38;
	[tilespmem:$0x17A00] =	vst v63  }
0x36e: {  	s26 =	simm.s32 $0x14788;
	s25 =	sadd.s32 $0x10, s1  }
0x36f: {  	[hbm4b:s25+s5] =	stream.linear.scatter [tilespmem:s26], [sflag:$0x9], $0x80, $0x38;
	[tilespmem:$0x17A00] =	vst v63  }
0x370: {  	s31 =	simm.s32 $0x14810;
	s30 =	sadd.s32 $0x20, s1  }
0x371: {  	[hbm4b:s30+s5] =	stream.linear.scatter [tilespmem:s31], [sflag:$0x9], $0x80, $0x38;
	[tilespmem:$0x17A00] =	vst v63  }
0x372: {  	s25 =	sadd.s32 $0x30, s1;
	s26 =	simm.s32 $0x14898  }
0x373: {  	[hbm4b:s25+s5] =	stream.linear.scatter [tilespmem:s26], [sflag:$0x9], $0x80, $0x38;
	[tilespmem:$0x17A00] =	vst v63  }
0x374: {  	s30 =	sadd.s32 $0x40, s1;
	s31 =	simm.s32 $0x14920  }
0x375: {  	[hbm4b:s30+s5] =	stream.linear.scatter [tilespmem:s31], [sflag:$0x9], $0x80, $0x38;
	[tilespmem:$0x17A00] =	vst v63  }
0x376: {  	s3 =	sadd.s32 $0x50, s1;
	s25 =	simm.s32 $0x149A8  }
0x377: {  	[hbm4b:s3+s5] =	stream.linear.scatter [tilespmem:s25], [sflag:$0x9], $0x80, $0x38;
	[tilespmem:$0x17A00] =	vst v63  }
0x378: {  	s26 =	sadd.s32 $0x60, s1;
	s30 =	simm.s32 $0x14A30  }
0x379: {  	[hbm4b:s26+s5] =	stream.linear.scatter [tilespmem:s30], [sflag:$0x9], $0x80, $0x38;
	[tilespmem:$0x17A00] =	vst v63  }
0x37a: {  	s1 =	sadd.s32 $0x70, s1;
	s31 =	simm.s32 $0x14AB8  }
0x37b: {  	[hbm4b:s1+s5] =	stream.linear.scatter [tilespmem:s31], [sflag:$0x9], $0x80, $0x38;
	[tilespmem:$0x17A00] =	vst v63  }
0x37c: {  	s3 =	simm.s32 $0x14B40;
	s1 =	sadd.s32 s0, s22  }
0x37d: {  	[hbm4b:s1+s5] =	stream.linear.scatter [tilespmem:s3], [sflag:$0x9], $0x80, $0x38;
	[tilespmem:$0x17A00] =	vst v63  }
0x37e: {  	s26 =	simm.s32 $0x14BC8;
	s25 =	sadd.s32 $0x10, s1  }
0x37f: {  	[hbm4b:s25+s5] =	stream.linear.scatter [tilespmem:s26], [sflag:$0x9], $0x80, $0x38;
	[tilespmem:$0x17A00] =	vst v63  }
0x380: {  	s31 =	simm.s32 $0x14C50;
	s30 =	sadd.s32 $0x20, s1  }
0x381: {  	[hbm4b:s30+s5] =	stream.linear.scatter [tilespmem:s31], [sflag:$0x9], $0x80, $0x38;
	[tilespmem:$0x17A00] =	vst v63  }
0x382: {  	s25 =	sadd.s32 $0x30, s1;
	s26 =	simm.s32 $0x14CD8  }
0x383: {  	[hbm4b:s25+s5] =	stream.linear.scatter [tilespmem:s26], [sflag:$0x9], $0x80, $0x38;
	[tilespmem:$0x17A00] =	vst v63  }
0x384: {  	s30 =	sadd.s32 $0x40, s1;
	s31 =	simm.s32 $0x14D60  }
0x385: {  	[hbm4b:s30+s5] =	stream.linear.scatter [tilespmem:s31], [sflag:$0x9], $0x80, $0x38;
	[tilespmem:$0x17A00] =	vst v63  }
0x386: {  	s3 =	sadd.s32 $0x50, s1;
	s25 =	simm.s32 $0x14DE8  }
0x387: {  	[hbm4b:s3+s5] =	stream.linear.scatter [tilespmem:s25], [sflag:$0x9], $0x80, $0x38;
	[tilespmem:$0x17A00] =	vst v63  }
0x388: {  	s26 =	sadd.s32 $0x60, s1;
	s30 =	simm.s32 $0x14E70  }
0x389: {  	[hbm4b:s26+s5] =	stream.linear.scatter [tilespmem:s30], [sflag:$0x9], $0x80, $0x38;
	[tilespmem:$0x17A00] =	vst v63  }
0x38a: {  	s1 =	sadd.s32 $0x70, s1;
	s31 =	simm.s32 $0x14EF8  }
0x38b: {  	[hbm4b:s1+s5] =	stream.linear.scatter [tilespmem:s31], [sflag:$0x9], $0x80, $0x38;
	[tilespmem:$0x17A00] =	vst v63  }
0x38c: {  	s3 =	simm.s32 $0x14F80;
	s1 =	sadd.s32 s0, s23  }
0x38d: {  	[hbm4b:s1+s5] =	stream.linear.scatter [tilespmem:s3], [sflag:$0x9], $0x80, $0x38;
	[tilespmem:$0x17A00] =	vst v63  }
0x38e: {  	s26 =	simm.s32 $0x15008;
	s25 =	sadd.s32 $0x10, s1  }
0x38f: {  	[hbm4b:s25+s5] =	stream.linear.scatter [tilespmem:s26], [sflag:$0x9], $0x80, $0x38;
	[tilespmem:$0x17A00] =	vst v63  }
0x390: {  	s31 =	simm.s32 $0x15090;
	s30 =	sadd.s32 $0x20, s1  }
0x391: {  	[hbm4b:s30+s5] =	stream.linear.scatter [tilespmem:s31], [sflag:$0x9], $0x80, $0x38;
	[tilespmem:$0x17A00] =	vst v63  }
0x392: {  	s25 =	sadd.s32 $0x30, s1;
	s26 =	simm.s32 $0x15118  }
0x393: {  	[hbm4b:s25+s5] =	stream.linear.scatter [tilespmem:s26], [sflag:$0x9], $0x80, $0x38;
	[tilespmem:$0x17A00] =	vst v63  }
0x394: {  	s30 =	sadd.s32 $0x40, s1;
	s31 =	simm.s32 $0x151A0  }
0x395: {  	[hbm4b:s30+s5] =	stream.linear.scatter [tilespmem:s31], [sflag:$0x9], $0x80, $0x38;
	[tilespmem:$0x17A00] =	vst v63  }
0x396: {  	s25 =	sadd.s32 $0x50, s1;
	s26 =	simm.s32 $0x15228  }
0x397: {  	[hbm4b:s25+s5] =	stream.linear.scatter [tilespmem:s26], [sflag:$0x9], $0x80, $0x38;
	[tilespmem:$0x17A00] =	vst v63  }
0x398: {  	s30 =	sadd.s32 $0x60, s1;
	s31 =	simm.s32 $0x152B0  }
0x399: {  	[hbm4b:s30+s5] =	stream.linear.scatter [tilespmem:s31], [sflag:$0x9], $0x80, $0x38;
	[tilespmem:$0x17A00] =	vst v63  }
0x39a: {  	s1 =	sadd.s32 $0x70, s1;
	s25 =	simm.s32 $0x15338  }
0x39b: {  	[hbm4b:s1+s5] =	stream.linear.scatter [tilespmem:s25], [sflag:$0x9], $0x80, $0x38;
	[tilespmem:$0x17A00] =	vst v63  }
0x39c: {  	s0 =	sadd.s32 s0, s24;
	s26 =	simm.s32 $0x153C0  }
0x39d: {  	[hbm4b:s0+s5] =	stream.linear.scatter [tilespmem:s26], [sflag:$0x9], $0x80, $0x38;
	[tilespmem:$0x17A00] =	vst v63  }
0x39e: {  	s30 =	sadd.s32 $0x10, s0;
	s31 =	simm.s32 $0x15448  }
0x39f: {  	[hbm4b:s30+s5] =	stream.linear.scatter [tilespmem:s31], [sflag:$0x9], $0x80, $0x38;
	[tilespmem:$0x17A00] =	vst v63  }
0x3a0: {  	s2 =	sadd.s32 $0x20, s0;
	s3 =	simm.s32 $0x154D0  }
0x3a1: {  	[hbm4b:s2+s5] =	stream.linear.scatter [tilespmem:s3], [sflag:$0x9], $0x80, $0x38;
	[tilespmem:$0x17A00] =	vst v63  }
0x3a2: {  	s25 =	sadd.s32 $0x30, s0;
	s26 =	simm.s32 $0x15558  }
0x3a3: {  	[hbm4b:s25+s5] =	stream.linear.scatter [tilespmem:s26], [sflag:$0x9], $0x80, $0x38;
	[tilespmem:$0x17A00] =	vst v63  }
0x3a4: {  	s30 =	sadd.s32 $0x40, s0;
	s31 =	simm.s32 $0x155E0  }
0x3a5: {  	[hbm4b:s30+s5] =	stream.linear.scatter [tilespmem:s31], [sflag:$0x9], $0x80, $0x38;
	[tilespmem:$0x17A00] =	vst v63  }
0x3a6: {  	s3 =	sadd.s32 $0x50, s0;
	s25 =	simm.s32 $0x15668  }
0x3a7: {  	[hbm4b:s3+s5] =	stream.linear.scatter [tilespmem:s25], [sflag:$0x9], $0x80, $0x38;
	[tilespmem:$0x17A00] =	vst v63  }
0x3a8: {  	s26 =	sadd.s32 $0x60, s0;
	s30 =	simm.s32 $0x156F0  }
0x3a9: {  	[hbm4b:s26+s5] =	stream.linear.scatter [tilespmem:s30], [sflag:$0x9], $0x80, $0x38;
	[tilespmem:$0x17A00] =	vst v63  }
0x3aa: {  	s0 =	sadd.s32 $0x70, s0;
	s31 =	simm.s32 $0x15778  }
0x3ab: {  	[hbm4b:s0+s5] =	stream.linear.scatter [tilespmem:s31], [sflag:$0x9], $0x80, $0x38;
	[tilespmem:$0x17A00] =	vst v63  }
0x3ac: {  	_ =	swait.ge [sflag:s12], $0x2000  }
0x3ad: {  	s0 =	sadd.s32 @!p0 $0x7, s17;
	[sflag:s12] =	ssyncset.done $0x0  }
0x3ae: {  	s1 =	sshll.u32 @!p0 s0, $0x7;
	s0 =	sshll.u32 @!p0 s0, $0xC;
	[sflag:s12] =	ssyncadd.s32 $0xFFFFE000  }
0x3af: {  	s1 =	sand.u32 @!p0 $0x380, s1;
	s0 =	sand.u32 @!p0 $0x1F8000, s0;
	_ =	swait.ge [sflag:s12], $0x2000  }
0x3b0: {  	s0 =	sor.u32 @!p0 s0, s1;
	[sflag:s12] =	ssyncset.done $0x0  }
0x3b1: {  	s0 =	sor.u32 @!p0 s8, s0;
	[sflag:s12] =	ssyncadd.s32 $0xFFFFE000  }
0x3b2: {  	s0 =	sshrl.u32 @!p0 s0, $0x3;
	s1 =	rddreg [dreg:$0x0]  }
0x3b3: {  	s2 =	simm.s32 @!p0 $0x0;
	s3 =	simm.s32 @!p0 $0x3380;
	s1 =	sadd.s32 @!p0 s1, s0  }
0x3b4: {  	[tilespmem:s3], [sflag:$0x4] =	stream.linear.gather @!p0 [hbm4b:s1+s2], $0x80, $0x38;
	[tilespmem:$0x17A00] =	vst v63  }
0x3b5: {  	s1 =	rddreg [dreg:$0x1]  }
0x3b6: {  	s0 =	sadd.s32 @!p0 s1, s0;
	s1 =	simm.s32 @!p0 $0x3580  }
0x3b7: {  	[tilespmem:s1], [sflag:$0x4] =	stream.linear.gather @!p0 [hbm4b:s0+s2], $0x80, $0x38;
	[tilespmem:$0x17A00] =	vst v63  }
0x3b8: {  	s0 =	simm.s32 @!p0 $0x3  }
0x3b9: {  	_ =	swait.ge @!p0 [sflag:s0], $0x80  }
0x3ba: {  	[sflag:s0] =	ssyncset.done @!p0 $0x0  }
0x3bb: {  	[sflag:s0] =	ssyncadd.s32 @!p0 $0xFFFFFF80  }
0x3bc: {  	_ =	swait.ge @!p0 [sflag:s0], $0x80  }
0x3bd: {  	s1 =	simm.s32 @!p0 $0x3300;
	[sflag:s0] =	ssyncset.done @!p0 $0x0  }
0x3be: {  	s2 =	simm.s32 @!p0 $0x7600;
	[sflag:s0] =	ssyncadd.s32 @!p0 $0xFFFFFF80;
	s0 =	simm.s32 @!p0 $0x80  }
0x3bf: {  	[tilespmem:s2], [sflag:$0x7] =	stream.indirect.gather @!p0 [hbm4b:s6+s0], $0x40, s1, s0, $0xb8;
	[tilespmem:$0x17A00] =	vst v63  }
0x3c0: {  	s1 =	simm.s32 @!p0 $0x3500;
	s2 =	simm.s32 @!p0 $0xF600  }
0x3c1: {  	[tilespmem:s2], [sflag:$0x7] =	stream.indirect.gather @!p0 [hbm4b:s7+s0], $0x40, s1, s0, $0xb8;
	[tilespmem:$0x17A00] =	vst v63  }
0x3c2: {  	_ =	swait.ge [sflag:s14], $0x400  }
0x3c3: {  	[sflag:s14] =	ssyncset.done $0x0  }
0x3c4: {  	[sflag:s14] =	ssyncadd.s32 $0xFFFFFC00  }
0x3c5: {  	_ =	swait.ge [sflag:s14], $0x400  }
0x3c6: {  	[sflag:s14] =	ssyncset.done $0x0  }
0x3c7: {  	[sflag:s14] =	ssyncadd.s32 $0xFFFFFC00  }
0x3c8: {  	_ =	swait.ge [sflag:s14], $0x400  }
0x3c9: {  	[sflag:s14] =	ssyncset.done $0x0  }
0x3ca: {  	[sflag:s14] =	ssyncadd.s32 $0xFFFFFC00  }
0x3cb: {  	_ =	swait.ge [sflag:s14], $0x400  }
0x3cc: {  	[sflag:s14] =	ssyncset.done $0x0  }
0x3cd: {  	[sflag:s14] =	ssyncadd.s32 $0xFFFFFC00  }
0x3ce: {  	_ =	swait.ge [sflag:s14], $0x400  }
0x3cf: {  	[sflag:s14] =	ssyncset.done $0x0  }
0x3d0: {  	[sflag:s14] =	ssyncadd.s32 $0xFFFFFC00  }
0x3d1: {  	_ =	swait.ge [sflag:s14], $0x400  }
0x3d2: {  	[sflag:s14] =	ssyncset.done $0x0  }
0x3d3: {  	[sflag:s14] =	ssyncadd.s32 $0xFFFFFC00  }
0x3d4: {  	_ =	swait.ge [sflag:s14], $0x400  }
0x3d5: {  	[sflag:s14] =	ssyncset.done $0x0  }
0x3d6: {  	[sflag:s14] =	ssyncadd.s32 $0xFFFFFC00  }
0x3d7: {  	_ =	swait.ge [sflag:s14], $0x400  }
0x3d8: {  	s1 =	sshll.u32 s16, $0x6;
	[sflag:s14] =	ssyncset.done $0x0  }
0x3d9: {  	s0 =	sand.u32 $0x3FFFFFC0, s1;
	[sflag:s14] =	ssyncadd.s32 $0xFFFFFC00  }
0x3da: {  	s25 =	simm.s32 $0x9680;
	v11 =	vld [tilespmem:s0+$0x0]  }
0x3db: {  	s17 =	simm.s32 $0x11680;
	v4 =	vld [tilespmem:s25+$0x40]  }
0x3dc: {  	v7 =	vld [tilespmem:s17+$0x40]  }
0x3dd: {  	s2 =	simm.s32 $0x3;
	v10 =	vld [tilespmem:s0+$0x10]  }
0x3de: {  	v6 =	vmov s2;
	v8 =	vld [tilespmem:s25+$0xFFFFFF80]  }
0x3df: {  	v6 =	vand.u32 $0x7F, v6;
	v9 =	vld [tilespmem:s17+$0xFFFFFF80]  }
0x3e0: {  	s3 =	simm.s32 $0x0;
	v13 =	vadd.s32 v0, v6;
	v12 =	vld [tilespmem:s25+$0xFFFFFFC0]  }
0x3e1: {  	v14 =	vmov s3;
	v15 =	vld [tilespmem:s17+$0xFFFFFFC0];
	v4 =	vadd.f32 v7, v4  }
0x3e2: {  	s26 =	simm.s32 $0x1;
	v18 =	vld [tilespmem:s17+$0x0];
	v7 =	vand.u32 $0x7C, v14  }
0x3e3: {  	v17 =	vmov s26;
	v14 =	vld [tilespmem:s25+$0x0];
	v16 =	vadd.s32 v0, v7;
	v19 =	vadd.f32 v4, v11  }
0x3e4: {  	s30 =	simm.s32 $0x2;
	v5 =	vld [tilespmem:s0+$0x20];
	v8 =	vadd.f32 v9, v8;
	v9 =	vand.u32 $0x7D, v17  }
0x3e5: {  	v20 =	vmov s30;
	v17 =	vadd.s32 v0, v9;
	v4 =	vld [tilespmem:s0+$0x30];
	[tilespmem:v13+s29+$0x0] =	vst.idx.msk $0xffff, v19  }
0x3e6: {  	v12 =	vadd.f32 v15, v12;
	v13 =	vadd.f32 v8, v11;
	v8 =	vand.u32 $0x7E, v20;
	v15 =	vld [tilespmem:s25+$0x50]  }
0x3e7: {  	v19 =	vadd.s32 v0, v8;
	v20 =	vld [tilespmem:s17+$0x50]  }
0x3e8: {  	v12 =	vadd.f32 v12, v11;
	[tilespmem:v16+s29+$0x0] =	vst.idx.msk $0xffff, v13;
	v13 =	vadd.f32 v18, v14  }
0x3e9: {  	v14 =	vld [tilespmem:s25+$0xFFFFFF90]  }
0x3ea: {  	[tilespmem:v17+s29+$0x0] =	vst.idx.msk $0xffff, v12;
	v16 =	vld [tilespmem:s17+$0xFFFFFF90];
	v12 =	vadd.f32 v13, v11  }
0x3eb: {  	v17 =	vadd.s32 v1, v6;
	v18 =	vld [tilespmem:s17+$0xFFFFFFD0]  }
0x3ec: {  	v13 =	vld [tilespmem:s25+$0xFFFFFFD0];
	[tilespmem:v19+s29+$0x0] =	vst.idx.msk $0xffff, v12;
	v12 =	vadd.f32 v20, v15  }
0x3ed: {  	v15 =	vld [tilespmem:s25+$0x10]  }
0x3ee: {  	v19 =	vadd.s32 v1, v7;
	v20 =	vld [tilespmem:s17+$0x10];
	v12 =	vadd.f32 v12, v10  }
0x3ef: {  	v14 =	vadd.f32 v16, v14  }
0x3f0: {  	v16 =	vadd.s32 v1, v9;
	[tilespmem:v17+s29+$0x0] =	vst.idx.msk $0xffff, v12  }
0x3f1: {  	v13 =	vadd.f32 v18, v13;
	v12 =	vadd.f32 v14, v10;
	v14 =	vld [tilespmem:s25+$0x60]  }
0x3f2: {  	v17 =	vadd.s32 v1, v8;
	v18 =	vld [tilespmem:s17+$0x60]  }
0x3f3: {  	[tilespmem:v19+s29+$0x0] =	vst.idx.msk $0xffff, v12;
	v12 =	vadd.f32 v13, v10;
	v13 =	vadd.f32 v20, v15  }
0x3f4: {  	v15 =	vld [tilespmem:s25+$0xFFFFFFA0]  }
0x3f5: {  	v19 =	vld [tilespmem:s17+$0xFFFFFFA0];
	[tilespmem:v16+s29+$0x0] =	vst.idx.msk $0xffff, v12;
	v12 =	vadd.f32 v13, v10  }
0x3f6: {  	v16 =	vadd.s32 v2, v6;
	v13 =	vld [tilespmem:s25+$0xFFFFFFE0]  }
0x3f7: {  	v20 =	vld [tilespmem:s17+$0xFFFFFFE0];
	[tilespmem:v17+s29+$0x0] =	vst.idx.msk $0xffff, v12;
	v12 =	vadd.f32 v18, v14  }
0x3f8: {  	v14 =	vld [tilespmem:s25+$0x20]  }
0x3f9: {  	v22 =	vadd.s32 v2, v7;
	s0 =	simm.s32 $0x11780;
	v17 =	vld [tilespmem:s17+$0x20];
	v12 =	vadd.f32 v12, v5  }
0x3fa: {  	s26 =	simm.s32 $0x9780;
	v21 =	vld [tilespmem:s0+$0x40];
	v15 =	vadd.f32 v19, v15  }
0x3fb: {  	v18 =	vld [tilespmem:s26+$0x40];
	[tilespmem:v16+s29+$0x0] =	vst.idx.msk $0xffff, v12;
	v16 =	vadd.s32 v2, v9  }
0x3fc: {  	v19 =	vadd.f32 v15, v5;
	v23 =	vadd.f32 v20, v13;
	v12 =	vld [tilespmem:s25+$0x70]  }
0x3fd: {  	s31 =	simm.s32 $0x7;
	v15 =	vadd.s32 v2, v8;
	v13 =	vld [tilespmem:s17+$0x70]  }
0x3fe: {  	v63 =	vmov s31;
	v20 =	vld [tilespmem:s26+$0xFFFFFF80];
	[tilespmem:v22+s29+$0x0] =	vst.idx.msk $0xffff, v19;
	v19 =	vadd.f32 v23, v5;
	v17 =	vadd.f32 v17, v14  }
0x3ff: {  	s1 =	simm.s32 $0x4;
	s2 =	simm.s32 $0x8;
	v22 =	vld [tilespmem:s0+$0xFFFFFF80];
	v14 =	vand.u32 $0x7F, v63  }
.LBB2_9:
0x400: {  	p0 =	slt.u32 s2, $0x7C;
	v23 =	vld [tilespmem:s26+$0xFFFFFFC0];
	v24 =	vadd.s32 v0, v14;
	[tilespmem:v16+s29+$0x0] =	vst.idx.msk $0xffff, v19;
	v16 =	vadd.f32 v17, v5  }
0x401: {  	v17 =	vmov s1;
	v18 =	vadd.f32 v21, v18;
	v21 =	vadd.s32 v3, v6;
	v6 =	vmovc v14;
	v19 =	vld [tilespmem:s0+$0xFFFFFFC0]  }
0x402: {  	s3 =	sadd.s32 $0x1, s1;
	v14 =	vand.u32 $0x7C, v17;
	v17 =	vld [tilespmem:s26+$0x0];
	[tilespmem:v15+s29+$0x0] =	vst.idx.msk $0xffff, v16;
	v12 =	vadd.f32 v13, v12  }
0x403: {  	v13 =	vadd.s32 v0, v14;
	v15 =	vmov s3;
	v18 =	vadd.f32 v18, v11;
	v16 =	vld [tilespmem:s0+$0x0]  }
0x404: {  	s3 =	sadd.s32 $0x2, s1;
	s1 =	smov.u32 s2;
	v15 =	vand.u32 $0x7D, v15;
	v20 =	vadd.f32 v22, v20;
	v22 =	vld [tilespmem:s25+$0xFFFFFFB0];
	v12 =	vadd.f32 v12, v4  }
0x405: {  	v26 =	vmov s3;
	v25 =	vadd.s32 v0, v15;
	[tilespmem:v24+s29+$0x0] =	vst.idx.msk $0xffff, v18;
	v18 =	vld [tilespmem:s17+$0xFFFFFFB0]  }
0x406: {  	v20 =	vadd.f32 v20, v11;
	v19 =	vadd.f32 v19, v23;
	v23 =	vand.u32 $0x7E, v26;
	v24 =	vld [tilespmem:s26+$0x50];
	[tilespmem:v21+s29+$0x0] =	vst.idx.msk $0xffff, v12  }
0x407: {  	v12 =	vadd.s32 v0, v23;
	v21 =	vld [tilespmem:s0+$0x50]  }
0x408: {  	[tilespmem:v13+s29+$0x0] =	vst.idx.msk $0xffff, v20;
	v13 =	vadd.f32 v19, v11;
	v16 =	vadd.f32 v16, v17;
	v17 =	vld [tilespmem:s25+$0xFFFFFFF0]  }
0x409: {  	v20 =	vadd.s32 v3, v7;
	v7 =	vmov v14;
	v19 =	vld [tilespmem:s26+$0xFFFFFF90]  }
0x40a: {  	v14 =	vld [tilespmem:s0+$0xFFFFFF90];
	[tilespmem:v25+s29+$0x0] =	vst.idx.msk $0xffff, v13;
	v13 =	vadd.f32 v16, v11;
	v16 =	vadd.f32 v18, v22  }
0x40b: {  	v22 =	vadd.s32 v1, v6;
	v18 =	vld [tilespmem:s26+$0xFFFFFFD0]  }
0x40c: {  	v25 =	vld [tilespmem:s0+$0xFFFFFFD0];
	[tilespmem:v12+s29+$0x0] =	vst.idx.msk $0xffff, v13;
	v12 =	vadd.f32 v21, v24;
	v13 =	vadd.f32 v16, v4  }
0x40d: {  	v16 =	vld [tilespmem:s26+$0x10]  }
0x40e: {  	v21 =	vadd.s32 v1, v7;
	v24 =	vld [tilespmem:s0+$0x10];
	v12 =	vadd.f32 v12, v10;
	[tilespmem:v20+s29+$0x0] =	vst.idx.msk $0xffff, v13  }
0x40f: {  	v13 =	vadd.f32 v14, v19;
	v14 =	vld [tilespmem:s17+$0xFFFFFFF0]  }
0x410: {  	v19 =	vadd.s32 v1, v15;
	[tilespmem:v22+s29+$0x0] =	vst.idx.msk $0xffff, v12;
	v12 =	vld [tilespmem:s25+$0x30];
	s25 =	smov.u32 s26  }
0x411: {  	v13 =	vadd.f32 v13, v10;
	v18 =	vadd.f32 v25, v18;
	v20 =	vld [tilespmem:s26+$0x60]  }
0x412: {  	v26 =	vadd.s32 v3, v9;
	v9 =	vmov v15;
	v22 =	vadd.s32 v1, v23;
	v25 =	vld [tilespmem:s0+$0x60]  }
0x413: {  	[tilespmem:v21+s29+$0x0] =	vst.idx.msk $0xffff, v13;
	v13 =	vadd.f32 v18, v10;
	v15 =	vadd.f32 v24, v16;
	v16 =	vld [tilespmem:s17+$0x30];
	s17 =	smov.u32 s0  }
0x414: {  	v21 =	vld [tilespmem:s26+$0xFFFFFFA0];
	v14 =	vadd.f32 v14, v17  }
0x415: {  	v17 =	vld [tilespmem:s0+$0xFFFFFFA0];
	[tilespmem:v19+s29+$0x0] =	vst.idx.msk $0xffff, v13;
	v13 =	vadd.f32 v15, v10  }
0x416: {  	v19 =	vadd.s32 v2, v6;
	v15 =	vld [tilespmem:s26+$0xFFFFFFE0];
	v14 =	vadd.f32 v14, v4  }
0x417: {  	v24 =	vld [tilespmem:s0+$0xFFFFFFE0];
	[tilespmem:v22+s29+$0x0] =	vst.idx.msk $0xffff, v13;
	v13 =	vadd.f32 v25, v20;
	v20 =	vadd.s32 v3, v8;
	v8 =	vmov v23  }
0x418: {  	v22 =	vld [tilespmem:s26+$0x20];
	[tilespmem:v26+s29+$0x0] =	vst.idx.msk $0xffff, v14;
	v12 =	vadd.f32 v16, v12  }
0x419: {  	v14 =	vadd.s32 v2, v7;
	s26 =	sadd.s32 $0x100, s26;
	v23 =	vld [tilespmem:s0+$0x20];
	v13 =	vadd.f32 v13, v5  }
0x41a: {  	s0 =	sadd.s32 $0x100, s0;
	v18 =	vld [tilespmem:s26+$0x40];
	v17 =	vadd.f32 v17, v21;
	v25 =	vadd.f32 v12, v4  }
.Ltmp3:
0x41b: {  	v16 =	vadd.s32 v2, v9;
	v21 =	vld [tilespmem:s0+$0x40];
	[tilespmem:v19+s29+$0x0] =	vst.idx.msk $0xffff, v13;
	(pc) =	sbr.rel @p0 .LBB2_9-.Ltmp3, $4  }
0x41c: {  	v17 =	vadd.f32 v17, v5;
	v19 =	vadd.f32 v24, v15;
	v12 =	vld [tilespmem:s25+$0x70];
	[tilespmem:v20+s29+$0x0] =	vst.idx.msk $0xffff, v25  }
0x41d: {  	s3 =	sadd.s32 $0x3, s2;
	v15 =	vadd.s32 v2, v8;
	v13 =	vld [tilespmem:s17+$0x70]  }
0x41e: {  	v24 =	vmov s3;
	v20 =	vld [tilespmem:s26+$0xFFFFFF80];
	[tilespmem:v14+s29+$0x0] =	vst.idx.msk $0xffff, v17;
	v19 =	vadd.f32 v19, v5;
	v17 =	vadd.f32 v23, v22  }
0x41f: {  	s2 =	sadd.s32 $0x4, s2;
	v14 =	vand.u32 $0x7F, v24;
	v22 =	vld [tilespmem:s0+$0xFFFFFF80]  }
0x420: {  	v23 =	vld [tilespmem:s26+$0xFFFFFFC0]  }
0x421: {  	v24 =	vadd.s32 v0, v14;
	v25 =	vmov s1;
	v26 =	vld [tilespmem:s0+$0xFFFFFFC0]  }
0x422: {  	v18 =	vadd.f32 v21, v18;
	s2 =	sadd.s32 $0x1, s1;
	v27 =	vld [tilespmem:s26+$0x0];
	v21 =	vand.u32 $0x7C, v25  }
0x423: {  	v29 =	vld [tilespmem:s0+$0x0];
	v46 =	vmov s2;
	v28 =	vadd.s32 v0, v21  }
0x424: {  	s2 =	sadd.s32 $0x2, s1;
	v18 =	vadd.f32 v18, v11;
	v20 =	vadd.f32 v22, v20;
	v22 =	vand.u32 $0x7D, v46  }
0x425: {  	v30 =	vmov s2;
	v25 =	vadd.s32 v0, v22  }
0x426: {  	[tilespmem:v24+s29+$0x0] =	vst.idx.msk $0xffff, v18;
	v48 =	vadd.f32 v26, v23;
	v23 =	vand.u32 $0x7E, v30;
	v47 =	vadd.f32 v20, v11  }
0x427: {  	v24 =	vld [tilespmem:s26+$0x50];
	v49 =	vadd.s32 v0, v23  }
0x428: {  	v27 =	vadd.f32 v29, v27;
	v50 =	vld [tilespmem:s0+$0x50];
	v20 =	vadd.f32 v48, v11;
	[tilespmem:v28+s29+$0x0] =	vst.idx.msk $0xffff, v47  }
0x429: {  	v28 =	vld [tilespmem:s26+$0xFFFFFF90]  }
0x42a: {  	v52 =	vadd.f32 v27, v11;
	v51 =	vld [tilespmem:s0+$0xFFFFFF90];
	[tilespmem:v25+s29+$0x0] =	vst.idx.msk $0xffff, v20  }
0x42b: {  	v20 =	vld [tilespmem:s26+$0xFFFFFFD0]  }
0x42c: {  	v53 =	vadd.s32 v1, v14;
	v54 =	vld [tilespmem:s0+$0xFFFFFFD0];
	[tilespmem:v49+s29+$0x0] =	vst.idx.msk $0xffff, v52  }
0x42d: {  	v55 =	vadd.f32 v50, v24;
	v56 =	vld [tilespmem:s26+$0x10]  }
0x42e: {  	v57 =	vadd.s32 v1, v21;
	v26 =	vld [tilespmem:s0+$0x10]  }
0x42f: {  	v58 =	vld [tilespmem:s25+$0xFFFFFFB0];
	v11 =	vadd.f32 v55, v10;
	v28 =	vadd.f32 v51, v28  }
0x430: {  	[tilespmem:v16+s29+$0x0] =	vst.idx.msk $0xffff, v19;
	v41 =	vld [tilespmem:s17+$0xFFFFFFB0];
	v59 =	vadd.s32 v1, v22  }
0x431: {  	v60 =	vld [tilespmem:s25+$0xFFFFFFF0];
	[tilespmem:v53+s29+$0x0] =	vst.idx.msk $0xffff, v11;
	v61 =	vadd.f32 v28, v10;
	v20 =	vadd.f32 v54, v20  }
0x432: {  	v62 =	vadd.s32 v1, v23;
	v25 =	vld [tilespmem:s26+$0x60]  }
0x433: {  	v63 =	vld [tilespmem:s0+$0x60];
	v18 =	vadd.f32 v26, v56;
	[tilespmem:v57+s29+$0x0] =	vst.idx.msk $0xffff, v61;
	v32 =	vadd.f32 v20, v10  }
0x434: {  	v33 =	vld [tilespmem:s26+$0xFFFFFFA0]  }
0x435: {  	v24 =	vld [tilespmem:s0+$0xFFFFFFA0];
	v34 =	vadd.f32 v18, v10;
	[tilespmem:v59+s29+$0x0] =	vst.idx.msk $0xffff, v32  }
0x436: {  	v11 =	vld [tilespmem:s26+$0xFFFFFFE0]  }
0x437: {  	v36 =	vadd.s32 v2, v14;
	v35 =	vld [tilespmem:s0+$0xFFFFFFE0];
	[tilespmem:v62+s29+$0x0] =	vst.idx.msk $0xffff, v34  }
0x438: {  	v17 =	vadd.f32 v17, v5;
	v37 =	vadd.f32 v63, v25;
	v38 =	vld [tilespmem:s26+$0x20]  }
0x439: {  	v39 =	vadd.s32 v2, v21;
	v40 =	vld [tilespmem:s0+$0x20]  }
0x43a: {  	v43 =	vld [tilespmem:s17+$0xFFFFFFF0];
	[tilespmem:v15+s29+$0x0] =	vst.idx.msk $0xffff, v17;
	v10 =	vadd.f32 v37, v5;
	v20 =	vadd.f32 v24, v33  }
0x43b: {  	v17 =	vld [tilespmem:s25+$0x30];
	v42 =	vadd.s32 v2, v22  }
0x43c: {  	v44 =	vld [tilespmem:s17+$0x30];
	[tilespmem:v36+s29+$0x0] =	vst.idx.msk $0xffff, v10;
	v11 =	vadd.f32 v35, v11;
	v45 =	vadd.f32 v20, v5  }
0x43d: {  	v46 =	vadd.s32 v2, v23;
	v18 =	vld [tilespmem:s26+$0x70]  }
0x43e: {  	v48 =	vld [tilespmem:s0+$0x70];
	v47 =	vadd.f32 v40, v38;
	v11 =	vadd.f32 v11, v5;
	[tilespmem:v39+s29+$0x0] =	vst.idx.msk $0xffff, v45  }
0x43f: {  	v6 =	vadd.s32 v3, v6;
	v49 =	vld [tilespmem:s26+$0xFFFFFFB0]  }
0x440: {  	v12 =	vadd.f32 v13, v12;
	v5 =	vadd.f32 v47, v5;
	v50 =	vld [tilespmem:s0+$0xFFFFFFB0];
	[tilespmem:v42+s29+$0x0] =	vst.idx.msk $0xffff, v11  }
0x441: {  	v7 =	vadd.s32 v3, v7;
	v52 =	vld [tilespmem:s26+$0xFFFFFFF0]  }
0x442: {  	v12 =	vadd.f32 v12, v4;
	v51 =	vadd.f32 v41, v58;
	[tilespmem:v46+s29+$0x0] =	vst.idx.msk $0xffff, v5;
	v5 =	vld [tilespmem:s0+$0xFFFFFFF0]  }
0x443: {  	v9 =	vadd.s32 v3, v9;
	v8 =	vadd.s32 v3, v8;
	v53 =	vadd.f32 v43, v60;
	v20 =	vld [tilespmem:s26+$0x30]  }
0x444: {  	[tilespmem:v6+s29+$0x0] =	vst.idx.msk $0xffff, v12;
	v60 =	vadd.s32 v3, v22;
	v13 =	vadd.f32 v51, v4;
	v55 =	vld [tilespmem:s0+$0x30]  }
0x445: {  	v54 =	vadd.f32 v53, v4;
	v56 =	vadd.f32 v44, v17;
	v57 =	vadd.s32 v3, v14  }
0x446: {  	[tilespmem:v7+s29+$0x0] =	vst.idx.msk $0xffff, v13;
	v59 =	vadd.s32 v3, v21;
	v58 =	vadd.f32 v48, v18  }
0x447: {  	v61 =	vadd.s32 v3, v23;
	v7 =	vadd.f32 v56, v4;
	v10 =	vadd.f32 v50, v49  }
0x448: {  	[tilespmem:v9+s29+$0x0] =	vst.idx.msk $0xffff, v54;
	v6 =	vadd.f32 v58, v4;
	v5 =	vadd.f32 v5, v52  }
0x449: {  	[tilespmem:v8+s29+$0x0] =	vst.idx.msk $0xffff, v7;
	v62 =	vadd.f32 v10, v4;
	v63 =	vadd.f32 v55, v20  }
0x44a: {  	s3 =	sshll.u32 s16, $0x12;
	[tilespmem:v57+s29+$0x0] =	vst.idx.msk $0xffff, v6;
	v5 =	vadd.f32 v5, v4  }
0x44b: {  	s0 =	sor.u32 s8, s3;
	[tilespmem:v59+s29+$0x0] =	vst.idx.msk $0xffff, v62;
	v4 =	vadd.f32 v63, v4  }
0x44c: {  	s16 =	rddreg [dreg:$0x3];
	s0 =	sshrl.u32 s0, $0x3;
	[tilespmem:v60+s29+$0x0] =	vst.idx.msk $0xffff, v5  }
0x44d: {  	s1 =	sadd.s32 s16, s0;
	[tilespmem:v61+s29+$0x0] =	vst.idx.msk $0xffff, v4  }
0x44e: {  	[hbm4b:s1+s5] =	stream.linear.scatter [tilespmem:s29], [sflag:$0xA], $0x80, $0x38;
	[tilespmem:$0x17A00] =	vst v63  }
0x44f: {  	s3 =	simm.s32 $0x15888;
	s17 =	sadd.s32 $0x10, s1  }
0x450: {  	[hbm4b:s17+s5] =	stream.linear.scatter [tilespmem:s3], [sflag:$0xA], $0x80, $0x38;
	[tilespmem:$0x17A00] =	vst v63  }
0x451: {  	s26 =	simm.s32 $0x15910;
	s25 =	sadd.s32 $0x20, s1  }
0x452: {  	[hbm4b:s25+s5] =	stream.linear.scatter [tilespmem:s26], [sflag:$0xA], $0x80, $0x38;
	[tilespmem:$0x17A00] =	vst v63  }
0x453: {  	s31 =	simm.s32 $0x15998;
	s30 =	sadd.s32 $0x30, s1  }
0x454: {  	[hbm4b:s30+s5] =	stream.linear.scatter [tilespmem:s31], [sflag:$0xA], $0x80, $0x38;
	[tilespmem:$0x17A00] =	vst v63  }
0x455: {  	s16 =	simm.s32 $0x15A20;
	s3 =	sadd.s32 $0x40, s1  }
0x456: {  	[hbm4b:s3+s5] =	stream.linear.scatter [tilespmem:s16], [sflag:$0xA], $0x80, $0x38;
	[tilespmem:$0x17A00] =	vst v63  }
0x457: {  	s17 =	sadd.s32 $0x50, s1;
	s25 =	simm.s32 $0x15AA8  }
0x458: {  	[hbm4b:s17+s5] =	stream.linear.scatter [tilespmem:s25], [sflag:$0xA], $0x80, $0x38;
	[tilespmem:$0x17A00] =	vst v63  }
0x459: {  	s26 =	sadd.s32 $0x60, s1;
	s30 =	simm.s32 $0x15B30  }
0x45a: {  	[hbm4b:s26+s5] =	stream.linear.scatter [tilespmem:s30], [sflag:$0xA], $0x80, $0x38;
	[tilespmem:$0x17A00] =	vst v63  }
0x45b: {  	s1 =	sadd.s32 $0x70, s1;
	s31 =	simm.s32 $0x15BB8  }
0x45c: {  	[hbm4b:s1+s5] =	stream.linear.scatter [tilespmem:s31], [sflag:$0xA], $0x80, $0x38;
	[tilespmem:$0x17A00] =	vst v63  }
0x45d: {  	s3 =	simm.s32 $0x15C40;
	s1 =	sadd.s32 s0, s18  }
0x45e: {  	[hbm4b:s1+s5] =	stream.linear.scatter [tilespmem:s3], [sflag:$0xA], $0x80, $0x38;
	[tilespmem:$0x17A00] =	vst v63  }
0x45f: {  	s17 =	simm.s32 $0x15CC8;
	s16 =	sadd.s32 $0x10, s1  }
0x460: {  	[hbm4b:s16+s5] =	stream.linear.scatter [tilespmem:s17], [sflag:$0xA], $0x80, $0x38;
	[tilespmem:$0x17A00] =	vst v63  }
0x461: {  	s26 =	simm.s32 $0x15D50;
	s25 =	sadd.s32 $0x20, s1  }
0x462: {  	[hbm4b:s25+s5] =	stream.linear.scatter [tilespmem:s26], [sflag:$0xA], $0x80, $0x38;
	[tilespmem:$0x17A00] =	vst v63  }
0x463: {  	s31 =	simm.s32 $0x15DD8;
	s30 =	sadd.s32 $0x30, s1  }
0x464: {  	[hbm4b:s30+s5] =	stream.linear.scatter [tilespmem:s31], [sflag:$0xA], $0x80, $0x38;
	[tilespmem:$0x17A00] =	vst v63  }
0x465: {  	s3 =	sadd.s32 $0x40, s1;
	s16 =	simm.s32 $0x15E60  }
0x466: {  	[hbm4b:s3+s5] =	stream.linear.scatter [tilespmem:s16], [sflag:$0xA], $0x80, $0x38;
	[tilespmem:$0x17A00] =	vst v63  }
0x467: {  	s17 =	sadd.s32 $0x50, s1;
	s25 =	simm.s32 $0x15EE8  }
0x468: {  	[hbm4b:s17+s5] =	stream.linear.scatter [tilespmem:s25], [sflag:$0xA], $0x80, $0x38;
	[tilespmem:$0x17A00] =	vst v63  }
0x469: {  	s26 =	sadd.s32 $0x60, s1;
	s30 =	simm.s32 $0x15F70  }
0x46a: {  	[hbm4b:s26+s5] =	stream.linear.scatter [tilespmem:s30], [sflag:$0xA], $0x80, $0x38;
	[tilespmem:$0x17A00] =	vst v63  }
0x46b: {  	s1 =	sadd.s32 $0x70, s1;
	s31 =	simm.s32 $0x15FF8  }
0x46c: {  	[hbm4b:s1+s5] =	stream.linear.scatter [tilespmem:s31], [sflag:$0xA], $0x80, $0x38;
	[tilespmem:$0x17A00] =	vst v63  }
0x46d: {  	s3 =	simm.s32 $0x16080;
	s1 =	sadd.s32 s0, s19  }
0x46e: {  	[hbm4b:s1+s5] =	stream.linear.scatter [tilespmem:s3], [sflag:$0xA], $0x80, $0x38;
	[tilespmem:$0x17A00] =	vst v63  }
0x46f: {  	s17 =	simm.s32 $0x16108;
	s16 =	sadd.s32 $0x10, s1  }
0x470: {  	[hbm4b:s16+s5] =	stream.linear.scatter [tilespmem:s17], [sflag:$0xA], $0x80, $0x38;
	[tilespmem:$0x17A00] =	vst v63  }
0x471: {  	s26 =	simm.s32 $0x16190;
	s25 =	sadd.s32 $0x20, s1  }
0x472: {  	[hbm4b:s25+s5] =	stream.linear.scatter [tilespmem:s26], [sflag:$0xA], $0x80, $0x38;
	[tilespmem:$0x17A00] =	vst v63  }
0x473: {  	s31 =	simm.s32 $0x16218;
	s30 =	sadd.s32 $0x30, s1  }
0x474: {  	[hbm4b:s30+s5] =	stream.linear.scatter [tilespmem:s31], [sflag:$0xA], $0x80, $0x38;
	[tilespmem:$0x17A00] =	vst v63  }
0x475: {  	s3 =	sadd.s32 $0x40, s1;
	s16 =	simm.s32 $0x162A0  }
0x476: {  	[hbm4b:s3+s5] =	stream.linear.scatter [tilespmem:s16], [sflag:$0xA], $0x80, $0x38;
	[tilespmem:$0x17A00] =	vst v63  }
0x477: {  	s17 =	sadd.s32 $0x50, s1;
	s25 =	simm.s32 $0x16328  }
0x478: {  	[hbm4b:s17+s5] =	stream.linear.scatter [tilespmem:s25], [sflag:$0xA], $0x80, $0x38;
	[tilespmem:$0x17A00] =	vst v63  }
0x479: {  	s26 =	sadd.s32 $0x60, s1;
	s30 =	simm.s32 $0x163B0  }
0x47a: {  	[hbm4b:s26+s5] =	stream.linear.scatter [tilespmem:s30], [sflag:$0xA], $0x80, $0x38;
	[tilespmem:$0x17A00] =	vst v63  }
0x47b: {  	s1 =	sadd.s32 $0x70, s1;
	s31 =	simm.s32 $0x16438  }
0x47c: {  	[hbm4b:s1+s5] =	stream.linear.scatter [tilespmem:s31], [sflag:$0xA], $0x80, $0x38;
	[tilespmem:$0x17A00] =	vst v63  }
0x47d: {  	s3 =	simm.s32 $0x164C0;
	s1 =	sadd.s32 s0, s20  }
0x47e: {  	[hbm4b:s1+s5] =	stream.linear.scatter [tilespmem:s3], [sflag:$0xA], $0x80, $0x38;
	[tilespmem:$0x17A00] =	vst v63  }
0x47f: {  	s17 =	simm.s32 $0x16548;
	s16 =	sadd.s32 $0x10, s1  }
0x480: {  	[hbm4b:s16+s5] =	stream.linear.scatter [tilespmem:s17], [sflag:$0xA], $0x80, $0x38;
	[tilespmem:$0x17A00] =	vst v63  }
0x481: {  	s26 =	simm.s32 $0x165D0;
	s25 =	sadd.s32 $0x20, s1  }
0x482: {  	[hbm4b:s25+s5] =	stream.linear.scatter [tilespmem:s26], [sflag:$0xA], $0x80, $0x38;
	[tilespmem:$0x17A00] =	vst v63  }
0x483: {  	s31 =	simm.s32 $0x16658;
	s30 =	sadd.s32 $0x30, s1  }
0x484: {  	[hbm4b:s30+s5] =	stream.linear.scatter [tilespmem:s31], [sflag:$0xA], $0x80, $0x38;
	[tilespmem:$0x17A00] =	vst v63  }
0x485: {  	s3 =	sadd.s32 $0x40, s1;
	s16 =	simm.s32 $0x166E0  }
0x486: {  	[hbm4b:s3+s5] =	stream.linear.scatter [tilespmem:s16], [sflag:$0xA], $0x80, $0x38;
	[tilespmem:$0x17A00] =	vst v63  }
0x487: {  	s17 =	sadd.s32 $0x50, s1;
	s25 =	simm.s32 $0x16768  }
0x488: {  	[hbm4b:s17+s5] =	stream.linear.scatter [tilespmem:s25], [sflag:$0xA], $0x80, $0x38;
	[tilespmem:$0x17A00] =	vst v63  }
0x489: {  	s26 =	sadd.s32 $0x60, s1;
	s30 =	simm.s32 $0x167F0  }
0x48a: {  	[hbm4b:s26+s5] =	stream.linear.scatter [tilespmem:s30], [sflag:$0xA], $0x80, $0x38;
	[tilespmem:$0x17A00] =	vst v63  }
0x48b: {  	s1 =	sadd.s32 $0x70, s1;
	s31 =	simm.s32 $0x16878  }
0x48c: {  	[hbm4b:s1+s5] =	stream.linear.scatter [tilespmem:s31], [sflag:$0xA], $0x80, $0x38;
	[tilespmem:$0x17A00] =	vst v63  }
0x48d: {  	s3 =	simm.s32 $0x16900;
	s1 =	sadd.s32 s0, s21  }
0x48e: {  	[hbm4b:s1+s5] =	stream.linear.scatter [tilespmem:s3], [sflag:$0xA], $0x80, $0x38;
	[tilespmem:$0x17A00] =	vst v63  }
0x48f: {  	s17 =	simm.s32 $0x16988;
	s16 =	sadd.s32 $0x10, s1  }
0x490: {  	[hbm4b:s16+s5] =	stream.linear.scatter [tilespmem:s17], [sflag:$0xA], $0x80, $0x38;
	[tilespmem:$0x17A00] =	vst v63  }
0x491: {  	s26 =	simm.s32 $0x16A10;
	s25 =	sadd.s32 $0x20, s1  }
0x492: {  	[hbm4b:s25+s5] =	stream.linear.scatter [tilespmem:s26], [sflag:$0xA], $0x80, $0x38;
	[tilespmem:$0x17A00] =	vst v63  }
0x493: {  	s31 =	simm.s32 $0x16A98;
	s30 =	sadd.s32 $0x30, s1  }
0x494: {  	[hbm4b:s30+s5] =	stream.linear.scatter [tilespmem:s31], [sflag:$0xA], $0x80, $0x38;
	[tilespmem:$0x17A00] =	vst v63  }
0x495: {  	s3 =	sadd.s32 $0x40, s1;
	s16 =	simm.s32 $0x16B20  }
0x496: {  	[hbm4b:s3+s5] =	stream.linear.scatter [tilespmem:s16], [sflag:$0xA], $0x80, $0x38;
	[tilespmem:$0x17A00] =	vst v63  }
0x497: {  	s17 =	sadd.s32 $0x50, s1;
	s25 =	simm.s32 $0x16BA8  }
0x498: {  	[hbm4b:s17+s5] =	stream.linear.scatter [tilespmem:s25], [sflag:$0xA], $0x80, $0x38;
	[tilespmem:$0x17A00] =	vst v63  }
0x499: {  	s26 =	sadd.s32 $0x60, s1;
	s30 =	simm.s32 $0x16C30  }
0x49a: {  	[hbm4b:s26+s5] =	stream.linear.scatter [tilespmem:s30], [sflag:$0xA], $0x80, $0x38;
	[tilespmem:$0x17A00] =	vst v63  }
0x49b: {  	s1 =	sadd.s32 $0x70, s1;
	s31 =	simm.s32 $0x16CB8  }
0x49c: {  	[hbm4b:s1+s5] =	stream.linear.scatter [tilespmem:s31], [sflag:$0xA], $0x80, $0x38;
	[tilespmem:$0x17A00] =	vst v63  }
0x49d: {  	s3 =	simm.s32 $0x16D40;
	s1 =	sadd.s32 s0, s22  }
0x49e: {  	[hbm4b:s1+s5] =	stream.linear.scatter [tilespmem:s3], [sflag:$0xA], $0x80, $0x38;
	[tilespmem:$0x17A00] =	vst v63  }
0x49f: {  	s17 =	simm.s32 $0x16DC8;
	s16 =	sadd.s32 $0x10, s1  }
0x4a0: {  	[hbm4b:s16+s5] =	stream.linear.scatter [tilespmem:s17], [sflag:$0xA], $0x80, $0x38;
	[tilespmem:$0x17A00] =	vst v63  }
0x4a1: {  	s26 =	simm.s32 $0x16E50;
	s25 =	sadd.s32 $0x20, s1  }
0x4a2: {  	[hbm4b:s25+s5] =	stream.linear.scatter [tilespmem:s26], [sflag:$0xA], $0x80, $0x38;
	[tilespmem:$0x17A00] =	vst v63  }
0x4a3: {  	s31 =	simm.s32 $0x16ED8;
	s30 =	sadd.s32 $0x30, s1  }
0x4a4: {  	[hbm4b:s30+s5] =	stream.linear.scatter [tilespmem:s31], [sflag:$0xA], $0x80, $0x38;
	[tilespmem:$0x17A00] =	vst v63  }
0x4a5: {  	s3 =	sadd.s32 $0x40, s1;
	s16 =	simm.s32 $0x16F60  }
0x4a6: {  	[hbm4b:s3+s5] =	stream.linear.scatter [tilespmem:s16], [sflag:$0xA], $0x80, $0x38;
	[tilespmem:$0x17A00] =	vst v63  }
0x4a7: {  	s17 =	sadd.s32 $0x50, s1;
	s25 =	simm.s32 $0x16FE8  }
0x4a8: {  	[hbm4b:s17+s5] =	stream.linear.scatter [tilespmem:s25], [sflag:$0xA], $0x80, $0x38;
	[tilespmem:$0x17A00] =	vst v63  }
0x4a9: {  	s26 =	sadd.s32 $0x60, s1;
	s30 =	simm.s32 $0x17070  }
0x4aa: {  	[hbm4b:s26+s5] =	stream.linear.scatter [tilespmem:s30], [sflag:$0xA], $0x80, $0x38;
	[tilespmem:$0x17A00] =	vst v63  }
0x4ab: {  	s1 =	sadd.s32 $0x70, s1;
	s31 =	simm.s32 $0x170F8  }
0x4ac: {  	[hbm4b:s1+s5] =	stream.linear.scatter [tilespmem:s31], [sflag:$0xA], $0x80, $0x38;
	[tilespmem:$0x17A00] =	vst v63  }
0x4ad: {  	s3 =	simm.s32 $0x17180;
	s1 =	sadd.s32 s0, s23  }
0x4ae: {  	[hbm4b:s1+s5] =	stream.linear.scatter [tilespmem:s3], [sflag:$0xA], $0x80, $0x38;
	[tilespmem:$0x17A00] =	vst v63  }
0x4af: {  	s17 =	simm.s32 $0x17208;
	s16 =	sadd.s32 $0x10, s1  }
0x4b0: {  	[hbm4b:s16+s5] =	stream.linear.scatter [tilespmem:s17], [sflag:$0xA], $0x80, $0x38;
	[tilespmem:$0x17A00] =	vst v63  }
0x4b1: {  	s26 =	simm.s32 $0x17290;
	s25 =	sadd.s32 $0x20, s1  }
0x4b2: {  	[hbm4b:s25+s5] =	stream.linear.scatter [tilespmem:s26], [sflag:$0xA], $0x80, $0x38;
	[tilespmem:$0x17A00] =	vst v63  }
0x4b3: {  	s31 =	simm.s32 $0x17318;
	s30 =	sadd.s32 $0x30, s1  }
0x4b4: {  	[hbm4b:s30+s5] =	stream.linear.scatter [tilespmem:s31], [sflag:$0xA], $0x80, $0x38;
	[tilespmem:$0x17A00] =	vst v63  }
0x4b5: {  	s3 =	sadd.s32 $0x40, s1;
	s16 =	simm.s32 $0x173A0  }
0x4b6: {  	[hbm4b:s3+s5] =	stream.linear.scatter [tilespmem:s16], [sflag:$0xA], $0x80, $0x38;
	[tilespmem:$0x17A00] =	vst v63  }
0x4b7: {  	s17 =	sadd.s32 $0x50, s1;
	s25 =	simm.s32 $0x17428  }
0x4b8: {  	[hbm4b:s17+s5] =	stream.linear.scatter [tilespmem:s25], [sflag:$0xA], $0x80, $0x38;
	[tilespmem:$0x17A00] =	vst v63  }
0x4b9: {  	s26 =	sadd.s32 $0x60, s1;
	s30 =	simm.s32 $0x174B0  }
0x4ba: {  	[hbm4b:s26+s5] =	stream.linear.scatter [tilespmem:s30], [sflag:$0xA], $0x80, $0x38;
	[tilespmem:$0x17A00] =	vst v63  }
0x4bb: {  	s1 =	sadd.s32 $0x70, s1;
	s31 =	simm.s32 $0x17538  }
0x4bc: {  	[hbm4b:s1+s5] =	stream.linear.scatter [tilespmem:s31], [sflag:$0xA], $0x80, $0x38;
	[tilespmem:$0x17A00] =	vst v63  }
0x4bd: {  	s0 =	sadd.s32 s0, s24;
	s3 =	simm.s32 $0x175C0  }
0x4be: {  	[hbm4b:s0+s5] =	stream.linear.scatter [tilespmem:s3], [sflag:$0xA], $0x80, $0x38;
	[tilespmem:$0x17A00] =	vst v63  }
0x4bf: {  	s16 =	sadd.s32 $0x10, s0;
	s17 =	simm.s32 $0x17648  }
0x4c0: {  	[hbm4b:s16+s5] =	stream.linear.scatter [tilespmem:s17], [sflag:$0xA], $0x80, $0x38;
	[tilespmem:$0x17A00] =	vst v63  }
0x4c1: {  	s25 =	sadd.s32 $0x20, s0;
	s26 =	simm.s32 $0x176D0  }
0x4c2: {  	[hbm4b:s25+s5] =	stream.linear.scatter [tilespmem:s26], [sflag:$0xA], $0x80, $0x38;
	[tilespmem:$0x17A00] =	vst v63  }
0x4c3: {  	s30 =	sadd.s32 $0x30, s0;
	s31 =	simm.s32 $0x17758  }
0x4c4: {  	[hbm4b:s30+s5] =	stream.linear.scatter [tilespmem:s31], [sflag:$0xA], $0x80, $0x38;
	[tilespmem:$0x17A00] =	vst v63  }
0x4c5: {  	s15 =	sadd.s32 $0x1, s15;
	s3 =	sadd.s32 $0x40, s0;
	s16 =	simm.s32 $0x177E0  }
0x4c6: {  	[hbm4b:s3+s5] =	stream.linear.scatter [tilespmem:s16], [sflag:$0xA], $0x80, $0x38;
	[tilespmem:$0x17A00] =	vst v63  }
0x4c7: {  	p0 =	sne.s32 s15, $0x32;
	s17 =	sadd.s32 $0x50, s0;
	s25 =	simm.s32 $0x17868  }
0x4c8: {  	[hbm4b:s17+s5] =	stream.linear.scatter [tilespmem:s25], [sflag:$0xA], $0x80, $0x38;
	[tilespmem:$0x17A00] =	vst v63  }
.Ltmp4:
0x4c9: {  	_ = 	snop;
	(pc) =	sbr.rel @p0 .LBB2_2-.Ltmp4, $4  }
0x4ca: {  	s26 =	sadd.s32 $0x60, s0;
	s30 =	simm.s32 $0x178F0  }
0x4cb: {  	[hbm4b:s26+s5] =	stream.linear.scatter [tilespmem:s30], [sflag:$0xA], $0x80, $0x38;
	[tilespmem:$0x17A00] =	vst v63  }
0x4cc: {  	s0 =	sadd.s32 $0x70, s0;
	s31 =	simm.s32 $0x17978  }
0x4cd: {  	[hbm4b:s0+s5] =	stream.linear.scatter [tilespmem:s31], [sflag:$0xA], $0x80, $0x38;
	[tilespmem:$0x17A00] =	vst v63  }
0x4ce: {  	_ =	swait.ge [sflag:s11], $0x400  }
0x4cf: {  	[sflag:s11] =	ssyncset.done $0x0  }
0x4d0: {  	[sflag:s11] =	ssyncadd.s32 $0xFFFFFC00  }
0x4d1: {  	_ =	swait.ge [sflag:s11], $0x400  }
0x4d2: {  	[sflag:s11] =	ssyncset.done $0x0  }
0x4d3: {  	[sflag:s11] =	ssyncadd.s32 $0xFFFFFC00  }
0x4d4: {  	_ =	swait.ge [sflag:s11], $0x400  }
0x4d5: {  	[sflag:s11] =	ssyncset.done $0x0  }
0x4d6: {  	[sflag:s11] =	ssyncadd.s32 $0xFFFFFC00  }
0x4d7: {  	_ =	swait.ge [sflag:s11], $0x400  }
0x4d8: {  	[sflag:s11] =	ssyncset.done $0x0  }
0x4d9: {  	[sflag:s11] =	ssyncadd.s32 $0xFFFFFC00  }
0x4da: {  	_ =	swait.ge [sflag:s11], $0x400  }
0x4db: {  	[sflag:s11] =	ssyncset.done $0x0  }
0x4dc: {  	[sflag:s11] =	ssyncadd.s32 $0xFFFFFC00  }
0x4dd: {  	_ =	swait.ge [sflag:s11], $0x400  }
0x4de: {  	[sflag:s11] =	ssyncset.done $0x0  }
0x4df: {  	[sflag:s11] =	ssyncadd.s32 $0xFFFFFC00  }
0x4e0: {  	_ =	swait.ge [sflag:s11], $0x400  }
0x4e1: {  	[sflag:s11] =	ssyncset.done $0x0  }
0x4e2: {  	[sflag:s11] =	ssyncadd.s32 $0xFFFFFC00  }
0x4e3: {  	_ =	swait.ge [sflag:s11], $0x400  }
0x4e4: {  	[sflag:s11] =	ssyncset.done $0x0  }
0x4e5: {  	[sflag:s11] =	ssyncadd.s32 $0xFFFFFC00  }
0x4e6: {  	_ =	swait.ge [sflag:s14], $0x400  }
0x4e7: {  	[sflag:s14] =	ssyncset.done $0x0  }
0x4e8: {  	[sflag:s14] =	ssyncadd.s32 $0xFFFFFC00  }
0x4e9: {  	_ =	swait.ge [sflag:s14], $0x400  }
0x4ea: {  	[sflag:s14] =	ssyncset.done $0x0  }
0x4eb: {  	[sflag:s14] =	ssyncadd.s32 $0xFFFFFC00  }
0x4ec: {  	_ =	swait.ge [sflag:s14], $0x400  }
0x4ed: {  	[sflag:s14] =	ssyncset.done $0x0  }
0x4ee: {  	[sflag:s14] =	ssyncadd.s32 $0xFFFFFC00  }
0x4ef: {  	_ =	swait.ge [sflag:s14], $0x400  }
0x4f0: {  	[sflag:s14] =	ssyncset.done $0x0  }
0x4f1: {  	[sflag:s14] =	ssyncadd.s32 $0xFFFFFC00  }
0x4f2: {  	_ =	swait.ge [sflag:s14], $0x400  }
0x4f3: {  	[sflag:s14] =	ssyncset.done $0x0  }
0x4f4: {  	[sflag:s14] =	ssyncadd.s32 $0xFFFFFC00  }
0x4f5: {  	_ =	swait.ge [sflag:s14], $0x400  }
0x4f6: {  	[sflag:s14] =	ssyncset.done $0x0  }
0x4f7: {  	[sflag:s14] =	ssyncadd.s32 $0xFFFFFC00  }
0x4f8: {  	_ =	swait.ge [sflag:s14], $0x400  }
0x4f9: {  	[sflag:s14] =	ssyncset.done $0x0  }
0x4fa: {  	[sflag:s14] =	ssyncadd.s32 $0xFFFFFC00  }
0x4fb: {  	_ =	swait.ge [sflag:s14], $0x400  }
0x4fc: {  	s1 =	rddreg [dreg:$0xf]  }
0x4fd: {  	s0 =	rddreg [dreg:$0xe];
	s1 =	sadd.s32 $0x1, s1  }
0x4fe: {  	p0 =	sne.s32 s1, s0  }
.Ltmp5:
0x4ff: {  	_ = 	snop;
	(pc) =	sbr.rel @p0 .LBB2_1-.Ltmp5, $3  }
0x500: {  	_ =	sdelay $0x1  }
0x501: {  	[sflag:s14] =	ssyncset.done $0x0  }
0x502: {  	[sflag:s14] =	ssyncadd.s32 $0xFFFFFC00  }
0x503: {  	_ =	sfence.sel $0x180000  }
0x504: {  	[bflag:$0x0] =	sbarrier.arrive $0xFFFF  }
0x505: {  	_ =	strace $0x90000047  }
0x506: {  	s0 =	stileid.u32;
	[bflag:$0x2] =	sbarrier.arrive $0xFFFF  }
0x507: {  	p0 =	sne.s32 s0, $0x0;
	s0 =	rddreg [dreg:$0x4]  }
0x508: {  	s0 =	sadd.s32 @!p0 $0x100000, s0  }
0x509: {  	[sflag:s0] =	ssyncadd.tile.s32 @!p0 $0x1;
	_ =	shalt  }
.Lfunc_end2:
_tile_overlayer_lowered:
.L_overlay_start_2:
0x50a: {  	(tag) =	ssettag $0x2  }
0x50b: {  	s0 =	rddreg [dreg:$0x0];
	s2 =	stileid.u32  }
0x50c: {  	s1 =	rddreg [dreg:$0x1];
	p0 =	sne.s32 s2, $0x0  }
0x50d: {  	s3 =	rddreg [dreg:$0x2];
	[bflag:$0x3] =	sbarrier.arrive $0xFFFF;
	s2 =	simm.s32 @!p0 $0x1C0B  }
0x50e: {  	[timem:s3], [sflag:s2] =	dma.local @!p0 [hbm:s0], s1  }
0x50f: {  	s0 =	simm.s32 @!p0 $0xB  }
0x510: {  	_ =	swait.ge @!p0 [sflag:s0], s1  }
0x511: {  	s1 =	ssub.s32 @!p0 $0x0, s1;
	[sflag:s0] =	ssyncset.done @!p0 $0x0  }
0x512: {  	[sflag:s0] =	ssyncadd.s32 @!p0 s1  }
0x513: {  	[bflag:$0x3] =	sbarrier.arrive $0xFFFF  }
0x514: {  	_ =	shalt  }

</sc_bundles>
